<compile_context>
chip_gen: v7x
topology: tpu7x:2x2x1
jax: 0.10.2.dev20260603
libtpu: 0.0.44.dev20260713+nightly
codegen_flags: <defaults>
</compile_context>

<pallas_src>
import functools

import jax
import jax.numpy as jnp
from jax import lax
from jax.experimental import pallas as pl
from jax.experimental.pallas import tpu as pltpu
from jax.experimental.pallas import tpu_sc as plsc

E = 64
K = 2
D = 768
T = 2048
P = T * K
R = 128
NB = P // R
NT = NB + E
NSC = 32
PPW = P // NSC
TPW = T // NSC


def _router_body(x_ref, gw_ref, gb_ref,
                 logits_ref, w0_ref, w1_ref, pos_ref,
                 te_ref, tb_ref, lo_ref, hi_ref):
    x = x_ref[...]
    logits = jnp.dot(x, gw_ref[...],
                     preferred_element_type=jnp.float32) + gb_ref[...]
    logits_ref[...] = logits

    iota_e = lax.broadcasted_iota(jnp.int32, (T, E), 1)
    m1 = jnp.max(logits, axis=1, keepdims=True)
    a1 = jnp.min(jnp.where(logits == m1, iota_e, E), axis=1, keepdims=True)
    sel1 = iota_e == a1
    logits2 = jnp.where(sel1, -jnp.inf, logits)
    m2 = jnp.max(logits2, axis=1, keepdims=True)
    a2 = jnp.min(jnp.where(logits2 == m2, iota_e, E), axis=1, keepdims=True)
    sel2 = iota_e == a2
    g = jnp.exp(m2 - m1)
    den = 1.0 + g
    ones16 = jnp.ones((1, 16), jnp.float32)
    w0_ref[...] = (1.0 / den) * ones16
    w1_ref[...] = (g / den) * ones16

    mf = jnp.concatenate([sel1, sel2], axis=0).astype(jnp.float32)
    c = mf
    s_ = 1
    while s_ < P:
        c = c + jnp.concatenate(
            [jnp.zeros((s_, E), jnp.float32), c[:P - s_]], axis=0)
        s_ *= 2
    counts = c[P - 1:P, :]

    def _excl_cumsum_lanes(v):
        acc = jnp.concatenate([jnp.zeros((1, 1), v.dtype), v[:, :E - 1]], 1)
        s2 = 1
        while s2 < E:
            acc = acc + jnp.concatenate(
                [jnp.zeros((1, s2), v.dtype), acc[:, :E - s2]], 1)
            s2 *= 2
        return acc

    offs = _excl_cumsum_lanes(counts)
    posf = jnp.sum(mf * (offs + c - 1.0), axis=1, keepdims=True)
    pos_ref[...] = (posf + 0.5).astype(jnp.int32)

    ci = (counts + 0.5).astype(jnp.int32)
    oi = (offs + 0.5).astype(jnp.int32)
    has = ci > 0
    b0 = oi // R
    bl = (oi + ci - 1) // R
    nb = jnp.where(has, bl - b0 + 1, 0)
    st = (_excl_cumsum_lanes(nb.astype(jnp.float32))
          + 0.5).astype(jnp.int32)
    ti = lax.broadcasted_iota(jnp.int32, (NT, E), 0)
    eb = lax.broadcasted_iota(jnp.int32, (NT, E), 1)
    inwin = (ti >= st) & (ti < st + nb)
    e_i = jnp.sum(jnp.where(inwin, eb, 0), axis=1, keepdims=True)
    b_i = jnp.sum(jnp.where(inwin, b0 + (ti - st), 0), axis=1, keepdims=True)
    off_i = jnp.sum(jnp.where(inwin, oi, 0), axis=1, keepdims=True)
    cnt_i = jnp.sum(jnp.where(inwin, ci, 0), axis=1, keepdims=True)
    real = jnp.sum(inwin.astype(jnp.int32), axis=1, keepdims=True) > 0
    e_i = jnp.where(real, e_i, jnp.max(e_i))
    b_i = jnp.where(real, b_i, jnp.max(b_i))
    lo_i = jnp.where(real, jnp.maximum(b_i * R, off_i), 0)
    hi_i = jnp.where(real, jnp.minimum(b_i * R + R, off_i + cnt_i), 0)
    te_ref[...] = e_i
    tb_ref[...] = b_i
    lo_ref[...] = lo_i
    hi_ref[...] = hi_i


_router = pl.pallas_call(
    _router_body,
    out_shape=(
        jax.ShapeDtypeStruct((T, E), jnp.float32),
        jax.ShapeDtypeStruct((T, 16), jnp.float32),
        jax.ShapeDtypeStruct((T, 16), jnp.float32),
        jax.ShapeDtypeStruct((P, 1), jnp.int32),
        jax.ShapeDtypeStruct((NT, 1), jnp.int32),
        jax.ShapeDtypeStruct((NT, 1), jnp.int32),
        jax.ShapeDtypeStruct((NT, 1), jnp.int32),
        jax.ShapeDtypeStruct((NT, 1), jnp.int32),
    ),
)


@functools.cache
def _make_dispatch():
    mesh = plsc.VectorSubcoreMesh(core_axis_name="c", subcore_axis_name="s",
                                  num_cores=2, num_subcores=16)

    H = PPW // 2

    @functools.partial(
        pl.kernel, mesh=mesh,
        out_type=jax.ShapeDtypeStruct((P, D), jnp.float32),
        scratch_types=[
            pltpu.VMEM((H,), jnp.int32),
            pltpu.VMEM((H,), jnp.int32),
            pltpu.VMEM((H, D), jnp.float32),
            pltpu.VMEM((H, D), jnp.float32),
            pltpu.SemaphoreType.DMA,
            pltpu.SemaphoreType.DMA,
        ],
    )
    def _dispatch(pos_hbm, hs_hbm, xg_hbm, i0, i1, r0, r1, sem0, sem1):
        wid = lax.axis_index("s") * 2 + lax.axis_index("c")
        base = wid * PPW
        tb_ = lax.rem(base, T)
        pltpu.sync_copy(pos_hbm.at[pl.ds(base, H)], i0)
        pltpu.sync_copy(pos_hbm.at[pl.ds(base + H, H)], i1)
        l0 = pltpu.async_copy(hs_hbm.at[pl.ds(tb_, H)], r0, sem0)
        l1 = pltpu.async_copy(hs_hbm.at[pl.ds(tb_ + H, H)], r1, sem1)
        l0.wait()
        s0 = pltpu.async_copy(r0, xg_hbm.at[i0], sem0)
        l1.wait()
        s1 = pltpu.async_copy(r1, xg_hbm.at[i1], sem1)
        s0.wait()
        s1.wait()

    return _dispatch


def _moe_body(te_s, tb_s, lo_s, hi_s,
              x_ref, w1_ref, b1_ref, w2_ref, b2_ref, w3_ref, b3_ref, y_ref):
    i = pl.program_id(0)
    rows = tb_s[i] * R + lax.broadcasted_iota(jnp.int32, (R, 1), 0)
    mask = (rows >= lo_s[i]) & (rows < hi_s[i])
    dn = (((1,), (1,)), ((), ()))
    h = lax.dot_general(x_ref[...], w1_ref[0], dn,
                        preferred_element_type=jnp.float32) + b1_ref[0]
    h = jnp.maximum(h, 0.0)
    h = lax.dot_general(h, w2_ref[0], dn,
                        preferred_element_type=jnp.float32) + b2_ref[0]
    h = jnp.maximum(h, 0.0)
    y = lax.dot_general(h, w3_ref[0], dn,
                        preferred_element_type=jnp.float32) + b3_ref[0]
    y_ref[...] = jnp.where(mask, y, y_ref[...])


def _w_spec():
    return pl.BlockSpec((1, D, D), lambda i, te, tb, lo, hi: (te[i], 0, 0))


def _b_spec():
    return pl.BlockSpec((1, 1, D), lambda i, te, tb, lo, hi: (te[i], 0, 0))


_grouped = pl.pallas_call(
    _moe_body,
    grid_spec=pltpu.PrefetchScalarGridSpec(
        num_scalar_prefetch=4,
        grid=(NT,),
        in_specs=[
            pl.BlockSpec((R, D), lambda i, te, tb, lo, hi: (tb[i], 0)),
            _w_spec(), _b_spec(), _w_spec(), _b_spec(), _w_spec(), _b_spec(),
        ],
        out_specs=pl.BlockSpec((R, D), lambda i, te, tb, lo, hi: (tb[i], 0)),
    ),
    out_shape=jax.ShapeDtypeStruct((P, D), jnp.float32),
    compiler_params=pltpu.CompilerParams(
        dimension_semantics=("arbitrary",)),
)


@functools.cache
def _make_combine():
    mesh = plsc.VectorSubcoreMesh(core_axis_name="c", subcore_axis_name="s",
                                  num_cores=2, num_subcores=16)

    HT = TPW // 2

    @functools.partial(
        pl.kernel, mesh=mesh,
        out_type=jax.ShapeDtypeStruct((T, D), jnp.float32),
        scratch_types=[
            pltpu.VMEM((HT,), jnp.int32),
            pltpu.VMEM((HT,), jnp.int32),
            pltpu.VMEM((HT,), jnp.int32),
            pltpu.VMEM((HT,), jnp.int32),
            pltpu.VMEM((TPW, 16), jnp.float32),
            pltpu.VMEM((TPW, 16), jnp.float32),
            pltpu.VMEM((HT, D), jnp.float32),
            pltpu.VMEM((HT, D), jnp.float32),
            pltpu.VMEM((HT, D), jnp.float32),
            pltpu.VMEM((HT, D), jnp.float32),
            pltpu.SemaphoreType.DMA,
            pltpu.SemaphoreType.DMA,
        ],
    )
    def _combine(pos_hbm, w0_hbm, w1_hbm, y_hbm, out_hbm,
                 i0a, i1a, i0b, i1b, w0v, w1v, r0a, r1a, r0b, r1b,
                 sem0, sem1):
        wid = lax.axis_index("s") * 2 + lax.axis_index("c")
        base = wid * TPW
        pltpu.sync_copy(pos_hbm.at[pl.ds(base, HT)], i0a)
        pltpu.sync_copy(pos_hbm.at[pl.ds(base + HT, HT)], i0b)
        pltpu.sync_copy(pos_hbm.at[pl.ds(T + base, HT)], i1a)
        pltpu.sync_copy(pos_hbm.at[pl.ds(T + base + HT, HT)], i1b)
        pltpu.sync_copy(w0_hbm.at[pl.ds(base, TPW)], w0v)
        pltpu.sync_copy(w1_hbm.at[pl.ds(base, TPW)], w1v)
        ga0 = pltpu.async_copy(y_hbm.at[i0a], r0a, sem0)
        ga1 = pltpu.async_copy(y_hbm.at[i1a], r1a, sem0)
        gb0 = pltpu.async_copy(y_hbm.at[i0b], r0b, sem1)
        gb1 = pltpu.async_copy(y_hbm.at[i1b], r1b, sem1)

        def half(r0, r1, woff):
            def body(tk, carry):
                w0row = w0v[woff + tk]
                w1row = w1v[woff + tk]
                for j in range(D // 16):
                    sl = pl.ds(j * 16, 16)
                    r0[tk, sl] = w0row * r0[tk, sl] + w1row * r1[tk, sl]
                return carry
            lax.fori_loop(0, HT, body, 0)

        ga0.wait()
        ga1.wait()
        half(r0a, r1a, 0)
        sa = pltpu.async_copy(r0a, out_hbm.at[pl.ds(base, HT)], sem0)
        gb0.wait()
        gb1.wait()
        half(r0b, r1b, HT)
        sa.wait()
        pltpu.sync_copy(r0b, out_hbm.at[pl.ds(base + HT, HT)])

    return _combine


def kernel(x, gate_w, gate_b, W1, b1, W2, b2, W3, b3):
    bsz, seq, dim = x.shape
    hs = x.reshape(T, D)
    logits, w0e, w1e, pos2, te, tb, lo, hi = _router(hs, gate_w,
                                                     gate_b.reshape(1, E))
    pos = pos2.reshape(P)
    xg = _make_dispatch()(pos, hs)
    y = _grouped(te.reshape(NT), tb.reshape(NT), lo.reshape(NT),
                 hi.reshape(NT), xg,
                 W1, b1.reshape(E, 1, D), W2, b2.reshape(E, 1, D),
                 W3, b3.reshape(E, 1, D))
    out = _make_combine()(pos, w0e, w1e, y)
    return out.reshape(bsz, seq, dim), logits

# --- scband reference (transcript-rebuilt; emitter-appended) ---
"""Pipeline reference for scband-sparse-moe-62062277427416 (READ-ONLY COPY).

The authoritative reference and input builder live on the scoring server;
editing this copy changes nothing except your own understanding.
"""

import jax, jax.numpy as jnp
import numpy as np

E = 64
TOP_K = 2
D = 768
B = 1
S = 2048


def setup_inputs(seed: int = 0) -> dict:
    key = jax.random.key(seed)
    ks = jax.random.split(key, 8)
    x = jax.random.normal(ks[0], (B, S, D), dtype=jnp.float32)
    gate_w = jax.random.normal(ks[1], (D, E), dtype=jnp.float32) * 0.02
    gate_b = jnp.zeros((E,), dtype=jnp.float32)
    # expert weights stored [E, out_features, in_features] like nn.Linear
    W1 = jax.random.normal(ks[2], (E, D, D), dtype=jnp.float32) * 0.02
    b1 = jnp.zeros((E, D), dtype=jnp.float32)
    W2 = jax.random.normal(ks[3], (E, D, D), dtype=jnp.float32) * 0.02
    b2 = jnp.zeros((E, D), dtype=jnp.float32)
    W3 = jax.random.normal(ks[4], (E, D, D), dtype=jnp.float32) * 0.02
    b3 = jnp.zeros((E, D), dtype=jnp.float32)
    return {"x": x, "gate_w": gate_w, "gate_b": gate_b,
            "W1": W1, "b1": b1, "W2": W2, "b2": b2, "W3": W3, "b3": b3}


def reference(x, gate_w, gate_b, W1, b1, W2, b2, W3, b3):
    batch_size, seq_len, hidden_dim = x.shape
    hs = x.reshape(-1, hidden_dim)
    # router
    router_logits = hs @ gate_w + gate_b
    router_probs = jax.nn.softmax(router_logits.astype(jnp.float32), axis=1)
    router_weights, selected = jax.lax.top_k(router_probs, TOP_K)
    router_weights = router_weights / jnp.sum(router_weights, axis=-1, keepdims=True)
    router_weights = router_weights.astype(hs.dtype)
    # expert_mask: one_hot [T, k, E] -> permute(2,1,0) -> [E, k, T]
    expert_mask = jax.nn.one_hot(selected, E, dtype=jnp.int32)
    expert_mask = jnp.transpose(expert_mask, (2, 1, 0))
    out = jnp.zeros_like(hs)
    for e in range(E):
        match = expert_mask[e]
        w = jnp.sum(match.T.astype(router_weights.dtype) * router_weights,
                    axis=1)[:, None]
        h = jax.nn.relu(hs @ W1[e].T + b1[e])
        h = jax.nn.relu(h @ W2[e].T + b2[e])
        y = (h @ W3[e].T + b3[e]) * w
        out = out + y.astype(hs.dtype)
    return out.reshape(batch_size, seq_len, hidden_dim), router_logits

if __name__ == "__main__":
    import jax
    _d = setup_inputs()
    print(jax.jit(kernel)(*tuple(_d.values())))

</pallas_src>

<mosaic_0001>
#map = affine_map<(d0, d1) -> (0)>
#map1 = affine_map<(d0, d1) -> (0, 0)>
module attributes {stable_mosaic.version = 14 : i64} {
  func.func @_dispatch(%arg0: i32, %arg1: i32, %arg2: memref<4096xi32, #tpu.memory_space<hbm>>, %arg3: memref<2048x768xf32, #tpu.memory_space<hbm>>, %arg4: memref<4096x768xf32, #tpu.memory_space<hbm>>, %arg5: memref<64xi32, #tpu.memory_space<vmem>>, %arg6: memref<64xi32, #tpu.memory_space<vmem>>, %arg7: memref<64x768xf32, #tpu.memory_space<vmem>>, %arg8: memref<64x768xf32, #tpu.memory_space<vmem>>, %arg9: memref<!tpu.dma_semaphore, #tpu.memory_space<semaphore_mem>>, %arg10: memref<!tpu.dma_semaphore, #tpu.memory_space<semaphore_mem>>) attributes {dimension_semantics = [#tpu.dimension_semantics<core_parallel>, #tpu.dimension_semantics<subcore_parallel>], iteration_bounds = array<i64: 2, 16>, scalar_prefetch = 0 : i64, scratch_operands = 6 : i64, tpu.core_type = #tpu.core_type<sc_vector_subcore>, window_params = [{transform_indices = #map}, {transform_indices = #map1}, {transform_indices = #map1}]} {
    %mul3A = arith.constant 2 : i32
    %mul3A_0 = arith.muli %arg1, %mul3A : i32
    %add3A = arith.addi %mul3A_0, %arg0 : i32
    %mul3A_1 = arith.constant 128 : i32
    %mul3A_2 = arith.muli %add3A, %mul3A_1 : i32
    %rem3A = arith.constant 2048 : i32
    %rem3A_3 = arith.remsi %mul3A_2, %rem3A : i32
    "tpu.region"() ({
      %run_scoped3A = tpu.sem_alloc : memref<!tpu.dma_semaphore, #tpu.memory_space<semaphore_mem>>
      %dma_start3A_34 = tpu.memref_slice %arg2[%mul3A_2] : memref<4096xi32, #tpu.memory_space<hbm>> -> memref<64xi32, #tpu.memory_space<hbm>>
      %dma_start3A_35 = tpu.memref_slice %arg2[%mul3A_2] : memref<4096xi32, #tpu.memory_space<hbm>> -> memref<64xi32, #tpu.memory_space<hbm>>
      tpu.enqueue_dma source(%dma_start3A_35 : memref<64xi32, #tpu.memory_space<hbm>>) target(%arg5 : memref<64xi32, #tpu.memory_space<vmem>>) target_semaphore(%run_scoped3A : memref<!tpu.dma_semaphore, #tpu.memory_space<semaphore_mem>>)
      %dma_wait3A_36 = tpu.memref_slice %arg2[%mul3A_2] : memref<4096xi32, #tpu.memory_space<hbm>> -> memref<64xi32, #tpu.memory_space<hbm>>
      %dma_wait3A_37 = tpu.memref_slice %arg2[%mul3A_2] : memref<4096xi32, #tpu.memory_space<hbm>> -> memref<64xi32, #tpu.memory_space<hbm>>
      tpu.wait_dma2 semaphore(%run_scoped3A : memref<!tpu.dma_semaphore, #tpu.memory_space<semaphore_mem>>) src(%dma_wait3A_37 : memref<64xi32, #tpu.memory_space<hbm>>) dst(%arg5 : memref<64xi32, #tpu.memory_space<vmem>>)
      tpu.yield
    }) : () -> ()
    %add3A_4 = arith.constant 64 : i32
    %add3A_5 = arith.addi %mul3A_2, %add3A_4 : i32
    "tpu.region"() ({
      %run_scoped3A = tpu.sem_alloc : memref<!tpu.dma_semaphore, #tpu.memory_space<semaphore_mem>>
      %dma_start3A_34 = tpu.memref_slice %arg2[%add3A_5] : memref<4096xi32, #tpu.memory_space<hbm>> -> memref<64xi32, #tpu.memory_space<hbm>>
      %dma_start3A_35 = tpu.memref_slice %arg2[%add3A_5] : memref<4096xi32, #tpu.memory_space<hbm>> -> memref<64xi32, #tpu.memory_space<hbm>>
      tpu.enqueue_dma source(%dma_start3A_35 : memref<64xi32, #tpu.memory_space<hbm>>) target(%arg6 : memref<64xi32, #tpu.memory_space<vmem>>) target_semaphore(%run_scoped3A : memref<!tpu.dma_semaphore, #tpu.memory_space<semaphore_mem>>)
      %dma_wait3A_36 = tpu.memref_slice %arg2[%add3A_5] : memref<4096xi32, #tpu.memory_space<hbm>> -> memref<64xi32, #tpu.memory_space<hbm>>
      %dma_wait3A_37 = tpu.memref_slice %arg2[%add3A_5] : memref<4096xi32, #tpu.memory_space<hbm>> -> memref<64xi32, #tpu.memory_space<hbm>>
      tpu.wait_dma2 semaphore(%run_scoped3A : memref<!tpu.dma_semaphore, #tpu.memory_space<semaphore_mem>>) src(%dma_wait3A_37 : memref<64xi32, #tpu.memory_space<hbm>>) dst(%arg6 : memref<64xi32, #tpu.memory_space<vmem>>)
      tpu.yield
    }) : () -> ()
    %dma_start3A = arith.constant 0 : i32
    %dma_start3A_6 = tpu.memref_slice %arg3[%rem3A_3, %dma_start3A] : memref<2048x768xf32, #tpu.memory_space<hbm>> -> memref<64x768xf32, #tpu.memory_space<hbm>>
    %dma_start3A_7 = arith.constant 0 : i32
    %dma_start3A_8 = tpu.memref_slice %arg3[%rem3A_3, %dma_start3A_7] : memref<2048x768xf32, #tpu.memory_space<hbm>> -> memref<64x768xf32, #tpu.memory_space<hbm>>
    tpu.enqueue_dma source(%dma_start3A_8 : memref<64x768xf32, #tpu.memory_space<hbm>>) target(%arg7 : memref<64x768xf32, #tpu.memory_space<vmem>>) target_semaphore(%arg9 : memref<!tpu.dma_semaphore, #tpu.memory_space<semaphore_mem>>)
    %add3A_9 = arith.constant 64 : i32
    %add3A_10 = arith.addi %rem3A_3, %add3A_9 : i32
    %dma_start3A_11 = arith.constant 0 : i32
    %dma_start3A_12 = tpu.memref_slice %arg3[%add3A_10, %dma_start3A_11] : memref<2048x768xf32, #tpu.memory_space<hbm>> -> memref<64x768xf32, #tpu.memory_space<hbm>>
    %dma_start3A_13 = arith.constant 0 : i32
    %dma_start3A_14 = tpu.memref_slice %arg3[%add3A_10, %dma_start3A_13] : memref<2048x768xf32, #tpu.memory_space<hbm>> -> memref<64x768xf32, #tpu.memory_space<hbm>>
    tpu.enqueue_dma source(%dma_start3A_14 : memref<64x768xf32, #tpu.memory_space<hbm>>) target(%arg8 : memref<64x768xf32, #tpu.memory_space<vmem>>) target_semaphore(%arg10 : memref<!tpu.dma_semaphore, #tpu.memory_space<semaphore_mem>>)
    %dma_wait3A = arith.constant 0 : i32
    %dma_wait3A_15 = tpu.memref_slice %arg3[%rem3A_3, %dma_wait3A] : memref<2048x768xf32, #tpu.memory_space<hbm>> -> memref<64x768xf32, #tpu.memory_space<hbm>>
    %dma_wait3A_16 = arith.constant 0 : i32
    %dma_wait3A_17 = tpu.memref_slice %arg3[%rem3A_3, %dma_wait3A_16] : memref<2048x768xf32, #tpu.memory_space<hbm>> -> memref<64x768xf32, #tpu.memory_space<hbm>>
    tpu.wait_dma2 semaphore(%arg9 : memref<!tpu.dma_semaphore, #tpu.memory_space<semaphore_mem>>) src(%dma_wait3A_17 : memref<64x768xf32, #tpu.memory_space<hbm>>) dst(%arg7 : memref<64x768xf32, #tpu.memory_space<vmem>>)
    %dma_start3A_18 = arith.constant 0 : i32
    %dma_start3A_19 = arith.constant 0 : i32
    %dma_start3A_20 = tpu.memref_slice %arg4[%dma_start3A_18, %dma_start3A_19] : memref<4096x768xf32, #tpu.memory_space<hbm>> -> memref<4096x768xf32, #tpu.memory_space<hbm>>
    tpu.enqueue_indirect_dma source(%arg7 : memref<64x768xf32, #tpu.memory_space<vmem>>) target(%dma_start3A_20 : memref<4096x768xf32, #tpu.memory_space<hbm>>) offsets(%arg5 : memref<64xi32, #tpu.memory_space<vmem>>) semaphore(%arg9 : memref<!tpu.dma_semaphore, #tpu.memory_space<semaphore_mem>>)
    %dma_wait3A_21 = arith.constant 0 : i32
    %dma_wait3A_22 = tpu.memref_slice %arg3[%add3A_10, %dma_wait3A_21] : memref<2048x768xf32, #tpu.memory_space<hbm>> -> memref<64x768xf32, #tpu.memory_space<hbm>>
    %dma_wait3A_23 = arith.constant 0 : i32
    %dma_wait3A_24 = tpu.memref_slice %arg3[%add3A_10, %dma_wait3A_23] : memref<2048x768xf32, #tpu.memory_space<hbm>> -> memref<64x768xf32, #tpu.memory_space<hbm>>
    tpu.wait_dma2 semaphore(%arg10 : memref<!tpu.dma_semaphore, #tpu.memory_space<semaphore_mem>>) src(%dma_wait3A_24 : memref<64x768xf32, #tpu.memory_space<hbm>>) dst(%arg8 : memref<64x768xf32, #tpu.memory_space<vmem>>)
    %dma_start3A_25 = arith.constant 0 : i32
    %dma_start3A_26 = arith.constant 0 : i32
    %dma_start3A_27 = tpu.memref_slice %arg4[%dma_start3A_25, %dma_start3A_26] : memref<4096x768xf32, #tpu.memory_space<hbm>> -> memref<4096x768xf32, #tpu.memory_space<hbm>>
    tpu.enqueue_indirect_dma source(%arg8 : memref<64x768xf32, #tpu.memory_space<vmem>>) target(%dma_start3A_27 : memref<4096x768xf32, #tpu.memory_space<hbm>>) offsets(%arg6 : memref<64xi32, #tpu.memory_space<vmem>>) semaphore(%arg10 : memref<!tpu.dma_semaphore, #tpu.memory_space<semaphore_mem>>)
    %dma_wait3A_28 = arith.constant 0 : i32
    %dma_wait3A_29 = arith.constant 0 : i32
    %dma_wait3A_30 = tpu.memref_slice %arg4[%dma_wait3A_28, %dma_wait3A_29] : memref<4096x768xf32, #tpu.memory_space<hbm>> -> memref<4096x768xf32, #tpu.memory_space<hbm>>
    tpu.wait_indirect_dma semaphore(%arg9 : memref<!tpu.dma_semaphore, #tpu.memory_space<semaphore_mem>>) src(%arg7 : memref<64x768xf32, #tpu.memory_space<vmem>>) dst(%dma_wait3A_30 : memref<4096x768xf32, #tpu.memory_space<hbm>>)
    %dma_wait3A_31 = arith.constant 0 : i32
    %dma_wait3A_32 = arith.constant 0 : i32
    %dma_wait3A_33 = tpu.memref_slice %arg4[%dma_wait3A_31, %dma_wait3A_32] : memref<4096x768xf32, #tpu.memory_space<hbm>> -> memref<4096x768xf32, #tpu.memory_space<hbm>>
    tpu.wait_indirect_dma semaphore(%arg10 : memref<!tpu.dma_semaphore, #tpu.memory_space<semaphore_mem>>) src(%arg8 : memref<64x768xf32, #tpu.memory_space<vmem>>) dst(%dma_wait3A_33 : memref<4096x768xf32, #tpu.memory_space<hbm>>)
    return
  }
}

#map = affine_map<(d0, d1) -> (0)>
#map1 = affine_map<(d0, d1) -> (0, 0)>
module attributes {stable_mosaic.version = 14 : i64} {
  func.func @_combine(%arg0: i32, %arg1: i32, %arg2: memref<4096xi32, #tpu.memory_space<hbm>>, %arg3: memref<2048x16xf32, #tpu.memory_space<hbm>>, %arg4: memref<2048x16xf32, #tpu.memory_space<hbm>>, %arg5: memref<4096x768xf32, #tpu.memory_space<hbm>>, %arg6: memref<2048x768xf32, #tpu.memory_space<hbm>>, %arg7: memref<32xi32, #tpu.memory_space<vmem>>, %arg8: memref<32xi32, #tpu.memory_space<vmem>>, %arg9: memref<32xi32, #tpu.memory_space<vmem>>, %arg10: memref<32xi32, #tpu.memory_space<vmem>>, %arg11: memref<64x16xf32, #tpu.memory_space<vmem>>, %arg12: memref<64x16xf32, #tpu.memory_space<vmem>>, %arg13: memref<32x768xf32, #tpu.memory_space<vmem>>, %arg14: memref<32x768xf32, #tpu.memory_space<vmem>>, %arg15: memref<32x768xf32, #tpu.memory_space<vmem>>, %arg16: memref<32x768xf32, #tpu.memory_space<vmem>>, %arg17: memref<!tpu.dma_semaphore, #tpu.memory_space<semaphore_mem>>, %arg18: memref<!tpu.dma_semaphore, #tpu.memory_space<semaphore_mem>>) attributes {dimension_semantics = [#tpu.dimension_semantics<core_parallel>, #tpu.dimension_semantics<subcore_parallel>], iteration_bounds = array<i64: 2, 16>, scalar_prefetch = 0 : i64, scratch_operands = 12 : i64, tpu.core_type = #tpu.core_type<sc_vector_subcore>, window_params = [{transform_indices = #map}, {transform_indices = #map1}, {transform_indices = #map1}, {transform_indices = #map1}, {transform_indices = #map1}]} {
    %mul3A = arith.constant 2 : i32
    %mul3A_0 = arith.muli %arg1, %mul3A : i32
    %add3A = arith.addi %mul3A_0, %arg0 : i32
    %mul3A_1 = arith.constant 64 : i32
    %mul3A_2 = arith.muli %add3A, %mul3A_1 : i32
    "tpu.region"() ({
      %run_scoped3A = tpu.sem_alloc : memref<!tpu.dma_semaphore, #tpu.memory_space<semaphore_mem>>
      %dma_start3A_54 = tpu.memref_slice %arg2[%mul3A_2] : memref<4096xi32, #tpu.memory_space<hbm>> -> memref<32xi32, #tpu.memory_space<hbm>>
      %dma_start3A_55 = tpu.memref_slice %arg2[%mul3A_2] : memref<4096xi32, #tpu.memory_space<hbm>> -> memref<32xi32, #tpu.memory_space<hbm>>
      tpu.enqueue_dma source(%dma_start3A_55 : memref<32xi32, #tpu.memory_space<hbm>>) target(%arg7 : memref<32xi32, #tpu.memory_space<vmem>>) target_semaphore(%run_scoped3A : memref<!tpu.dma_semaphore, #tpu.memory_space<semaphore_mem>>)
      %dma_wait3A_56 = tpu.memref_slice %arg2[%mul3A_2] : memref<4096xi32, #tpu.memory_space<hbm>> -> memref<32xi32, #tpu.memory_space<hbm>>
      %dma_wait3A_57 = tpu.memref_slice %arg2[%mul3A_2] : memref<4096xi32, #tpu.memory_space<hbm>> -> memref<32xi32, #tpu.memory_space<hbm>>
      tpu.wait_dma2 semaphore(%run_scoped3A : memref<!tpu.dma_semaphore, #tpu.memory_space<semaphore_mem>>) src(%dma_wait3A_57 : memref<32xi32, #tpu.memory_space<hbm>>) dst(%arg7 : memref<32xi32, #tpu.memory_space<vmem>>)
      tpu.yield
    }) : () -> ()
    %add3A_3 = arith.constant 32 : i32
    %add3A_4 = arith.addi %mul3A_2, %add3A_3 : i32
    "tpu.region"() ({
      %run_scoped3A = tpu.sem_alloc : memref<!tpu.dma_semaphore, #tpu.memory_space<semaphore_mem>>
      %dma_start3A_54 = tpu.memref_slice %arg2[%add3A_4] : memref<4096xi32, #tpu.memory_space<hbm>> -> memref<32xi32, #tpu.memory_space<hbm>>
      %dma_start3A_55 = tpu.memref_slice %arg2[%add3A_4] : memref<4096xi32, #tpu.memory_space<hbm>> -> memref<32xi32, #tpu.memory_space<hbm>>
      tpu.enqueue_dma source(%dma_start3A_55 : memref<32xi32, #tpu.memory_space<hbm>>) target(%arg9 : memref<32xi32, #tpu.memory_space<vmem>>) target_semaphore(%run_scoped3A : memref<!tpu.dma_semaphore, #tpu.memory_space<semaphore_mem>>)
      %dma_wait3A_56 = tpu.memref_slice %arg2[%add3A_4] : memref<4096xi32, #tpu.memory_space<hbm>> -> memref<32xi32, #tpu.memory_space<hbm>>
      %dma_wait3A_57 = tpu.memref_slice %arg2[%add3A_4] : memref<4096xi32, #tpu.memory_space<hbm>> -> memref<32xi32, #tpu.memory_space<hbm>>
      tpu.wait_dma2 semaphore(%run_scoped3A : memref<!tpu.dma_semaphore, #tpu.memory_space<semaphore_mem>>) src(%dma_wait3A_57 : memref<32xi32, #tpu.memory_space<hbm>>) dst(%arg9 : memref<32xi32, #tpu.memory_space<vmem>>)
      tpu.yield
    }) : () -> ()
    %add3A_5 = arith.constant 2048 : i32
    %add3A_6 = arith.addi %add3A_5, %mul3A_2 : i32
    "tpu.region"() ({
      %run_scoped3A = tpu.sem_alloc : memref<!tpu.dma_semaphore, #tpu.memory_space<semaphore_mem>>
      %dma_start3A_54 = tpu.memref_slice %arg2[%add3A_6] : memref<4096xi32, #tpu.memory_space<hbm>> -> memref<32xi32, #tpu.memory_space<hbm>>
      %dma_start3A_55 = tpu.memref_slice %arg2[%add3A_6] : memref<4096xi32, #tpu.memory_space<hbm>> -> memref<32xi32, #tpu.memory_space<hbm>>
      tpu.enqueue_dma source(%dma_start3A_55 : memref<32xi32, #tpu.memory_space<hbm>>) target(%arg8 : memref<32xi32, #tpu.memory_space<vmem>>) target_semaphore(%run_scoped3A : memref<!tpu.dma_semaphore, #tpu.memory_space<semaphore_mem>>)
      %dma_wait3A_56 = tpu.memref_slice %arg2[%add3A_6] : memref<4096xi32, #tpu.memory_space<hbm>> -> memref<32xi32, #tpu.memory_space<hbm>>
      %dma_wait3A_57 = tpu.memref_slice %arg2[%add3A_6] : memref<4096xi32, #tpu.memory_space<hbm>> -> memref<32xi32, #tpu.memory_space<hbm>>
      tpu.wait_dma2 semaphore(%run_scoped3A : memref<!tpu.dma_semaphore, #tpu.memory_space<semaphore_mem>>) src(%dma_wait3A_57 : memref<32xi32, #tpu.memory_space<hbm>>) dst(%arg8 : memref<32xi32, #tpu.memory_space<vmem>>)
      tpu.yield
    }) : () -> ()
    %add3A_7 = arith.constant 2048 : i32
    %add3A_8 = arith.addi %add3A_7, %mul3A_2 : i32
    %add3A_9 = arith.constant 32 : i32
    %add3A_10 = arith.addi %add3A_8, %add3A_9 : i32
    "tpu.region"() ({
      %run_scoped3A = tpu.sem_alloc : memref<!tpu.dma_semaphore, #tpu.memory_space<semaphore_mem>>
      %dma_start3A_54 = tpu.memref_slice %arg2[%add3A_10] : memref<4096xi32, #tpu.memory_space<hbm>> -> memref<32xi32, #tpu.memory_space<hbm>>
      %dma_start3A_55 = tpu.memref_slice %arg2[%add3A_10] : memref<4096xi32, #tpu.memory_space<hbm>> -> memref<32xi32, #tpu.memory_space<hbm>>
      tpu.enqueue_dma source(%dma_start3A_55 : memref<32xi32, #tpu.memory_space<hbm>>) target(%arg10 : memref<32xi32, #tpu.memory_space<vmem>>) target_semaphore(%run_scoped3A : memref<!tpu.dma_semaphore, #tpu.memory_space<semaphore_mem>>)
      %dma_wait3A_56 = tpu.memref_slice %arg2[%add3A_10] : memref<4096xi32, #tpu.memory_space<hbm>> -> memref<32xi32, #tpu.memory_space<hbm>>
      %dma_wait3A_57 = tpu.memref_slice %arg2[%add3A_10] : memref<4096xi32, #tpu.memory_space<hbm>> -> memref<32xi32, #tpu.memory_space<hbm>>
      tpu.wait_dma2 semaphore(%run_scoped3A : memref<!tpu.dma_semaphore, #tpu.memory_space<semaphore_mem>>) src(%dma_wait3A_57 : memref<32xi32, #tpu.memory_space<hbm>>) dst(%arg10 : memref<32xi32, #tpu.memory_space<vmem>>)
      tpu.yield
    }) : () -> ()
    "tpu.region"() ({
      %run_scoped3A = tpu.sem_alloc : memref<!tpu.dma_semaphore, #tpu.memory_space<semaphore_mem>>
      %dma_start3A_54 = arith.constant 0 : i32
      %dma_start3A_55 = tpu.memref_slice %arg3[%mul3A_2, %dma_start3A_54] : memref<2048x16xf32, #tpu.memory_space<hbm>> -> memref<64x16xf32, #tpu.memory_space<hbm>>
      %dma_start3A_56 = arith.constant 0 : i32
      %dma_start3A_57 = tpu.memref_slice %arg3[%mul3A_2, %dma_start3A_56] : memref<2048x16xf32, #tpu.memory_space<hbm>> -> memref<64x16xf32, #tpu.memory_space<hbm>>
      tpu.enqueue_dma source(%dma_start3A_57 : memref<64x16xf32, #tpu.memory_space<hbm>>) target(%arg11 : memref<64x16xf32, #tpu.memory_space<vmem>>) target_semaphore(%run_scoped3A : memref<!tpu.dma_semaphore, #tpu.memory_space<semaphore_mem>>)
      %dma_wait3A_58 = arith.constant 0 : i32
      %dma_wait3A_59 = tpu.memref_slice %arg3[%mul3A_2, %dma_wait3A_58] : memref<2048x16xf32, #tpu.memory_space<hbm>> -> memref<64x16xf32, #tpu.memory_space<hbm>>
      %dma_wait3A_60 = arith.constant 0 : i32
      %dma_wait3A_61 = tpu.memref_slice %arg3[%mul3A_2, %dma_wait3A_60] : memref<2048x16xf32, #tpu.memory_space<hbm>> -> memref<64x16xf32, #tpu.memory_space<hbm>>
      tpu.wait_dma2 semaphore(%run_scoped3A : memref<!tpu.dma_semaphore, #tpu.memory_space<semaphore_mem>>) src(%dma_wait3A_61 : memref<64x16xf32, #tpu.memory_space<hbm>>) dst(%arg11 : memref<64x16xf32, #tpu.memory_space<vmem>>)
      tpu.yield
    }) : () -> ()
    "tpu.region"() ({
      %run_scoped3A = tpu.sem_alloc : memref<!tpu.dma_semaphore, #tpu.memory_space<semaphore_mem>>
      %dma_start3A_54 = arith.constant 0 : i32
      %dma_start3A_55 = tpu.memref_slice %arg4[%mul3A_2, %dma_start3A_54] : memref<2048x16xf32, #tpu.memory_space<hbm>> -> memref<64x16xf32, #tpu.memory_space<hbm>>
      %dma_start3A_56 = arith.constant 0 : i32
      %dma_start3A_57 = tpu.memref_slice %arg4[%mul3A_2, %dma_start3A_56] : memref<2048x16xf32, #tpu.memory_space<hbm>> -> memref<64x16xf32, #tpu.memory_space<hbm>>
      tpu.enqueue_dma source(%dma_start3A_57 : memref<64x16xf32, #tpu.memory_space<hbm>>) target(%arg12 : memref<64x16xf32, #tpu.memory_space<vmem>>) target_semaphore(%run_scoped3A : memref<!tpu.dma_semaphore, #tpu.memory_space<semaphore_mem>>)
      %dma_wait3A_58 = arith.constant 0 : i32
      %dma_wait3A_59 = tpu.memref_slice %arg4[%mul3A_2, %dma_wait3A_58] : memref<2048x16xf32, #tpu.memory_space<hbm>> -> memref<64x16xf32, #tpu.memory_space<hbm>>
      %dma_wait3A_60 = arith.constant 0 : i32
      %dma_wait3A_61 = tpu.memref_slice %arg4[%mul3A_2, %dma_wait3A_60] : memref<2048x16xf32, #tpu.memory_space<hbm>> -> memref<64x16xf32, #tpu.memory_space<hbm>>
      tpu.wait_dma2 semaphore(%run_scoped3A : memref<!tpu.dma_semaphore, #tpu.memory_space<semaphore_mem>>) src(%dma_wait3A_61 : memref<64x16xf32, #tpu.memory_space<hbm>>) dst(%arg12 : memref<64x16xf32, #tpu.memory_space<vmem>>)
      tpu.yield
    }) : () -> ()
    %dma_start3A = arith.constant 0 : i32
    %dma_start3A_11 = arith.constant 0 : i32
    %dma_start3A_12 = tpu.memref_slice %arg5[%dma_start3A, %dma_start3A_11] : memref<4096x768xf32, #tpu.memory_space<hbm>> -> memref<4096x768xf32, #tpu.memory_space<hbm>>
    tpu.enqueue_indirect_dma source(%dma_start3A_12 : memref<4096x768xf32, #tpu.memory_space<hbm>>) target(%arg13 : memref<32x768xf32, #tpu.memory_space<vmem>>) offsets(%arg7 : memref<32xi32, #tpu.memory_space<vmem>>) semaphore(%arg17 : memref<!tpu.dma_semaphore, #tpu.memory_space<semaphore_mem>>)
    %dma_start3A_13 = arith.constant 0 : i32
    %dma_start3A_14 = arith.constant 0 : i32
    %dma_start3A_15 = tpu.memref_slice %arg5[%dma_start3A_13, %dma_start3A_14] : memref<4096x768xf32, #tpu.memory_space<hbm>> -> memref<4096x768xf32, #tpu.memory_space<hbm>>
    tpu.enqueue_indirect_dma source(%dma_start3A_15 : memref<4096x768xf32, #tpu.memory_space<hbm>>) target(%arg14 : memref<32x768xf32, #tpu.memory_space<vmem>>) offsets(%arg8 : memref<32xi32, #tpu.memory_space<vmem>>) semaphore(%arg17 : memref<!tpu.dma_semaphore, #tpu.memory_space<semaphore_mem>>)
    %dma_start3A_16 = arith.constant 0 : i32
    %dma_start3A_17 = arith.constant 0 : i32
    %dma_start3A_18 = tpu.memref_slice %arg5[%dma_start3A_16, %dma_start3A_17] : memref<4096x768xf32, #tpu.memory_space<hbm>> -> memref<4096x768xf32, #tpu.memory_space<hbm>>
    tpu.enqueue_indirect_dma source(%dma_start3A_18 : memref<4096x768xf32, #tpu.memory_space<hbm>>) target(%arg15 : memref<32x768xf32, #tpu.memory_space<vmem>>) offsets(%arg9 : memref<32xi32, #tpu.memory_space<vmem>>) semaphore(%arg18 : memref<!tpu.dma_semaphore, #tpu.memory_space<semaphore_mem>>)
    %dma_start3A_19 = arith.constant 0 : i32
    %dma_start3A_20 = arith.constant 0 : i32
    %dma_start3A_21 = tpu.memref_slice %arg5[%dma_start3A_19, %dma_start3A_20] : memref<4096x768xf32, #tpu.memory_space<hbm>> -> memref<4096x768xf32, #tpu.memory_space<hbm>>
    tpu.enqueue_indirect_dma source(%dma_start3A_21 : memref<4096x768xf32, #tpu.memory_space<hbm>>) target(%arg16 : memref<32x768xf32, #tpu.memory_space<vmem>>) offsets(%arg10 : memref<32xi32, #tpu.memory_space<vmem>>) semaphore(%arg18 : memref<!tpu.dma_semaphore, #tpu.memory_space<semaphore_mem>>)
    %dma_wait3A = arith.constant 0 : i32
    %dma_wait3A_22 = arith.constant 0 : i32
    %dma_wait3A_23 = tpu.memref_slice %arg5[%dma_wait3A, %dma_wait3A_22] : memref<4096x768xf32, #tpu.memory_space<hbm>> -> memref<4096x768xf32, #tpu.memory_space<hbm>>
    tpu.wait_indirect_dma semaphore(%arg17 : memref<!tpu.dma_semaphore, #tpu.memory_space<semaphore_mem>>) src(%dma_wait3A_23 : memref<4096x768xf32, #tpu.memory_space<hbm>>) dst(%arg13 : memref<32x768xf32, #tpu.memory_space<vmem>>)
    %dma_wait3A_24 = arith.constant 0 : i32
    %dma_wait3A_25 = arith.constant 0 : i32
    %dma_wait3A_26 = tpu.memref_slice %arg5[%dma_wait3A_24, %dma_wait3A_25] : memref<4096x768xf32, #tpu.memory_space<hbm>> -> memref<4096x768xf32, #tpu.memory_space<hbm>>
    tpu.wait_indirect_dma semaphore(%arg17 : memref<!tpu.dma_semaphore, #tpu.memory_space<semaphore_mem>>) src(%dma_wait3A_26 : memref<4096x768xf32, #tpu.memory_space<hbm>>) dst(%arg14 : memref<32x768xf32, #tpu.memory_space<vmem>>)
    %scan3A = arith.constant 0 : i32
    %scan3A_27 = arith.constant 0 : i32
    %scan3A_28 = arith.constant 32 : i32
    %scan3A_29 = arith.addi %scan3A_27, %scan3A_28 : i32
    %scan3A_30 = arith.constant 1 : i32
    scf.for %scan3A_54 = %scan3A_27 to %scan3A_29 step %scan3A_30  : i32 {
      %add3A_55 = arith.constant 0 : i32
      %add3A_56 = arith.addi %add3A_55, %scan3A_54 : i32
      %get3A = arith.index_cast %add3A_56 : i32 to index
      %get3A_57 = arith.constant 0 : index
      %get3A_58 = tpu.vector_load %arg11[%get3A, %get3A_57] {strides = array<i32>} : memref<64x16xf32, #tpu.memory_space<vmem>>, vector<1x16xf32>,
      %get3A_59 = vector.shape_cast %get3A_58 : vector<1x16xf32> to vector<16xf32>
      %add3A_60 = arith.constant 0 : i32
      %add3A_61 = arith.addi %add3A_60, %scan3A_54 : i32
      %get3A_62 = arith.index_cast %add3A_61 : i32 to index
      %get3A_63 = arith.constant 0 : index
      %get3A_64 = tpu.vector_load %arg12[%get3A_62, %get3A_63] {strides = array<i32>} : memref<64x16xf32, #tpu.memory_space<vmem>>, vector<1x16xf32>,
      %get3A_65 = vector.shape_cast %get3A_64 : vector<1x16xf32> to vector<16xf32>
      %get3A_66 = arith.index_cast %scan3A_54 : i32 to index
      %get3A_67 = arith.constant 0 : index
      %get3A_68 = tpu.vector_load %arg13[%get3A_66, %get3A_67] {strides = array<i32>} : memref<32x768xf32, #tpu.memory_space<vmem>>, vector<1x16xf32>,
      %get3A_69 = vector.shape_cast %get3A_68 : vector<1x16xf32> to vector<16xf32>
      %mul3A_70 = arith.mulf %get3A_59, %get3A_69 : vector<16xf32>
      %get3A_71 = arith.index_cast %scan3A_54 : i32 to index
      %get3A_72 = arith.constant 0 : index
      %get3A_73 = tpu.vector_load %arg14[%get3A_71, %get3A_72] {strides = array<i32>} : memref<32x768xf32, #tpu.memory_space<vmem>>, vector<1x16xf32>,
      %get3A_74 = vector.shape_cast %get3A_73 : vector<1x16xf32> to vector<16xf32>
      %mul3A_75 = arith.mulf %get3A_65, %get3A_74 : vector<16xf32>
      %add3A_76 = arith.addf %mul3A_70, %mul3A_75 : vector<16xf32>
      %swap3A = arith.index_cast %scan3A_54 : i32 to index
      %swap3A_77 = arith.constant 0 : index
      %swap3A_78 = tpu.vector_load %arg13[%swap3A, %swap3A_77] {strides = array<i32>} : memref<32x768xf32, #tpu.memory_space<vmem>>, vector<1x16xf32>,
      %swap3A_79 = vector.shape_cast %swap3A_78 : vector<1x16xf32> to vector<16xf32>
      %swap3A_80 = vector.shape_cast %add3A_76 : vector<16xf32> to vector<1x16xf32>
      tpu.vector_store %arg13[%swap3A, %swap3A_77], %swap3A_80 {strides = array<i32>} : memref<32x768xf32, #tpu.memory_space<vmem>>, vector<1x16xf32>,
      %get3A_81 = arith.index_cast %scan3A_54 : i32 to index
      %get3A_82 = arith.constant 16 : index
      %get3A_83 = tpu.vector_load %arg13[%get3A_81, %get3A_82] {strides = array<i32>} : memref<32x768xf32, #tpu.memory_space<vmem>>, vector<1x16xf32>,
      %get3A_84 = vector.shape_cast %get3A_83 : vector<1x16xf32> to vector<16xf32>
      %mul3A_85 = arith.mulf %get3A_59, %get3A_84 : vector<16xf32>
      %get3A_86 = arith.index_cast %scan3A_54 : i32 to index
      %get3A_87 = arith.constant 16 : index
      %get3A_88 = tpu.vector_load %arg14[%get3A_86, %get3A_87] {strides = array<i32>} : memref<32x768xf32, #tpu.memory_space<vmem>>, vector<1x16xf32>,
      %get3A_89 = vector.shape_cast %get3A_88 : vector<1x16xf32> to vector<16xf32>
      %mul3A_90 = arith.mulf %get3A_65, %get3A_89 : vector<16xf32>
      %add3A_91 = arith.addf %mul3A_85, %mul3A_90 : vector<16xf32>
      %swap3A_92 = arith.index_cast %scan3A_54 : i32 to index
      %swap3A_93 = arith.constant 16 : index
      %swap3A_94 = tpu.vector_load %arg13[%swap3A_92, %swap3A_93] {strides = array<i32>} : memref<32x768xf32, #tpu.memory_space<vmem>>, vector<1x16xf32>,
      %swap3A_95 = vector.shape_cast %swap3A_94 : vector<1x16xf32> to vector<16xf32>
      %swap3A_96 = vector.shape_cast %add3A_91 : vector<16xf32> to vector<1x16xf32>
      tpu.vector_store %arg13[%swap3A_92, %swap3A_93], %swap3A_96 {strides = array<i32>} : memref<32x768xf32, #tpu.memory_space<vmem>>, vector<1x16xf32>,
      %get3A_97 = arith.index_cast %scan3A_54 : i32 to index
      %get3A_98 = arith.constant 32 : index
      %get3A_99 = tpu.vector_load %arg13[%get3A_97, %get3A_98] {strides = array<i32>} : memref<32x768xf32, #tpu.memory_space<vmem>>, vector<1x16xf32>,
      %get3A_100 = vector.shape_cast %get3A_99 : vector<1x16xf32> to vector<16xf32>
      %mul3A_101 = arith.mulf %get3A_59, %get3A_100 : vector<16xf32>
      %get3A_102 = arith.index_cast %scan3A_54 : i32 to index
      %get3A_103 = arith.constant 32 : index
      %get3A_104 = tpu.vector_load %arg14[%get3A_102, %get3A_103] {strides = array<i32>} : memref<32x768xf32, #tpu.memory_space<vmem>>, vector<1x16xf32>,
      %get3A_105 = vector.shape_cast %get3A_104 : vector<1x16xf32> to vector<16xf32>
      %mul3A_106 = arith.mulf %get3A_65, %get3A_105 : vector<16xf32>
      %add3A_107 = arith.addf %mul3A_101, %mul3A_106 : vector<16xf32>
      %swap3A_108 = arith.index_cast %scan3A_54 : i32 to index
      %swap3A_109 = arith.constant 32 : index
      %swap3A_110 = tpu.vector_load %arg13[%swap3A_108, %swap3A_109] {strides = array<i32>} : memref<32x768xf32, #tpu.memory_space<vmem>>, vector<1x16xf32>,
      %swap3A_111 = vector.shape_cast %swap3A_110 : vector<1x16xf32> to vector<16xf32>
      %swap3A_112 = vector.shape_cast %add3A_107 : vector<16xf32> to vector<1x16xf32>
      tpu.vector_store %arg13[%swap3A_108, %swap3A_109], %swap3A_112 {strides = array<i32>} : memref<32x768xf32, #tpu.memory_space<vmem>>, vector<1x16xf32>,
      %get3A_113 = arith.index_cast %scan3A_54 : i32 to index
      %get3A_114 = arith.constant 48 : index
      %get3A_115 = tpu.vector_load %arg13[%get3A_113, %get3A_114] {strides = array<i32>} : memref<32x768xf32, #tpu.memory_space<vmem>>, vector<1x16xf32>,
      %get3A_116 = vector.shape_cast %get3A_115 : vector<1x16xf32> to vector<16xf32>
      %mul3A_117 = arith.mulf %get3A_59, %get3A_116 : vector<16xf32>
      %get3A_118 = arith.index_cast %scan3A_54 : i32 to index
      %get3A_119 = arith.constant 48 : index
      %get3A_120 = tpu.vector_load %arg14[%get3A_118, %get3A_119] {strides = array<i32>} : memref<32x768xf32, #tpu.memory_space<vmem>>, vector<1x16xf32>,
      %get3A_121 = vector.shape_cast %get3A_120 : vector<1x16xf32> to vector<16xf32>
      %mul3A_122 = arith.mulf %get3A_65, %get3A_121 : vector<16xf32>
      %add3A_123 = arith.addf %mul3A_117, %mul3A_122 : vector<16xf32>
      %swap3A_124 = arith.index_cast %scan3A_54 : i32 to index
      %swap3A_125 = arith.constant 48 : index
      %swap3A_126 = tpu.vector_load %arg13[%swap3A_124, %swap3A_125] {strides = array<i32>} : memref<32x768xf32, #tpu.memory_space<vmem>>, vector<1x16xf32>,
      %swap3A_127 = vector.shape_cast %swap3A_126 : vector<1x16xf32> to vector<16xf32>
      %swap3A_128 = vector.shape_cast %add3A_123 : vector<16xf32> to vector<1x16xf32>
      tpu.vector_store %arg13[%swap3A_124, %swap3A_125], %swap3A_128 {strides = array<i32>} : memref<32x768xf32, #tpu.memory_space<vmem>>, vector<1x16xf32>,
      %get3A_129 = arith.index_cast %scan3A_54 : i32 to index
      %get3A_130 = arith.constant 64 : index
      %get3A_131 = tpu.vector_load %arg13[%get3A_129, %get3A_130] {strides = array<i32>} : memref<32x768xf32, #tpu.memory_space<vmem>>, vector<1x16xf32>,
      %get3A_132 = vector.shape_cast %get3A_131 : vector<1x16xf32> to vector<16xf32>
      %mul3A_133 = arith.mulf %get3A_59, %get3A_132 : vector<16xf32>
      %get3A_134 = arith.index_cast %scan3A_54 : i32 to index
      %get3A_135 = arith.constant 64 : index
      %get3A_136 = tpu.vector_load %arg14[%get3A_134, %get3A_135] {strides = array<i32>} : memref<32x768xf32, #tpu.memory_space<vmem>>, vector<1x16xf32>,
      %get3A_137 = vector.shape_cast %get3A_136 : vector<1x16xf32> to vector<16xf32>
      %mul3A_138 = arith.mulf %get3A_65, %get3A_137 : vector<16xf32>
      %add3A_139 = arith.addf %mul3A_133, %mul3A_138 : vector<16xf32>
      %swap3A_140 = arith.index_cast %scan3A_54 : i32 to index
      %swap3A_141 = arith.constant 64 : index
      %swap3A_142 = tpu.vector_load %arg13[%swap3A_140, %swap3A_141] {strides = array<i32>} : memref<32x768xf32, #tpu.memory_space<vmem>>, vector<1x16xf32>,
      %swap3A_143 = vector.shape_cast %swap3A_142 : vector<1x16xf32> to vector<16xf32>
      %swap3A_144 = vector.shape_cast %add3A_139 : vector<16xf32> to vector<1x16xf32>
      tpu.vector_store %arg13[%swap3A_140, %swap3A_141], %swap3A_144 {strides = array<i32>} : memref<32x768xf32, #tpu.memory_space<vmem>>, vector<1x16xf32>,
      %get3A_145 = arith.index_cast %scan3A_54 : i32 to index
      %get3A_146 = arith.constant 80 : index
      %get3A_147 = tpu.vector_load %arg13[%get3A_145, %get3A_146] {strides = array<i32>} : memref<32x768xf32, #tpu.memory_space<vmem>>, vector<1x16xf32>,
      %get3A_148 = vector.shape_cast %get3A_147 : vector<1x16xf32> to vector<16xf32>
      %mul3A_149 = arith.mulf %get3A_59, %get3A_148 : vector<16xf32>
      %get3A_150 = arith.index_cast %scan3A_54 : i32 to index
      %get3A_151 = arith.constant 80 : index
      %get3A_152 = tpu.vector_load %arg14[%get3A_150, %get3A_151] {strides = array<i32>} : memref<32x768xf32, #tpu.memory_space<vmem>>, vector<1x16xf32>,
      %get3A_153 = vector.shape_cast %get3A_152 : vector<1x16xf32> to vector<16xf32>
      %mul3A_154 = arith.mulf %get3A_65, %get3A_153 : vector<16xf32>
      %add3A_155 = arith.addf %mul3A_149, %mul3A_154 : vector<16xf32>
      %swap3A_156 = arith.index_cast %scan3A_54 : i32 to index
      %swap3A_157 = arith.constant 80 : index
      %swap3A_158 = tpu.vector_load %arg13[%swap3A_156, %swap3A_157] {strides = array<i32>} : memref<32x768xf32, #tpu.memory_space<vmem>>, vector<1x16xf32>,
      %swap3A_159 = vector.shape_cast %swap3A_158 : vector<1x16xf32> to vector<16xf32>
      %swap3A_160 = vector.shape_cast %add3A_155 : vector<16xf32> to vector<1x16xf32>
      tpu.vector_store %arg13[%swap3A_156, %swap3A_157], %swap3A_160 {strides = array<i32>} : memref<32x768xf32, #tpu.memory_space<vmem>>, vector<1x16xf32>,
      %get3A_161 = arith.index_cast %scan3A_54 : i32 to index
      %get3A_162 = arith.constant 96 : index
      %get3A_163 = tpu.vector_load %arg13[%get3A_161, %get3A_162] {strides = array<i32>} : memref<32x768xf32, #tpu.memory_space<vmem>>, vector<1x16xf32>,
      %get3A_164 = vector.shape_cast %get3A_163 : vector<1x16xf32> to vector<16xf32>
      %mul3A_165 = arith.mulf %get3A_59, %get3A_164 : vector<16xf32>
      %get3A_166 = arith.index_cast %scan3A_54 : i32 to index
      %get3A_167 = arith.constant 96 : index
      %get3A_168 = tpu.vector_load %arg14[%get3A_166, %get3A_167] {strides = array<i32>} : memref<32x768xf32, #tpu.memory_space<vmem>>, vector<1x16xf32>,
      %get3A_169 = vector.shape_cast %get3A_168 : vector<1x16xf32> to vector<16xf32>
      %mul3A_170 = arith.mulf %get3A_65, %get3A_169 : vector<16xf32>
      %add3A_171 = arith.addf %mul3A_165, %mul3A_170 : vector<16xf32>
      %swap3A_172 = arith.index_cast %scan3A_54 : i32 to index
      %swap3A_173 = arith.constant 96 : index
      %swap3A_174 = tpu.vector_load %arg13[%swap3A_172, %swap3A_173] {strides = array<i32>} : memref<32x768xf32, #tpu.memory_space<vmem>>, vector<1x16xf32>,
      %swap3A_175 = vector.shape_cast %swap3A_174 : vector<1x16xf32> to vector<16xf32>
      %swap3A_176 = vector.shape_cast %add3A_171 : vector<16xf32> to vector<1x16xf32>
      tpu.vector_store %arg13[%swap3A_172, %swap3A_173], %swap3A_176 {strides = array<i32>} : memref<32x768xf32, #tpu.memory_space<vmem>>, vector<1x16xf32>,
      %get3A_177 = arith.index_cast %scan3A_54 : i32 to index
      %get3A_178 = arith.constant 112 : index
      %get3A_179 = tpu.vector_load %arg13[%get3A_177, %get3A_178] {strides = array<i32>} : memref<32x768xf32, #tpu.memory_space<vmem>>, vector<1x16xf32>,
      %get3A_180 = vector.shape_cast %get3A_179 : vector<1x16xf32> to vector<16xf32>
      %mul3A_181 = arith.mulf %get3A_59, %get3A_180 : vector<16xf32>
      %get3A_182 = arith.index_cast %scan3A_54 : i32 to index
      %get3A_183 = arith.constant 112 : index
      %get3A_184 = tpu.vector_load %arg14[%get3A_182, %get3A_183] {strides = array<i32>} : memref<32x768xf32, #tpu.memory_space<vmem>>, vector<1x16xf32>,
      %get3A_185 = vector.shape_cast %get3A_184 : vector<1x16xf32> to vector<16xf32>
      %mul3A_186 = arith.mulf %get3A_65, %get3A_185 : vector<16xf32>
      %add3A_187 = arith.addf %mul3A_181, %mul3A_186 : vector<16xf32>
      %swap3A_188 = arith.index_cast %scan3A_54 : i32 to index
      %swap3A_189 = arith.constant 112 : index
      %swap3A_190 = tpu.vector_load %arg13[%swap3A_188, %swap3A_189] {strides = array<i32>} : memref<32x768xf32, #tpu.memory_space<vmem>>, vector<1x16xf32>,
      %swap3A_191 = vector.shape_cast %swap3A_190 : vector<1x16xf32> to vector<16xf32>
      %swap3A_192 = vector.shape_cast %add3A_187 : vector<16xf32> to vector<1x16xf32>
      tpu.vector_store %arg13[%swap3A_188, %swap3A_189], %swap3A_192 {strides = array<i32>} : memref<32x768xf32, #tpu.memory_space<vmem>>, vector<1x16xf32>,
      %get3A_193 = arith.index_cast %scan3A_54 : i32 to index
      %get3A_194 = arith.constant 128 : index
      %get3A_195 = tpu.vector_load %arg13[%get3A_193, %get3A_194] {strides = array<i32>} : memref<32x768xf32, #tpu.memory_space<vmem>>, vector<1x16xf32>,
      %get3A_196 = vector.shape_cast %get3A_195 : vector<1x16xf32> to vector<16xf32>
      %mul3A_197 = arith.mulf %get3A_59, %get3A_196 : vector<16xf32>
      %get3A_198 = arith.index_cast %scan3A_54 : i32 to index
      %get3A_199 = arith.constant 128 : index
      %get3A_200 = tpu.vector_load %arg14[%get3A_198, %get3A_199] {strides = array<i32>} : memref<32x768xf32, #tpu.memory_space<vmem>>, vector<1x16xf32>,
      %get3A_201 = vector.shape_cast %get3A_200 : vector<1x16xf32> to vector<16xf32>
      %mul3A_202 = arith.mulf %get3A_65, %get3A_201 : vector<16xf32>
      %add3A_203 = arith.addf %mul3A_197, %mul3A_202 : vector<16xf32>
      %swap3A_204 = arith.index_cast %scan3A_54 : i32 to index
      %swap3A_205 = arith.constant 128 : index
      %swap3A_206 = tpu.vector_load %arg13[%swap3A_204, %swap3A_205] {strides = array<i32>} : memref<32x768xf32, #tpu.memory_space<vmem>>, vector<1x16xf32>,
      %swap3A_207 = vector.shape_cast %swap3A_206 : vector<1x16xf32> to vector<16xf32>
      %swap3A_208 = vector.shape_cast %add3A_203 : vector<16xf32> to vector<1x16xf32>
      tpu.vector_store %arg13[%swap3A_204, %swap3A_205], %swap3A_208 {strides = array<i32>} : memref<32x768xf32, #tpu.memory_space<vmem>>, vector<1x16xf32>,
      %get3A_209 = arith.index_cast %scan3A_54 : i32 to index
      %get3A_210 = arith.constant 144 : index
      %get3A_211 = tpu.vector_load %arg13[%get3A_209, %get3A_210] {strides = array<i32>} : memref<32x768xf32, #tpu.memory_space<vmem>>, vector<1x16xf32>,
      %get3A_212 = vector.shape_cast %get3A_211 : vector<1x16xf32> to vector<16xf32>
      %mul3A_213 = arith.mulf %get3A_59, %get3A_212 : vector<16xf32>
      %get3A_214 = arith.index_cast %scan3A_54 : i32 to index
      %get3A_215 = arith.constant 144 : index
      %get3A_216 = tpu.vector_load %arg14[%get3A_214, %get3A_215] {strides = array<i32>} : memref<32x768xf32, #tpu.memory_space<vmem>>, vector<1x16xf32>,
      %get3A_217 = vector.shape_cast %get3A_216 : vector<1x16xf32> to vector<16xf32>
      %mul3A_218 = arith.mulf %get3A_65, %get3A_217 : vector<16xf32>
      %add3A_219 = arith.addf %mul3A_213, %mul3A_218 : vector<16xf32>
      %swap3A_220 = arith.index_cast %scan3A_54 : i32 to index
      %swap3A_221 = arith.constant 144 : index
      %swap3A_222 = tpu.vector_load %arg13[%swap3A_220, %swap3A_221] {strides = array<i32>} : memref<32x768xf32, #tpu.memory_space<vmem>>, vector<1x16xf32>,
      %swap3A_223 = vector.shape_cast %swap3A_222 : vector<1x16xf32> to vector<16xf32>
      %swap3A_224 = vector.shape_cast %add3A_219 : vector<16xf32> to vector<1x16xf32>
      tpu.vector_store %arg13[%swap3A_220, %swap3A_221], %swap3A_224 {strides = array<i32>} : memref<32x768xf32, #tpu.memory_space<vmem>>, vector<1x16xf32>,
      %get3A_225 = arith.index_cast %scan3A_54 : i32 to index
      %get3A_226 = arith.constant 160 : index
      %get3A_227 = tpu.vector_load %arg13[%get3A_225, %get3A_226] {strides = array<i32>} : memref<32x768xf32, #tpu.memory_space<vmem>>, vector<1x16xf32>,
      %get3A_228 = vector.shape_cast %get3A_227 : vector<1x16xf32> to vector<16xf32>
      %mul3A_229 = arith.mulf %get3A_59, %get3A_228 : vector<16xf32>
      %get3A_230 = arith.index_cast %scan3A_54 : i32 to index
      %get3A_231 = arith.constant 160 : index
      %get3A_232 = tpu.vector_load %arg14[%get3A_230, %get3A_231] {strides = array<i32>} : memref<32x768xf32, #tpu.memory_space<vmem>>, vector<1x16xf32>,
      %get3A_233 = vector.shape_cast %get3A_232 : vector<1x16xf32> to vector<16xf32>
      %mul3A_234 = arith.mulf %get3A_65, %get3A_233 : vector<16xf32>
      %add3A_235 = arith.addf %mul3A_229, %mul3A_234 : vector<16xf32>
      %swap3A_236 = arith.index_cast %scan3A_54 : i32 to index
      %swap3A_237 = arith.constant 160 : index
      %swap3A_238 = tpu.vector_load %arg13[%swap3A_236, %swap3A_237] {strides = array<i32>} : memref<32x768xf32, #tpu.memory_space<vmem>>, vector<1x16xf32>,
      %swap3A_239 = vector.shape_cast %swap3A_238 : vector<1x16xf32> to vector<16xf32>
      %swap3A_240 = vector.shape_cast %add3A_235 : vector<16xf32> to vector<1x16xf32>
      tpu.vector_store %arg13[%swap3A_236, %swap3A_237], %swap3A_240 {strides = array<i32>} : memref<32x768xf32, #tpu.memory_space<vmem>>, vector<1x16xf32>,
      %get3A_241 = arith.index_cast %scan3A_54 : i32 to index
      %get3A_242 = arith.constant 176 : index
      %get3A_243 = tpu.vector_load %arg13[%get3A_241, %get3A_242] {strides = array<i32>} : memref<32x768xf32, #tpu.memory_space<vmem>>, vector<1x16xf32>,
      %get3A_244 = vector.shape_cast %get3A_243 : vector<1x16xf32> to vector<16xf32>
      %mul3A_245 = arith.mulf %get3A_59, %get3A_244 : vector<16xf32>
      %get3A_246 = arith.index_cast %scan3A_54 : i32 to index
      %get3A_247 = arith.constant 176 : index
      %get3A_248 = tpu.vector_load %arg14[%get3A_246, %get3A_247] {strides = array<i32>} : memref<32x768xf32, #tpu.memory_space<vmem>>, vector<1x16xf32>,
      %get3A_249 = vector.shape_cast %get3A_248 : vector<1x16xf32> to vector<16xf32>
      %mul3A_250 = arith.mulf %get3A_65, %get3A_249 : vector<16xf32>
      %add3A_251 = arith.addf %mul3A_245, %mul3A_250 : vector<16xf32>
      %swap3A_252 = arith.index_cast %scan3A_54 : i32 to index
      %swap3A_253 = arith.constant 176 : index
      %swap3A_254 = tpu.vector_load %arg13[%swap3A_252, %swap3A_253] {strides = array<i32>} : memref<32x768xf32, #tpu.memory_space<vmem>>, vector<1x16xf32>,
      %swap3A_255 = vector.shape_cast %swap3A_254 : vector<1x16xf32> to vector<16xf32>
      %swap3A_256 = vector.shape_cast %add3A_251 : vector<16xf32> to vector<1x16xf32>
      tpu.vector_store %arg13[%swap3A_252, %swap3A_253], %swap3A_256 {strides = array<i32>} : memref<32x768xf32, #tpu.memory_space<vmem>>, vector<1x16xf32>,
      %get3A_257 = arith.index_cast %scan3A_54 : i32 to index
      %get3A_258 = arith.constant 192 : index
      %get3A_259 = tpu.vector_load %arg13[%get3A_257, %get3A_258] {strides = array<i32>} : memref<32x768xf32, #tpu.memory_space<vmem>>, vector<1x16xf32>,
      %get3A_260 = vector.shape_cast %get3A_259 : vector<1x16xf32> to vector<16xf32>
      %mul3A_261 = arith.mulf %get3A_59, %get3A_260 : vector<16xf32>
      %get3A_262 = arith.index_cast %scan3A_54 : i32 to index
      %get3A_263 = arith.constant 192 : index
      %get3A_264 = tpu.vector_load %arg14[%get3A_262, %get3A_263] {strides = array<i32>} : memref<32x768xf32, #tpu.memory_space<vmem>>, vector<1x16xf32>,
      %get3A_265 = vector.shape_cast %get3A_264 : vector<1x16xf32> to vector<16xf32>
      %mul3A_266 = arith.mulf %get3A_65, %get3A_265 : vector<16xf32>
      %add3A_267 = arith.addf %mul3A_261, %mul3A_266 : vector<16xf32>
      %swap3A_268 = arith.index_cast %scan3A_54 : i32 to index
      %swap3A_269 = arith.constant 192 : index
      %swap3A_270 = tpu.vector_load %arg13[%swap3A_268, %swap3A_269] {strides = array<i32>} : memref<32x768xf32, #tpu.memory_space<vmem>>, vector<1x16xf32>,
      %swap3A_271 = vector.shape_cast %swap3A_270 : vector<1x16xf32> to vector<16xf32>
      %swap3A_272 = vector.shape_cast %add3A_267 : vector<16xf32> to vector<1x16xf32>
      tpu.vector_store %arg13[%swap3A_268, %swap3A_269], %swap3A_272 {strides = array<i32>} : memref<32x768xf32, #tpu.memory_space<vmem>>, vector<1x16xf32>,
      %get3A_273 = arith.index_cast %scan3A_54 : i32 to index
      %get3A_274 = arith.constant 208 : index
      %get3A_275 = tpu.vector_load %arg13[%get3A_273, %get3A_274] {strides = array<i32>} : memref<32x768xf32, #tpu.memory_space<vmem>>, vector<1x16xf32>,
      %get3A_276 = vector.shape_cast %get3A_275 : vector<1x16xf32> to vector<16xf32>
      %mul3A_277 = arith.mulf %get3A_59, %get3A_276 : vector<16xf32>
      %get3A_278 = arith.index_cast %scan3A_54 : i32 to index
      %get3A_279 = arith.constant 208 : index
      %get3A_280 = tpu.vector_load %arg14[%get3A_278, %get3A_279] {strides = array<i32>} : memref<32x768xf32, #tpu.memory_space<vmem>>, vector<1x16xf32>,
      %get3A_281 = vector.shape_cast %get3A_280 : vector<1x16xf32> to vector<16xf32>
      %mul3A_282 = arith.mulf %get3A_65, %get3A_281 : vector<16xf32>
      %add3A_283 = arith.addf %mul3A_277, %mul3A_282 : vector<16xf32>
      %swap3A_284 = arith.index_cast %scan3A_54 : i32 to index
      %swap3A_285 = arith.constant 208 : index
      %swap3A_286 = tpu.vector_load %arg13[%swap3A_284, %swap3A_285] {strides = array<i32>} : memref<32x768xf32, #tpu.memory_space<vmem>>, vector<1x16xf32>,
      %swap3A_287 = vector.shape_cast %swap3A_286 : vector<1x16xf32> to vector<16xf32>
      %swap3A_288 = vector.shape_cast %add3A_283 : vector<16xf32> to vector<1x16xf32>
      tpu.vector_store %arg13[%swap3A_284, %swap3A_285], %swap3A_288 {strides = array<i32>} : memref<32x768xf32, #tpu.memory_space<vmem>>, vector<1x16xf32>,
      %get3A_289 = arith.index_cast %scan3A_54 : i32 to index
      %get3A_290 = arith.constant 224 : index
      %get3A_291 = tpu.vector_load %arg13[%get3A_289, %get3A_290] {strides = array<i32>} : memref<32x768xf32, #tpu.memory_space<vmem>>, vector<1x16xf32>,
      %get3A_292 = vector.shape_cast %get3A_291 : vector<1x16xf32> to vector<16xf32>
      %mul3A_293 = arith.mulf %get3A_59, %get3A_292 : vector<16xf32>
      %get3A_294 = arith.index_cast %scan3A_54 : i32 to index
      %get3A_295 = arith.constant 224 : index
      %get3A_296 = tpu.vector_load %arg14[%get3A_294, %get3A_295] {strides = array<i32>} : memref<32x768xf32, #tpu.memory_space<vmem>>, vector<1x16xf32>,
      %get3A_297 = vector.shape_cast %get3A_296 : vector<1x16xf32> to vector<16xf32>
      %mul3A_298 = arith.mulf %get3A_65, %get3A_297 : vector<16xf32>
      %add3A_299 = arith.addf %mul3A_293, %mul3A_298 : vector<16xf32>
      %swap3A_300 = arith.index_cast %scan3A_54 : i32 to index
      %swap3A_301 = arith.constant 224 : index
      %swap3A_302 = tpu.vector_load %arg13[%swap3A_300, %swap3A_301] {strides = array<i32>} : memref<32x768xf32, #tpu.memory_space<vmem>>, vector<1x16xf32>,
      %swap3A_303 = vector.shape_cast %swap3A_302 : vector<1x16xf32> to vector<16xf32>
      %swap3A_304 = vector.shape_cast %add3A_299 : vector<16xf32> to vector<1x16xf32>
      tpu.vector_store %arg13[%swap3A_300, %swap3A_301], %swap3A_304 {strides = array<i32>} : memref<32x768xf32, #tpu.memory_space<vmem>>, vector<1x16xf32>,
      %get3A_305 = arith.index_cast %scan3A_54 : i32 to index
      %get3A_306 = arith.constant 240 : index
      %get3A_307 = tpu.vector_load %arg13[%get3A_305, %get3A_306] {strides = array<i32>} : memref<32x768xf32, #tpu.memory_space<vmem>>, vector<1x16xf32>,
      %get3A_308 = vector.shape_cast %get3A_307 : vector<1x16xf32> to vector<16xf32>
      %mul3A_309 = arith.mulf %get3A_59, %get3A_308 : vector<16xf32>
      %get3A_310 = arith.index_cast %scan3A_54 : i32 to index
      %get3A_311 = arith.constant 240 : index
      %get3A_312 = tpu.vector_load %arg14[%get3A_310, %get3A_311] {strides = array<i32>} : memref<32x768xf32, #tpu.memory_space<vmem>>, vector<1x16xf32>,
      %get3A_313 = vector.shape_cast %get3A_312 : vector<1x16xf32> to vector<16xf32>
      %mul3A_314 = arith.mulf %get3A_65, %get3A_313 : vector<16xf32>
      %add3A_315 = arith.addf %mul3A_309, %mul3A_314 : vector<16xf32>
      %swap3A_316 = arith.index_cast %scan3A_54 : i32 to index
      %swap3A_317 = arith.constant 240 : index
      %swap3A_318 = tpu.vector_load %arg13[%swap3A_316, %swap3A_317] {strides = array<i32>} : memref<32x768xf32, #tpu.memory_space<vmem>>, vector<1x16xf32>,
      %swap3A_319 = vector.shape_cast %swap3A_318 : vector<1x16xf32> to vector<16xf32>
      %swap3A_320 = vector.shape_cast %add3A_315 : vector<16xf32> to vector<1x16xf32>
      tpu.vector_store %arg13[%swap3A_316, %swap3A_317], %swap3A_320 {strides = array<i32>} : memref<32x768xf32, #tpu.memory_space<vmem>>, vector<1x16xf32>,
      %get3A_321 = arith.index_cast %scan3A_54 : i32 to index
      %get3A_322 = arith.constant 256 : index
      %get3A_323 = tpu.vector_load %arg13[%get3A_321, %get3A_322] {strides = array<i32>} : memref<32x768xf32, #tpu.memory_space<vmem>>, vector<1x16xf32>,
      %get3A_324 = vector.shape_cast %get3A_323 : vector<1x16xf32> to vector<16xf32>
      %mul3A_325 = arith.mulf %get3A_59, %get3A_324 : vector<16xf32>
      %get3A_326 = arith.index_cast %scan3A_54 : i32 to index
      %get3A_327 = arith.constant 256 : index
      %get3A_328 = tpu.vector_load %arg14[%get3A_326, %get3A_327] {strides = array<i32>} : memref<32x768xf32, #tpu.memory_space<vmem>>, vector<1x16xf32>,
      %get3A_329 = vector.shape_cast %get3A_328 : vector<1x16xf32> to vector<16xf32>
      %mul3A_330 = arith.mulf %get3A_65, %get3A_329 : vector<16xf32>
      %add3A_331 = arith.addf %mul3A_325, %mul3A_330 : vector<16xf32>
      %swap3A_332 = arith.index_cast %scan3A_54 : i32 to index
      %swap3A_333 = arith.constant 256 : index
      %swap3A_334 = tpu.vector_load %arg13[%swap3A_332, %swap3A_333] {strides = array<i32>} : memref<32x768xf32, #tpu.memory_space<vmem>>, vector<1x16xf32>,
      %swap3A_335 = vector.shape_cast %swap3A_334 : vector<1x16xf32> to vector<16xf32>
      %swap3A_336 = vector.shape_cast %add3A_331 : vector<16xf32> to vector<1x16xf32>
      tpu.vector_store %arg13[%swap3A_332, %swap3A_333], %swap3A_336 {strides = array<i32>} : memref<32x768xf32, #tpu.memory_space<vmem>>, vector<1x16xf32>,
      %get3A_337 = arith.index_cast %scan3A_54 : i32 to index
      %get3A_338 = arith.constant 272 : index
      %get3A_339 = tpu.vector_load %arg13[%get3A_337, %get3A_338] {strides = array<i32>} : memref<32x768xf32, #tpu.memory_space<vmem>>, vector<1x16xf32>,
      %get3A_340 = vector.shape_cast %get3A_339 : vector<1x16xf32> to vector<16xf32>
      %mul3A_341 = arith.mulf %get3A_59, %get3A_340 : vector<16xf32>
      %get3A_342 = arith.index_cast %scan3A_54 : i32 to index
      %get3A_343 = arith.constant 272 : index
      %get3A_344 = tpu.vector_load %arg14[%get3A_342, %get3A_343] {strides = array<i32>} : memref<32x768xf32, #tpu.memory_space<vmem>>, vector<1x16xf32>,
      %get3A_345 = vector.shape_cast %get3A_344 : vector<1x16xf32> to vector<16xf32>
      %mul3A_346 = arith.mulf %get3A_65, %get3A_345 : vector<16xf32>
      %add3A_347 = arith.addf %mul3A_341, %mul3A_346 : vector<16xf32>
      %swap3A_348 = arith.index_cast %scan3A_54 : i32 to index
      %swap3A_349 = arith.constant 272 : index
      %swap3A_350 = tpu.vector_load %arg13[%swap3A_348, %swap3A_349] {strides = array<i32>} : memref<32x768xf32, #tpu.memory_space<vmem>>, vector<1x16xf32>,
      %swap3A_351 = vector.shape_cast %swap3A_350 : vector<1x16xf32> to vector<16xf32>
      %swap3A_352 = vector.shape_cast %add3A_347 : vector<16xf32> to vector<1x16xf32>
      tpu.vector_store %arg13[%swap3A_348, %swap3A_349], %swap3A_352 {strides = array<i32>} : memref<32x768xf32, #tpu.memory_space<vmem>>, vector<1x16xf32>,
      %get3A_353 = arith.index_cast %scan3A_54 : i32 to index
      %get3A_354 = arith.constant 288 : index
      %get3A_355 = tpu.vector_load %arg13[%get3A_353, %get3A_354] {strides = array<i32>} : memref<32x768xf32, #tpu.memory_space<vmem>>, vector<1x16xf32>,
      %get3A_356 = vector.shape_cast %get3A_355 : vector<1x16xf32> to vector<16xf32>
      %mul3A_357 = arith.mulf %get3A_59, %get3A_356 : vector<16xf32>
      %get3A_358 = arith.index_cast %scan3A_54 : i32 to index
      %get3A_359 = arith.constant 288 : index
      %get3A_360 = tpu.vector_load %arg14[%get3A_358, %get3A_359] {strides = array<i32>} : memref<32x768xf32, #tpu.memory_space<vmem>>, vector<1x16xf32>,
      %get3A_361 = vector.shape_cast %get3A_360 : vector<1x16xf32> to vector<16xf32>
      %mul3A_362 = arith.mulf %get3A_65, %get3A_361 : vector<16xf32>
      %add3A_363 = arith.addf %mul3A_357, %mul3A_362 : vector<16xf32>
      %swap3A_364 = arith.index_cast %scan3A_54 : i32 to index
      %swap3A_365 = arith.constant 288 : index
      %swap3A_366 = tpu.vector_load %arg13[%swap3A_364, %swap3A_365] {strides = array<i32>} : memref<32x768xf32, #tpu.memory_space<vmem>>, vector<1x16xf32>,
      %swap3A_367 = vector.shape_cast %swap3A_366 : vector<1x16xf32> to vector<16xf32>
      %swap3A_368 = vector.shape_cast %add3A_363 : vector<16xf32> to vector<1x16xf32>
      tpu.vector_store %arg13[%swap3A_364, %swap3A_365], %swap3A_368 {strides = array<i32>} : memref<32x768xf32, #tpu.memory_space<vmem>>, vector<1x16xf32>,
      %get3A_369 = arith.index_cast %scan3A_54 : i32 to index
      %get3A_370 = arith.constant 304 : index
      %get3A_371 = tpu.vector_load %arg13[%get3A_369, %get3A_370] {strides = array<i32>} : memref<32x768xf32, #tpu.memory_space<vmem>>, vector<1x16xf32>,
      %get3A_372 = vector.shape_cast %get3A_371 : vector<1x16xf32> to vector<16xf32>
      %mul3A_373 = arith.mulf %get3A_59, %get3A_372 : vector<16xf32>
      %get3A_374 = arith.index_cast %scan3A_54 : i32 to index
      %get3A_375 = arith.constant 304 : index
      %get3A_376 = tpu.vector_load %arg14[%get3A_374, %get3A_375] {strides = array<i32>} : memref<32x768xf32, #tpu.memory_space<vmem>>, vector<1x16xf32>,
      %get3A_377 = vector.shape_cast %get3A_376 : vector<1x16xf32> to vector<16xf32>
      %mul3A_378 = arith.mulf %get3A_65, %get3A_377 : vector<16xf32>
      %add3A_379 = arith.addf %mul3A_373, %mul3A_378 : vector<16xf32>
      %swap3A_380 = arith.index_cast %scan3A_54 : i32 to index
      %swap3A_381 = arith.constant 304 : index
      %swap3A_382 = tpu.vector_load %arg13[%swap3A_380, %swap3A_381] {strides = array<i32>} : memref<32x768xf32, #tpu.memory_space<vmem>>, vector<1x16xf32>,
      %swap3A_383 = vector.shape_cast %swap3A_382 : vector<1x16xf32> to vector<16xf32>
      %swap3A_384 = vector.shape_cast %add3A_379 : vector<16xf32> to vector<1x16xf32>
      tpu.vector_store %arg13[%swap3A_380, %swap3A_381], %swap3A_384 {strides = array<i32>} : memref<32x768xf32, #tpu.memory_space<vmem>>, vector<1x16xf32>,
      %get3A_385 = arith.index_cast %scan3A_54 : i32 to index
      %get3A_386 = arith.constant 320 : index
      %get3A_387 = tpu.vector_load %arg13[%get3A_385, %get3A_386] {strides = array<i32>} : memref<32x768xf32, #tpu.memory_space<vmem>>, vector<1x16xf32>,
      %get3A_388 = vector.shape_cast %get3A_387 : vector<1x16xf32> to vector<16xf32>
      %mul3A_389 = arith.mulf %get3A_59, %get3A_388 : vector<16xf32>
      %get3A_390 = arith.index_cast %scan3A_54 : i32 to index
      %get3A_391 = arith.constant 320 : index
      %get3A_392 = tpu.vector_load %arg14[%get3A_390, %get3A_391] {strides = array<i32>} : memref<32x768xf32, #tpu.memory_space<vmem>>, vector<1x16xf32>,
      %get3A_393 = vector.shape_cast %get3A_392 : vector<1x16xf32> to vector<16xf32>
      %mul3A_394 = arith.mulf %get3A_65, %get3A_393 : vector<16xf32>
      %add3A_395 = arith.addf %mul3A_389, %mul3A_394 : vector<16xf32>
      %swap3A_396 = arith.index_cast %scan3A_54 : i32 to index
      %swap3A_397 = arith.constant 320 : index
      %swap3A_398 = tpu.vector_load %arg13[%swap3A_396, %swap3A_397] {strides = array<i32>} : memref<32x768xf32, #tpu.memory_space<vmem>>, vector<1x16xf32>,
      %swap3A_399 = vector.shape_cast %swap3A_398 : vector<1x16xf32> to vector<16xf32>
      %swap3A_400 = vector.shape_cast %add3A_395 : vector<16xf32> to vector<1x16xf32>
      tpu.vector_store %arg13[%swap3A_396, %swap3A_397], %swap3A_400 {strides = array<i32>} : memref<32x768xf32, #tpu.memory_space<vmem>>, vector<1x16xf32>,
      %get3A_401 = arith.index_cast %scan3A_54 : i32 to index
      %get3A_402 = arith.constant 336 : index
      %get3A_403 = tpu.vector_load %arg13[%get3A_401, %get3A_402] {strides = array<i32>} : memref<32x768xf32, #tpu.memory_space<vmem>>, vector<1x16xf32>,
      %get3A_404 = vector.shape_cast %get3A_403 : vector<1x16xf32> to vector<16xf32>
      %mul3A_405 = arith.mulf %get3A_59, %get3A_404 : vector<16xf32>
      %get3A_406 = arith.index_cast %scan3A_54 : i32 to index
      %get3A_407 = arith.constant 336 : index
      %get3A_408 = tpu.vector_load %arg14[%get3A_406, %get3A_407] {strides = array<i32>} : memref<32x768xf32, #tpu.memory_space<vmem>>, vector<1x16xf32>,
      %get3A_409 = vector.shape_cast %get3A_408 : vector<1x16xf32> to vector<16xf32>
      %mul3A_410 = arith.mulf %get3A_65, %get3A_409 : vector<16xf32>
      %add3A_411 = arith.addf %mul3A_405, %mul3A_410 : vector<16xf32>
      %swap3A_412 = arith.index_cast %scan3A_54 : i32 to index
      %swap3A_413 = arith.constant 336 : index
      %swap3A_414 = tpu.vector_load %arg13[%swap3A_412, %swap3A_413] {strides = array<i32>} : memref<32x768xf32, #tpu.memory_space<vmem>>, vector<1x16xf32>,
      %swap3A_415 = vector.shape_cast %swap3A_414 : vector<1x16xf32> to vector<16xf32>
      %swap3A_416 = vector.shape_cast %add3A_411 : vector<16xf32> to vector<1x16xf32>
      tpu.vector_store %arg13[%swap3A_412, %swap3A_413], %swap3A_416 {strides = array<i32>} : memref<32x768xf32, #tpu.memory_space<vmem>>, vector<1x16xf32>,
      %get3A_417 = arith.index_cast %scan3A_54 : i32 to index
      %get3A_418 = arith.constant 352 : index
      %get3A_419 = tpu.vector_load %arg13[%get3A_417, %get3A_418] {strides = array<i32>} : memref<32x768xf32, #tpu.memory_space<vmem>>, vector<1x16xf32>,
      %get3A_420 = vector.shape_cast %get3A_419 : vector<1x16xf32> to vector<16xf32>
      %mul3A_421 = arith.mulf %get3A_59, %get3A_420 : vector<16xf32>
      %get3A_422 = arith.index_cast %scan3A_54 : i32 to index
      %get3A_423 = arith.constant 352 : index
      %get3A_424 = tpu.vector_load %arg14[%get3A_422, %get3A_423] {strides = array<i32>} : memref<32x768xf32, #tpu.memory_space<vmem>>, vector<1x16xf32>,
      %get3A_425 = vector.shape_cast %get3A_424 : vector<1x16xf32> to vector<16xf32>
      %mul3A_426 = arith.mulf %get3A_65, %get3A_425 : vector<16xf32>
      %add3A_427 = arith.addf %mul3A_421, %mul3A_426 : vector<16xf32>
      %swap3A_428 = arith.index_cast %scan3A_54 : i32 to index
      %swap3A_429 = arith.constant 352 : index
      %swap3A_430 = tpu.vector_load %arg13[%swap3A_428, %swap3A_429] {strides = array<i32>} : memref<32x768xf32, #tpu.memory_space<vmem>>, vector<1x16xf32>,
      %swap3A_431 = vector.shape_cast %swap3A_430 : vector<1x16xf32> to vector<16xf32>
      %swap3A_432 = vector.shape_cast %add3A_427 : vector<16xf32> to vector<1x16xf32>
      tpu.vector_store %arg13[%swap3A_428, %swap3A_429], %swap3A_432 {strides = array<i32>} : memref<32x768xf32, #tpu.memory_space<vmem>>, vector<1x16xf32>,
      %get3A_433 = arith.index_cast %scan3A_54 : i32 to index
      %get3A_434 = arith.constant 368 : index
      %get3A_435 = tpu.vector_load %arg13[%get3A_433, %get3A_434] {strides = array<i32>} : memref<32x768xf32, #tpu.memory_space<vmem>>, vector<1x16xf32>,
      %get3A_436 = vector.shape_cast %get3A_435 : vector<1x16xf32> to vector<16xf32>
      %mul3A_437 = arith.mulf %get3A_59, %get3A_436 : vector<16xf32>
      %get3A_438 = arith.index_cast %scan3A_54 : i32 to index
      %get3A_439 = arith.constant 368 : index
      %get3A_440 = tpu.vector_load %arg14[%get3A_438, %get3A_439] {strides = array<i32>} : memref<32x768xf32, #tpu.memory_space<vmem>>, vector<1x16xf32>,
      %get3A_441 = vector.shape_cast %get3A_440 : vector<1x16xf32> to vector<16xf32>
      %mul3A_442 = arith.mulf %get3A_65, %get3A_441 : vector<16xf32>
      %add3A_443 = arith.addf %mul3A_437, %mul3A_442 : vector<16xf32>
      %swap3A_444 = arith.index_cast %scan3A_54 : i32 to index
      %swap3A_445 = arith.constant 368 : index
      %swap3A_446 = tpu.vector_load %arg13[%swap3A_444, %swap3A_445] {strides = array<i32>} : memref<32x768xf32, #tpu.memory_space<vmem>>, vector<1x16xf32>,
      %swap3A_447 = vector.shape_cast %swap3A_446 : vector<1x16xf32> to vector<16xf32>
      %swap3A_448 = vector.shape_cast %add3A_443 : vector<16xf32> to vector<1x16xf32>
      tpu.vector_store %arg13[%swap3A_444, %swap3A_445], %swap3A_448 {strides = array<i32>} : memref<32x768xf32, #tpu.memory_space<vmem>>, vector<1x16xf32>,
      %get3A_449 = arith.index_cast %scan3A_54 : i32 to index
      %get3A_450 = arith.constant 384 : index
      %get3A_451 = tpu.vector_load %arg13[%get3A_449, %get3A_450] {strides = array<i32>} : memref<32x768xf32, #tpu.memory_space<vmem>>, vector<1x16xf32>,
      %get3A_452 = vector.shape_cast %get3A_451 : vector<1x16xf32> to vector<16xf32>
      %mul3A_453 = arith.mulf %get3A_59, %get3A_452 : vector<16xf32>
      %get3A_454 = arith.index_cast %scan3A_54 : i32 to index
      %get3A_455 = arith.constant 384 : index
      %get3A_456 = tpu.vector_load %arg14[%get3A_454, %get3A_455] {strides = array<i32>} : memref<32x768xf32, #tpu.memory_space<vmem>>, vector<1x16xf32>,
      %get3A_457 = vector.shape_cast %get3A_456 : vector<1x16xf32> to vector<16xf32>
      %mul3A_458 = arith.mulf %get3A_65, %get3A_457 : vector<16xf32>
      %add3A_459 = arith.addf %mul3A_453, %mul3A_458 : vector<16xf32>
      %swap3A_460 = arith.index_cast %scan3A_54 : i32 to index
      %swap3A_461 = arith.constant 384 : index
      %swap3A_462 = tpu.vector_load %arg13[%swap3A_460, %swap3A_461] {strides = array<i32>} : memref<32x768xf32, #tpu.memory_space<vmem>>, vector<1x16xf32>,
      %swap3A_463 = vector.shape_cast %swap3A_462 : vector<1x16xf32> to vector<16xf32>
      %swap3A_464 = vector.shape_cast %add3A_459 : vector<16xf32> to vector<1x16xf32>
      tpu.vector_store %arg13[%swap3A_460, %swap3A_461], %swap3A_464 {strides = array<i32>} : memref<32x768xf32, #tpu.memory_space<vmem>>, vector<1x16xf32>,
      %get3A_465 = arith.index_cast %scan3A_54 : i32 to index
      %get3A_466 = arith.constant 400 : index
      %get3A_467 = tpu.vector_load %arg13[%get3A_465, %get3A_466] {strides = array<i32>} : memref<32x768xf32, #tpu.memory_space<vmem>>, vector<1x16xf32>,
      %get3A_468 = vector.shape_cast %get3A_467 : vector<1x16xf32> to vector<16xf32>
      %mul3A_469 = arith.mulf %get3A_59, %get3A_468 : vector<16xf32>
      %get3A_470 = arith.index_cast %scan3A_54 : i32 to index
      %get3A_471 = arith.constant 400 : index
      %get3A_472 = tpu.vector_load %arg14[%get3A_470, %get3A_471] {strides = array<i32>} : memref<32x768xf32, #tpu.memory_space<vmem>>, vector<1x16xf32>,
      %get3A_473 = vector.shape_cast %get3A_472 : vector<1x16xf32> to vector<16xf32>
      %mul3A_474 = arith.mulf %get3A_65, %get3A_473 : vector<16xf32>
      %add3A_475 = arith.addf %mul3A_469, %mul3A_474 : vector<16xf32>
      %swap3A_476 = arith.index_cast %scan3A_54 : i32 to index
      %swap3A_477 = arith.constant 400 : index
      %swap3A_478 = tpu.vector_load %arg13[%swap3A_476, %swap3A_477] {strides = array<i32>} : memref<32x768xf32, #tpu.memory_space<vmem>>, vector<1x16xf32>,
      %swap3A_479 = vector.shape_cast %swap3A_478 : vector<1x16xf32> to vector<16xf32>
      %swap3A_480 = vector.shape_cast %add3A_475 : vector<16xf32> to vector<1x16xf32>
      tpu.vector_store %arg13[%swap3A_476, %swap3A_477], %swap3A_480 {strides = array<i32>} : memref<32x768xf32, #tpu.memory_space<vmem>>, vector<1x16xf32>,
      %get3A_481 = arith.index_cast %scan3A_54 : i32 to index
      %get3A_482 = arith.constant 416 : index
      %get3A_483 = tpu.vector_load %arg13[%get3A_481, %get3A_482] {strides = array<i32>} : memref<32x768xf32, #tpu.memory_space<vmem>>, vector<1x16xf32>,
      %get3A_484 = vector.shape_cast %get3A_483 : vector<1x16xf32> to vector<16xf32>
      %mul3A_485 = arith.mulf %get3A_59, %get3A_484 : vector<16xf32>
      %get3A_486 = arith.index_cast %scan3A_54 : i32 to index
      %get3A_487 = arith.constant 416 : index
      %get3A_488 = tpu.vector_load %arg14[%get3A_486, %get3A_487] {strides = array<i32>} : memref<32x768xf32, #tpu.memory_space<vmem>>, vector<1x16xf32>,
      %get3A_489 = vector.shape_cast %get3A_488 : vector<1x16xf32> to vector<16xf32>
      %mul3A_490 = arith.mulf %get3A_65, %get3A_489 : vector<16xf32>
      %add3A_491 = arith.addf %mul3A_485, %mul3A_490 : vector<16xf32>
      %swap3A_492 = arith.index_cast %scan3A_54 : i32 to index
      %swap3A_493 = arith.constant 416 : index
      %swap3A_494 = tpu.vector_load %arg13[%swap3A_492, %swap3A_493] {strides = array<i32>} : memref<32x768xf32, #tpu.memory_space<vmem>>, vector<1x16xf32>,
      %swap3A_495 = vector.shape_cast %swap3A_494 : vector<1x16xf32> to vector<16xf32>
      %swap3A_496 = vector.shape_cast %add3A_491 : vector<16xf32> to vector<1x16xf32>
      tpu.vector_store %arg13[%swap3A_492, %swap3A_493], %swap3A_496 {strides = array<i32>} : memref<32x768xf32, #tpu.memory_space<vmem>>, vector<1x16xf32>,
      %get3A_497 = arith.index_cast %scan3A_54 : i32 to index
      %get3A_498 = arith.constant 432 : index
      %get3A_499 = tpu.vector_load %arg13[%get3A_497, %get3A_498] {strides = array<i32>} : memref<32x768xf32, #tpu.memory_space<vmem>>, vector<1x16xf32>,
      %get3A_500 = vector.shape_cast %get3A_499 : vector<1x16xf32> to vector<16xf32>
      %mul3A_501 = arith.mulf %get3A_59, %get3A_500 : vector<16xf32>
      %get3A_502 = arith.index_cast %scan3A_54 : i32 to index
      %get3A_503 = arith.constant 432 : index
      %get3A_504 = tpu.vector_load %arg14[%get3A_502, %get3A_503] {strides = array<i32>} : memref<32x768xf32, #tpu.memory_space<vmem>>, vector<1x16xf32>,
      %get3A_505 = vector.shape_cast %get3A_504 : vector<1x16xf32> to vector<16xf32>
      %mul3A_506 = arith.mulf %get3A_65, %get3A_505 : vector<16xf32>
      %add3A_507 = arith.addf %mul3A_501, %mul3A_506 : vector<16xf32>
      %swap3A_508 = arith.index_cast %scan3A_54 : i32 to index
      %swap3A_509 = arith.constant 432 : index
      %swap3A_510 = tpu.vector_load %arg13[%swap3A_508, %swap3A_509] {strides = array<i32>} : memref<32x768xf32, #tpu.memory_space<vmem>>, vector<1x16xf32>,
      %swap3A_511 = vector.shape_cast %swap3A_510 : vector<1x16xf32> to vector<16xf32>
      %swap3A_512 = vector.shape_cast %add3A_507 : vector<16xf32> to vector<1x16xf32>
      tpu.vector_store %arg13[%swap3A_508, %swap3A_509], %swap3A_512 {strides = array<i32>} : memref<32x768xf32, #tpu.memory_space<vmem>>, vector<1x16xf32>,
      %get3A_513 = arith.index_cast %scan3A_54 : i32 to index
      %get3A_514 = arith.constant 448 : index
      %get3A_515 = tpu.vector_load %arg13[%get3A_513, %get3A_514] {strides = array<i32>} : memref<32x768xf32, #tpu.memory_space<vmem>>, vector<1x16xf32>,
      %get3A_516 = vector.shape_cast %get3A_515 : vector<1x16xf32> to vector<16xf32>
      %mul3A_517 = arith.mulf %get3A_59, %get3A_516 : vector<16xf32>
      %get3A_518 = arith.index_cast %scan3A_54 : i32 to index
      %get3A_519 = arith.constant 448 : index
      %get3A_520 = tpu.vector_load %arg14[%get3A_518, %get3A_519] {strides = array<i32>} : memref<32x768xf32, #tpu.memory_space<vmem>>, vector<1x16xf32>,
      %get3A_521 = vector.shape_cast %get3A_520 : vector<1x16xf32> to vector<16xf32>
      %mul3A_522 = arith.mulf %get3A_65, %get3A_521 : vector<16xf32>
      %add3A_523 = arith.addf %mul3A_517, %mul3A_522 : vector<16xf32>
      %swap3A_524 = arith.index_cast %scan3A_54 : i32 to index
      %swap3A_525 = arith.constant 448 : index
      %swap3A_526 = tpu.vector_load %arg13[%swap3A_524, %swap3A_525] {strides = array<i32>} : memref<32x768xf32, #tpu.memory_space<vmem>>, vector<1x16xf32>,
      %swap3A_527 = vector.shape_cast %swap3A_526 : vector<1x16xf32> to vector<16xf32>
      %swap3A_528 = vector.shape_cast %add3A_523 : vector<16xf32> to vector<1x16xf32>
      tpu.vector_store %arg13[%swap3A_524, %swap3A_525], %swap3A_528 {strides = array<i32>} : memref<32x768xf32, #tpu.memory_space<vmem>>, vector<1x16xf32>,
      %get3A_529 = arith.index_cast %scan3A_54 : i32 to index
      %get3A_530 = arith.constant 464 : index
      %get3A_531 = tpu.vector_load %arg13[%get3A_529, %get3A_530] {strides = array<i32>} : memref<32x768xf32, #tpu.memory_space<vmem>>, vector<1x16xf32>,
      %get3A_532 = vector.shape_cast %get3A_531 : vector<1x16xf32> to vector<16xf32>
      %mul3A_533 = arith.mulf %get3A_59, %get3A_532 : vector<16xf32>
      %get3A_534 = arith.index_cast %scan3A_54 : i32 to index
      %get3A_535 = arith.constant 464 : index
      %get3A_536 = tpu.vector_load %arg14[%get3A_534, %get3A_535] {strides = array<i32>} : memref<32x768xf32, #tpu.memory_space<vmem>>, vector<1x16xf32>,
      %get3A_537 = vector.shape_cast %get3A_536 : vector<1x16xf32> to vector<16xf32>
      %mul3A_538 = arith.mulf %get3A_65, %get3A_537 : vector<16xf32>
      %add3A_539 = arith.addf %mul3A_533, %mul3A_538 : vector<16xf32>
      %swap3A_540 = arith.index_cast %scan3A_54 : i32 to index
      %swap3A_541 = arith.constant 464 : index
      %swap3A_542 = tpu.vector_load %arg13[%swap3A_540, %swap3A_541] {strides = array<i32>} : memref<32x768xf32, #tpu.memory_space<vmem>>, vector<1x16xf32>,
      %swap3A_543 = vector.shape_cast %swap3A_542 : vector<1x16xf32> to vector<16xf32>
      %swap3A_544 = vector.shape_cast %add3A_539 : vector<16xf32> to vector<1x16xf32>
      tpu.vector_store %arg13[%swap3A_540, %swap3A_541], %swap3A_544 {strides = array<i32>} : memref<32x768xf32, #tpu.memory_space<vmem>>, vector<1x16xf32>,
      %get3A_545 = arith.index_cast %scan3A_54 : i32 to index
      %get3A_546 = arith.constant 480 : index
      %get3A_547 = tpu.vector_load %arg13[%get3A_545, %get3A_546] {strides = array<i32>} : memref<32x768xf32, #tpu.memory_space<vmem>>, vector<1x16xf32>,
      %get3A_548 = vector.shape_cast %get3A_547 : vector<1x16xf32> to vector<16xf32>
      %mul3A_549 = arith.mulf %get3A_59, %get3A_548 : vector<16xf32>
      %get3A_550 = arith.index_cast %scan3A_54 : i32 to index
      %get3A_551 = arith.constant 480 : index
      %get3A_552 = tpu.vector_load %arg14[%get3A_550, %get3A_551] {strides = array<i32>} : memref<32x768xf32, #tpu.memory_space<vmem>>, vector<1x16xf32>,
      %get3A_553 = vector.shape_cast %get3A_552 : vector<1x16xf32> to vector<16xf32>
      %mul3A_554 = arith.mulf %get3A_65, %get3A_553 : vector<16xf32>
      %add3A_555 = arith.addf %mul3A_549, %mul3A_554 : vector<16xf32>
      %swap3A_556 = arith.index_cast %scan3A_54 : i32 to index
      %swap3A_557 = arith.constant 480 : index
      %swap3A_558 = tpu.vector_load %arg13[%swap3A_556, %swap3A_557] {strides = array<i32>} : memref<32x768xf32, #tpu.memory_space<vmem>>, vector<1x16xf32>,
      %swap3A_559 = vector.shape_cast %swap3A_558 : vector<1x16xf32> to vector<16xf32>
      %swap3A_560 = vector.shape_cast %add3A_555 : vector<16xf32> to vector<1x16xf32>
      tpu.vector_store %arg13[%swap3A_556, %swap3A_557], %swap3A_560 {strides = array<i32>} : memref<32x768xf32, #tpu.memory_space<vmem>>, vector<1x16xf32>,
      %get3A_561 = arith.index_cast %scan3A_54 : i32 to index
      %get3A_562 = arith.constant 496 : index
      %get3A_563 = tpu.vector_load %arg13[%get3A_561, %get3A_562] {strides = array<i32>} : memref<32x768xf32, #tpu.memory_space<vmem>>, vector<1x16xf32>,
      %get3A_564 = vector.shape_cast %get3A_563 : vector<1x16xf32> to vector<16xf32>
      %mul3A_565 = arith.mulf %get3A_59, %get3A_564 : vector<16xf32>
      %get3A_566 = arith.index_cast %scan3A_54 : i32 to index
      %get3A_567 = arith.constant 496 : index
      %get3A_568 = tpu.vector_load %arg14[%get3A_566, %get3A_567] {strides = array<i32>} : memref<32x768xf32, #tpu.memory_space<vmem>>, vector<1x16xf32>,
      %get3A_569 = vector.shape_cast %get3A_568 : vector<1x16xf32> to vector<16xf32>
      %mul3A_570 = arith.mulf %get3A_65, %get3A_569 : vector<16xf32>
      %add3A_571 = arith.addf %mul3A_565, %mul3A_570 : vector<16xf32>
      %swap3A_572 = arith.index_cast %scan3A_54 : i32 to index
      %swap3A_573 = arith.constant 496 : index
      %swap3A_574 = tpu.vector_load %arg13[%swap3A_572, %swap3A_573] {strides = array<i32>} : memref<32x768xf32, #tpu.memory_space<vmem>>, vector<1x16xf32>,
      %swap3A_575 = vector.shape_cast %swap3A_574 : vector<1x16xf32> to vector<16xf32>
      %swap3A_576 = vector.shape_cast %add3A_571 : vector<16xf32> to vector<1x16xf32>
      tpu.vector_store %arg13[%swap3A_572, %swap3A_573], %swap3A_576 {strides = array<i32>} : memref<32x768xf32, #tpu.memory_space<vmem>>, vector<1x16xf32>,
      %get3A_577 = arith.index_cast %scan3A_54 : i32 to index
      %get3A_578 = arith.constant 512 : index
      %get3A_579 = tpu.vector_load %arg13[%get3A_577, %get3A_578] {strides = array<i32>} : memref<32x768xf32, #tpu.memory_space<vmem>>, vector<1x16xf32>,
      %get3A_580 = vector.shape_cast %get3A_579 : vector<1x16xf32> to vector<16xf32>
      %mul3A_581 = arith.mulf %get3A_59, %get3A_580 : vector<16xf32>
      %get3A_582 = arith.index_cast %scan3A_54 : i32 to index
      %get3A_583 = arith.constant 512 : index
      %get3A_584 = tpu.vector_load %arg14[%get3A_582, %get3A_583] {strides = array<i32>} : memref<32x768xf32, #tpu.memory_space<vmem>>, vector<1x16xf32>,
      %get3A_585 = vector.shape_cast %get3A_584 : vector<1x16xf32> to vector<16xf32>
      %mul3A_586 = arith.mulf %get3A_65, %get3A_585 : vector<16xf32>
      %add3A_587 = arith.addf %mul3A_581, %mul3A_586 : vector<16xf32>
      %swap3A_588 = arith.index_cast %scan3A_54 : i32 to index
      %swap3A_589 = arith.constant 512 : index
      %swap3A_590 = tpu.vector_load %arg13[%swap3A_588, %swap3A_589] {strides = array<i32>} : memref<32x768xf32, #tpu.memory_space<vmem>>, vector<1x16xf32>,
      %swap3A_591 = vector.shape_cast %swap3A_590 : vector<1x16xf32> to vector<16xf32>
      %swap3A_592 = vector.shape_cast %add3A_587 : vector<16xf32> to vector<1x16xf32>
      tpu.vector_store %arg13[%swap3A_588, %swap3A_589], %swap3A_592 {strides = array<i32>} : memref<32x768xf32, #tpu.memory_space<vmem>>, vector<1x16xf32>,
      %get3A_593 = arith.index_cast %scan3A_54 : i32 to index
      %get3A_594 = arith.constant 528 : index
      %get3A_595 = tpu.vector_load %arg13[%get3A_593, %get3A_594] {strides = array<i32>} : memref<32x768xf32, #tpu.memory_space<vmem>>, vector<1x16xf32>,
      %get3A_596 = vector.shape_cast %get3A_595 : vector<1x16xf32> to vector<16xf32>
      %mul3A_597 = arith.mulf %get3A_59, %get3A_596 : vector<16xf32>
      %get3A_598 = arith.index_cast %scan3A_54 : i32 to index
      %get3A_599 = arith.constant 528 : index
      %get3A_600 = tpu.vector_load %arg14[%get3A_598, %get3A_599] {strides = array<i32>} : memref<32x768xf32, #tpu.memory_space<vmem>>, vector<1x16xf32>,
      %get3A_601 = vector.shape_cast %get3A_600 : vector<1x16xf32> to vector<16xf32>
      %mul3A_602 = arith.mulf %get3A_65, %get3A_601 : vector<16xf32>
      %add3A_603 = arith.addf %mul3A_597, %mul3A_602 : vector<16xf32>
      %swap3A_604 = arith.index_cast %scan3A_54 : i32 to index
      %swap3A_605 = arith.constant 528 : index
      %swap3A_606 = tpu.vector_load %arg13[%swap3A_604, %swap3A_605] {strides = array<i32>} : memref<32x768xf32, #tpu.memory_space<vmem>>, vector<1x16xf32>,
      %swap3A_607 = vector.shape_cast %swap3A_606 : vector<1x16xf32> to vector<16xf32>
      %swap3A_608 = vector.shape_cast %add3A_603 : vector<16xf32> to vector<1x16xf32>
      tpu.vector_store %arg13[%swap3A_604, %swap3A_605], %swap3A_608 {strides = array<i32>} : memref<32x768xf32, #tpu.memory_space<vmem>>, vector<1x16xf32>,
      %get3A_609 = arith.index_cast %scan3A_54 : i32 to index
      %get3A_610 = arith.constant 544 : index
      %get3A_611 = tpu.vector_load %arg13[%get3A_609, %get3A_610] {strides = array<i32>} : memref<32x768xf32, #tpu.memory_space<vmem>>, vector<1x16xf32>,
      %get3A_612 = vector.shape_cast %get3A_611 : vector<1x16xf32> to vector<16xf32>
      %mul3A_613 = arith.mulf %get3A_59, %get3A_612 : vector<16xf32>
      %get3A_614 = arith.index_cast %scan3A_54 : i32 to index
      %get3A_615 = arith.constant 544 : index
      %get3A_616 = tpu.vector_load %arg14[%get3A_614, %get3A_615] {strides = array<i32>} : memref<32x768xf32, #tpu.memory_space<vmem>>, vector<1x16xf32>,
      %get3A_617 = vector.shape_cast %get3A_616 : vector<1x16xf32> to vector<16xf32>
      %mul3A_618 = arith.mulf %get3A_65, %get3A_617 : vector<16xf32>
      %add3A_619 = arith.addf %mul3A_613, %mul3A_618 : vector<16xf32>
      %swap3A_620 = arith.index_cast %scan3A_54 : i32 to index
      %swap3A_621 = arith.constant 544 : index
      %swap3A_622 = tpu.vector_load %arg13[%swap3A_620, %swap3A_621] {strides = array<i32>} : memref<32x768xf32, #tpu.memory_space<vmem>>, vector<1x16xf32>,
      %swap3A_623 = vector.shape_cast %swap3A_622 : vector<1x16xf32> to vector<16xf32>
      %swap3A_624 = vector.shape_cast %add3A_619 : vector<16xf32> to vector<1x16xf32>
      tpu.vector_store %arg13[%swap3A_620, %swap3A_621], %swap3A_624 {strides = array<i32>} : memref<32x768xf32, #tpu.memory_space<vmem>>, vector<1x16xf32>,
      %get3A_625 = arith.index_cast %scan3A_54 : i32 to index
      %get3A_626 = arith.constant 560 : index
      %get3A_627 = tpu.vector_load %arg13[%get3A_625, %get3A_626] {strides = array<i32>} : memref<32x768xf32, #tpu.memory_space<vmem>>, vector<1x16xf32>,
      %get3A_628 = vector.shape_cast %get3A_627 : vector<1x16xf32> to vector<16xf32>
      %mul3A_629 = arith.mulf %get3A_59, %get3A_628 : vector<16xf32>
      %get3A_630 = arith.index_cast %scan3A_54 : i32 to index
      %get3A_631 = arith.constant 560 : index
      %get3A_632 = tpu.vector_load %arg14[%get3A_630, %get3A_631] {strides = array<i32>} : memref<32x768xf32, #tpu.memory_space<vmem>>, vector<1x16xf32>,
      %get3A_633 = vector.shape_cast %get3A_632 : vector<1x16xf32> to vector<16xf32>
      %mul3A_634 = arith.mulf %get3A_65, %get3A_633 : vector<16xf32>
      %add3A_635 = arith.addf %mul3A_629, %mul3A_634 : vector<16xf32>
      %swap3A_636 = arith.index_cast %scan3A_54 : i32 to index
      %swap3A_637 = arith.constant 560 : index
      %swap3A_638 = tpu.vector_load %arg13[%swap3A_636, %swap3A_637] {strides = array<i32>} : memref<32x768xf32, #tpu.memory_space<vmem>>, vector<1x16xf32>,
      %swap3A_639 = vector.shape_cast %swap3A_638 : vector<1x16xf32> to vector<16xf32>
      %swap3A_640 = vector.shape_cast %add3A_635 : vector<16xf32> to vector<1x16xf32>
      tpu.vector_store %arg13[%swap3A_636, %swap3A_637], %swap3A_640 {strides = array<i32>} : memref<32x768xf32, #tpu.memory_space<vmem>>, vector<1x16xf32>,
      %get3A_641 = arith.index_cast %scan3A_54 : i32 to index
      %get3A_642 = arith.constant 576 : index
      %get3A_643 = tpu.vector_load %arg13[%get3A_641, %get3A_642] {strides = array<i32>} : memref<32x768xf32, #tpu.memory_space<vmem>>, vector<1x16xf32>,
      %get3A_644 = vector.shape_cast %get3A_643 : vector<1x16xf32> to vector<16xf32>
      %mul3A_645 = arith.mulf %get3A_59, %get3A_644 : vector<16xf32>
      %get3A_646 = arith.index_cast %scan3A_54 : i32 to index
      %get3A_647 = arith.constant 576 : index
      %get3A_648 = tpu.vector_load %arg14[%get3A_646, %get3A_647] {strides = array<i32>} : memref<32x768xf32, #tpu.memory_space<vmem>>, vector<1x16xf32>,
      %get3A_649 = vector.shape_cast %get3A_648 : vector<1x16xf32> to vector<16xf32>
      %mul3A_650 = arith.mulf %get3A_65, %get3A_649 : vector<16xf32>
      %add3A_651 = arith.addf %mul3A_645, %mul3A_650 : vector<16xf32>
      %swap3A_652 = arith.index_cast %scan3A_54 : i32 to index
      %swap3A_653 = arith.constant 576 : index
      %swap3A_654 = tpu.vector_load %arg13[%swap3A_652, %swap3A_653] {strides = array<i32>} : memref<32x768xf32, #tpu.memory_space<vmem>>, vector<1x16xf32>,
      %swap3A_655 = vector.shape_cast %swap3A_654 : vector<1x16xf32> to vector<16xf32>
      %swap3A_656 = vector.shape_cast %add3A_651 : vector<16xf32> to vector<1x16xf32>
      tpu.vector_store %arg13[%swap3A_652, %swap3A_653], %swap3A_656 {strides = array<i32>} : memref<32x768xf32, #tpu.memory_space<vmem>>, vector<1x16xf32>,
      %get3A_657 = arith.index_cast %scan3A_54 : i32 to index
      %get3A_658 = arith.constant 592 : index
      %get3A_659 = tpu.vector_load %arg13[%get3A_657, %get3A_658] {strides = array<i32>} : memref<32x768xf32, #tpu.memory_space<vmem>>, vector<1x16xf32>,
      %get3A_660 = vector.shape_cast %get3A_659 : vector<1x16xf32> to vector<16xf32>
      %mul3A_661 = arith.mulf %get3A_59, %get3A_660 : vector<16xf32>
      %get3A_662 = arith.index_cast %scan3A_54 : i32 to index
      %get3A_663 = arith.constant 592 : index
      %get3A_664 = tpu.vector_load %arg14[%get3A_662, %get3A_663] {strides = array<i32>} : memref<32x768xf32, #tpu.memory_space<vmem>>, vector<1x16xf32>,
      %get3A_665 = vector.shape_cast %get3A_664 : vector<1x16xf32> to vector<16xf32>
      %mul3A_666 = arith.mulf %get3A_65, %get3A_665 : vector<16xf32>
      %add3A_667 = arith.addf %mul3A_661, %mul3A_666 : vector<16xf32>
      %swap3A_668 = arith.index_cast %scan3A_54 : i32 to index
      %swap3A_669 = arith.constant 592 : index
      %swap3A_670 = tpu.vector_load %arg13[%swap3A_668, %swap3A_669] {strides = array<i32>} : memref<32x768xf32, #tpu.memory_space<vmem>>, vector<1x16xf32>,
      %swap3A_671 = vector.shape_cast %swap3A_670 : vector<1x16xf32> to vector<16xf32>
      %swap3A_672 = vector.shape_cast %add3A_667 : vector<16xf32> to vector<1x16xf32>
      tpu.vector_store %arg13[%swap3A_668, %swap3A_669], %swap3A_672 {strides = array<i32>} : memref<32x768xf32, #tpu.memory_space<vmem>>, vector<1x16xf32>,
      %get3A_673 = arith.index_cast %scan3A_54 : i32 to index
      %get3A_674 = arith.constant 608 : index
      %get3A_675 = tpu.vector_load %arg13[%get3A_673, %get3A_674] {strides = array<i32>} : memref<32x768xf32, #tpu.memory_space<vmem>>, vector<1x16xf32>,
      %get3A_676 = vector.shape_cast %get3A_675 : vector<1x16xf32> to vector<16xf32>
      %mul3A_677 = arith.mulf %get3A_59, %get3A_676 : vector<16xf32>
      %get3A_678 = arith.index_cast %scan3A_54 : i32 to index
      %get3A_679 = arith.constant 608 : index
      %get3A_680 = tpu.vector_load %arg14[%get3A_678, %get3A_679] {strides = array<i32>} : memref<32x768xf32, #tpu.memory_space<vmem>>, vector<1x16xf32>,
      %get3A_681 = vector.shape_cast %get3A_680 : vector<1x16xf32> to vector<16xf32>
      %mul3A_682 = arith.mulf %get3A_65, %get3A_681 : vector<16xf32>
      %add3A_683 = arith.addf %mul3A_677, %mul3A_682 : vector<16xf32>
      %swap3A_684 = arith.index_cast %scan3A_54 : i32 to index
      %swap3A_685 = arith.constant 608 : index
      %swap3A_686 = tpu.vector_load %arg13[%swap3A_684, %swap3A_685] {strides = array<i32>} : memref<32x768xf32, #tpu.memory_space<vmem>>, vector<1x16xf32>,
      %swap3A_687 = vector.shape_cast %swap3A_686 : vector<1x16xf32> to vector<16xf32>
      %swap3A_688 = vector.shape_cast %add3A_683 : vector<16xf32> to vector<1x16xf32>
      tpu.vector_store %arg13[%swap3A_684, %swap3A_685], %swap3A_688 {strides = array<i32>} : memref<32x768xf32, #tpu.memory_space<vmem>>, vector<1x16xf32>,
      %get3A_689 = arith.index_cast %scan3A_54 : i32 to index
      %get3A_690 = arith.constant 624 : index
      %get3A_691 = tpu.vector_load %arg13[%get3A_689, %get3A_690] {strides = array<i32>} : memref<32x768xf32, #tpu.memory_space<vmem>>, vector<1x16xf32>,
      %get3A_692 = vector.shape_cast %get3A_691 : vector<1x16xf32> to vector<16xf32>
      %mul3A_693 = arith.mulf %get3A_59, %get3A_692 : vector<16xf32>
      %get3A_694 = arith.index_cast %scan3A_54 : i32 to index
      %get3A_695 = arith.constant 624 : index
      %get3A_696 = tpu.vector_load %arg14[%get3A_694, %get3A_695] {strides = array<i32>} : memref<32x768xf32, #tpu.memory_space<vmem>>, vector<1x16xf32>,
      %get3A_697 = vector.shape_cast %get3A_696 : vector<1x16xf32> to vector<16xf32>
      %mul3A_698 = arith.mulf %get3A_65, %get3A_697 : vector<16xf32>
      %add3A_699 = arith.addf %mul3A_693, %mul3A_698 : vector<16xf32>
      %swap3A_700 = arith.index_cast %scan3A_54 : i32 to index
      %swap3A_701 = arith.constant 624 : index
      %swap3A_702 = tpu.vector_load %arg13[%swap3A_700, %swap3A_701] {strides = array<i32>} : memref<32x768xf32, #tpu.memory_space<vmem>>, vector<1x16xf32>,
      %swap3A_703 = vector.shape_cast %swap3A_702 : vector<1x16xf32> to vector<16xf32>
      %swap3A_704 = vector.shape_cast %add3A_699 : vector<16xf32> to vector<1x16xf32>
      tpu.vector_store %arg13[%swap3A_700, %swap3A_701], %swap3A_704 {strides = array<i32>} : memref<32x768xf32, #tpu.memory_space<vmem>>, vector<1x16xf32>,
      %get3A_705 = arith.index_cast %scan3A_54 : i32 to index
      %get3A_706 = arith.constant 640 : index
      %get3A_707 = tpu.vector_load %arg13[%get3A_705, %get3A_706] {strides = array<i32>} : memref<32x768xf32, #tpu.memory_space<vmem>>, vector<1x16xf32>,
      %get3A_708 = vector.shape_cast %get3A_707 : vector<1x16xf32> to vector<16xf32>
      %mul3A_709 = arith.mulf %get3A_59, %get3A_708 : vector<16xf32>
      %get3A_710 = arith.index_cast %scan3A_54 : i32 to index
      %get3A_711 = arith.constant 640 : index
      %get3A_712 = tpu.vector_load %arg14[%get3A_710, %get3A_711] {strides = array<i32>} : memref<32x768xf32, #tpu.memory_space<vmem>>, vector<1x16xf32>,
      %get3A_713 = vector.shape_cast %get3A_712 : vector<1x16xf32> to vector<16xf32>
      %mul3A_714 = arith.mulf %get3A_65, %get3A_713 : vector<16xf32>
      %add3A_715 = arith.addf %mul3A_709, %mul3A_714 : vector<16xf32>
      %swap3A_716 = arith.index_cast %scan3A_54 : i32 to index
      %swap3A_717 = arith.constant 640 : index
      %swap3A_718 = tpu.vector_load %arg13[%swap3A_716, %swap3A_717] {strides = array<i32>} : memref<32x768xf32, #tpu.memory_space<vmem>>, vector<1x16xf32>,
      %swap3A_719 = vector.shape_cast %swap3A_718 : vector<1x16xf32> to vector<16xf32>
      %swap3A_720 = vector.shape_cast %add3A_715 : vector<16xf32> to vector<1x16xf32>
      tpu.vector_store %arg13[%swap3A_716, %swap3A_717], %swap3A_720 {strides = array<i32>} : memref<32x768xf32, #tpu.memory_space<vmem>>, vector<1x16xf32>,
      %get3A_721 = arith.index_cast %scan3A_54 : i32 to index
      %get3A_722 = arith.constant 656 : index
      %get3A_723 = tpu.vector_load %arg13[%get3A_721, %get3A_722] {strides = array<i32>} : memref<32x768xf32, #tpu.memory_space<vmem>>, vector<1x16xf32>,
      %get3A_724 = vector.shape_cast %get3A_723 : vector<1x16xf32> to vector<16xf32>
      %mul3A_725 = arith.mulf %get3A_59, %get3A_724 : vector<16xf32>
      %get3A_726 = arith.index_cast %scan3A_54 : i32 to index
      %get3A_727 = arith.constant 656 : index
      %get3A_728 = tpu.vector_load %arg14[%get3A_726, %get3A_727] {strides = array<i32>} : memref<32x768xf32, #tpu.memory_space<vmem>>, vector<1x16xf32>,
      %get3A_729 = vector.shape_cast %get3A_728 : vector<1x16xf32> to vector<16xf32>
      %mul3A_730 = arith.mulf %get3A_65, %get3A_729 : vector<16xf32>
      %add3A_731 = arith.addf %mul3A_725, %mul3A_730 : vector<16xf32>
      %swap3A_732 = arith.index_cast %scan3A_54 : i32 to index
      %swap3A_733 = arith.constant 656 : index
      %swap3A_734 = tpu.vector_load %arg13[%swap3A_732, %swap3A_733] {strides = array<i32>} : memref<32x768xf32, #tpu.memory_space<vmem>>, vector<1x16xf32>,
      %swap3A_735 = vector.shape_cast %swap3A_734 : vector<1x16xf32> to vector<16xf32>
      %swap3A_736 = vector.shape_cast %add3A_731 : vector<16xf32> to vector<1x16xf32>
      tpu.vector_store %arg13[%swap3A_732, %swap3A_733], %swap3A_736 {strides = array<i32>} : memref<32x768xf32, #tpu.memory_space<vmem>>, vector<1x16xf32>,
      %get3A_737 = arith.index_cast %scan3A_54 : i32 to index
      %get3A_738 = arith.constant 672 : index
      %get3A_739 = tpu.vector_load %arg13[%get3A_737, %get3A_738] {strides = array<i32>} : memref<32x768xf32, #tpu.memory_space<vmem>>, vector<1x16xf32>,
      %get3A_740 = vector.shape_cast %get3A_739 : vector<1x16xf32> to vector<16xf32>
      %mul3A_741 = arith.mulf %get3A_59, %get3A_740 : vector<16xf32>
      %get3A_742 = arith.index_cast %scan3A_54 : i32 to index
      %get3A_743 = arith.constant 672 : index
      %get3A_744 = tpu.vector_load %arg14[%get3A_742, %get3A_743] {strides = array<i32>} : memref<32x768xf32, #tpu.memory_space<vmem>>, vector<1x16xf32>,
      %get3A_745 = vector.shape_cast %get3A_744 : vector<1x16xf32> to vector<16xf32>
      %mul3A_746 = arith.mulf %get3A_65, %get3A_745 : vector<16xf32>
      %add3A_747 = arith.addf %mul3A_741, %mul3A_746 : vector<16xf32>
      %swap3A_748 = arith.index_cast %scan3A_54 : i32 to index
      %swap3A_749 = arith.constant 672 : index
      %swap3A_750 = tpu.vector_load %arg13[%swap3A_748, %swap3A_749] {strides = array<i32>} : memref<32x768xf32, #tpu.memory_space<vmem>>, vector<1x16xf32>,
      %swap3A_751 = vector.shape_cast %swap3A_750 : vector<1x16xf32> to vector<16xf32>
      %swap3A_752 = vector.shape_cast %add3A_747 : vector<16xf32> to vector<1x16xf32>
      tpu.vector_store %arg13[%swap3A_748, %swap3A_749], %swap3A_752 {strides = array<i32>} : memref<32x768xf32, #tpu.memory_space<vmem>>, vector<1x16xf32>,
      %get3A_753 = arith.index_cast %scan3A_54 : i32 to index
      %get3A_754 = arith.constant 688 : index
      %get3A_755 = tpu.vector_load %arg13[%get3A_753, %get3A_754] {strides = array<i32>} : memref<32x768xf32, #tpu.memory_space<vmem>>, vector<1x16xf32>,
      %get3A_756 = vector.shape_cast %get3A_755 : vector<1x16xf32> to vector<16xf32>
      %mul3A_757 = arith.mulf %get3A_59, %get3A_756 : vector<16xf32>
      %get3A_758 = arith.index_cast %scan3A_54 : i32 to index
      %get3A_759 = arith.constant 688 : index
      %get3A_760 = tpu.vector_load %arg14[%get3A_758, %get3A_759] {strides = array<i32>} : memref<32x768xf32, #tpu.memory_space<vmem>>, vector<1x16xf32>,
      %get3A_761 = vector.shape_cast %get3A_760 : vector<1x16xf32> to vector<16xf32>
      %mul3A_762 = arith.mulf %get3A_65, %get3A_761 : vector<16xf32>
      %add3A_763 = arith.addf %mul3A_757, %mul3A_762 : vector<16xf32>
      %swap3A_764 = arith.index_cast %scan3A_54 : i32 to index
      %swap3A_765 = arith.constant 688 : index
      %swap3A_766 = tpu.vector_load %arg13[%swap3A_764, %swap3A_765] {strides = array<i32>} : memref<32x768xf32, #tpu.memory_space<vmem>>, vector<1x16xf32>,
      %swap3A_767 = vector.shape_cast %swap3A_766 : vector<1x16xf32> to vector<16xf32>
      %swap3A_768 = vector.shape_cast %add3A_763 : vector<16xf32> to vector<1x16xf32>
      tpu.vector_store %arg13[%swap3A_764, %swap3A_765], %swap3A_768 {strides = array<i32>} : memref<32x768xf32, #tpu.memory_space<vmem>>, vector<1x16xf32>,
      %get3A_769 = arith.index_cast %scan3A_54 : i32 to index
      %get3A_770 = arith.constant 704 : index
      %get3A_771 = tpu.vector_load %arg13[%get3A_769, %get3A_770] {strides = array<i32>} : memref<32x768xf32, #tpu.memory_space<vmem>>, vector<1x16xf32>,
      %get3A_772 = vector.shape_cast %get3A_771 : vector<1x16xf32> to vector<16xf32>
      %mul3A_773 = arith.mulf %get3A_59, %get3A_772 : vector<16xf32>
      %get3A_774 = arith.index_cast %scan3A_54 : i32 to index
      %get3A_775 = arith.constant 704 : index
      %get3A_776 = tpu.vector_load %arg14[%get3A_774, %get3A_775] {strides = array<i32>} : memref<32x768xf32, #tpu.memory_space<vmem>>, vector<1x16xf32>,
      %get3A_777 = vector.shape_cast %get3A_776 : vector<1x16xf32> to vector<16xf32>
      %mul3A_778 = arith.mulf %get3A_65, %get3A_777 : vector<16xf32>
      %add3A_779 = arith.addf %mul3A_773, %mul3A_778 : vector<16xf32>
      %swap3A_780 = arith.index_cast %scan3A_54 : i32 to index
      %swap3A_781 = arith.constant 704 : index
      %swap3A_782 = tpu.vector_load %arg13[%swap3A_780, %swap3A_781] {strides = array<i32>} : memref<32x768xf32, #tpu.memory_space<vmem>>, vector<1x16xf32>,
      %swap3A_783 = vector.shape_cast %swap3A_782 : vector<1x16xf32> to vector<16xf32>
      %swap3A_784 = vector.shape_cast %add3A_779 : vector<16xf32> to vector<1x16xf32>
      tpu.vector_store %arg13[%swap3A_780, %swap3A_781], %swap3A_784 {strides = array<i32>} : memref<32x768xf32, #tpu.memory_space<vmem>>, vector<1x16xf32>,
      %get3A_785 = arith.index_cast %scan3A_54 : i32 to index
      %get3A_786 = arith.constant 720 : index
      %get3A_787 = tpu.vector_load %arg13[%get3A_785, %get3A_786] {strides = array<i32>} : memref<32x768xf32, #tpu.memory_space<vmem>>, vector<1x16xf32>,
      %get3A_788 = vector.shape_cast %get3A_787 : vector<1x16xf32> to vector<16xf32>
      %mul3A_789 = arith.mulf %get3A_59, %get3A_788 : vector<16xf32>
      %get3A_790 = arith.index_cast %scan3A_54 : i32 to index
      %get3A_791 = arith.constant 720 : index
      %get3A_792 = tpu.vector_load %arg14[%get3A_790, %get3A_791] {strides = array<i32>} : memref<32x768xf32, #tpu.memory_space<vmem>>, vector<1x16xf32>,
      %get3A_793 = vector.shape_cast %get3A_792 : vector<1x16xf32> to vector<16xf32>
      %mul3A_794 = arith.mulf %get3A_65, %get3A_793 : vector<16xf32>
      %add3A_795 = arith.addf %mul3A_789, %mul3A_794 : vector<16xf32>
      %swap3A_796 = arith.index_cast %scan3A_54 : i32 to index
      %swap3A_797 = arith.constant 720 : index
      %swap3A_798 = tpu.vector_load %arg13[%swap3A_796, %swap3A_797] {strides = array<i32>} : memref<32x768xf32, #tpu.memory_space<vmem>>, vector<1x16xf32>,
      %swap3A_799 = vector.shape_cast %swap3A_798 : vector<1x16xf32> to vector<16xf32>
      %swap3A_800 = vector.shape_cast %add3A_795 : vector<16xf32> to vector<1x16xf32>
      tpu.vector_store %arg13[%swap3A_796, %swap3A_797], %swap3A_800 {strides = array<i32>} : memref<32x768xf32, #tpu.memory_space<vmem>>, vector<1x16xf32>,
      %get3A_801 = arith.index_cast %scan3A_54 : i32 to index
      %get3A_802 = arith.constant 736 : index
      %get3A_803 = tpu.vector_load %arg13[%get3A_801, %get3A_802] {strides = array<i32>} : memref<32x768xf32, #tpu.memory_space<vmem>>, vector<1x16xf32>,
      %get3A_804 = vector.shape_cast %get3A_803 : vector<1x16xf32> to vector<16xf32>
      %mul3A_805 = arith.mulf %get3A_59, %get3A_804 : vector<16xf32>
      %get3A_806 = arith.index_cast %scan3A_54 : i32 to index
      %get3A_807 = arith.constant 736 : index
      %get3A_808 = tpu.vector_load %arg14[%get3A_806, %get3A_807] {strides = array<i32>} : memref<32x768xf32, #tpu.memory_space<vmem>>, vector<1x16xf32>,
      %get3A_809 = vector.shape_cast %get3A_808 : vector<1x16xf32> to vector<16xf32>
      %mul3A_810 = arith.mulf %get3A_65, %get3A_809 : vector<16xf32>
      %add3A_811 = arith.addf %mul3A_805, %mul3A_810 : vector<16xf32>
      %swap3A_812 = arith.index_cast %scan3A_54 : i32 to index
      %swap3A_813 = arith.constant 736 : index
      %swap3A_814 = tpu.vector_load %arg13[%swap3A_812, %swap3A_813] {strides = array<i32>} : memref<32x768xf32, #tpu.memory_space<vmem>>, vector<1x16xf32>,
      %swap3A_815 = vector.shape_cast %swap3A_814 : vector<1x16xf32> to vector<16xf32>
      %swap3A_816 = vector.shape_cast %add3A_811 : vector<16xf32> to vector<1x16xf32>
      tpu.vector_store %arg13[%swap3A_812, %swap3A_813], %swap3A_816 {strides = array<i32>} : memref<32x768xf32, #tpu.memory_space<vmem>>, vector<1x16xf32>,
      %get3A_817 = arith.index_cast %scan3A_54 : i32 to index
      %get3A_818 = arith.constant 752 : index
      %get3A_819 = tpu.vector_load %arg13[%get3A_817, %get3A_818] {strides = array<i32>} : memref<32x768xf32, #tpu.memory_space<vmem>>, vector<1x16xf32>,
      %get3A_820 = vector.shape_cast %get3A_819 : vector<1x16xf32> to vector<16xf32>
      %mul3A_821 = arith.mulf %get3A_59, %get3A_820 : vector<16xf32>
      %get3A_822 = arith.index_cast %scan3A_54 : i32 to index
      %get3A_823 = arith.constant 752 : index
      %get3A_824 = tpu.vector_load %arg14[%get3A_822, %get3A_823] {strides = array<i32>} : memref<32x768xf32, #tpu.memory_space<vmem>>, vector<1x16xf32>,
      %get3A_825 = vector.shape_cast %get3A_824 : vector<1x16xf32> to vector<16xf32>
      %mul3A_826 = arith.mulf %get3A_65, %get3A_825 : vector<16xf32>
      %add3A_827 = arith.addf %mul3A_821, %mul3A_826 : vector<16xf32>
      %swap3A_828 = arith.index_cast %scan3A_54 : i32 to index
      %swap3A_829 = arith.constant 752 : index
      %swap3A_830 = tpu.vector_load %arg13[%swap3A_828, %swap3A_829] {strides = array<i32>} : memref<32x768xf32, #tpu.memory_space<vmem>>, vector<1x16xf32>,
      %swap3A_831 = vector.shape_cast %swap3A_830 : vector<1x16xf32> to vector<16xf32>
      %swap3A_832 = vector.shape_cast %add3A_827 : vector<16xf32> to vector<1x16xf32>
      tpu.vector_store %arg13[%swap3A_828, %swap3A_829], %swap3A_832 {strides = array<i32>} : memref<32x768xf32, #tpu.memory_space<vmem>>, vector<1x16xf32>,
    }
    %scan3A_31 = arith.constant 32 : i32
    %dma_start3A_32 = arith.constant 0 : i32
    %dma_start3A_33 = tpu.memref_slice %arg6[%mul3A_2, %dma_start3A_32] : memref<2048x768xf32, #tpu.memory_space<hbm>> -> memref<32x768xf32, #tpu.memory_space<hbm>>
    %dma_start3A_34 = arith.constant 0 : i32
    %dma_start3A_35 = tpu.memref_slice %arg6[%mul3A_2, %dma_start3A_34] : memref<2048x768xf32, #tpu.memory_space<hbm>> -> memref<32x768xf32, #tpu.memory_space<hbm>>
    tpu.enqueue_dma source(%arg13 : memref<32x768xf32, #tpu.memory_space<vmem>>) target(%dma_start3A_35 : memref<32x768xf32, #tpu.memory_space<hbm>>) target_semaphore(%arg17 : memref<!tpu.dma_semaphore, #tpu.memory_space<semaphore_mem>>)
    %dma_wait3A_36 = arith.constant 0 : i32
    %dma_wait3A_37 = arith.constant 0 : i32
    %dma_wait3A_38 = tpu.memref_slice %arg5[%dma_wait3A_36, %dma_wait3A_37] : memref<4096x768xf32, #tpu.memory_space<hbm>> -> memref<4096x768xf32, #tpu.memory_space<hbm>>
    tpu.wait_indirect_dma semaphore(%arg18 : memref<!tpu.dma_semaphore, #tpu.memory_space<semaphore_mem>>) src(%dma_wait3A_38 : memref<4096x768xf32, #tpu.memory_space<hbm>>) dst(%arg15 : memref<32x768xf32, #tpu.memory_space<vmem>>)
    %dma_wait3A_39 = arith.constant 0 : i32
    %dma_wait3A_40 = arith.constant 0 : i32
    %dma_wait3A_41 = tpu.memref_slice %arg5[%dma_wait3A_39, %dma_wait3A_40] : memref<4096x768xf32, #tpu.memory_space<hbm>> -> memref<4096x768xf32, #tpu.memory_space<hbm>>
    tpu.wait_indirect_dma semaphore(%arg18 : memref<!tpu.dma_semaphore, #tpu.memory_space<semaphore_mem>>) src(%dma_wait3A_41 : memref<4096x768xf32, #tpu.memory_space<hbm>>) dst(%arg16 : memref<32x768xf32, #tpu.memory_space<vmem>>)
    %scan3A_42 = arith.constant 0 : i32
    %scan3A_43 = arith.constant 0 : i32
    %scan3A_44 = arith.constant 32 : i32
    %scan3A_45 = arith.addi %scan3A_43, %scan3A_44 : i32
    %scan3A_46 = arith.constant 1 : i32
    scf.for %scan3A_54 = %scan3A_43 to %scan3A_45 step %scan3A_46  : i32 {
      %add3A_55 = arith.constant 32 : i32
      %add3A_56 = arith.addi %add3A_55, %scan3A_54 : i32
      %get3A = arith.index_cast %add3A_56 : i32 to index
      %get3A_57 = arith.constant 0 : index
      %get3A_58 = tpu.vector_load %arg11[%get3A, %get3A_57] {strides = array<i32>} : memref<64x16xf32, #tpu.memory_space<vmem>>, vector<1x16xf32>,
      %get3A_59 = vector.shape_cast %get3A_58 : vector<1x16xf32> to vector<16xf32>
      %add3A_60 = arith.constant 32 : i32
      %add3A_61 = arith.addi %add3A_60, %scan3A_54 : i32
      %get3A_62 = arith.index_cast %add3A_61 : i32 to index
      %get3A_63 = arith.constant 0 : index
      %get3A_64 = tpu.vector_load %arg12[%get3A_62, %get3A_63] {strides = array<i32>} : memref<64x16xf32, #tpu.memory_space<vmem>>, vector<1x16xf32>,
      %get3A_65 = vector.shape_cast %get3A_64 : vector<1x16xf32> to vector<16xf32>
      %get3A_66 = arith.index_cast %scan3A_54 : i32 to index
      %get3A_67 = arith.constant 0 : index
      %get3A_68 = tpu.vector_load %arg15[%get3A_66, %get3A_67] {strides = array<i32>} : memref<32x768xf32, #tpu.memory_space<vmem>>, vector<1x16xf32>,
      %get3A_69 = vector.shape_cast %get3A_68 : vector<1x16xf32> to vector<16xf32>
      %mul3A_70 = arith.mulf %get3A_59, %get3A_69 : vector<16xf32>
      %get3A_71 = arith.index_cast %scan3A_54 : i32 to index
      %get3A_72 = arith.constant 0 : index
      %get3A_73 = tpu.vector_load %arg16[%get3A_71, %get3A_72] {strides = array<i32>} : memref<32x768xf32, #tpu.memory_space<vmem>>, vector<1x16xf32>,
      %get3A_74 = vector.shape_cast %get3A_73 : vector<1x16xf32> to vector<16xf32>
      %mul3A_75 = arith.mulf %get3A_65, %get3A_74 : vector<16xf32>
      %add3A_76 = arith.addf %mul3A_70, %mul3A_75 : vector<16xf32>
      %swap3A = arith.index_cast %scan3A_54 : i32 to index
      %swap3A_77 = arith.constant 0 : index
      %swap3A_78 = tpu.vector_load %arg15[%swap3A, %swap3A_77] {strides = array<i32>} : memref<32x768xf32, #tpu.memory_space<vmem>>, vector<1x16xf32>,
      %swap3A_79 = vector.shape_cast %swap3A_78 : vector<1x16xf32> to vector<16xf32>
      %swap3A_80 = vector.shape_cast %add3A_76 : vector<16xf32> to vector<1x16xf32>
      tpu.vector_store %arg15[%swap3A, %swap3A_77], %swap3A_80 {strides = array<i32>} : memref<32x768xf32, #tpu.memory_space<vmem>>, vector<1x16xf32>,
      %get3A_81 = arith.index_cast %scan3A_54 : i32 to index
      %get3A_82 = arith.constant 16 : index
      %get3A_83 = tpu.vector_load %arg15[%get3A_81, %get3A_82] {strides = array<i32>} : memref<32x768xf32, #tpu.memory_space<vmem>>, vector<1x16xf32>,
      %get3A_84 = vector.shape_cast %get3A_83 : vector<1x16xf32> to vector<16xf32>
      %mul3A_85 = arith.mulf %get3A_59, %get3A_84 : vector<16xf32>
      %get3A_86 = arith.index_cast %scan3A_54 : i32 to index
      %get3A_87 = arith.constant 16 : index
      %get3A_88 = tpu.vector_load %arg16[%get3A_86, %get3A_87] {strides = array<i32>} : memref<32x768xf32, #tpu.memory_space<vmem>>, vector<1x16xf32>,
      %get3A_89 = vector.shape_cast %get3A_88 : vector<1x16xf32> to vector<16xf32>
      %mul3A_90 = arith.mulf %get3A_65, %get3A_89 : vector<16xf32>
      %add3A_91 = arith.addf %mul3A_85, %mul3A_90 : vector<16xf32>
      %swap3A_92 = arith.index_cast %scan3A_54 : i32 to index
      %swap3A_93 = arith.constant 16 : index
      %swap3A_94 = tpu.vector_load %arg15[%swap3A_92, %swap3A_93] {strides = array<i32>} : memref<32x768xf32, #tpu.memory_space<vmem>>, vector<1x16xf32>,
      %swap3A_95 = vector.shape_cast %swap3A_94 : vector<1x16xf32> to vector<16xf32>
      %swap3A_96 = vector.shape_cast %add3A_91 : vector<16xf32> to vector<1x16xf32>
      tpu.vector_store %arg15[%swap3A_92, %swap3A_93], %swap3A_96 {strides = array<i32>} : memref<32x768xf32, #tpu.memory_space<vmem>>, vector<1x16xf32>,
      %get3A_97 = arith.index_cast %scan3A_54 : i32 to index
      %get3A_98 = arith.constant 32 : index
      %get3A_99 = tpu.vector_load %arg15[%get3A_97, %get3A_98] {strides = array<i32>} : memref<32x768xf32, #tpu.memory_space<vmem>>, vector<1x16xf32>,
      %get3A_100 = vector.shape_cast %get3A_99 : vector<1x16xf32> to vector<16xf32>
      %mul3A_101 = arith.mulf %get3A_59, %get3A_100 : vector<16xf32>
      %get3A_102 = arith.index_cast %scan3A_54 : i32 to index
      %get3A_103 = arith.constant 32 : index
      %get3A_104 = tpu.vector_load %arg16[%get3A_102, %get3A_103] {strides = array<i32>} : memref<32x768xf32, #tpu.memory_space<vmem>>, vector<1x16xf32>,
      %get3A_105 = vector.shape_cast %get3A_104 : vector<1x16xf32> to vector<16xf32>
      %mul3A_106 = arith.mulf %get3A_65, %get3A_105 : vector<16xf32>
      %add3A_107 = arith.addf %mul3A_101, %mul3A_106 : vector<16xf32>
      %swap3A_108 = arith.index_cast %scan3A_54 : i32 to index
      %swap3A_109 = arith.constant 32 : index
      %swap3A_110 = tpu.vector_load %arg15[%swap3A_108, %swap3A_109] {strides = array<i32>} : memref<32x768xf32, #tpu.memory_space<vmem>>, vector<1x16xf32>,
      %swap3A_111 = vector.shape_cast %swap3A_110 : vector<1x16xf32> to vector<16xf32>
      %swap3A_112 = vector.shape_cast %add3A_107 : vector<16xf32> to vector<1x16xf32>
      tpu.vector_store %arg15[%swap3A_108, %swap3A_109], %swap3A_112 {strides = array<i32>} : memref<32x768xf32, #tpu.memory_space<vmem>>, vector<1x16xf32>,
      %get3A_113 = arith.index_cast %scan3A_54 : i32 to index
      %get3A_114 = arith.constant 48 : index
      %get3A_115 = tpu.vector_load %arg15[%get3A_113, %get3A_114] {strides = array<i32>} : memref<32x768xf32, #tpu.memory_space<vmem>>, vector<1x16xf32>,
      %get3A_116 = vector.shape_cast %get3A_115 : vector<1x16xf32> to vector<16xf32>
      %mul3A_117 = arith.mulf %get3A_59, %get3A_116 : vector<16xf32>
      %get3A_118 = arith.index_cast %scan3A_54 : i32 to index
      %get3A_119 = arith.constant 48 : index
      %get3A_120 = tpu.vector_load %arg16[%get3A_118, %get3A_119] {strides = array<i32>} : memref<32x768xf32, #tpu.memory_space<vmem>>, vector<1x16xf32>,
      %get3A_121 = vector.shape_cast %get3A_120 : vector<1x16xf32> to vector<16xf32>
      %mul3A_122 = arith.mulf %get3A_65, %get3A_121 : vector<16xf32>
      %add3A_123 = arith.addf %mul3A_117, %mul3A_122 : vector<16xf32>
      %swap3A_124 = arith.index_cast %scan3A_54 : i32 to index
      %swap3A_125 = arith.constant 48 : index
      %swap3A_126 = tpu.vector_load %arg15[%swap3A_124, %swap3A_125] {strides = array<i32>} : memref<32x768xf32, #tpu.memory_space<vmem>>, vector<1x16xf32>,
      %swap3A_127 = vector.shape_cast %swap3A_126 : vector<1x16xf32> to vector<16xf32>
      %swap3A_128 = vector.shape_cast %add3A_123 : vector<16xf32> to vector<1x16xf32>
      tpu.vector_store %arg15[%swap3A_124, %swap3A_125], %swap3A_128 {strides = array<i32>} : memref<32x768xf32, #tpu.memory_space<vmem>>, vector<1x16xf32>,
      %get3A_129 = arith.index_cast %scan3A_54 : i32 to index
      %get3A_130 = arith.constant 64 : index
      %get3A_131 = tpu.vector_load %arg15[%get3A_129, %get3A_130] {strides = array<i32>} : memref<32x768xf32, #tpu.memory_space<vmem>>, vector<1x16xf32>,
      %get3A_132 = vector.shape_cast %get3A_131 : vector<1x16xf32> to vector<16xf32>
      %mul3A_133 = arith.mulf %get3A_59, %get3A_132 : vector<16xf32>
      %get3A_134 = arith.index_cast %scan3A_54 : i32 to index
      %get3A_135 = arith.constant 64 : index
      %get3A_136 = tpu.vector_load %arg16[%get3A_134, %get3A_135] {strides = array<i32>} : memref<32x768xf32, #tpu.memory_space<vmem>>, vector<1x16xf32>,
      %get3A_137 = vector.shape_cast %get3A_136 : vector<1x16xf32> to vector<16xf32>
      %mul3A_138 = arith.mulf %get3A_65, %get3A_137 : vector<16xf32>
      %add3A_139 = arith.addf %mul3A_133, %mul3A_138 : vector<16xf32>
      %swap3A_140 = arith.index_cast %scan3A_54 : i32 to index
      %swap3A_141 = arith.constant 64 : index
      %swap3A_142 = tpu.vector_load %arg15[%swap3A_140, %swap3A_141] {strides = array<i32>} : memref<32x768xf32, #tpu.memory_space<vmem>>, vector<1x16xf32>,
      %swap3A_143 = vector.shape_cast %swap3A_142 : vector<1x16xf32> to vector<16xf32>
      %swap3A_144 = vector.shape_cast %add3A_139 : vector<16xf32> to vector<1x16xf32>
      tpu.vector_store %arg15[%swap3A_140, %swap3A_141], %swap3A_144 {strides = array<i32>} : memref<32x768xf32, #tpu.memory_space<vmem>>, vector<1x16xf32>,
      %get3A_145 = arith.index_cast %scan3A_54 : i32 to index
      %get3A_146 = arith.constant 80 : index
      %get3A_147 = tpu.vector_load %arg15[%get3A_145, %get3A_146] {strides = array<i32>} : memref<32x768xf32, #tpu.memory_space<vmem>>, vector<1x16xf32>,
      %get3A_148 = vector.shape_cast %get3A_147 : vector<1x16xf32> to vector<16xf32>
      %mul3A_149 = arith.mulf %get3A_59, %get3A_148 : vector<16xf32>
      %get3A_150 = arith.index_cast %scan3A_54 : i32 to index
      %get3A_151 = arith.constant 80 : index
      %get3A_152 = tpu.vector_load %arg16[%get3A_150, %get3A_151] {strides = array<i32>} : memref<32x768xf32, #tpu.memory_space<vmem>>, vector<1x16xf32>,
      %get3A_153 = vector.shape_cast %get3A_152 : vector<1x16xf32> to vector<16xf32>
      %mul3A_154 = arith.mulf %get3A_65, %get3A_153 : vector<16xf32>
      %add3A_155 = arith.addf %mul3A_149, %mul3A_154 : vector<16xf32>
      %swap3A_156 = arith.index_cast %scan3A_54 : i32 to index
      %swap3A_157 = arith.constant 80 : index
      %swap3A_158 = tpu.vector_load %arg15[%swap3A_156, %swap3A_157] {strides = array<i32>} : memref<32x768xf32, #tpu.memory_space<vmem>>, vector<1x16xf32>,
      %swap3A_159 = vector.shape_cast %swap3A_158 : vector<1x16xf32> to vector<16xf32>
      %swap3A_160 = vector.shape_cast %add3A_155 : vector<16xf32> to vector<1x16xf32>
      tpu.vector_store %arg15[%swap3A_156, %swap3A_157], %swap3A_160 {strides = array<i32>} : memref<32x768xf32, #tpu.memory_space<vmem>>, vector<1x16xf32>,
      %get3A_161 = arith.index_cast %scan3A_54 : i32 to index
      %get3A_162 = arith.constant 96 : index
      %get3A_163 = tpu.vector_load %arg15[%get3A_161, %get3A_162] {strides = array<i32>} : memref<32x768xf32, #tpu.memory_space<vmem>>, vector<1x16xf32>,
      %get3A_164 = vector.shape_cast %get3A_163 : vector<1x16xf32> to vector<16xf32>
      %mul3A_165 = arith.mulf %get3A_59, %get3A_164 : vector<16xf32>
      %get3A_166 = arith.index_cast %scan3A_54 : i32 to index
      %get3A_167 = arith.constant 96 : index
      %get3A_168 = tpu.vector_load %arg16[%get3A_166, %get3A_167] {strides = array<i32>} : memref<32x768xf32, #tpu.memory_space<vmem>>, vector<1x16xf32>,
      %get3A_169 = vector.shape_cast %get3A_168 : vector<1x16xf32> to vector<16xf32>
      %mul3A_170 = arith.mulf %get3A_65, %get3A_169 : vector<16xf32>
      %add3A_171 = arith.addf %mul3A_165, %mul3A_170 : vector<16xf32>
      %swap3A_172 = arith.index_cast %scan3A_54 : i32 to index
      %swap3A_173 = arith.constant 96 : index
      %swap3A_174 = tpu.vector_load %arg15[%swap3A_172, %swap3A_173] {strides = array<i32>} : memref<32x768xf32, #tpu.memory_space<vmem>>, vector<1x16xf32>,
      %swap3A_175 = vector.shape_cast %swap3A_174 : vector<1x16xf32> to vector<16xf32>
      %swap3A_176 = vector.shape_cast %add3A_171 : vector<16xf32> to vector<1x16xf32>
      tpu.vector_store %arg15[%swap3A_172, %swap3A_173], %swap3A_176 {strides = array<i32>} : memref<32x768xf32, #tpu.memory_space<vmem>>, vector<1x16xf32>,
      %get3A_177 = arith.index_cast %scan3A_54 : i32 to index
      %get3A_178 = arith.constant 112 : index
      %get3A_179 = tpu.vector_load %arg15[%get3A_177, %get3A_178] {strides = array<i32>} : memref<32x768xf32, #tpu.memory_space<vmem>>, vector<1x16xf32>,
      %get3A_180 = vector.shape_cast %get3A_179 : vector<1x16xf32> to vector<16xf32>
      %mul3A_181 = arith.mulf %get3A_59, %get3A_180 : vector<16xf32>
      %get3A_182 = arith.index_cast %scan3A_54 : i32 to index
      %get3A_183 = arith.constant 112 : index
      %get3A_184 = tpu.vector_load %arg16[%get3A_182, %get3A_183] {strides = array<i32>} : memref<32x768xf32, #tpu.memory_space<vmem>>, vector<1x16xf32>,
      %get3A_185 = vector.shape_cast %get3A_184 : vector<1x16xf32> to vector<16xf32>
      %mul3A_186 = arith.mulf %get3A_65, %get3A_185 : vector<16xf32>
      %add3A_187 = arith.addf %mul3A_181, %mul3A_186 : vector<16xf32>
      %swap3A_188 = arith.index_cast %scan3A_54 : i32 to index
      %swap3A_189 = arith.constant 112 : index
      %swap3A_190 = tpu.vector_load %arg15[%swap3A_188, %swap3A_189] {strides = array<i32>} : memref<32x768xf32, #tpu.memory_space<vmem>>, vector<1x16xf32>,
      %swap3A_191 = vector.shape_cast %swap3A_190 : vector<1x16xf32> to vector<16xf32>
      %swap3A_192 = vector.shape_cast %add3A_187 : vector<16xf32> to vector<1x16xf32>
      tpu.vector_store %arg15[%swap3A_188, %swap3A_189], %swap3A_192 {strides = array<i32>} : memref<32x768xf32, #tpu.memory_space<vmem>>, vector<1x16xf32>,
      %get3A_193 = arith.index_cast %scan3A_54 : i32 to index
      %get3A_194 = arith.constant 128 : index
      %get3A_195 = tpu.vector_load %arg15[%get3A_193, %get3A_194] {strides = array<i32>} : memref<32x768xf32, #tpu.memory_space<vmem>>, vector<1x16xf32>,
      %get3A_196 = vector.shape_cast %get3A_195 : vector<1x16xf32> to vector<16xf32>
      %mul3A_197 = arith.mulf %get3A_59, %get3A_196 : vector<16xf32>
      %get3A_198 = arith.index_cast %scan3A_54 : i32 to index
      %get3A_199 = arith.constant 128 : index
      %get3A_200 = tpu.vector_load %arg16[%get3A_198, %get3A_199] {strides = array<i32>} : memref<32x768xf32, #tpu.memory_space<vmem>>, vector<1x16xf32>,
      %get3A_201 = vector.shape_cast %get3A_200 : vector<1x16xf32> to vector<16xf32>
      %mul3A_202 = arith.mulf %get3A_65, %get3A_201 : vector<16xf32>
      %add3A_203 = arith.addf %mul3A_197, %mul3A_202 : vector<16xf32>
      %swap3A_204 = arith.index_cast %scan3A_54 : i32 to index
      %swap3A_205 = arith.constant 128 : index
      %swap3A_206 = tpu.vector_load %arg15[%swap3A_204, %swap3A_205] {strides = array<i32>} : memref<32x768xf32, #tpu.memory_space<vmem>>, vector<1x16xf32>,
      %swap3A_207 = vector.shape_cast %swap3A_206 : vector<1x16xf32> to vector<16xf32>
      %swap3A_208 = vector.shape_cast %add3A_203 : vector<16xf32> to vector<1x16xf32>
      tpu.vector_store %arg15[%swap3A_204, %swap3A_205], %swap3A_208 {strides = array<i32>} : memref<32x768xf32, #tpu.memory_space<vmem>>, vector<1x16xf32>,
      %get3A_209 = arith.index_cast %scan3A_54 : i32 to index
      %get3A_210 = arith.constant 144 : index
      %get3A_211 = tpu.vector_load %arg15[%get3A_209, %get3A_210] {strides = array<i32>} : memref<32x768xf32, #tpu.memory_space<vmem>>, vector<1x16xf32>,
      %get3A_212 = vector.shape_cast %get3A_211 : vector<1x16xf32> to vector<16xf32>
      %mul3A_213 = arith.mulf %get3A_59, %get3A_212 : vector<16xf32>
      %get3A_214 = arith.index_cast %scan3A_54 : i32 to index
      %get3A_215 = arith.constant 144 : index
      %get3A_216 = tpu.vector_load %arg16[%get3A_214, %get3A_215] {strides = array<i32>} : memref<32x768xf32, #tpu.memory_space<vmem>>, vector<1x16xf32>,
      %get3A_217 = vector.shape_cast %get3A_216 : vector<1x16xf32> to vector<16xf32>
      %mul3A_218 = arith.mulf %get3A_65, %get3A_217 : vector<16xf32>
      %add3A_219 = arith.addf %mul3A_213, %mul3A_218 : vector<16xf32>
      %swap3A_220 = arith.index_cast %scan3A_54 : i32 to index
      %swap3A_221 = arith.constant 144 : index
      %swap3A_222 = tpu.vector_load %arg15[%swap3A_220, %swap3A_221] {strides = array<i32>} : memref<32x768xf32, #tpu.memory_space<vmem>>, vector<1x16xf32>,
      %swap3A_223 = vector.shape_cast %swap3A_222 : vector<1x16xf32> to vector<16xf32>
      %swap3A_224 = vector.shape_cast %add3A_219 : vector<16xf32> to vector<1x16xf32>
      tpu.vector_store %arg15[%swap3A_220, %swap3A_221], %swap3A_224 {strides = array<i32>} : memref<32x768xf32, #tpu.memory_space<vmem>>, vector<1x16xf32>,
      %get3A_225 = arith.index_cast %scan3A_54 : i32 to index
      %get3A_226 = arith.constant 160 : index
      %get3A_227 = tpu.vector_load %arg15[%get3A_225, %get3A_226] {strides = array<i32>} : memref<32x768xf32, #tpu.memory_space<vmem>>, vector<1x16xf32>,
      %get3A_228 = vector.shape_cast %get3A_227 : vector<1x16xf32> to vector<16xf32>
      %mul3A_229 = arith.mulf %get3A_59, %get3A_228 : vector<16xf32>
      %get3A_230 = arith.index_cast %scan3A_54 : i32 to index
      %get3A_231 = arith.constant 160 : index
      %get3A_232 = tpu.vector_load %arg16[%get3A_230, %get3A_231] {strides = array<i32>} : memref<32x768xf32, #tpu.memory_space<vmem>>, vector<1x16xf32>,
      %get3A_233 = vector.shape_cast %get3A_232 : vector<1x16xf32> to vector<16xf32>
      %mul3A_234 = arith.mulf %get3A_65, %get3A_233 : vector<16xf32>
      %add3A_235 = arith.addf %mul3A_229, %mul3A_234 : vector<16xf32>
      %swap3A_236 = arith.index_cast %scan3A_54 : i32 to index
      %swap3A_237 = arith.constant 160 : index
      %swap3A_238 = tpu.vector_load %arg15[%swap3A_236, %swap3A_237] {strides = array<i32>} : memref<32x768xf32, #tpu.memory_space<vmem>>, vector<1x16xf32>,
      %swap3A_239 = vector.shape_cast %swap3A_238 : vector<1x16xf32> to vector<16xf32>
      %swap3A_240 = vector.shape_cast %add3A_235 : vector<16xf32> to vector<1x16xf32>
      tpu.vector_store %arg15[%swap3A_236, %swap3A_237], %swap3A_240 {strides = array<i32>} : memref<32x768xf32, #tpu.memory_space<vmem>>, vector<1x16xf32>,
      %get3A_241 = arith.index_cast %scan3A_54 : i32 to index
      %get3A_242 = arith.constant 176 : index
      %get3A_243 = tpu.vector_load %arg15[%get3A_241, %get3A_242] {strides = array<i32>} : memref<32x768xf32, #tpu.memory_space<vmem>>, vector<1x16xf32>,
      %get3A_244 = vector.shape_cast %get3A_243 : vector<1x16xf32> to vector<16xf32>
      %mul3A_245 = arith.mulf %get3A_59, %get3A_244 : vector<16xf32>
      %get3A_246 = arith.index_cast %scan3A_54 : i32 to index
      %get3A_247 = arith.constant 176 : index
      %get3A_248 = tpu.vector_load %arg16[%get3A_246, %get3A_247] {strides = array<i32>} : memref<32x768xf32, #tpu.memory_space<vmem>>, vector<1x16xf32>,
      %get3A_249 = vector.shape_cast %get3A_248 : vector<1x16xf32> to vector<16xf32>
      %mul3A_250 = arith.mulf %get3A_65, %get3A_249 : vector<16xf32>
      %add3A_251 = arith.addf %mul3A_245, %mul3A_250 : vector<16xf32>
      %swap3A_252 = arith.index_cast %scan3A_54 : i32 to index
      %swap3A_253 = arith.constant 176 : index
      %swap3A_254 = tpu.vector_load %arg15[%swap3A_252, %swap3A_253] {strides = array<i32>} : memref<32x768xf32, #tpu.memory_space<vmem>>, vector<1x16xf32>,
      %swap3A_255 = vector.shape_cast %swap3A_254 : vector<1x16xf32> to vector<16xf32>
      %swap3A_256 = vector.shape_cast %add3A_251 : vector<16xf32> to vector<1x16xf32>
      tpu.vector_store %arg15[%swap3A_252, %swap3A_253], %swap3A_256 {strides = array<i32>} : memref<32x768xf32, #tpu.memory_space<vmem>>, vector<1x16xf32>,
      %get3A_257 = arith.index_cast %scan3A_54 : i32 to index
      %get3A_258 = arith.constant 192 : index
      %get3A_259 = tpu.vector_load %arg15[%get3A_257, %get3A_258] {strides = array<i32>} : memref<32x768xf32, #tpu.memory_space<vmem>>, vector<1x16xf32>,
      %get3A_260 = vector.shape_cast %get3A_259 : vector<1x16xf32> to vector<16xf32>
      %mul3A_261 = arith.mulf %get3A_59, %get3A_260 : vector<16xf32>
      %get3A_262 = arith.index_cast %scan3A_54 : i32 to index
      %get3A_263 = arith.constant 192 : index
      %get3A_264 = tpu.vector_load %arg16[%get3A_262, %get3A_263] {strides = array<i32>} : memref<32x768xf32, #tpu.memory_space<vmem>>, vector<1x16xf32>,
      %get3A_265 = vector.shape_cast %get3A_264 : vector<1x16xf32> to vector<16xf32>
      %mul3A_266 = arith.mulf %get3A_65, %get3A_265 : vector<16xf32>
      %add3A_267 = arith.addf %mul3A_261, %mul3A_266 : vector<16xf32>
      %swap3A_268 = arith.index_cast %scan3A_54 : i32 to index
      %swap3A_269 = arith.constant 192 : index
      %swap3A_270 = tpu.vector_load %arg15[%swap3A_268, %swap3A_269] {strides = array<i32>} : memref<32x768xf32, #tpu.memory_space<vmem>>, vector<1x16xf32>,
      %swap3A_271 = vector.shape_cast %swap3A_270 : vector<1x16xf32> to vector<16xf32>
      %swap3A_272 = vector.shape_cast %add3A_267 : vector<16xf32> to vector<1x16xf32>
      tpu.vector_store %arg15[%swap3A_268, %swap3A_269], %swap3A_272 {strides = array<i32>} : memref<32x768xf32, #tpu.memory_space<vmem>>, vector<1x16xf32>,
      %get3A_273 = arith.index_cast %scan3A_54 : i32 to index
      %get3A_274 = arith.constant 208 : index
      %get3A_275 = tpu.vector_load %arg15[%get3A_273, %get3A_274] {strides = array<i32>} : memref<32x768xf32, #tpu.memory_space<vmem>>, vector<1x16xf32>,
      %get3A_276 = vector.shape_cast %get3A_275 : vector<1x16xf32> to vector<16xf32>
      %mul3A_277 = arith.mulf %get3A_59, %get3A_276 : vector<16xf32>
      %get3A_278 = arith.index_cast %scan3A_54 : i32 to index
      %get3A_279 = arith.constant 208 : index
      %get3A_280 = tpu.vector_load %arg16[%get3A_278, %get3A_279] {strides = array<i32>} : memref<32x768xf32, #tpu.memory_space<vmem>>, vector<1x16xf32>,
      %get3A_281 = vector.shape_cast %get3A_280 : vector<1x16xf32> to vector<16xf32>
      %mul3A_282 = arith.mulf %get3A_65, %get3A_281 : vector<16xf32>
      %add3A_283 = arith.addf %mul3A_277, %mul3A_282 : vector<16xf32>
      %swap3A_284 = arith.index_cast %scan3A_54 : i32 to index
      %swap3A_285 = arith.constant 208 : index
      %swap3A_286 = tpu.vector_load %arg15[%swap3A_284, %swap3A_285] {strides = array<i32>} : memref<32x768xf32, #tpu.memory_space<vmem>>, vector<1x16xf32>,
      %swap3A_287 = vector.shape_cast %swap3A_286 : vector<1x16xf32> to vector<16xf32>
      %swap3A_288 = vector.shape_cast %add3A_283 : vector<16xf32> to vector<1x16xf32>
      tpu.vector_store %arg15[%swap3A_284, %swap3A_285], %swap3A_288 {strides = array<i32>} : memref<32x768xf32, #tpu.memory_space<vmem>>, vector<1x16xf32>,
      %get3A_289 = arith.index_cast %scan3A_54 : i32 to index
      %get3A_290 = arith.constant 224 : index
      %get3A_291 = tpu.vector_load %arg15[%get3A_289, %get3A_290] {strides = array<i32>} : memref<32x768xf32, #tpu.memory_space<vmem>>, vector<1x16xf32>,
      %get3A_292 = vector.shape_cast %get3A_291 : vector<1x16xf32> to vector<16xf32>
      %mul3A_293 = arith.mulf %get3A_59, %get3A_292 : vector<16xf32>
      %get3A_294 = arith.index_cast %scan3A_54 : i32 to index
      %get3A_295 = arith.constant 224 : index
      %get3A_296 = tpu.vector_load %arg16[%get3A_294, %get3A_295] {strides = array<i32>} : memref<32x768xf32, #tpu.memory_space<vmem>>, vector<1x16xf32>,
      %get3A_297 = vector.shape_cast %get3A_296 : vector<1x16xf32> to vector<16xf32>
      %mul3A_298 = arith.mulf %get3A_65, %get3A_297 : vector<16xf32>
      %add3A_299 = arith.addf %mul3A_293, %mul3A_298 : vector<16xf32>
      %swap3A_300 = arith.index_cast %scan3A_54 : i32 to index
      %swap3A_301 = arith.constant 224 : index
      %swap3A_302 = tpu.vector_load %arg15[%swap3A_300, %swap3A_301] {strides = array<i32>} : memref<32x768xf32, #tpu.memory_space<vmem>>, vector<1x16xf32>,
      %swap3A_303 = vector.shape_cast %swap3A_302 : vector<1x16xf32> to vector<16xf32>
      %swap3A_304 = vector.shape_cast %add3A_299 : vector<16xf32> to vector<1x16xf32>
      tpu.vector_store %arg15[%swap3A_300, %swap3A_301], %swap3A_304 {strides = array<i32>} : memref<32x768xf32, #tpu.memory_space<vmem>>, vector<1x16xf32>,
      %get3A_305 = arith.index_cast %scan3A_54 : i32 to index
      %get3A_306 = arith.constant 240 : index
      %get3A_307 = tpu.vector_load %arg15[%get3A_305, %get3A_306] {strides = array<i32>} : memref<32x768xf32, #tpu.memory_space<vmem>>, vector<1x16xf32>,
      %get3A_308 = vector.shape_cast %get3A_307 : vector<1x16xf32> to vector<16xf32>
      %mul3A_309 = arith.mulf %get3A_59, %get3A_308 : vector<16xf32>
      %get3A_310 = arith.index_cast %scan3A_54 : i32 to index
      %get3A_311 = arith.constant 240 : index
      %get3A_312 = tpu.vector_load %arg16[%get3A_310, %get3A_311] {strides = array<i32>} : memref<32x768xf32, #tpu.memory_space<vmem>>, vector<1x16xf32>,
      %get3A_313 = vector.shape_cast %get3A_312 : vector<1x16xf32> to vector<16xf32>
      %mul3A_314 = arith.mulf %get3A_65, %get3A_313 : vector<16xf32>
      %add3A_315 = arith.addf %mul3A_309, %mul3A_314 : vector<16xf32>
      %swap3A_316 = arith.index_cast %scan3A_54 : i32 to index
      %swap3A_317 = arith.constant 240 : index
      %swap3A_318 = tpu.vector_load %arg15[%swap3A_316, %swap3A_317] {strides = array<i32>} : memref<32x768xf32, #tpu.memory_space<vmem>>, vector<1x16xf32>,
      %swap3A_319 = vector.shape_cast %swap3A_318 : vector<1x16xf32> to vector<16xf32>
      %swap3A_320 = vector.shape_cast %add3A_315 : vector<16xf32> to vector<1x16xf32>
      tpu.vector_store %arg15[%swap3A_316, %swap3A_317], %swap3A_320 {strides = array<i32>} : memref<32x768xf32, #tpu.memory_space<vmem>>, vector<1x16xf32>,
      %get3A_321 = arith.index_cast %scan3A_54 : i32 to index
      %get3A_322 = arith.constant 256 : index
      %get3A_323 = tpu.vector_load %arg15[%get3A_321, %get3A_322] {strides = array<i32>} : memref<32x768xf32, #tpu.memory_space<vmem>>, vector<1x16xf32>,
      %get3A_324 = vector.shape_cast %get3A_323 : vector<1x16xf32> to vector<16xf32>
      %mul3A_325 = arith.mulf %get3A_59, %get3A_324 : vector<16xf32>
      %get3A_326 = arith.index_cast %scan3A_54 : i32 to index
      %get3A_327 = arith.constant 256 : index
      %get3A_328 = tpu.vector_load %arg16[%get3A_326, %get3A_327] {strides = array<i32>} : memref<32x768xf32, #tpu.memory_space<vmem>>, vector<1x16xf32>,
      %get3A_329 = vector.shape_cast %get3A_328 : vector<1x16xf32> to vector<16xf32>
      %mul3A_330 = arith.mulf %get3A_65, %get3A_329 : vector<16xf32>
      %add3A_331 = arith.addf %mul3A_325, %mul3A_330 : vector<16xf32>
      %swap3A_332 = arith.index_cast %scan3A_54 : i32 to index
      %swap3A_333 = arith.constant 256 : index
      %swap3A_334 = tpu.vector_load %arg15[%swap3A_332, %swap3A_333] {strides = array<i32>} : memref<32x768xf32, #tpu.memory_space<vmem>>, vector<1x16xf32>,
      %swap3A_335 = vector.shape_cast %swap3A_334 : vector<1x16xf32> to vector<16xf32>
      %swap3A_336 = vector.shape_cast %add3A_331 : vector<16xf32> to vector<1x16xf32>
      tpu.vector_store %arg15[%swap3A_332, %swap3A_333], %swap3A_336 {strides = array<i32>} : memref<32x768xf32, #tpu.memory_space<vmem>>, vector<1x16xf32>,
      %get3A_337 = arith.index_cast %scan3A_54 : i32 to index
      %get3A_338 = arith.constant 272 : index
      %get3A_339 = tpu.vector_load %arg15[%get3A_337, %get3A_338] {strides = array<i32>} : memref<32x768xf32, #tpu.memory_space<vmem>>, vector<1x16xf32>,
      %get3A_340 = vector.shape_cast %get3A_339 : vector<1x16xf32> to vector<16xf32>
      %mul3A_341 = arith.mulf %get3A_59, %get3A_340 : vector<16xf32>
      %get3A_342 = arith.index_cast %scan3A_54 : i32 to index
      %get3A_343 = arith.constant 272 : index
      %get3A_344 = tpu.vector_load %arg16[%get3A_342, %get3A_343] {strides = array<i32>} : memref<32x768xf32, #tpu.memory_space<vmem>>, vector<1x16xf32>,
      %get3A_345 = vector.shape_cast %get3A_344 : vector<1x16xf32> to vector<16xf32>
      %mul3A_346 = arith.mulf %get3A_65, %get3A_345 : vector<16xf32>
      %add3A_347 = arith.addf %mul3A_341, %mul3A_346 : vector<16xf32>
      %swap3A_348 = arith.index_cast %scan3A_54 : i32 to index
      %swap3A_349 = arith.constant 272 : index
      %swap3A_350 = tpu.vector_load %arg15[%swap3A_348, %swap3A_349] {strides = array<i32>} : memref<32x768xf32, #tpu.memory_space<vmem>>, vector<1x16xf32>,
      %swap3A_351 = vector.shape_cast %swap3A_350 : vector<1x16xf32> to vector<16xf32>
      %swap3A_352 = vector.shape_cast %add3A_347 : vector<16xf32> to vector<1x16xf32>
      tpu.vector_store %arg15[%swap3A_348, %swap3A_349], %swap3A_352 {strides = array<i32>} : memref<32x768xf32, #tpu.memory_space<vmem>>, vector<1x16xf32>,
      %get3A_353 = arith.index_cast %scan3A_54 : i32 to index
      %get3A_354 = arith.constant 288 : index
      %get3A_355 = tpu.vector_load %arg15[%get3A_353, %get3A_354] {strides = array<i32>} : memref<32x768xf32, #tpu.memory_space<vmem>>, vector<1x16xf32>,
      %get3A_356 = vector.shape_cast %get3A_355 : vector<1x16xf32> to vector<16xf32>
      %mul3A_357 = arith.mulf %get3A_59, %get3A_356 : vector<16xf32>
      %get3A_358 = arith.index_cast %scan3A_54 : i32 to index
      %get3A_359 = arith.constant 288 : index
      %get3A_360 = tpu.vector_load %arg16[%get3A_358, %get3A_359] {strides = array<i32>} : memref<32x768xf32, #tpu.memory_space<vmem>>, vector<1x16xf32>,
      %get3A_361 = vector.shape_cast %get3A_360 : vector<1x16xf32> to vector<16xf32>
      %mul3A_362 = arith.mulf %get3A_65, %get3A_361 : vector<16xf32>
      %add3A_363 = arith.addf %mul3A_357, %mul3A_362 : vector<16xf32>
      %swap3A_364 = arith.index_cast %scan3A_54 : i32 to index
      %swap3A_365 = arith.constant 288 : index
      %swap3A_366 = tpu.vector_load %arg15[%swap3A_364, %swap3A_365] {strides = array<i32>} : memref<32x768xf32, #tpu.memory_space<vmem>>, vector<1x16xf32>,
      %swap3A_367 = vector.shape_cast %swap3A_366 : vector<1x16xf32> to vector<16xf32>
      %swap3A_368 = vector.shape_cast %add3A_363 : vector<16xf32> to vector<1x16xf32>
      tpu.vector_store %arg15[%swap3A_364, %swap3A_365], %swap3A_368 {strides = array<i32>} : memref<32x768xf32, #tpu.memory_space<vmem>>, vector<1x16xf32>,
      %get3A_369 = arith.index_cast %scan3A_54 : i32 to index
      %get3A_370 = arith.constant 304 : index
      %get3A_371 = tpu.vector_load %arg15[%get3A_369, %get3A_370] {strides = array<i32>} : memref<32x768xf32, #tpu.memory_space<vmem>>, vector<1x16xf32>,
      %get3A_372 = vector.shape_cast %get3A_371 : vector<1x16xf32> to vector<16xf32>
      %mul3A_373 = arith.mulf %get3A_59, %get3A_372 : vector<16xf32>
      %get3A_374 = arith.index_cast %scan3A_54 : i32 to index
      %get3A_375 = arith.constant 304 : index
      %get3A_376 = tpu.vector_load %arg16[%get3A_374, %get3A_375] {strides = array<i32>} : memref<32x768xf32, #tpu.memory_space<vmem>>, vector<1x16xf32>,
      %get3A_377 = vector.shape_cast %get3A_376 : vector<1x16xf32> to vector<16xf32>
      %mul3A_378 = arith.mulf %get3A_65, %get3A_377 : vector<16xf32>
      %add3A_379 = arith.addf %mul3A_373, %mul3A_378 : vector<16xf32>
      %swap3A_380 = arith.index_cast %scan3A_54 : i32 to index
      %swap3A_381 = arith.constant 304 : index
      %swap3A_382 = tpu.vector_load %arg15[%swap3A_380, %swap3A_381] {strides = array<i32>} : memref<32x768xf32, #tpu.memory_space<vmem>>, vector<1x16xf32>,
      %swap3A_383 = vector.shape_cast %swap3A_382 : vector<1x16xf32> to vector<16xf32>
      %swap3A_384 = vector.shape_cast %add3A_379 : vector<16xf32> to vector<1x16xf32>
      tpu.vector_store %arg15[%swap3A_380, %swap3A_381], %swap3A_384 {strides = array<i32>} : memref<32x768xf32, #tpu.memory_space<vmem>>, vector<1x16xf32>,
      %get3A_385 = arith.index_cast %scan3A_54 : i32 to index
      %get3A_386 = arith.constant 320 : index
      %get3A_387 = tpu.vector_load %arg15[%get3A_385, %get3A_386] {strides = array<i32>} : memref<32x768xf32, #tpu.memory_space<vmem>>, vector<1x16xf32>,
      %get3A_388 = vector.shape_cast %get3A_387 : vector<1x16xf32> to vector<16xf32>
      %mul3A_389 = arith.mulf %get3A_59, %get3A_388 : vector<16xf32>
      %get3A_390 = arith.index_cast %scan3A_54 : i32 to index
      %get3A_391 = arith.constant 320 : index
      %get3A_392 = tpu.vector_load %arg16[%get3A_390, %get3A_391] {strides = array<i32>} : memref<32x768xf32, #tpu.memory_space<vmem>>, vector<1x16xf32>,
      %get3A_393 = vector.shape_cast %get3A_392 : vector<1x16xf32> to vector<16xf32>
      %mul3A_394 = arith.mulf %get3A_65, %get3A_393 : vector<16xf32>
      %add3A_395 = arith.addf %mul3A_389, %mul3A_394 : vector<16xf32>
      %swap3A_396 = arith.index_cast %scan3A_54 : i32 to index
      %swap3A_397 = arith.constant 320 : index
      %swap3A_398 = tpu.vector_load %arg15[%swap3A_396, %swap3A_397] {strides = array<i32>} : memref<32x768xf32, #tpu.memory_space<vmem>>, vector<1x16xf32>,
      %swap3A_399 = vector.shape_cast %swap3A_398 : vector<1x16xf32> to vector<16xf32>
      %swap3A_400 = vector.shape_cast %add3A_395 : vector<16xf32> to vector<1x16xf32>
      tpu.vector_store %arg15[%swap3A_396, %swap3A_397], %swap3A_400 {strides = array<i32>} : memref<32x768xf32, #tpu.memory_space<vmem>>, vector<1x16xf32>,
      %get3A_401 = arith.index_cast %scan3A_54 : i32 to index
      %get3A_402 = arith.constant 336 : index
      %get3A_403 = tpu.vector_load %arg15[%get3A_401, %get3A_402] {strides = array<i32>} : memref<32x768xf32, #tpu.memory_space<vmem>>, vector<1x16xf32>,
      %get3A_404 = vector.shape_cast %get3A_403 : vector<1x16xf32> to vector<16xf32>
      %mul3A_405 = arith.mulf %get3A_59, %get3A_404 : vector<16xf32>
      %get3A_406 = arith.index_cast %scan3A_54 : i32 to index
      %get3A_407 = arith.constant 336 : index
      %get3A_408 = tpu.vector_load %arg16[%get3A_406, %get3A_407] {strides = array<i32>} : memref<32x768xf32, #tpu.memory_space<vmem>>, vector<1x16xf32>,
      %get3A_409 = vector.shape_cast %get3A_408 : vector<1x16xf32> to vector<16xf32>
      %mul3A_410 = arith.mulf %get3A_65, %get3A_409 : vector<16xf32>
      %add3A_411 = arith.addf %mul3A_405, %mul3A_410 : vector<16xf32>
      %swap3A_412 = arith.index_cast %scan3A_54 : i32 to index
      %swap3A_413 = arith.constant 336 : index
      %swap3A_414 = tpu.vector_load %arg15[%swap3A_412, %swap3A_413] {strides = array<i32>} : memref<32x768xf32, #tpu.memory_space<vmem>>, vector<1x16xf32>,
      %swap3A_415 = vector.shape_cast %swap3A_414 : vector<1x16xf32> to vector<16xf32>
      %swap3A_416 = vector.shape_cast %add3A_411 : vector<16xf32> to vector<1x16xf32>
      tpu.vector_store %arg15[%swap3A_412, %swap3A_413], %swap3A_416 {strides = array<i32>} : memref<32x768xf32, #tpu.memory_space<vmem>>, vector<1x16xf32>,
      %get3A_417 = arith.index_cast %scan3A_54 : i32 to index
      %get3A_418 = arith.constant 352 : index
      %get3A_419 = tpu.vector_load %arg15[%get3A_417, %get3A_418] {strides = array<i32>} : memref<32x768xf32, #tpu.memory_space<vmem>>, vector<1x16xf32>,
      %get3A_420 = vector.shape_cast %get3A_419 : vector<1x16xf32> to vector<16xf32>
      %mul3A_421 = arith.mulf %get3A_59, %get3A_420 : vector<16xf32>
      %get3A_422 = arith.index_cast %scan3A_54 : i32 to index
      %get3A_423 = arith.constant 352 : index
      %get3A_424 = tpu.vector_load %arg16[%get3A_422, %get3A_423] {strides = array<i32>} : memref<32x768xf32, #tpu.memory_space<vmem>>, vector<1x16xf32>,
      %get3A_425 = vector.shape_cast %get3A_424 : vector<1x16xf32> to vector<16xf32>
      %mul3A_426 = arith.mulf %get3A_65, %get3A_425 : vector<16xf32>
      %add3A_427 = arith.addf %mul3A_421, %mul3A_426 : vector<16xf32>
      %swap3A_428 = arith.index_cast %scan3A_54 : i32 to index
      %swap3A_429 = arith.constant 352 : index
      %swap3A_430 = tpu.vector_load %arg15[%swap3A_428, %swap3A_429] {strides = array<i32>} : memref<32x768xf32, #tpu.memory_space<vmem>>, vector<1x16xf32>,
      %swap3A_431 = vector.shape_cast %swap3A_430 : vector<1x16xf32> to vector<16xf32>
      %swap3A_432 = vector.shape_cast %add3A_427 : vector<16xf32> to vector<1x16xf32>
      tpu.vector_store %arg15[%swap3A_428, %swap3A_429], %swap3A_432 {strides = array<i32>} : memref<32x768xf32, #tpu.memory_space<vmem>>, vector<1x16xf32>,
      %get3A_433 = arith.index_cast %scan3A_54 : i32 to index
      %get3A_434 = arith.constant 368 : index
      %get3A_435 = tpu.vector_load %arg15[%get3A_433, %get3A_434] {strides = array<i32>} : memref<32x768xf32, #tpu.memory_space<vmem>>, vector<1x16xf32>,
      %get3A_436 = vector.shape_cast %get3A_435 : vector<1x16xf32> to vector<16xf32>
      %mul3A_437 = arith.mulf %get3A_59, %get3A_436 : vector<16xf32>
      %get3A_438 = arith.index_cast %scan3A_54 : i32 to index
      %get3A_439 = arith.constant 368 : index
      %get3A_440 = tpu.vector_load %arg16[%get3A_438, %get3A_439] {strides = array<i32>} : memref<32x768xf32, #tpu.memory_space<vmem>>, vector<1x16xf32>,
      %get3A_441 = vector.shape_cast %get3A_440 : vector<1x16xf32> to vector<16xf32>
      %mul3A_442 = arith.mulf %get3A_65, %get3A_441 : vector<16xf32>
      %add3A_443 = arith.addf %mul3A_437, %mul3A_442 : vector<16xf32>
      %swap3A_444 = arith.index_cast %scan3A_54 : i32 to index
      %swap3A_445 = arith.constant 368 : index
      %swap3A_446 = tpu.vector_load %arg15[%swap3A_444, %swap3A_445] {strides = array<i32>} : memref<32x768xf32, #tpu.memory_space<vmem>>, vector<1x16xf32>,
      %swap3A_447 = vector.shape_cast %swap3A_446 : vector<1x16xf32> to vector<16xf32>
      %swap3A_448 = vector.shape_cast %add3A_443 : vector<16xf32> to vector<1x16xf32>
      tpu.vector_store %arg15[%swap3A_444, %swap3A_445], %swap3A_448 {strides = array<i32>} : memref<32x768xf32, #tpu.memory_space<vmem>>, vector<1x16xf32>,
      %get3A_449 = arith.index_cast %scan3A_54 : i32 to index
      %get3A_450 = arith.constant 384 : index
      %get3A_451 = tpu.vector_load %arg15[%get3A_449, %get3A_450] {strides = array<i32>} : memref<32x768xf32, #tpu.memory_space<vmem>>, vector<1x16xf32>,
      %get3A_452 = vector.shape_cast %get3A_451 : vector<1x16xf32> to vector<16xf32>
      %mul3A_453 = arith.mulf %get3A_59, %get3A_452 : vector<16xf32>
      %get3A_454 = arith.index_cast %scan3A_54 : i32 to index
      %get3A_455 = arith.constant 384 : index
      %get3A_456 = tpu.vector_load %arg16[%get3A_454, %get3A_455] {strides = array<i32>} : memref<32x768xf32, #tpu.memory_space<vmem>>, vector<1x16xf32>,
      %get3A_457 = vector.shape_cast %get3A_456 : vector<1x16xf32> to vector<16xf32>
      %mul3A_458 = arith.mulf %get3A_65, %get3A_457 : vector<16xf32>
      %add3A_459 = arith.addf %mul3A_453, %mul3A_458 : vector<16xf32>
      %swap3A_460 = arith.index_cast %scan3A_54 : i32 to index
      %swap3A_461 = arith.constant 384 : index
      %swap3A_462 = tpu.vector_load %arg15[%swap3A_460, %swap3A_461] {strides = array<i32>} : memref<32x768xf32, #tpu.memory_space<vmem>>, vector<1x16xf32>,
      %swap3A_463 = vector.shape_cast %swap3A_462 : vector<1x16xf32> to vector<16xf32>
      %swap3A_464 = vector.shape_cast %add3A_459 : vector<16xf32> to vector<1x16xf32>
      tpu.vector_store %arg15[%swap3A_460, %swap3A_461], %swap3A_464 {strides = array<i32>} : memref<32x768xf32, #tpu.memory_space<vmem>>, vector<1x16xf32>,
      %get3A_465 = arith.index_cast %scan3A_54 : i32 to index
      %get3A_466 = arith.constant 400 : index
      %get3A_467 = tpu.vector_load %arg15[%get3A_465, %get3A_466] {strides = array<i32>} : memref<32x768xf32, #tpu.memory_space<vmem>>, vector<1x16xf32>,
      %get3A_468 = vector.shape_cast %get3A_467 : vector<1x16xf32> to vector<16xf32>
      %mul3A_469 = arith.mulf %get3A_59, %get3A_468 : vector<16xf32>
      %get3A_470 = arith.index_cast %scan3A_54 : i32 to index
      %get3A_471 = arith.constant 400 : index
      %get3A_472 = tpu.vector_load %arg16[%get3A_470, %get3A_471] {strides = array<i32>} : memref<32x768xf32, #tpu.memory_space<vmem>>, vector<1x16xf32>,
      %get3A_473 = vector.shape_cast %get3A_472 : vector<1x16xf32> to vector<16xf32>
      %mul3A_474 = arith.mulf %get3A_65, %get3A_473 : vector<16xf32>
      %add3A_475 = arith.addf %mul3A_469, %mul3A_474 : vector<16xf32>
      %swap3A_476 = arith.index_cast %scan3A_54 : i32 to index
      %swap3A_477 = arith.constant 400 : index
      %swap3A_478 = tpu.vector_load %arg15[%swap3A_476, %swap3A_477] {strides = array<i32>} : memref<32x768xf32, #tpu.memory_space<vmem>>, vector<1x16xf32>,
      %swap3A_479 = vector.shape_cast %swap3A_478 : vector<1x16xf32> to vector<16xf32>
      %swap3A_480 = vector.shape_cast %add3A_475 : vector<16xf32> to vector<1x16xf32>
      tpu.vector_store %arg15[%swap3A_476, %swap3A_477], %swap3A_480 {strides = array<i32>} : memref<32x768xf32, #tpu.memory_space<vmem>>, vector<1x16xf32>,
      %get3A_481 = arith.index_cast %scan3A_54 : i32 to index
      %get3A_482 = arith.constant 416 : index
      %get3A_483 = tpu.vector_load %arg15[%get3A_481, %get3A_482] {strides = array<i32>} : memref<32x768xf32, #tpu.memory_space<vmem>>, vector<1x16xf32>,
      %get3A_484 = vector.shape_cast %get3A_483 : vector<1x16xf32> to vector<16xf32>
      %mul3A_485 = arith.mulf %get3A_59, %get3A_484 : vector<16xf32>
      %get3A_486 = arith.index_cast %scan3A_54 : i32 to index
      %get3A_487 = arith.constant 416 : index
      %get3A_488 = tpu.vector_load %arg16[%get3A_486, %get3A_487] {strides = array<i32>} : memref<32x768xf32, #tpu.memory_space<vmem>>, vector<1x16xf32>,
      %get3A_489 = vector.shape_cast %get3A_488 : vector<1x16xf32> to vector<16xf32>
      %mul3A_490 = arith.mulf %get3A_65, %get3A_489 : vector<16xf32>
      %add3A_491 = arith.addf %mul3A_485, %mul3A_490 : vector<16xf32>
      %swap3A_492 = arith.index_cast %scan3A_54 : i32 to index
      %swap3A_493 = arith.constant 416 : index
      %swap3A_494 = tpu.vector_load %arg15[%swap3A_492, %swap3A_493] {strides = array<i32>} : memref<32x768xf32, #tpu.memory_space<vmem>>, vector<1x16xf32>,
      %swap3A_495 = vector.shape_cast %swap3A_494 : vector<1x16xf32> to vector<16xf32>
      %swap3A_496 = vector.shape_cast %add3A_491 : vector<16xf32> to vector<1x16xf32>
      tpu.vector_store %arg15[%swap3A_492, %swap3A_493], %swap3A_496 {strides = array<i32>} : memref<32x768xf32, #tpu.memory_space<vmem>>, vector<1x16xf32>,
      %get3A_497 = arith.index_cast %scan3A_54 : i32 to index
      %get3A_498 = arith.constant 432 : index
      %get3A_499 = tpu.vector_load %arg15[%get3A_497, %get3A_498] {strides = array<i32>} : memref<32x768xf32, #tpu.memory_space<vmem>>, vector<1x16xf32>,
      %get3A_500 = vector.shape_cast %get3A_499 : vector<1x16xf32> to vector<16xf32>
      %mul3A_501 = arith.mulf %get3A_59, %get3A_500 : vector<16xf32>
      %get3A_502 = arith.index_cast %scan3A_54 : i32 to index
      %get3A_503 = arith.constant 432 : index
      %get3A_504 = tpu.vector_load %arg16[%get3A_502, %get3A_503] {strides = array<i32>} : memref<32x768xf32, #tpu.memory_space<vmem>>, vector<1x16xf32>,
      %get3A_505 = vector.shape_cast %get3A_504 : vector<1x16xf32> to vector<16xf32>
      %mul3A_506 = arith.mulf %get3A_65, %get3A_505 : vector<16xf32>
      %add3A_507 = arith.addf %mul3A_501, %mul3A_506 : vector<16xf32>
      %swap3A_508 = arith.index_cast %scan3A_54 : i32 to index
      %swap3A_509 = arith.constant 432 : index
      %swap3A_510 = tpu.vector_load %arg15[%swap3A_508, %swap3A_509] {strides = array<i32>} : memref<32x768xf32, #tpu.memory_space<vmem>>, vector<1x16xf32>,
      %swap3A_511 = vector.shape_cast %swap3A_510 : vector<1x16xf32> to vector<16xf32>
      %swap3A_512 = vector.shape_cast %add3A_507 : vector<16xf32> to vector<1x16xf32>
      tpu.vector_store %arg15[%swap3A_508, %swap3A_509], %swap3A_512 {strides = array<i32>} : memref<32x768xf32, #tpu.memory_space<vmem>>, vector<1x16xf32>,
      %get3A_513 = arith.index_cast %scan3A_54 : i32 to index
      %get3A_514 = arith.constant 448 : index
      %get3A_515 = tpu.vector_load %arg15[%get3A_513, %get3A_514] {strides = array<i32>} : memref<32x768xf32, #tpu.memory_space<vmem>>, vector<1x16xf32>,
      %get3A_516 = vector.shape_cast %get3A_515 : vector<1x16xf32> to vector<16xf32>
      %mul3A_517 = arith.mulf %get3A_59, %get3A_516 : vector<16xf32>
      %get3A_518 = arith.index_cast %scan3A_54 : i32 to index
      %get3A_519 = arith.constant 448 : index
      %get3A_520 = tpu.vector_load %arg16[%get3A_518, %get3A_519] {strides = array<i32>} : memref<32x768xf32, #tpu.memory_space<vmem>>, vector<1x16xf32>,
      %get3A_521 = vector.shape_cast %get3A_520 : vector<1x16xf32> to vector<16xf32>
      %mul3A_522 = arith.mulf %get3A_65, %get3A_521 : vector<16xf32>
      %add3A_523 = arith.addf %mul3A_517, %mul3A_522 : vector<16xf32>
      %swap3A_524 = arith.index_cast %scan3A_54 : i32 to index
      %swap3A_525 = arith.constant 448 : index
      %swap3A_526 = tpu.vector_load %arg15[%swap3A_524, %swap3A_525] {strides = array<i32>} : memref<32x768xf32, #tpu.memory_space<vmem>>, vector<1x16xf32>,
      %swap3A_527 = vector.shape_cast %swap3A_526 : vector<1x16xf32> to vector<16xf32>
      %swap3A_528 = vector.shape_cast %add3A_523 : vector<16xf32> to vector<1x16xf32>
      tpu.vector_store %arg15[%swap3A_524, %swap3A_525], %swap3A_528 {strides = array<i32>} : memref<32x768xf32, #tpu.memory_space<vmem>>, vector<1x16xf32>,
      %get3A_529 = arith.index_cast %scan3A_54 : i32 to index
      %get3A_530 = arith.constant 464 : index
      %get3A_531 = tpu.vector_load %arg15[%get3A_529, %get3A_530] {strides = array<i32>} : memref<32x768xf32, #tpu.memory_space<vmem>>, vector<1x16xf32>,
      %get3A_532 = vector.shape_cast %get3A_531 : vector<1x16xf32> to vector<16xf32>
      %mul3A_533 = arith.mulf %get3A_59, %get3A_532 : vector<16xf32>
      %get3A_534 = arith.index_cast %scan3A_54 : i32 to index
      %get3A_535 = arith.constant 464 : index
      %get3A_536 = tpu.vector_load %arg16[%get3A_534, %get3A_535] {strides = array<i32>} : memref<32x768xf32, #tpu.memory_space<vmem>>, vector<1x16xf32>,
      %get3A_537 = vector.shape_cast %get3A_536 : vector<1x16xf32> to vector<16xf32>
      %mul3A_538 = arith.mulf %get3A_65, %get3A_537 : vector<16xf32>
      %add3A_539 = arith.addf %mul3A_533, %mul3A_538 : vector<16xf32>
      %swap3A_540 = arith.index_cast %scan3A_54 : i32 to index
      %swap3A_541 = arith.constant 464 : index
      %swap3A_542 = tpu.vector_load %arg15[%swap3A_540, %swap3A_541] {strides = array<i32>} : memref<32x768xf32, #tpu.memory_space<vmem>>, vector<1x16xf32>,
      %swap3A_543 = vector.shape_cast %swap3A_542 : vector<1x16xf32> to vector<16xf32>
      %swap3A_544 = vector.shape_cast %add3A_539 : vector<16xf32> to vector<1x16xf32>
      tpu.vector_store %arg15[%swap3A_540, %swap3A_541], %swap3A_544 {strides = array<i32>} : memref<32x768xf32, #tpu.memory_space<vmem>>, vector<1x16xf32>,
      %get3A_545 = arith.index_cast %scan3A_54 : i32 to index
      %get3A_546 = arith.constant 480 : index
      %get3A_547 = tpu.vector_load %arg15[%get3A_545, %get3A_546] {strides = array<i32>} : memref<32x768xf32, #tpu.memory_space<vmem>>, vector<1x16xf32>,
      %get3A_548 = vector.shape_cast %get3A_547 : vector<1x16xf32> to vector<16xf32>
      %mul3A_549 = arith.mulf %get3A_59, %get3A_548 : vector<16xf32>
      %get3A_550 = arith.index_cast %scan3A_54 : i32 to index
      %get3A_551 = arith.constant 480 : index
      %get3A_552 = tpu.vector_load %arg16[%get3A_550, %get3A_551] {strides = array<i32>} : memref<32x768xf32, #tpu.memory_space<vmem>>, vector<1x16xf32>,
      %get3A_553 = vector.shape_cast %get3A_552 : vector<1x16xf32> to vector<16xf32>
      %mul3A_554 = arith.mulf %get3A_65, %get3A_553 : vector<16xf32>
      %add3A_555 = arith.addf %mul3A_549, %mul3A_554 : vector<16xf32>
      %swap3A_556 = arith.index_cast %scan3A_54 : i32 to index
      %swap3A_557 = arith.constant 480 : index
      %swap3A_558 = tpu.vector_load %arg15[%swap3A_556, %swap3A_557] {strides = array<i32>} : memref<32x768xf32, #tpu.memory_space<vmem>>, vector<1x16xf32>,
      %swap3A_559 = vector.shape_cast %swap3A_558 : vector<1x16xf32> to vector<16xf32>
      %swap3A_560 = vector.shape_cast %add3A_555 : vector<16xf32> to vector<1x16xf32>
      tpu.vector_store %arg15[%swap3A_556, %swap3A_557], %swap3A_560 {strides = array<i32>} : memref<32x768xf32, #tpu.memory_space<vmem>>, vector<1x16xf32>,
      %get3A_561 = arith.index_cast %scan3A_54 : i32 to index
      %get3A_562 = arith.constant 496 : index
      %get3A_563 = tpu.vector_load %arg15[%get3A_561, %get3A_562] {strides = array<i32>} : memref<32x768xf32, #tpu.memory_space<vmem>>, vector<1x16xf32>,
      %get3A_564 = vector.shape_cast %get3A_563 : vector<1x16xf32> to vector<16xf32>
      %mul3A_565 = arith.mulf %get3A_59, %get3A_564 : vector<16xf32>
      %get3A_566 = arith.index_cast %scan3A_54 : i32 to index
      %get3A_567 = arith.constant 496 : index
      %get3A_568 = tpu.vector_load %arg16[%get3A_566, %get3A_567] {strides = array<i32>} : memref<32x768xf32, #tpu.memory_space<vmem>>, vector<1x16xf32>,
      %get3A_569 = vector.shape_cast %get3A_568 : vector<1x16xf32> to vector<16xf32>
      %mul3A_570 = arith.mulf %get3A_65, %get3A_569 : vector<16xf32>
      %add3A_571 = arith.addf %mul3A_565, %mul3A_570 : vector<16xf32>
      %swap3A_572 = arith.index_cast %scan3A_54 : i32 to index
      %swap3A_573 = arith.constant 496 : index
      %swap3A_574 = tpu.vector_load %arg15[%swap3A_572, %swap3A_573] {strides = array<i32>} : memref<32x768xf32, #tpu.memory_space<vmem>>, vector<1x16xf32>,
      %swap3A_575 = vector.shape_cast %swap3A_574 : vector<1x16xf32> to vector<16xf32>
      %swap3A_576 = vector.shape_cast %add3A_571 : vector<16xf32> to vector<1x16xf32>
      tpu.vector_store %arg15[%swap3A_572, %swap3A_573], %swap3A_576 {strides = array<i32>} : memref<32x768xf32, #tpu.memory_space<vmem>>, vector<1x16xf32>,
      %get3A_577 = arith.index_cast %scan3A_54 : i32 to index
      %get3A_578 = arith.constant 512 : index
      %get3A_579 = tpu.vector_load %arg15[%get3A_577, %get3A_578] {strides = array<i32>} : memref<32x768xf32, #tpu.memory_space<vmem>>, vector<1x16xf32>,
      %get3A_580 = vector.shape_cast %get3A_579 : vector<1x16xf32> to vector<16xf32>
      %mul3A_581 = arith.mulf %get3A_59, %get3A_580 : vector<16xf32>
      %get3A_582 = arith.index_cast %scan3A_54 : i32 to index
      %get3A_583 = arith.constant 512 : index
      %get3A_584 = tpu.vector_load %arg16[%get3A_582, %get3A_583] {strides = array<i32>} : memref<32x768xf32, #tpu.memory_space<vmem>>, vector<1x16xf32>,
      %get3A_585 = vector.shape_cast %get3A_584 : vector<1x16xf32> to vector<16xf32>
      %mul3A_586 = arith.mulf %get3A_65, %get3A_585 : vector<16xf32>
      %add3A_587 = arith.addf %mul3A_581, %mul3A_586 : vector<16xf32>
      %swap3A_588 = arith.index_cast %scan3A_54 : i32 to index
      %swap3A_589 = arith.constant 512 : index
      %swap3A_590 = tpu.vector_load %arg15[%swap3A_588, %swap3A_589] {strides = array<i32>} : memref<32x768xf32, #tpu.memory_space<vmem>>, vector<1x16xf32>,
      %swap3A_591 = vector.shape_cast %swap3A_590 : vector<1x16xf32> to vector<16xf32>
      %swap3A_592 = vector.shape_cast %add3A_587 : vector<16xf32> to vector<1x16xf32>
      tpu.vector_store %arg15[%swap3A_588, %swap3A_589], %swap3A_592 {strides = array<i32>} : memref<32x768xf32, #tpu.memory_space<vmem>>, vector<1x16xf32>,
      %get3A_593 = arith.index_cast %scan3A_54 : i32 to index
      %get3A_594 = arith.constant 528 : index
      %get3A_595 = tpu.vector_load %arg15[%get3A_593, %get3A_594] {strides = array<i32>} : memref<32x768xf32, #tpu.memory_space<vmem>>, vector<1x16xf32>,
      %get3A_596 = vector.shape_cast %get3A_595 : vector<1x16xf32> to vector<16xf32>
      %mul3A_597 = arith.mulf %get3A_59, %get3A_596 : vector<16xf32>
      %get3A_598 = arith.index_cast %scan3A_54 : i32 to index
      %get3A_599 = arith.constant 528 : index
      %get3A_600 = tpu.vector_load %arg16[%get3A_598, %get3A_599] {strides = array<i32>} : memref<32x768xf32, #tpu.memory_space<vmem>>, vector<1x16xf32>,
      %get3A_601 = vector.shape_cast %get3A_600 : vector<1x16xf32> to vector<16xf32>
      %mul3A_602 = arith.mulf %get3A_65, %get3A_601 : vector<16xf32>
      %add3A_603 = arith.addf %mul3A_597, %mul3A_602 : vector<16xf32>
      %swap3A_604 = arith.index_cast %scan3A_54 : i32 to index
      %swap3A_605 = arith.constant 528 : index
      %swap3A_606 = tpu.vector_load %arg15[%swap3A_604, %swap3A_605] {strides = array<i32>} : memref<32x768xf32, #tpu.memory_space<vmem>>, vector<1x16xf32>,
      %swap3A_607 = vector.shape_cast %swap3A_606 : vector<1x16xf32> to vector<16xf32>
      %swap3A_608 = vector.shape_cast %add3A_603 : vector<16xf32> to vector<1x16xf32>
      tpu.vector_store %arg15[%swap3A_604, %swap3A_605], %swap3A_608 {strides = array<i32>} : memref<32x768xf32, #tpu.memory_space<vmem>>, vector<1x16xf32>,
      %get3A_609 = arith.index_cast %scan3A_54 : i32 to index
      %get3A_610 = arith.constant 544 : index
      %get3A_611 = tpu.vector_load %arg15[%get3A_609, %get3A_610] {strides = array<i32>} : memref<32x768xf32, #tpu.memory_space<vmem>>, vector<1x16xf32>,
      %get3A_612 = vector.shape_cast %get3A_611 : vector<1x16xf32> to vector<16xf32>
      %mul3A_613 = arith.mulf %get3A_59, %get3A_612 : vector<16xf32>
      %get3A_614 = arith.index_cast %scan3A_54 : i32 to index
      %get3A_615 = arith.constant 544 : index
      %get3A_616 = tpu.vector_load %arg16[%get3A_614, %get3A_615] {strides = array<i32>} : memref<32x768xf32, #tpu.memory_space<vmem>>, vector<1x16xf32>,
      %get3A_617 = vector.shape_cast %get3A_616 : vector<1x16xf32> to vector<16xf32>
      %mul3A_618 = arith.mulf %get3A_65, %get3A_617 : vector<16xf32>
      %add3A_619 = arith.addf %mul3A_613, %mul3A_618 : vector<16xf32>
      %swap3A_620 = arith.index_cast %scan3A_54 : i32 to index
      %swap3A_621 = arith.constant 544 : index
      %swap3A_622 = tpu.vector_load %arg15[%swap3A_620, %swap3A_621] {strides = array<i32>} : memref<32x768xf32, #tpu.memory_space<vmem>>, vector<1x16xf32>,
      %swap3A_623 = vector.shape_cast %swap3A_622 : vector<1x16xf32> to vector<16xf32>
      %swap3A_624 = vector.shape_cast %add3A_619 : vector<16xf32> to vector<1x16xf32>
      tpu.vector_store %arg15[%swap3A_620, %swap3A_621], %swap3A_624 {strides = array<i32>} : memref<32x768xf32, #tpu.memory_space<vmem>>, vector<1x16xf32>,
      %get3A_625 = arith.index_cast %scan3A_54 : i32 to index
      %get3A_626 = arith.constant 560 : index
      %get3A_627 = tpu.vector_load %arg15[%get3A_625, %get3A_626] {strides = array<i32>} : memref<32x768xf32, #tpu.memory_space<vmem>>, vector<1x16xf32>,
      %get3A_628 = vector.shape_cast %get3A_627 : vector<1x16xf32> to vector<16xf32>
      %mul3A_629 = arith.mulf %get3A_59, %get3A_628 : vector<16xf32>
      %get3A_630 = arith.index_cast %scan3A_54 : i32 to index
      %get3A_631 = arith.constant 560 : index
      %get3A_632 = tpu.vector_load %arg16[%get3A_630, %get3A_631] {strides = array<i32>} : memref<32x768xf32, #tpu.memory_space<vmem>>, vector<1x16xf32>,
      %get3A_633 = vector.shape_cast %get3A_632 : vector<1x16xf32> to vector<16xf32>
      %mul3A_634 = arith.mulf %get3A_65, %get3A_633 : vector<16xf32>
      %add3A_635 = arith.addf %mul3A_629, %mul3A_634 : vector<16xf32>
      %swap3A_636 = arith.index_cast %scan3A_54 : i32 to index
      %swap3A_637 = arith.constant 560 : index
      %swap3A_638 = tpu.vector_load %arg15[%swap3A_636, %swap3A_637] {strides = array<i32>} : memref<32x768xf32, #tpu.memory_space<vmem>>, vector<1x16xf32>,
      %swap3A_639 = vector.shape_cast %swap3A_638 : vector<1x16xf32> to vector<16xf32>
      %swap3A_640 = vector.shape_cast %add3A_635 : vector<16xf32> to vector<1x16xf32>
      tpu.vector_store %arg15[%swap3A_636, %swap3A_637], %swap3A_640 {strides = array<i32>} : memref<32x768xf32, #tpu.memory_space<vmem>>, vector<1x16xf32>,
      %get3A_641 = arith.index_cast %scan3A_54 : i32 to index
      %get3A_642 = arith.constant 576 : index
      %get3A_643 = tpu.vector_load %arg15[%get3A_641, %get3A_642] {strides = array<i32>} : memref<32x768xf32, #tpu.memory_space<vmem>>, vector<1x16xf32>,
      %get3A_644 = vector.shape_cast %get3A_643 : vector<1x16xf32> to vector<16xf32>
      %mul3A_645 = arith.mulf %get3A_59, %get3A_644 : vector<16xf32>
      %get3A_646 = arith.index_cast %scan3A_54 : i32 to index
      %get3A_647 = arith.constant 576 : index
      %get3A_648 = tpu.vector_load %arg16[%get3A_646, %get3A_647] {strides = array<i32>} : memref<32x768xf32, #tpu.memory_space<vmem>>, vector<1x16xf32>,
      %get3A_649 = vector.shape_cast %get3A_648 : vector<1x16xf32> to vector<16xf32>
      %mul3A_650 = arith.mulf %get3A_65, %get3A_649 : vector<16xf32>
      %add3A_651 = arith.addf %mul3A_645, %mul3A_650 : vector<16xf32>
      %swap3A_652 = arith.index_cast %scan3A_54 : i32 to index
      %swap3A_653 = arith.constant 576 : index
      %swap3A_654 = tpu.vector_load %arg15[%swap3A_652, %swap3A_653] {strides = array<i32>} : memref<32x768xf32, #tpu.memory_space<vmem>>, vector<1x16xf32>,
      %swap3A_655 = vector.shape_cast %swap3A_654 : vector<1x16xf32> to vector<16xf32>
      %swap3A_656 = vector.shape_cast %add3A_651 : vector<16xf32> to vector<1x16xf32>
      tpu.vector_store %arg15[%swap3A_652, %swap3A_653], %swap3A_656 {strides = array<i32>} : memref<32x768xf32, #tpu.memory_space<vmem>>, vector<1x16xf32>,
      %get3A_657 = arith.index_cast %scan3A_54 : i32 to index
      %get3A_658 = arith.constant 592 : index
      %get3A_659 = tpu.vector_load %arg15[%get3A_657, %get3A_658] {strides = array<i32>} : memref<32x768xf32, #tpu.memory_space<vmem>>, vector<1x16xf32>,
      %get3A_660 = vector.shape_cast %get3A_659 : vector<1x16xf32> to vector<16xf32>
      %mul3A_661 = arith.mulf %get3A_59, %get3A_660 : vector<16xf32>
      %get3A_662 = arith.index_cast %scan3A_54 : i32 to index
      %get3A_663 = arith.constant 592 : index
      %get3A_664 = tpu.vector_load %arg16[%get3A_662, %get3A_663] {strides = array<i32>} : memref<32x768xf32, #tpu.memory_space<vmem>>, vector<1x16xf32>,
      %get3A_665 = vector.shape_cast %get3A_664 : vector<1x16xf32> to vector<16xf32>
      %mul3A_666 = arith.mulf %get3A_65, %get3A_665 : vector<16xf32>
      %add3A_667 = arith.addf %mul3A_661, %mul3A_666 : vector<16xf32>
      %swap3A_668 = arith.index_cast %scan3A_54 : i32 to index
      %swap3A_669 = arith.constant 592 : index
      %swap3A_670 = tpu.vector_load %arg15[%swap3A_668, %swap3A_669] {strides = array<i32>} : memref<32x768xf32, #tpu.memory_space<vmem>>, vector<1x16xf32>,
      %swap3A_671 = vector.shape_cast %swap3A_670 : vector<1x16xf32> to vector<16xf32>
      %swap3A_672 = vector.shape_cast %add3A_667 : vector<16xf32> to vector<1x16xf32>
      tpu.vector_store %arg15[%swap3A_668, %swap3A_669], %swap3A_672 {strides = array<i32>} : memref<32x768xf32, #tpu.memory_space<vmem>>, vector<1x16xf32>,
      %get3A_673 = arith.index_cast %scan3A_54 : i32 to index
      %get3A_674 = arith.constant 608 : index
      %get3A_675 = tpu.vector_load %arg15[%get3A_673, %get3A_674] {strides = array<i32>} : memref<32x768xf32, #tpu.memory_space<vmem>>, vector<1x16xf32>,
      %get3A_676 = vector.shape_cast %get3A_675 : vector<1x16xf32> to vector<16xf32>
      %mul3A_677 = arith.mulf %get3A_59, %get3A_676 : vector<16xf32>
      %get3A_678 = arith.index_cast %scan3A_54 : i32 to index
      %get3A_679 = arith.constant 608 : index
      %get3A_680 = tpu.vector_load %arg16[%get3A_678, %get3A_679] {strides = array<i32>} : memref<32x768xf32, #tpu.memory_space<vmem>>, vector<1x16xf32>,
      %get3A_681 = vector.shape_cast %get3A_680 : vector<1x16xf32> to vector<16xf32>
      %mul3A_682 = arith.mulf %get3A_65, %get3A_681 : vector<16xf32>
      %add3A_683 = arith.addf %mul3A_677, %mul3A_682 : vector<16xf32>
      %swap3A_684 = arith.index_cast %scan3A_54 : i32 to index
      %swap3A_685 = arith.constant 608 : index
      %swap3A_686 = tpu.vector_load %arg15[%swap3A_684, %swap3A_685] {strides = array<i32>} : memref<32x768xf32, #tpu.memory_space<vmem>>, vector<1x16xf32>,
      %swap3A_687 = vector.shape_cast %swap3A_686 : vector<1x16xf32> to vector<16xf32>
      %swap3A_688 = vector.shape_cast %add3A_683 : vector<16xf32> to vector<1x16xf32>
      tpu.vector_store %arg15[%swap3A_684, %swap3A_685], %swap3A_688 {strides = array<i32>} : memref<32x768xf32, #tpu.memory_space<vmem>>, vector<1x16xf32>,
      %get3A_689 = arith.index_cast %scan3A_54 : i32 to index
      %get3A_690 = arith.constant 624 : index
      %get3A_691 = tpu.vector_load %arg15[%get3A_689, %get3A_690] {strides = array<i32>} : memref<32x768xf32, #tpu.memory_space<vmem>>, vector<1x16xf32>,
      %get3A_692 = vector.shape_cast %get3A_691 : vector<1x16xf32> to vector<16xf32>
      %mul3A_693 = arith.mulf %get3A_59, %get3A_692 : vector<16xf32>
      %get3A_694 = arith.index_cast %scan3A_54 : i32 to index
      %get3A_695 = arith.constant 624 : index
      %get3A_696 = tpu.vector_load %arg16[%get3A_694, %get3A_695] {strides = array<i32>} : memref<32x768xf32, #tpu.memory_space<vmem>>, vector<1x16xf32>,
      %get3A_697 = vector.shape_cast %get3A_696 : vector<1x16xf32> to vector<16xf32>
      %mul3A_698 = arith.mulf %get3A_65, %get3A_697 : vector<16xf32>
      %add3A_699 = arith.addf %mul3A_693, %mul3A_698 : vector<16xf32>
      %swap3A_700 = arith.index_cast %scan3A_54 : i32 to index
      %swap3A_701 = arith.constant 624 : index
      %swap3A_702 = tpu.vector_load %arg15[%swap3A_700, %swap3A_701] {strides = array<i32>} : memref<32x768xf32, #tpu.memory_space<vmem>>, vector<1x16xf32>,
      %swap3A_703 = vector.shape_cast %swap3A_702 : vector<1x16xf32> to vector<16xf32>
      %swap3A_704 = vector.shape_cast %add3A_699 : vector<16xf32> to vector<1x16xf32>
      tpu.vector_store %arg15[%swap3A_700, %swap3A_701], %swap3A_704 {strides = array<i32>} : memref<32x768xf32, #tpu.memory_space<vmem>>, vector<1x16xf32>,
      %get3A_705 = arith.index_cast %scan3A_54 : i32 to index
      %get3A_706 = arith.constant 640 : index
      %get3A_707 = tpu.vector_load %arg15[%get3A_705, %get3A_706] {strides = array<i32>} : memref<32x768xf32, #tpu.memory_space<vmem>>, vector<1x16xf32>,
      %get3A_708 = vector.shape_cast %get3A_707 : vector<1x16xf32> to vector<16xf32>
      %mul3A_709 = arith.mulf %get3A_59, %get3A_708 : vector<16xf32>
      %get3A_710 = arith.index_cast %scan3A_54 : i32 to index
      %get3A_711 = arith.constant 640 : index
      %get3A_712 = tpu.vector_load %arg16[%get3A_710, %get3A_711] {strides = array<i32>} : memref<32x768xf32, #tpu.memory_space<vmem>>, vector<1x16xf32>,
      %get3A_713 = vector.shape_cast %get3A_712 : vector<1x16xf32> to vector<16xf32>
      %mul3A_714 = arith.mulf %get3A_65, %get3A_713 : vector<16xf32>
      %add3A_715 = arith.addf %mul3A_709, %mul3A_714 : vector<16xf32>
      %swap3A_716 = arith.index_cast %scan3A_54 : i32 to index
      %swap3A_717 = arith.constant 640 : index
      %swap3A_718 = tpu.vector_load %arg15[%swap3A_716, %swap3A_717] {strides = array<i32>} : memref<32x768xf32, #tpu.memory_space<vmem>>, vector<1x16xf32>,
      %swap3A_719 = vector.shape_cast %swap3A_718 : vector<1x16xf32> to vector<16xf32>
      %swap3A_720 = vector.shape_cast %add3A_715 : vector<16xf32> to vector<1x16xf32>
      tpu.vector_store %arg15[%swap3A_716, %swap3A_717], %swap3A_720 {strides = array<i32>} : memref<32x768xf32, #tpu.memory_space<vmem>>, vector<1x16xf32>,
      %get3A_721 = arith.index_cast %scan3A_54 : i32 to index
      %get3A_722 = arith.constant 656 : index
      %get3A_723 = tpu.vector_load %arg15[%get3A_721, %get3A_722] {strides = array<i32>} : memref<32x768xf32, #tpu.memory_space<vmem>>, vector<1x16xf32>,
      %get3A_724 = vector.shape_cast %get3A_723 : vector<1x16xf32> to vector<16xf32>
      %mul3A_725 = arith.mulf %get3A_59, %get3A_724 : vector<16xf32>
      %get3A_726 = arith.index_cast %scan3A_54 : i32 to index
      %get3A_727 = arith.constant 656 : index
      %get3A_728 = tpu.vector_load %arg16[%get3A_726, %get3A_727] {strides = array<i32>} : memref<32x768xf32, #tpu.memory_space<vmem>>, vector<1x16xf32>,
      %get3A_729 = vector.shape_cast %get3A_728 : vector<1x16xf32> to vector<16xf32>
      %mul3A_730 = arith.mulf %get3A_65, %get3A_729 : vector<16xf32>
      %add3A_731 = arith.addf %mul3A_725, %mul3A_730 : vector<16xf32>
      %swap3A_732 = arith.index_cast %scan3A_54 : i32 to index
      %swap3A_733 = arith.constant 656 : index
      %swap3A_734 = tpu.vector_load %arg15[%swap3A_732, %swap3A_733] {strides = array<i32>} : memref<32x768xf32, #tpu.memory_space<vmem>>, vector<1x16xf32>,
      %swap3A_735 = vector.shape_cast %swap3A_734 : vector<1x16xf32> to vector<16xf32>
      %swap3A_736 = vector.shape_cast %add3A_731 : vector<16xf32> to vector<1x16xf32>
      tpu.vector_store %arg15[%swap3A_732, %swap3A_733], %swap3A_736 {strides = array<i32>} : memref<32x768xf32, #tpu.memory_space<vmem>>, vector<1x16xf32>,
      %get3A_737 = arith.index_cast %scan3A_54 : i32 to index
      %get3A_738 = arith.constant 672 : index
      %get3A_739 = tpu.vector_load %arg15[%get3A_737, %get3A_738] {strides = array<i32>} : memref<32x768xf32, #tpu.memory_space<vmem>>, vector<1x16xf32>,
      %get3A_740 = vector.shape_cast %get3A_739 : vector<1x16xf32> to vector<16xf32>
      %mul3A_741 = arith.mulf %get3A_59, %get3A_740 : vector<16xf32>
      %get3A_742 = arith.index_cast %scan3A_54 : i32 to index
      %get3A_743 = arith.constant 672 : index
      %get3A_744 = tpu.vector_load %arg16[%get3A_742, %get3A_743] {strides = array<i32>} : memref<32x768xf32, #tpu.memory_space<vmem>>, vector<1x16xf32>,
      %get3A_745 = vector.shape_cast %get3A_744 : vector<1x16xf32> to vector<16xf32>
      %mul3A_746 = arith.mulf %get3A_65, %get3A_745 : vector<16xf32>
      %add3A_747 = arith.addf %mul3A_741, %mul3A_746 : vector<16xf32>
      %swap3A_748 = arith.index_cast %scan3A_54 : i32 to index
      %swap3A_749 = arith.constant 672 : index
      %swap3A_750 = tpu.vector_load %arg15[%swap3A_748, %swap3A_749] {strides = array<i32>} : memref<32x768xf32, #tpu.memory_space<vmem>>, vector<1x16xf32>,
      %swap3A_751 = vector.shape_cast %swap3A_750 : vector<1x16xf32> to vector<16xf32>
      %swap3A_752 = vector.shape_cast %add3A_747 : vector<16xf32> to vector<1x16xf32>
      tpu.vector_store %arg15[%swap3A_748, %swap3A_749], %swap3A_752 {strides = array<i32>} : memref<32x768xf32, #tpu.memory_space<vmem>>, vector<1x16xf32>,
      %get3A_753 = arith.index_cast %scan3A_54 : i32 to index
      %get3A_754 = arith.constant 688 : index
      %get3A_755 = tpu.vector_load %arg15[%get3A_753, %get3A_754] {strides = array<i32>} : memref<32x768xf32, #tpu.memory_space<vmem>>, vector<1x16xf32>,
      %get3A_756 = vector.shape_cast %get3A_755 : vector<1x16xf32> to vector<16xf32>
      %mul3A_757 = arith.mulf %get3A_59, %get3A_756 : vector<16xf32>
      %get3A_758 = arith.index_cast %scan3A_54 : i32 to index
      %get3A_759 = arith.constant 688 : index
      %get3A_760 = tpu.vector_load %arg16[%get3A_758, %get3A_759] {strides = array<i32>} : memref<32x768xf32, #tpu.memory_space<vmem>>, vector<1x16xf32>,
      %get3A_761 = vector.shape_cast %get3A_760 : vector<1x16xf32> to vector<16xf32>
      %mul3A_762 = arith.mulf %get3A_65, %get3A_761 : vector<16xf32>
      %add3A_763 = arith.addf %mul3A_757, %mul3A_762 : vector<16xf32>
      %swap3A_764 = arith.index_cast %scan3A_54 : i32 to index
      %swap3A_765 = arith.constant 688 : index
      %swap3A_766 = tpu.vector_load %arg15[%swap3A_764, %swap3A_765] {strides = array<i32>} : memref<32x768xf32, #tpu.memory_space<vmem>>, vector<1x16xf32>,
      %swap3A_767 = vector.shape_cast %swap3A_766 : vector<1x16xf32> to vector<16xf32>
      %swap3A_768 = vector.shape_cast %add3A_763 : vector<16xf32> to vector<1x16xf32>
      tpu.vector_store %arg15[%swap3A_764, %swap3A_765], %swap3A_768 {strides = array<i32>} : memref<32x768xf32, #tpu.memory_space<vmem>>, vector<1x16xf32>,
      %get3A_769 = arith.index_cast %scan3A_54 : i32 to index
      %get3A_770 = arith.constant 704 : index
      %get3A_771 = tpu.vector_load %arg15[%get3A_769, %get3A_770] {strides = array<i32>} : memref<32x768xf32, #tpu.memory_space<vmem>>, vector<1x16xf32>,
      %get3A_772 = vector.shape_cast %get3A_771 : vector<1x16xf32> to vector<16xf32>
      %mul3A_773 = arith.mulf %get3A_59, %get3A_772 : vector<16xf32>
      %get3A_774 = arith.index_cast %scan3A_54 : i32 to index
      %get3A_775 = arith.constant 704 : index
      %get3A_776 = tpu.vector_load %arg16[%get3A_774, %get3A_775] {strides = array<i32>} : memref<32x768xf32, #tpu.memory_space<vmem>>, vector<1x16xf32>,
      %get3A_777 = vector.shape_cast %get3A_776 : vector<1x16xf32> to vector<16xf32>
      %mul3A_778 = arith.mulf %get3A_65, %get3A_777 : vector<16xf32>
      %add3A_779 = arith.addf %mul3A_773, %mul3A_778 : vector<16xf32>
      %swap3A_780 = arith.index_cast %scan3A_54 : i32 to index
      %swap3A_781 = arith.constant 704 : index
      %swap3A_782 = tpu.vector_load %arg15[%swap3A_780, %swap3A_781] {strides = array<i32>} : memref<32x768xf32, #tpu.memory_space<vmem>>, vector<1x16xf32>,
      %swap3A_783 = vector.shape_cast %swap3A_782 : vector<1x16xf32> to vector<16xf32>
      %swap3A_784 = vector.shape_cast %add3A_779 : vector<16xf32> to vector<1x16xf32>
      tpu.vector_store %arg15[%swap3A_780, %swap3A_781], %swap3A_784 {strides = array<i32>} : memref<32x768xf32, #tpu.memory_space<vmem>>, vector<1x16xf32>,
      %get3A_785 = arith.index_cast %scan3A_54 : i32 to index
      %get3A_786 = arith.constant 720 : index
      %get3A_787 = tpu.vector_load %arg15[%get3A_785, %get3A_786] {strides = array<i32>} : memref<32x768xf32, #tpu.memory_space<vmem>>, vector<1x16xf32>,
      %get3A_788 = vector.shape_cast %get3A_787 : vector<1x16xf32> to vector<16xf32>
      %mul3A_789 = arith.mulf %get3A_59, %get3A_788 : vector<16xf32>
      %get3A_790 = arith.index_cast %scan3A_54 : i32 to index
      %get3A_791 = arith.constant 720 : index
      %get3A_792 = tpu.vector_load %arg16[%get3A_790, %get3A_791] {strides = array<i32>} : memref<32x768xf32, #tpu.memory_space<vmem>>, vector<1x16xf32>,
      %get3A_793 = vector.shape_cast %get3A_792 : vector<1x16xf32> to vector<16xf32>
      %mul3A_794 = arith.mulf %get3A_65, %get3A_793 : vector<16xf32>
      %add3A_795 = arith.addf %mul3A_789, %mul3A_794 : vector<16xf32>
      %swap3A_796 = arith.index_cast %scan3A_54 : i32 to index
      %swap3A_797 = arith.constant 720 : index
      %swap3A_798 = tpu.vector_load %arg15[%swap3A_796, %swap3A_797] {strides = array<i32>} : memref<32x768xf32, #tpu.memory_space<vmem>>, vector<1x16xf32>,
      %swap3A_799 = vector.shape_cast %swap3A_798 : vector<1x16xf32> to vector<16xf32>
      %swap3A_800 = vector.shape_cast %add3A_795 : vector<16xf32> to vector<1x16xf32>
      tpu.vector_store %arg15[%swap3A_796, %swap3A_797], %swap3A_800 {strides = array<i32>} : memref<32x768xf32, #tpu.memory_space<vmem>>, vector<1x16xf32>,
      %get3A_801 = arith.index_cast %scan3A_54 : i32 to index
      %get3A_802 = arith.constant 736 : index
      %get3A_803 = tpu.vector_load %arg15[%get3A_801, %get3A_802] {strides = array<i32>} : memref<32x768xf32, #tpu.memory_space<vmem>>, vector<1x16xf32>,
      %get3A_804 = vector.shape_cast %get3A_803 : vector<1x16xf32> to vector<16xf32>
      %mul3A_805 = arith.mulf %get3A_59, %get3A_804 : vector<16xf32>
      %get3A_806 = arith.index_cast %scan3A_54 : i32 to index
      %get3A_807 = arith.constant 736 : index
      %get3A_808 = tpu.vector_load %arg16[%get3A_806, %get3A_807] {strides = array<i32>} : memref<32x768xf32, #tpu.memory_space<vmem>>, vector<1x16xf32>,
      %get3A_809 = vector.shape_cast %get3A_808 : vector<1x16xf32> to vector<16xf32>
      %mul3A_810 = arith.mulf %get3A_65, %get3A_809 : vector<16xf32>
      %add3A_811 = arith.addf %mul3A_805, %mul3A_810 : vector<16xf32>
      %swap3A_812 = arith.index_cast %scan3A_54 : i32 to index
      %swap3A_813 = arith.constant 736 : index
      %swap3A_814 = tpu.vector_load %arg15[%swap3A_812, %swap3A_813] {strides = array<i32>} : memref<32x768xf32, #tpu.memory_space<vmem>>, vector<1x16xf32>,
      %swap3A_815 = vector.shape_cast %swap3A_814 : vector<1x16xf32> to vector<16xf32>
      %swap3A_816 = vector.shape_cast %add3A_811 : vector<16xf32> to vector<1x16xf32>
      tpu.vector_store %arg15[%swap3A_812, %swap3A_813], %swap3A_816 {strides = array<i32>} : memref<32x768xf32, #tpu.memory_space<vmem>>, vector<1x16xf32>,
      %get3A_817 = arith.index_cast %scan3A_54 : i32 to index
      %get3A_818 = arith.constant 752 : index
      %get3A_819 = tpu.vector_load %arg15[%get3A_817, %get3A_818] {strides = array<i32>} : memref<32x768xf32, #tpu.memory_space<vmem>>, vector<1x16xf32>,
      %get3A_820 = vector.shape_cast %get3A_819 : vector<1x16xf32> to vector<16xf32>
      %mul3A_821 = arith.mulf %get3A_59, %get3A_820 : vector<16xf32>
      %get3A_822 = arith.index_cast %scan3A_54 : i32 to index
      %get3A_823 = arith.constant 752 : index
      %get3A_824 = tpu.vector_load %arg16[%get3A_822, %get3A_823] {strides = array<i32>} : memref<32x768xf32, #tpu.memory_space<vmem>>, vector<1x16xf32>,
      %get3A_825 = vector.shape_cast %get3A_824 : vector<1x16xf32> to vector<16xf32>
      %mul3A_826 = arith.mulf %get3A_65, %get3A_825 : vector<16xf32>
      %add3A_827 = arith.addf %mul3A_821, %mul3A_826 : vector<16xf32>
      %swap3A_828 = arith.index_cast %scan3A_54 : i32 to index
      %swap3A_829 = arith.constant 752 : index
      %swap3A_830 = tpu.vector_load %arg15[%swap3A_828, %swap3A_829] {strides = array<i32>} : memref<32x768xf32, #tpu.memory_space<vmem>>, vector<1x16xf32>,
      %swap3A_831 = vector.shape_cast %swap3A_830 : vector<1x16xf32> to vector<16xf32>
      %swap3A_832 = vector.shape_cast %add3A_827 : vector<16xf32> to vector<1x16xf32>
      tpu.vector_store %arg15[%swap3A_828, %swap3A_829], %swap3A_832 {strides = array<i32>} : memref<32x768xf32, #tpu.memory_space<vmem>>, vector<1x16xf32>,
    }
    %scan3A_47 = arith.constant 32 : i32
    %dma_wait3A_48 = arith.constant 0 : i32
    %dma_wait3A_49 = tpu.memref_slice %arg6[%mul3A_2, %dma_wait3A_48] : memref<2048x768xf32, #tpu.memory_space<hbm>> -> memref<32x768xf32, #tpu.memory_space<hbm>>
    %dma_wait3A_50 = arith.constant 0 : i32
    %dma_wait3A_51 = tpu.memref_slice %arg6[%mul3A_2, %dma_wait3A_50] : memref<2048x768xf32, #tpu.memory_space<hbm>> -> memref<32x768xf32, #tpu.memory_space<hbm>>
    tpu.wait_dma2 semaphore(%arg17 : memref<!tpu.dma_semaphore, #tpu.memory_space<semaphore_mem>>) src(%arg13 : memref<32x768xf32, #tpu.memory_space<vmem>>) dst(%dma_wait3A_51 : memref<32x768xf32, #tpu.memory_space<hbm>>)
    %add3A_52 = arith.constant 32 : i32
    %add3A_53 = arith.addi %mul3A_2, %add3A_52 : i32
    "tpu.region"() ({
      %run_scoped3A = tpu.sem_alloc : memref<!tpu.dma_semaphore, #tpu.memory_space<semaphore_mem>>
      %dma_start3A_54 = arith.constant 0 : i32
      %dma_start3A_55 = tpu.memref_slice %arg6[%add3A_53, %dma_start3A_54] : memref<2048x768xf32, #tpu.memory_space<hbm>> -> memref<32x768xf32, #tpu.memory_space<hbm>>
      %dma_start3A_56 = arith.constant 0 : i32
      %dma_start3A_57 = tpu.memref_slice %arg6[%add3A_53, %dma_start3A_56] : memref<2048x768xf32, #tpu.memory_space<hbm>> -> memref<32x768xf32, #tpu.memory_space<hbm>>
      tpu.enqueue_dma source(%arg15 : memref<32x768xf32, #tpu.memory_space<vmem>>) target(%dma_start3A_57 : memref<32x768xf32, #tpu.memory_space<hbm>>) target_semaphore(%run_scoped3A : memref<!tpu.dma_semaphore, #tpu.memory_space<semaphore_mem>>)
      %dma_wait3A_58 = arith.constant 0 : i32
      %dma_wait3A_59 = tpu.memref_slice %arg6[%add3A_53, %dma_wait3A_58] : memref<2048x768xf32, #tpu.memory_space<hbm>> -> memref<32x768xf32, #tpu.memory_space<hbm>>
      %dma_wait3A_60 = arith.constant 0 : i32
      %dma_wait3A_61 = tpu.memref_slice %arg6[%add3A_53, %dma_wait3A_60] : memref<2048x768xf32, #tpu.memory_space<hbm>> -> memref<32x768xf32, #tpu.memory_space<hbm>>
      tpu.wait_dma2 semaphore(%run_scoped3A : memref<!tpu.dma_semaphore, #tpu.memory_space<semaphore_mem>>) src(%arg15 : memref<32x768xf32, #tpu.memory_space<vmem>>) dst(%dma_wait3A_61 : memref<32x768xf32, #tpu.memory_space<hbm>>)
      tpu.yield
    }) : () -> ()
    return
  }
}

module attributes {stable_mosaic.version = 14 : i64} {
  func.func @_router_body(%arg0: memref<2048x768xf32, #tpu.memory_space<vmem>>, %arg1: memref<768x64xf32, #tpu.memory_space<vmem>>, %arg2: memref<1x64xf32, #tpu.memory_space<vmem>>, %arg3: memref<2048x64xf32, #tpu.memory_space<vmem>>, %arg4: memref<2048x16xf32, #tpu.memory_space<vmem>>, %arg5: memref<2048x16xf32, #tpu.memory_space<vmem>>, %arg6: memref<4096x1xi32, #tpu.memory_space<vmem>>, %arg7: memref<96x1xi32, #tpu.memory_space<vmem>>, %arg8: memref<96x1xi32, #tpu.memory_space<vmem>>, %arg9: memref<96x1xi32, #tpu.memory_space<vmem>>, %arg10: memref<96x1xi32, #tpu.memory_space<vmem>>) attributes {dimension_semantics = [], scalar_prefetch = 0 : i64, scratch_operands = 0 : i64, tpu.core_type = #tpu.core_type<tc>} {
    %get3A = arith.constant 0 : index
    %get3A_0 = arith.constant 0 : index
    %get3A_1 = vector.load %arg0[%get3A, %get3A_0] : memref<2048x768xf32, #tpu.memory_space<vmem>>, vector<2048x768xf32>
    %get3A_2 = arith.constant 0 : index
    %get3A_3 = arith.constant 0 : index
    %get3A_4 = vector.load %arg1[%get3A_2, %get3A_3] : memref<768x64xf32, #tpu.memory_space<vmem>>, vector<768x64xf32>
    %dot_general3A = arith.constant dense<0.000000e+00> : vector<2048x64xf32>
    %dot_general3A_5 = tpu.matmul %get3A_1, %get3A_4, %dot_general3A {dimension_numbers = #tpu.dot_dimension_numbers<[1], [0], [0], [1], [0, 0, 1, 1], [], []>, transpose_lhs_hint = false} : vector<2048x768xf32>, vector<768x64xf32>, vector<2048x64xf32> -> vector<2048x64xf32>
    %get3A_6 = arith.constant 0 : index
    %get3A_7 = arith.constant 0 : index
    %get3A_8 = vector.load %arg2[%get3A_6, %get3A_7] : memref<1x64xf32, #tpu.memory_space<vmem>>, vector<1x64xf32>
    %add3A = vector.broadcast %get3A_8 : vector<1x64xf32> to vector<2048x64xf32>
    %add3A_9 = arith.addf %dot_general3A_5, %add3A : vector<2048x64xf32>
    %swap3A = arith.constant 0 : index
    %swap3A_10 = arith.constant 0 : index
    %swap3A_11 = vector.load %arg3[%swap3A, %swap3A_10] : memref<2048x64xf32, #tpu.memory_space<vmem>>, vector<2048x64xf32>
    tpu.vector_store %arg3[%swap3A, %swap3A_10], %add3A_9 {strides = array<i32>} : memref<2048x64xf32, #tpu.memory_space<vmem>>, vector<2048x64xf32>,
    %iota3A = tpu.iota {dimensions = array<i32: 1>} : vector<2048x64xi32>
    %reduce_max3A = arith.constant dense<0xFF800000> : vector<2048xf32>
    %reduce_max3A_12 = vector.multi_reduction <maximumf>, %add3A_9, %reduce_max3A [1] : vector<2048x64xf32> to vector<2048xf32>
    %broadcast_in_dim3A = vector.shape_cast %reduce_max3A_12 : vector<2048xf32> to vector<2048x1xf32>
    %eq3A = vector.broadcast %broadcast_in_dim3A : vector<2048x1xf32> to vector<2048x64xf32>
    %eq3A_13 = arith.cmpf oeq, %add3A_9, %eq3A : vector<2048x64xf32>
    %jit3A = arith.constant 64 : i32
    %broadcast_in_dim3A_14 = vector.broadcast %jit3A : i32 to vector<2048x64xi32>
    %select_n3A = arith.select %eq3A_13, %iota3A, %broadcast_in_dim3A_14 : vector<2048x64xi1>, vector<2048x64xi32>
    %reduce_min3A = arith.constant dense<2147483647> : vector<2048xi32>
    %reduce_min3A_15 = vector.multi_reduction <minsi>, %select_n3A, %reduce_min3A [1] : vector<2048x64xi32> to vector<2048xi32>
    %broadcast_in_dim3A_16 = vector.shape_cast %reduce_min3A_15 : vector<2048xi32> to vector<2048x1xi32>
    %eq3A_17 = vector.broadcast %broadcast_in_dim3A_16 : vector<2048x1xi32> to vector<2048x64xi32>
    %eq3A_18 = arith.cmpi eq, %iota3A, %eq3A_17 : vector<2048x64xi32>
    %jit3A_19 = arith.constant 0xFF800000 : f32
    %broadcast_in_dim3A_20 = vector.broadcast %jit3A_19 : f32 to vector<2048x64xf32>
    %select_n3A_21 = arith.select %eq3A_18, %broadcast_in_dim3A_20, %add3A_9 : vector<2048x64xi1>, vector<2048x64xf32>
    %reduce_max3A_22 = arith.constant dense<0xFF800000> : vector<2048xf32>
    %reduce_max3A_23 = vector.multi_reduction <maximumf>, %select_n3A_21, %reduce_max3A_22 [1] : vector<2048x64xf32> to vector<2048xf32>
    %broadcast_in_dim3A_24 = vector.shape_cast %reduce_max3A_23 : vector<2048xf32> to vector<2048x1xf32>
    %eq3A_25 = vector.broadcast %broadcast_in_dim3A_24 : vector<2048x1xf32> to vector<2048x64xf32>
    %eq3A_26 = arith.cmpf oeq, %select_n3A_21, %eq3A_25 : vector<2048x64xf32>
    %jit3A_27 = arith.constant 64 : i32
    %broadcast_in_dim3A_28 = vector.broadcast %jit3A_27 : i32 to vector<2048x64xi32>
    %select_n3A_29 = arith.select %eq3A_26, %iota3A, %broadcast_in_dim3A_28 : vector<2048x64xi1>, vector<2048x64xi32>
    %reduce_min3A_30 = arith.constant dense<2147483647> : vector<2048xi32>
    %reduce_min3A_31 = vector.multi_reduction <minsi>, %select_n3A_29, %reduce_min3A_30 [1] : vector<2048x64xi32> to vector<2048xi32>
    %broadcast_in_dim3A_32 = vector.shape_cast %reduce_min3A_31 : vector<2048xi32> to vector<2048x1xi32>
    %eq3A_33 = vector.broadcast %broadcast_in_dim3A_32 : vector<2048x1xi32> to vector<2048x64xi32>
    %eq3A_34 = arith.cmpi eq, %iota3A, %eq3A_33 : vector<2048x64xi32>
    %sub3A = arith.subf %broadcast_in_dim3A_24, %broadcast_in_dim3A : vector<2048x1xf32>
    %exp3A = math.exp %sub3A : vector<2048x1xf32>
    %add3A_35 = arith.constant 1.000000e+00 : f32
    %add3A_36 = vector.broadcast %add3A_35 : f32 to vector<2048x1xf32>
    %add3A_37 = arith.addf %add3A_36, %exp3A : vector<2048x1xf32>
    %broadcast_in_dim3A_38 = arith.constant 1.000000e+00 : f32
    %broadcast_in_dim3A_39 = vector.broadcast %broadcast_in_dim3A_38 : f32 to vector<1x16xf32>
    %div3A = arith.constant 1.000000e+00 : f32
    %div3A_40 = vector.broadcast %div3A : f32 to vector<2048x1xf32>
    %div3A_41 = arith.divf %div3A_40, %add3A_37 : vector<2048x1xf32>
    %mul3A = vector.broadcast %div3A_41 : vector<2048x1xf32> to vector<2048x16xf32>
    %mul3A_42 = vector.broadcast %broadcast_in_dim3A_39 : vector<1x16xf32> to vector<2048x16xf32>
    %mul3A_43 = arith.mulf %mul3A, %mul3A_42 : vector<2048x16xf32>
    %swap3A_44 = arith.constant 0 : index
    %swap3A_45 = arith.constant 0 : index
    %swap3A_46 = vector.load %arg4[%swap3A_44, %swap3A_45] : memref<2048x16xf32, #tpu.memory_space<vmem>>, vector<2048x16xf32>
    tpu.vector_store %arg4[%swap3A_44, %swap3A_45], %mul3A_43 {strides = array<i32>} : memref<2048x16xf32, #tpu.memory_space<vmem>>, vector<2048x16xf32>,
    %div3A_47 = arith.divf %exp3A, %add3A_37 : vector<2048x1xf32>
    %mul3A_48 = vector.broadcast %div3A_47 : vector<2048x1xf32> to vector<2048x16xf32>
    %mul3A_49 = vector.broadcast %broadcast_in_dim3A_39 : vector<1x16xf32> to vector<2048x16xf32>
    %mul3A_50 = arith.mulf %mul3A_48, %mul3A_49 : vector<2048x16xf32>
    %swap3A_51 = arith.constant 0 : index
    %swap3A_52 = arith.constant 0 : index
    %swap3A_53 = vector.load %arg5[%swap3A_51, %swap3A_52] : memref<2048x16xf32, #tpu.memory_space<vmem>>, vector<2048x16xf32>
    tpu.vector_store %arg5[%swap3A_51, %swap3A_52], %mul3A_50 {strides = array<i32>} : memref<2048x16xf32, #tpu.memory_space<vmem>>, vector<2048x16xf32>,
    %concatenate3A = tpu.concatenate %eq3A_18, %eq3A_34 in 0 : vector<2048x64xi1>, vector<2048x64xi1> -> vector<4096x64xi1>
    %convert_element_type3A = arith.extui %concatenate3A : vector<4096x64xi1> to vector<4096x64xi32>
    %convert_element_type3A_54 = arith.sitofp %convert_element_type3A : vector<4096x64xi32> to vector<4096x64xf32>
    %broadcast_in_dim3A_55 = arith.constant 0.000000e+00 : f32
    %broadcast_in_dim3A_56 = vector.broadcast %broadcast_in_dim3A_55 : f32 to vector<1x64xf32>
    %slice3A = vector.extract_strided_slice %convert_element_type3A_54 {offsets = [0, 0], sizes = [4095, 64], strides = [1, 1]} : vector<4096x64xf32> to vector<4095x64xf32>
    %concatenate3A_57 = tpu.concatenate %broadcast_in_dim3A_56, %slice3A in 0 : vector<1x64xf32>, vector<4095x64xf32> -> vector<4096x64xf32>
    %add3A_58 = arith.addf %convert_element_type3A_54, %concatenate3A_57 : vector<4096x64xf32>
    %broadcast_in_dim3A_59 = arith.constant 0.000000e+00 : f32
    %broadcast_in_dim3A_60 = vector.broadcast %broadcast_in_dim3A_59 : f32 to vector<2x64xf32>
    %slice3A_61 = vector.extract_strided_slice %add3A_58 {offsets = [0, 0], sizes = [4094, 64], strides = [1, 1]} : vector<4096x64xf32> to vector<4094x64xf32>
    %concatenate3A_62 = tpu.concatenate %broadcast_in_dim3A_60, %slice3A_61 in 0 : vector<2x64xf32>, vector<4094x64xf32> -> vector<4096x64xf32>
    %add3A_63 = arith.addf %add3A_58, %concatenate3A_62 : vector<4096x64xf32>
    %broadcast_in_dim3A_64 = arith.constant 0.000000e+00 : f32
    %broadcast_in_dim3A_65 = vector.broadcast %broadcast_in_dim3A_64 : f32 to vector<4x64xf32>
    %slice3A_66 = vector.extract_strided_slice %add3A_63 {offsets = [0, 0], sizes = [4092, 64], strides = [1, 1]} : vector<4096x64xf32> to vector<4092x64xf32>
    %concatenate3A_67 = tpu.concatenate %broadcast_in_dim3A_65, %slice3A_66 in 0 : vector<4x64xf32>, vector<4092x64xf32> -> vector<4096x64xf32>
    %add3A_68 = arith.addf %add3A_63, %concatenate3A_67 : vector<4096x64xf32>
    %broadcast_in_dim3A_69 = arith.constant 0.000000e+00 : f32
    %broadcast_in_dim3A_70 = vector.broadcast %broadcast_in_dim3A_69 : f32 to vector<8x64xf32>
    %slice3A_71 = vector.extract_strided_slice %add3A_68 {offsets = [0, 0], sizes = [4088, 64], strides = [1, 1]} : vector<4096x64xf32> to vector<4088x64xf32>
    %concatenate3A_72 = tpu.concatenate %broadcast_in_dim3A_70, %slice3A_71 in 0 : vector<8x64xf32>, vector<4088x64xf32> -> vector<4096x64xf32>
    %add3A_73 = arith.addf %add3A_68, %concatenate3A_72 : vector<4096x64xf32>
    %broadcast_in_dim3A_74 = arith.constant 0.000000e+00 : f32
    %broadcast_in_dim3A_75 = vector.broadcast %broadcast_in_dim3A_74 : f32 to vector<16x64xf32>
    %slice3A_76 = vector.extract_strided_slice %add3A_73 {offsets = [0, 0], sizes = [4080, 64], strides = [1, 1]} : vector<4096x64xf32> to vector<4080x64xf32>
    %concatenate3A_77 = tpu.concatenate %broadcast_in_dim3A_75, %slice3A_76 in 0 : vector<16x64xf32>, vector<4080x64xf32> -> vector<4096x64xf32>
    %add3A_78 = arith.addf %add3A_73, %concatenate3A_77 : vector<4096x64xf32>
    %broadcast_in_dim3A_79 = arith.constant 0.000000e+00 : f32
    %broadcast_in_dim3A_80 = vector.broadcast %broadcast_in_dim3A_79 : f32 to vector<32x64xf32>
    %slice3A_81 = vector.extract_strided_slice %add3A_78 {offsets = [0, 0], sizes = [4064, 64], strides = [1, 1]} : vector<4096x64xf32> to vector<4064x64xf32>
    %concatenate3A_82 = tpu.concatenate %broadcast_in_dim3A_80, %slice3A_81 in 0 : vector<32x64xf32>, vector<4064x64xf32> -> vector<4096x64xf32>
    %add3A_83 = arith.addf %add3A_78, %concatenate3A_82 : vector<4096x64xf32>
    %broadcast_in_dim3A_84 = arith.constant 0.000000e+00 : f32
    %broadcast_in_dim3A_85 = vector.broadcast %broadcast_in_dim3A_84 : f32 to vector<64x64xf32>
    %slice3A_86 = vector.extract_strided_slice %add3A_83 {offsets = [0, 0], sizes = [4032, 64], strides = [1, 1]} : vector<4096x64xf32> to vector<4032x64xf32>
    %concatenate3A_87 = tpu.concatenate %broadcast_in_dim3A_85, %slice3A_86 in 0 : vector<64x64xf32>, vector<4032x64xf32> -> vector<4096x64xf32>
    %add3A_88 = arith.addf %add3A_83, %concatenate3A_87 : vector<4096x64xf32>
    %broadcast_in_dim3A_89 = arith.constant 0.000000e+00 : f32
    %broadcast_in_dim3A_90 = vector.broadcast %broadcast_in_dim3A_89 : f32 to vector<128x64xf32>
    %slice3A_91 = vector.extract_strided_slice %add3A_88 {offsets = [0, 0], sizes = [3968, 64], strides = [1, 1]} : vector<4096x64xf32> to vector<3968x64xf32>
    %concatenate3A_92 = tpu.concatenate %broadcast_in_dim3A_90, %slice3A_91 in 0 : vector<128x64xf32>, vector<3968x64xf32> -> vector<4096x64xf32>
    %add3A_93 = arith.addf %add3A_88, %concatenate3A_92 : vector<4096x64xf32>
    %broadcast_in_dim3A_94 = arith.constant 0.000000e+00 : f32
    %broadcast_in_dim3A_95 = vector.broadcast %broadcast_in_dim3A_94 : f32 to vector<256x64xf32>
    %slice3A_96 = vector.extract_strided_slice %add3A_93 {offsets = [0, 0], sizes = [3840, 64], strides = [1, 1]} : vector<4096x64xf32> to vector<3840x64xf32>
    %concatenate3A_97 = tpu.concatenate %broadcast_in_dim3A_95, %slice3A_96 in 0 : vector<256x64xf32>, vector<3840x64xf32> -> vector<4096x64xf32>
    %add3A_98 = arith.addf %add3A_93, %concatenate3A_97 : vector<4096x64xf32>
    %broadcast_in_dim3A_99 = arith.constant 0.000000e+00 : f32
    %broadcast_in_dim3A_100 = vector.broadcast %broadcast_in_dim3A_99 : f32 to vector<512x64xf32>
    %slice3A_101 = vector.extract_strided_slice %add3A_98 {offsets = [0, 0], sizes = [3584, 64], strides = [1, 1]} : vector<4096x64xf32> to vector<3584x64xf32>
    %concatenate3A_102 = tpu.concatenate %broadcast_in_dim3A_100, %slice3A_101 in 0 : vector<512x64xf32>, vector<3584x64xf32> -> vector<4096x64xf32>
    %add3A_103 = arith.addf %add3A_98, %concatenate3A_102 : vector<4096x64xf32>
    %broadcast_in_dim3A_104 = arith.constant 0.000000e+00 : f32
    %broadcast_in_dim3A_105 = vector.broadcast %broadcast_in_dim3A_104 : f32 to vector<1024x64xf32>
    %slice3A_106 = vector.extract_strided_slice %add3A_103 {offsets = [0, 0], sizes = [3072, 64], strides = [1, 1]} : vector<4096x64xf32> to vector<3072x64xf32>
    %concatenate3A_107 = tpu.concatenate %broadcast_in_dim3A_105, %slice3A_106 in 0 : vector<1024x64xf32>, vector<3072x64xf32> -> vector<4096x64xf32>
    %add3A_108 = arith.addf %add3A_103, %concatenate3A_107 : vector<4096x64xf32>
    %broadcast_in_dim3A_109 = arith.constant 0.000000e+00 : f32
    %broadcast_in_dim3A_110 = vector.broadcast %broadcast_in_dim3A_109 : f32 to vector<2048x64xf32>
    %slice3A_111 = vector.extract_strided_slice %add3A_108 {offsets = [0, 0], sizes = [2048, 64], strides = [1, 1]} : vector<4096x64xf32> to vector<2048x64xf32>
    %concatenate3A_112 = tpu.concatenate %broadcast_in_dim3A_110, %slice3A_111 in 0 : vector<2048x64xf32>, vector<2048x64xf32> -> vector<4096x64xf32>
    %add3A_113 = arith.addf %add3A_108, %concatenate3A_112 : vector<4096x64xf32>
    %slice3A_114 = vector.extract_strided_slice %add3A_113 {offsets = [4095, 0], sizes = [1, 64], strides = [1, 1]} : vector<4096x64xf32> to vector<1x64xf32>
    %broadcast_in_dim3A_115 = arith.constant 0.000000e+00 : f32
    %broadcast_in_dim3A_116 = vector.broadcast %broadcast_in_dim3A_115 : f32 to vector<1x1xf32>
    %slice3A_117 = vector.extract_strided_slice %slice3A_114 {offsets = [0, 0], sizes = [1, 63], strides = [1, 1]} : vector<1x64xf32> to vector<1x63xf32>
    %concatenate3A_118 = tpu.concatenate %broadcast_in_dim3A_116, %slice3A_117 in 1 : vector<1x1xf32>, vector<1x63xf32> -> vector<1x64xf32>
    %broadcast_in_dim3A_119 = arith.constant 0.000000e+00 : f32
    %broadcast_in_dim3A_120 = vector.broadcast %broadcast_in_dim3A_119 : f32 to vector<1x1xf32>
    %slice3A_121 = vector.extract_strided_slice %concatenate3A_118 {offsets = [0, 0], sizes = [1, 63], strides = [1, 1]} : vector<1x64xf32> to vector<1x63xf32>
    %concatenate3A_122 = tpu.concatenate %broadcast_in_dim3A_120, %slice3A_121 in 1 : vector<1x1xf32>, vector<1x63xf32> -> vector<1x64xf32>
    %add3A_123 = arith.addf %concatenate3A_118, %concatenate3A_122 : vector<1x64xf32>
    %broadcast_in_dim3A_124 = arith.constant 0.000000e+00 : f32
    %broadcast_in_dim3A_125 = vector.broadcast %broadcast_in_dim3A_124 : f32 to vector<1x2xf32>
    %slice3A_126 = vector.extract_strided_slice %add3A_123 {offsets = [0, 0], sizes = [1, 62], strides = [1, 1]} : vector<1x64xf32> to vector<1x62xf32>
    %concatenate3A_127 = tpu.concatenate %broadcast_in_dim3A_125, %slice3A_126 in 1 : vector<1x2xf32>, vector<1x62xf32> -> vector<1x64xf32>
    %add3A_128 = arith.addf %add3A_123, %concatenate3A_127 : vector<1x64xf32>
    %broadcast_in_dim3A_129 = arith.constant 0.000000e+00 : f32
    %broadcast_in_dim3A_130 = vector.broadcast %broadcast_in_dim3A_129 : f32 to vector<1x4xf32>
    %slice3A_131 = vector.extract_strided_slice %add3A_128 {offsets = [0, 0], sizes = [1, 60], strides = [1, 1]} : vector<1x64xf32> to vector<1x60xf32>
    %concatenate3A_132 = tpu.concatenate %broadcast_in_dim3A_130, %slice3A_131 in 1 : vector<1x4xf32>, vector<1x60xf32> -> vector<1x64xf32>
    %add3A_133 = arith.addf %add3A_128, %concatenate3A_132 : vector<1x64xf32>
    %broadcast_in_dim3A_134 = arith.constant 0.000000e+00 : f32
    %broadcast_in_dim3A_135 = vector.broadcast %broadcast_in_dim3A_134 : f32 to vector<1x8xf32>
    %slice3A_136 = vector.extract_strided_slice %add3A_133 {offsets = [0, 0], sizes = [1, 56], strides = [1, 1]} : vector<1x64xf32> to vector<1x56xf32>
    %concatenate3A_137 = tpu.concatenate %broadcast_in_dim3A_135, %slice3A_136 in 1 : vector<1x8xf32>, vector<1x56xf32> -> vector<1x64xf32>
    %add3A_138 = arith.addf %add3A_133, %concatenate3A_137 : vector<1x64xf32>
    %broadcast_in_dim3A_139 = arith.constant 0.000000e+00 : f32
    %broadcast_in_dim3A_140 = vector.broadcast %broadcast_in_dim3A_139 : f32 to vector<1x16xf32>
    %slice3A_141 = vector.extract_strided_slice %add3A_138 {offsets = [0, 0], sizes = [1, 48], strides = [1, 1]} : vector<1x64xf32> to vector<1x48xf32>
    %concatenate3A_142 = tpu.concatenate %broadcast_in_dim3A_140, %slice3A_141 in 1 : vector<1x16xf32>, vector<1x48xf32> -> vector<1x64xf32>
    %add3A_143 = arith.addf %add3A_138, %concatenate3A_142 : vector<1x64xf32>
    %broadcast_in_dim3A_144 = arith.constant 0.000000e+00 : f32
    %broadcast_in_dim3A_145 = vector.broadcast %broadcast_in_dim3A_144 : f32 to vector<1x32xf32>
    %slice3A_146 = vector.extract_strided_slice %add3A_143 {offsets = [0, 0], sizes = [1, 32], strides = [1, 1]} : vector<1x64xf32> to vector<1x32xf32>
    %concatenate3A_147 = tpu.concatenate %broadcast_in_dim3A_145, %slice3A_146 in 1 : vector<1x32xf32>, vector<1x32xf32> -> vector<1x64xf32>
    %add3A_148 = arith.addf %add3A_143, %concatenate3A_147 : vector<1x64xf32>
    %add3A_149 = vector.broadcast %add3A_148 : vector<1x64xf32> to vector<4096x64xf32>
    %add3A_150 = arith.addf %add3A_149, %add3A_113 : vector<4096x64xf32>
    %sub3A_151 = arith.constant 1.000000e+00 : f32
    %sub3A_152 = vector.broadcast %sub3A_151 : f32 to vector<4096x64xf32>
    %sub3A_153 = arith.subf %add3A_150, %sub3A_152 : vector<4096x64xf32>
    %mul3A_154 = arith.mulf %convert_element_type3A_54, %sub3A_153 : vector<4096x64xf32>
    %reduce_sum3A = arith.constant dense<0.000000e+00> : vector<4096xf32>
    %reduce_sum3A_155 = vector.multi_reduction <add>, %mul3A_154, %reduce_sum3A [1] : vector<4096x64xf32> to vector<4096xf32>
    %broadcast_in_dim3A_156 = vector.shape_cast %reduce_sum3A_155 : vector<4096xf32> to vector<4096x1xf32>
    %add3A_157 = arith.constant 5.000000e-01 : f32
    %add3A_158 = vector.broadcast %add3A_157 : f32 to vector<4096x1xf32>
    %add3A_159 = arith.addf %broadcast_in_dim3A_156, %add3A_158 : vector<4096x1xf32>
    %convert_element_type3A_160 = arith.fptosi %add3A_159 : vector<4096x1xf32> to vector<4096x1xi32>
    %swap3A_161 = arith.constant 0 : index
    %swap3A_162 = arith.constant 0 : index
    %swap3A_163 = vector.load %arg6[%swap3A_161, %swap3A_162] : memref<4096x1xi32, #tpu.memory_space<vmem>>, vector<4096x1xi32>
    tpu.vector_store %arg6[%swap3A_161, %swap3A_162], %convert_element_type3A_160 {strides = array<i32>} : memref<4096x1xi32, #tpu.memory_space<vmem>>, vector<4096x1xi32>,
    %add3A_164 = arith.constant 5.000000e-01 : f32
    %add3A_165 = vector.broadcast %add3A_164 : f32 to vector<1x64xf32>
    %add3A_166 = arith.addf %slice3A_114, %add3A_165 : vector<1x64xf32>
    %convert_element_type3A_167 = arith.fptosi %add3A_166 : vector<1x64xf32> to vector<1x64xi32>
    %add3A_168 = arith.constant 5.000000e-01 : f32
    %add3A_169 = vector.broadcast %add3A_168 : f32 to vector<1x64xf32>
    %add3A_170 = arith.addf %add3A_148, %add3A_169 : vector<1x64xf32>
    %convert_element_type3A_171 = arith.fptosi %add3A_170 : vector<1x64xf32> to vector<1x64xi32>
    %gt3A = arith.constant 0 : i32
    %gt3A_172 = vector.broadcast %gt3A : i32 to vector<1x64xi32>
    %gt3A_173 = arith.cmpi sgt, %convert_element_type3A_167, %gt3A_172 : vector<1x64xi32>
    %jit3A_174 = arith.constant 128 : i32
    %div3A_175 = vector.broadcast %jit3A_174 : i32 to vector<1x64xi32>
    %div3A_176 = arith.divsi %convert_element_type3A_171, %div3A_175 : vector<1x64xi32>
    %sign3A = arith.constant 0 : i32
    %sign3A_177 = vector.broadcast %sign3A : i32 to vector<1x64xi32>
    %sign3A_178 = arith.cmpi sgt, %convert_element_type3A_171, %sign3A_177 : vector<1x64xi32>
    %sign3A_179 = arith.extui %sign3A_178 : vector<1x64xi1> to vector<1x64xi32>
    %sign3A_180 = arith.constant 0 : i32
    %sign3A_181 = vector.broadcast %sign3A_180 : i32 to vector<1x64xi32>
    %sign3A_182 = arith.cmpi slt, %convert_element_type3A_171, %sign3A_181 : vector<1x64xi32>
    %sign3A_183 = arith.extui %sign3A_182 : vector<1x64xi1> to vector<1x64xi32>
    %sign3A_184 = arith.subi %sign3A_179, %sign3A_183 : vector<1x64xi32>
    %sign3A_185 = arith.constant 0 : i32
    %sign3A_186 = arith.cmpi sgt, %jit3A_174, %sign3A_185 : i32
    %sign3A_187 = arith.extui %sign3A_186 : i1 to i32
    %sign3A_188 = arith.constant 0 : i32
    %sign3A_189 = arith.cmpi slt, %jit3A_174, %sign3A_188 : i32
    %sign3A_190 = arith.extui %sign3A_189 : i1 to i32
    %sign3A_191 = arith.subi %sign3A_187, %sign3A_190 : i32
    %ne3A = vector.broadcast %sign3A_191 : i32 to vector<1x64xi32>
    %ne3A_192 = arith.cmpi ne, %sign3A_184, %ne3A : vector<1x64xi32>
    %rem3A = vector.broadcast %jit3A_174 : i32 to vector<1x64xi32>
    %rem3A_193 = arith.remsi %convert_element_type3A_171, %rem3A : vector<1x64xi32>
    %ne3A_194 = arith.constant 0 : i32
    %ne3A_195 = vector.broadcast %ne3A_194 : i32 to vector<1x64xi32>
    %ne3A_196 = arith.cmpi ne, %rem3A_193, %ne3A_195 : vector<1x64xi32>
    %and3A = arith.andi %ne3A_192, %ne3A_196 : vector<1x64xi1>
    %sub3A_197 = arith.constant 1 : i32
    %sub3A_198 = vector.broadcast %sub3A_197 : i32 to vector<1x64xi32>
    %sub3A_199 = arith.subi %div3A_176, %sub3A_198 : vector<1x64xi32>
    %select_n3A_200 = arith.select %and3A, %sub3A_199, %div3A_176 : vector<1x64xi1>, vector<1x64xi32>
    %add3A_201 = arith.addi %convert_element_type3A_171, %convert_element_type3A_167 : vector<1x64xi32>
    %sub3A_202 = arith.constant 1 : i32
    %sub3A_203 = vector.broadcast %sub3A_202 : i32 to vector<1x64xi32>
    %sub3A_204 = arith.subi %add3A_201, %sub3A_203 : vector<1x64xi32>
    %jit3A_205 = arith.constant 128 : i32
    %div3A_206 = vector.broadcast %jit3A_205 : i32 to vector<1x64xi32>
    %div3A_207 = arith.divsi %sub3A_204, %div3A_206 : vector<1x64xi32>
    %sign3A_208 = arith.constant 0 : i32
    %sign3A_209 = vector.broadcast %sign3A_208 : i32 to vector<1x64xi32>
    %sign3A_210 = arith.cmpi sgt, %sub3A_204, %sign3A_209 : vector<1x64xi32>
    %sign3A_211 = arith.extui %sign3A_210 : vector<1x64xi1> to vector<1x64xi32>
    %sign3A_212 = arith.constant 0 : i32
    %sign3A_213 = vector.broadcast %sign3A_212 : i32 to vector<1x64xi32>
    %sign3A_214 = arith.cmpi slt, %sub3A_204, %sign3A_213 : vector<1x64xi32>
    %sign3A_215 = arith.extui %sign3A_214 : vector<1x64xi1> to vector<1x64xi32>
    %sign3A_216 = arith.subi %sign3A_211, %sign3A_215 : vector<1x64xi32>
    %sign3A_217 = arith.constant 0 : i32
    %sign3A_218 = arith.cmpi sgt, %jit3A_205, %sign3A_217 : i32
    %sign3A_219 = arith.extui %sign3A_218 : i1 to i32
    %sign3A_220 = arith.constant 0 : i32
    %sign3A_221 = arith.cmpi slt, %jit3A_205, %sign3A_220 : i32
    %sign3A_222 = arith.extui %sign3A_221 : i1 to i32
    %sign3A_223 = arith.subi %sign3A_219, %sign3A_222 : i32
    %ne3A_224 = vector.broadcast %sign3A_223 : i32 to vector<1x64xi32>
    %ne3A_225 = arith.cmpi ne, %sign3A_216, %ne3A_224 : vector<1x64xi32>
    %rem3A_226 = vector.broadcast %jit3A_205 : i32 to vector<1x64xi32>
    %rem3A_227 = arith.remsi %sub3A_204, %rem3A_226 : vector<1x64xi32>
    %ne3A_228 = arith.constant 0 : i32
    %ne3A_229 = vector.broadcast %ne3A_228 : i32 to vector<1x64xi32>
    %ne3A_230 = arith.cmpi ne, %rem3A_227, %ne3A_229 : vector<1x64xi32>
    %and3A_231 = arith.andi %ne3A_225, %ne3A_230 : vector<1x64xi1>
    %sub3A_232 = arith.constant 1 : i32
    %sub3A_233 = vector.broadcast %sub3A_232 : i32 to vector<1x64xi32>
    %sub3A_234 = arith.subi %div3A_207, %sub3A_233 : vector<1x64xi32>
    %select_n3A_235 = arith.select %and3A_231, %sub3A_234, %div3A_207 : vector<1x64xi1>, vector<1x64xi32>
    %sub3A_236 = arith.subi %select_n3A_235, %select_n3A_200 : vector<1x64xi32>
    %add3A_237 = arith.constant 1 : i32
    %add3A_238 = vector.broadcast %add3A_237 : i32 to vector<1x64xi32>
    %add3A_239 = arith.addi %sub3A_236, %add3A_238 : vector<1x64xi32>
    %jit3A_240 = arith.constant 0 : i32
    %broadcast_in_dim3A_241 = vector.broadcast %jit3A_240 : i32 to vector<1x64xi32>
    %select_n3A_242 = arith.select %gt3A_173, %add3A_239, %broadcast_in_dim3A_241 : vector<1x64xi1>, vector<1x64xi32>
    %convert_element_type3A_243 = arith.sitofp %select_n3A_242 : vector<1x64xi32> to vector<1x64xf32>
    %broadcast_in_dim3A_244 = arith.constant 0.000000e+00 : f32
    %broadcast_in_dim3A_245 = vector.broadcast %broadcast_in_dim3A_244 : f32 to vector<1x1xf32>
    %slice3A_246 = vector.extract_strided_slice %convert_element_type3A_243 {offsets = [0, 0], sizes = [1, 63], strides = [1, 1]} : vector<1x64xf32> to vector<1x63xf32>
    %concatenate3A_247 = tpu.concatenate %broadcast_in_dim3A_245, %slice3A_246 in 1 : vector<1x1xf32>, vector<1x63xf32> -> vector<1x64xf32>
    %broadcast_in_dim3A_248 = arith.constant 0.000000e+00 : f32
    %broadcast_in_dim3A_249 = vector.broadcast %broadcast_in_dim3A_248 : f32 to vector<1x1xf32>
    %slice3A_250 = vector.extract_strided_slice %concatenate3A_247 {offsets = [0, 0], sizes = [1, 63], strides = [1, 1]} : vector<1x64xf32> to vector<1x63xf32>
    %concatenate3A_251 = tpu.concatenate %broadcast_in_dim3A_249, %slice3A_250 in 1 : vector<1x1xf32>, vector<1x63xf32> -> vector<1x64xf32>
    %add3A_252 = arith.addf %concatenate3A_247, %concatenate3A_251 : vector<1x64xf32>
    %broadcast_in_dim3A_253 = arith.constant 0.000000e+00 : f32
    %broadcast_in_dim3A_254 = vector.broadcast %broadcast_in_dim3A_253 : f32 to vector<1x2xf32>
    %slice3A_255 = vector.extract_strided_slice %add3A_252 {offsets = [0, 0], sizes = [1, 62], strides = [1, 1]} : vector<1x64xf32> to vector<1x62xf32>
    %concatenate3A_256 = tpu.concatenate %broadcast_in_dim3A_254, %slice3A_255 in 1 : vector<1x2xf32>, vector<1x62xf32> -> vector<1x64xf32>
    %add3A_257 = arith.addf %add3A_252, %concatenate3A_256 : vector<1x64xf32>
    %broadcast_in_dim3A_258 = arith.constant 0.000000e+00 : f32
    %broadcast_in_dim3A_259 = vector.broadcast %broadcast_in_dim3A_258 : f32 to vector<1x4xf32>
    %slice3A_260 = vector.extract_strided_slice %add3A_257 {offsets = [0, 0], sizes = [1, 60], strides = [1, 1]} : vector<1x64xf32> to vector<1x60xf32>
    %concatenate3A_261 = tpu.concatenate %broadcast_in_dim3A_259, %slice3A_260 in 1 : vector<1x4xf32>, vector<1x60xf32> -> vector<1x64xf32>
    %add3A_262 = arith.addf %add3A_257, %concatenate3A_261 : vector<1x64xf32>
    %broadcast_in_dim3A_263 = arith.constant 0.000000e+00 : f32
    %broadcast_in_dim3A_264 = vector.broadcast %broadcast_in_dim3A_263 : f32 to vector<1x8xf32>
    %slice3A_265 = vector.extract_strided_slice %add3A_262 {offsets = [0, 0], sizes = [1, 56], strides = [1, 1]} : vector<1x64xf32> to vector<1x56xf32>
    %concatenate3A_266 = tpu.concatenate %broadcast_in_dim3A_264, %slice3A_265 in 1 : vector<1x8xf32>, vector<1x56xf32> -> vector<1x64xf32>
    %add3A_267 = arith.addf %add3A_262, %concatenate3A_266 : vector<1x64xf32>
    %broadcast_in_dim3A_268 = arith.constant 0.000000e+00 : f32
    %broadcast_in_dim3A_269 = vector.broadcast %broadcast_in_dim3A_268 : f32 to vector<1x16xf32>
    %slice3A_270 = vector.extract_strided_slice %add3A_267 {offsets = [0, 0], sizes = [1, 48], strides = [1, 1]} : vector<1x64xf32> to vector<1x48xf32>
    %concatenate3A_271 = tpu.concatenate %broadcast_in_dim3A_269, %slice3A_270 in 1 : vector<1x16xf32>, vector<1x48xf32> -> vector<1x64xf32>
    %add3A_272 = arith.addf %add3A_267, %concatenate3A_271 : vector<1x64xf32>
    %broadcast_in_dim3A_273 = arith.constant 0.000000e+00 : f32
    %broadcast_in_dim3A_274 = vector.broadcast %broadcast_in_dim3A_273 : f32 to vector<1x32xf32>
    %slice3A_275 = vector.extract_strided_slice %add3A_272 {offsets = [0, 0], sizes = [1, 32], strides = [1, 1]} : vector<1x64xf32> to vector<1x32xf32>
    %concatenate3A_276 = tpu.concatenate %broadcast_in_dim3A_274, %slice3A_275 in 1 : vector<1x32xf32>, vector<1x32xf32> -> vector<1x64xf32>
    %add3A_277 = arith.addf %add3A_272, %concatenate3A_276 : vector<1x64xf32>
    %add3A_278 = arith.constant 5.000000e-01 : f32
    %add3A_279 = vector.broadcast %add3A_278 : f32 to vector<1x64xf32>
    %add3A_280 = arith.addf %add3A_277, %add3A_279 : vector<1x64xf32>
    %convert_element_type3A_281 = arith.fptosi %add3A_280 : vector<1x64xf32> to vector<1x64xi32>
    %iota3A_282 = tpu.iota {dimensions = array<i32: 0>} : vector<96x64xi32>
    %iota3A_283 = tpu.iota {dimensions = array<i32: 1>} : vector<96x64xi32>
    %ge3A = vector.broadcast %convert_element_type3A_281 : vector<1x64xi32> to vector<96x64xi32>
    %ge3A_284 = arith.cmpi sge, %iota3A_282, %ge3A : vector<96x64xi32>
    %add3A_285 = arith.addi %convert_element_type3A_281, %select_n3A_242 : vector<1x64xi32>
    %lt3A = vector.broadcast %add3A_285 : vector<1x64xi32> to vector<96x64xi32>
    %lt3A_286 = arith.cmpi slt, %iota3A_282, %lt3A : vector<96x64xi32>
    %and3A_287 = arith.andi %ge3A_284, %lt3A_286 : vector<96x64xi1>
    %jit3A_288 = arith.constant 0 : i32
    %broadcast_in_dim3A_289 = vector.broadcast %jit3A_288 : i32 to vector<96x64xi32>
    %select_n3A_290 = arith.select %and3A_287, %iota3A_283, %broadcast_in_dim3A_289 : vector<96x64xi1>, vector<96x64xi32>
    %reduce_sum3A_291 = arith.constant dense<0> : vector<96xi32>
    %reduce_sum3A_292 = vector.multi_reduction <add>, %select_n3A_290, %reduce_sum3A_291 [1] : vector<96x64xi32> to vector<96xi32>
    %broadcast_in_dim3A_293 = vector.shape_cast %reduce_sum3A_292 : vector<96xi32> to vector<96x1xi32>
    %sub3A_294 = vector.broadcast %convert_element_type3A_281 : vector<1x64xi32> to vector<96x64xi32>
    %sub3A_295 = arith.subi %iota3A_282, %sub3A_294 : vector<96x64xi32>
    %add3A_296 = vector.broadcast %select_n3A_200 : vector<1x64xi32> to vector<96x64xi32>
    %add3A_297 = arith.addi %add3A_296, %sub3A_295 : vector<96x64xi32>
    %jit3A_298 = arith.constant 0 : i32
    %broadcast_in_dim3A_299 = vector.broadcast %jit3A_298 : i32 to vector<96x64xi32>
    %select_n3A_300 = arith.select %and3A_287, %add3A_297, %broadcast_in_dim3A_299 : vector<96x64xi1>, vector<96x64xi32>
    %reduce_sum3A_301 = arith.constant dense<0> : vector<96xi32>
    %reduce_sum3A_302 = vector.multi_reduction <add>, %select_n3A_300, %reduce_sum3A_301 [1] : vector<96x64xi32> to vector<96xi32>
    %broadcast_in_dim3A_303 = vector.shape_cast %reduce_sum3A_302 : vector<96xi32> to vector<96x1xi32>
    %jit3A_304 = arith.constant 0 : i32
    %broadcast_in_dim3A_305 = vector.shape_cast %convert_element_type3A_171 : vector<1x64xi32> to vector<1x64xi32>
    %broadcast_in_dim3A_306 = vector.broadcast %broadcast_in_dim3A_305 : vector<1x64xi32> to vector<96x64xi32>
    %broadcast_in_dim3A_307 = vector.broadcast %jit3A_304 : i32 to vector<96x64xi32>
    %select_n3A_308 = arith.select %and3A_287, %broadcast_in_dim3A_306, %broadcast_in_dim3A_307 : vector<96x64xi1>, vector<96x64xi32>
    %reduce_sum3A_309 = arith.constant dense<0> : vector<96xi32>
    %reduce_sum3A_310 = vector.multi_reduction <add>, %select_n3A_308, %reduce_sum3A_309 [1] : vector<96x64xi32> to vector<96xi32>
    %broadcast_in_dim3A_311 = vector.shape_cast %reduce_sum3A_310 : vector<96xi32> to vector<96x1xi32>
    %jit3A_312 = arith.constant 0 : i32
    %broadcast_in_dim3A_313 = vector.shape_cast %convert_element_type3A_167 : vector<1x64xi32> to vector<1x64xi32>
    %broadcast_in_dim3A_314 = vector.broadcast %broadcast_in_dim3A_313 : vector<1x64xi32> to vector<96x64xi32>
    %broadcast_in_dim3A_315 = vector.broadcast %jit3A_312 : i32 to vector<96x64xi32>
    %select_n3A_316 = arith.select %and3A_287, %broadcast_in_dim3A_314, %broadcast_in_dim3A_315 : vector<96x64xi1>, vector<96x64xi32>
    %reduce_sum3A_317 = arith.constant dense<0> : vector<96xi32>
    %reduce_sum3A_318 = vector.multi_reduction <add>, %select_n3A_316, %reduce_sum3A_317 [1] : vector<96x64xi32> to vector<96xi32>
    %broadcast_in_dim3A_319 = vector.shape_cast %reduce_sum3A_318 : vector<96xi32> to vector<96x1xi32>
    %convert_element_type3A_320 = arith.extui %and3A_287 : vector<96x64xi1> to vector<96x64xi32>
    %reduce_sum3A_321 = arith.constant dense<0> : vector<96xi32>
    %reduce_sum3A_322 = vector.multi_reduction <add>, %convert_element_type3A_320, %reduce_sum3A_321 [1] : vector<96x64xi32> to vector<96xi32>
    %broadcast_in_dim3A_323 = vector.shape_cast %reduce_sum3A_322 : vector<96xi32> to vector<96x1xi32>
    %gt3A_324 = arith.constant 0 : i32
    %gt3A_325 = vector.broadcast %gt3A_324 : i32 to vector<96x1xi32>
    %gt3A_326 = arith.cmpi sgt, %broadcast_in_dim3A_323, %gt3A_325 : vector<96x1xi32>
    %reduce_max3A_327 = vector.shape_cast %broadcast_in_dim3A_293 : vector<96x1xi32> to vector<1x96x1xi32>
    %reduce_max3A_328 = arith.constant dense<-2147483648> : vector<1xi32>
    %reduce_max3A_329 = vector.multi_reduction <maxsi>, %reduce_max3A_327, %reduce_max3A_328 [1, 2] : vector<1x96x1xi32> to vector<1xi32>
    %reduce_max3A_330 = vector.shape_cast %reduce_max3A_329 : vector<1xi32> to vector<1x1x1xi32>
    %reduce_max3A_331 = vector.extract %reduce_max3A_330[0, 0, 0] : i32 from vector<1x1x1xi32>
    %broadcast_in_dim3A_332 = vector.broadcast %reduce_max3A_331 : i32 to vector<96x1xi32>
    %select_n3A_333 = arith.select %gt3A_326, %broadcast_in_dim3A_293, %broadcast_in_dim3A_332 : vector<96x1xi1>, vector<96x1xi32>
    %reduce_max3A_334 = vector.shape_cast %broadcast_in_dim3A_303 : vector<96x1xi32> to vector<1x96x1xi32>
    %reduce_max3A_335 = arith.constant dense<-2147483648> : vector<1xi32>
    %reduce_max3A_336 = vector.multi_reduction <maxsi>, %reduce_max3A_334, %reduce_max3A_335 [1, 2] : vector<1x96x1xi32> to vector<1xi32>
    %reduce_max3A_337 = vector.shape_cast %reduce_max3A_336 : vector<1xi32> to vector<1x1x1xi32>
    %reduce_max3A_338 = vector.extract %reduce_max3A_337[0, 0, 0] : i32 from vector<1x1x1xi32>
    %broadcast_in_dim3A_339 = vector.broadcast %reduce_max3A_338 : i32 to vector<96x1xi32>
    %select_n3A_340 = arith.select %gt3A_326, %broadcast_in_dim3A_303, %broadcast_in_dim3A_339 : vector<96x1xi1>, vector<96x1xi32>
    %mul3A_341 = arith.constant 128 : i32
    %mul3A_342 = vector.broadcast %mul3A_341 : i32 to vector<96x1xi32>
    %mul3A_343 = arith.muli %select_n3A_340, %mul3A_342 : vector<96x1xi32>
    %max3A = arith.maxsi %mul3A_343, %broadcast_in_dim3A_311 : vector<96x1xi32>
    %jit3A_344 = arith.constant 0 : i32
    %broadcast_in_dim3A_345 = vector.broadcast %jit3A_344 : i32 to vector<96x1xi32>
    %select_n3A_346 = arith.select %gt3A_326, %max3A, %broadcast_in_dim3A_345 : vector<96x1xi1>, vector<96x1xi32>
    %mul3A_347 = arith.constant 128 : i32
    %mul3A_348 = vector.broadcast %mul3A_347 : i32 to vector<96x1xi32>
    %mul3A_349 = arith.muli %select_n3A_340, %mul3A_348 : vector<96x1xi32>
    %add3A_350 = arith.constant 128 : i32
    %add3A_351 = vector.broadcast %add3A_350 : i32 to vector<96x1xi32>
    %add3A_352 = arith.addi %mul3A_349, %add3A_351 : vector<96x1xi32>
    %add3A_353 = arith.addi %broadcast_in_dim3A_311, %broadcast_in_dim3A_319 : vector<96x1xi32>
    %min3A = arith.minsi %add3A_352, %add3A_353 : vector<96x1xi32>
    %jit3A_354 = arith.constant 0 : i32
    %broadcast_in_dim3A_355 = vector.broadcast %jit3A_354 : i32 to vector<96x1xi32>
    %select_n3A_356 = arith.select %gt3A_326, %min3A, %broadcast_in_dim3A_355 : vector<96x1xi1>, vector<96x1xi32>
    %swap3A_357 = arith.constant 0 : index
    %swap3A_358 = arith.constant 0 : index
    %swap3A_359 = vector.load %arg7[%swap3A_357, %swap3A_358] : memref<96x1xi32, #tpu.memory_space<vmem>>, vector<96x1xi32>
    tpu.vector_store %arg7[%swap3A_357, %swap3A_358], %select_n3A_333 {strides = array<i32>} : memref<96x1xi32, #tpu.memory_space<vmem>>, vector<96x1xi32>,
    %swap3A_360 = arith.constant 0 : index
    %swap3A_361 = arith.constant 0 : index
    %swap3A_362 = vector.load %arg8[%swap3A_360, %swap3A_361] : memref<96x1xi32, #tpu.memory_space<vmem>>, vector<96x1xi32>
    tpu.vector_store %arg8[%swap3A_360, %swap3A_361], %select_n3A_340 {strides = array<i32>} : memref<96x1xi32, #tpu.memory_space<vmem>>, vector<96x1xi32>,
    %swap3A_363 = arith.constant 0 : index
    %swap3A_364 = arith.constant 0 : index
    %swap3A_365 = vector.load %arg9[%swap3A_363, %swap3A_364] : memref<96x1xi32, #tpu.memory_space<vmem>>, vector<96x1xi32>
    tpu.vector_store %arg9[%swap3A_363, %swap3A_364], %select_n3A_346 {strides = array<i32>} : memref<96x1xi32, #tpu.memory_space<vmem>>, vector<96x1xi32>,
    %swap3A_366 = arith.constant 0 : index
    %swap3A_367 = arith.constant 0 : index
    %swap3A_368 = vector.load %arg10[%swap3A_366, %swap3A_367] : memref<96x1xi32, #tpu.memory_space<vmem>>, vector<96x1xi32>
    tpu.vector_store %arg10[%swap3A_366, %swap3A_367], %select_n3A_356 {strides = array<i32>} : memref<96x1xi32, #tpu.memory_space<vmem>>, vector<96x1xi32>,
    return
  }
}

module attributes {stable_mosaic.version = 14 : i64} {
  func.func @_moe_body(%arg0: i32, %arg1: memref<96xi32, #tpu.memory_space<smem>>, %arg2: memref<96xi32, #tpu.memory_space<smem>>, %arg3: memref<96xi32, #tpu.memory_space<smem>>, %arg4: memref<96xi32, #tpu.memory_space<smem>>, %arg5: memref<128x768xf32, #tpu.memory_space<vmem>>, %arg6: memref<1x768x768xf32, #tpu.memory_space<vmem>>, %arg7: memref<1x1x768xf32, #tpu.memory_space<vmem>>, %arg8: memref<1x768x768xf32, #tpu.memory_space<vmem>>, %arg9: memref<1x1x768xf32, #tpu.memory_space<vmem>>, %arg10: memref<1x768x768xf32, #tpu.memory_space<vmem>>, %arg11: memref<1x1x768xf32, #tpu.memory_space<vmem>>, %arg12: memref<128x768xf32, #tpu.memory_space<vmem>>) attributes {dimension_semantics = [#tpu.dimension_semantics<arbitrary>], iteration_bounds = array<i64: 96>, scalar_prefetch = 4 : i64, scratch_operands = 0 : i64, tpu.core_type = #tpu.core_type<tc>, window_params = [{transform_indices = @transform_0, window_bounds = array<i64: 128, 768>}, {transform_indices = @transform_1, window_bounds = array<i64: 1, 768, 768>}, {transform_indices = @transform_2, window_bounds = array<i64: 1, 1, 768>}, {transform_indices = @transform_3, window_bounds = array<i64: 1, 768, 768>}, {transform_indices = @transform_4, window_bounds = array<i64: 1, 1, 768>}, {transform_indices = @transform_5, window_bounds = array<i64: 1, 768, 768>}, {transform_indices = @transform_6, window_bounds = array<i64: 1, 1, 768>}, {transform_indices = @transform_7, window_bounds = array<i64: 128, 768>}]} {
    %get3A = arith.index_cast %arg0 : i32 to index
    %get3A_0 = memref.load %arg2[%get3A] : memref<96xi32, #tpu.memory_space<smem>>
    %mul3A = arith.constant 128 : i32
    %mul3A_1 = arith.muli %get3A_0, %mul3A : i32
    %iota3A = tpu.iota {dimensions = array<i32: 0>} : vector<128x1xi32>
    %add3A = vector.broadcast %mul3A_1 : i32 to vector<128x1xi32>
    %add3A_2 = arith.addi %add3A, %iota3A : vector<128x1xi32>
    %get3A_3 = arith.index_cast %arg0 : i32 to index
    %get3A_4 = memref.load %arg3[%get3A_3] : memref<96xi32, #tpu.memory_space<smem>>
    %ge3A = vector.broadcast %get3A_4 : i32 to vector<128x1xi32>
    %ge3A_5 = arith.cmpi sge, %add3A_2, %ge3A : vector<128x1xi32>
    %get3A_6 = arith.index_cast %arg0 : i32 to index
    %get3A_7 = memref.load %arg4[%get3A_6] : memref<96xi32, #tpu.memory_space<smem>>
    %lt3A = vector.broadcast %get3A_7 : i32 to vector<128x1xi32>
    %lt3A_8 = arith.cmpi slt, %add3A_2, %lt3A : vector<128x1xi32>
    %and3A = arith.andi %ge3A_5, %lt3A_8 : vector<128x1xi1>
    %get3A_9 = arith.constant 0 : index
    %get3A_10 = arith.constant 0 : index
    %get3A_11 = vector.load %arg5[%get3A_9, %get3A_10] : memref<128x768xf32, #tpu.memory_space<vmem>>, vector<128x768xf32>
    %get3A_12 = arith.constant 0 : index
    %get3A_13 = arith.constant 0 : index
    %get3A_14 = arith.constant 0 : index
    %get3A_15 = vector.load %arg6[%get3A_12, %get3A_13, %get3A_14] : memref<1x768x768xf32, #tpu.memory_space<vmem>>, vector<1x768x768xf32>
    %get3A_16 = vector.shape_cast %get3A_15 : vector<1x768x768xf32> to vector<768x768xf32>
    %dot_general3A = arith.constant dense<0.000000e+00> : vector<128x768xf32>
    %dot_general3A_17 = tpu.matmul %get3A_11, %get3A_16, %dot_general3A {dimension_numbers = #tpu.dot_dimension_numbers<[1], [1], [0], [0], [0, 0, 1, 0], [], []>, transpose_lhs_hint = false} : vector<128x768xf32>, vector<768x768xf32>, vector<128x768xf32> -> vector<128x768xf32>
    %get3A_18 = arith.constant 0 : index
    %get3A_19 = arith.constant 0 : index
    %get3A_20 = arith.constant 0 : index
    %get3A_21 = vector.load %arg7[%get3A_18, %get3A_19, %get3A_20] : memref<1x1x768xf32, #tpu.memory_space<vmem>>, vector<1x1x768xf32>
    %get3A_22 = vector.shape_cast %get3A_21 : vector<1x1x768xf32> to vector<1x768xf32>
    %add3A_23 = vector.broadcast %get3A_22 : vector<1x768xf32> to vector<128x768xf32>
    %add3A_24 = arith.addf %dot_general3A_17, %add3A_23 : vector<128x768xf32>
    %max3A = arith.constant 0.000000e+00 : f32
    %max3A_25 = vector.broadcast %max3A : f32 to vector<128x768xf32>
    %max3A_26 = arith.maximumf %add3A_24, %max3A_25 : vector<128x768xf32>
    %get3A_27 = arith.constant 0 : index
    %get3A_28 = arith.constant 0 : index
    %get3A_29 = arith.constant 0 : index
    %get3A_30 = vector.load %arg8[%get3A_27, %get3A_28, %get3A_29] : memref<1x768x768xf32, #tpu.memory_space<vmem>>, vector<1x768x768xf32>
    %get3A_31 = vector.shape_cast %get3A_30 : vector<1x768x768xf32> to vector<768x768xf32>
    %dot_general3A_32 = arith.constant dense<0.000000e+00> : vector<128x768xf32>
    %dot_general3A_33 = tpu.matmul %max3A_26, %get3A_31, %dot_general3A_32 {dimension_numbers = #tpu.dot_dimension_numbers<[1], [1], [0], [0], [0, 0, 1, 0], [], []>, transpose_lhs_hint = false} : vector<128x768xf32>, vector<768x768xf32>, vector<128x768xf32> -> vector<128x768xf32>
    %get3A_34 = arith.constant 0 : index
    %get3A_35 = arith.constant 0 : index
    %get3A_36 = arith.constant 0 : index
    %get3A_37 = vector.load %arg9[%get3A_34, %get3A_35, %get3A_36] : memref<1x1x768xf32, #tpu.memory_space<vmem>>, vector<1x1x768xf32>
    %get3A_38 = vector.shape_cast %get3A_37 : vector<1x1x768xf32> to vector<1x768xf32>
    %add3A_39 = vector.broadcast %get3A_38 : vector<1x768xf32> to vector<128x768xf32>
    %add3A_40 = arith.addf %dot_general3A_33, %add3A_39 : vector<128x768xf32>
    %max3A_41 = arith.constant 0.000000e+00 : f32
    %max3A_42 = vector.broadcast %max3A_41 : f32 to vector<128x768xf32>
    %max3A_43 = arith.maximumf %add3A_40, %max3A_42 : vector<128x768xf32>
    %get3A_44 = arith.constant 0 : index
    %get3A_45 = arith.constant 0 : index
    %get3A_46 = arith.constant 0 : index
    %get3A_47 = vector.load %arg10[%get3A_44, %get3A_45, %get3A_46] : memref<1x768x768xf32, #tpu.memory_space<vmem>>, vector<1x768x768xf32>
    %get3A_48 = vector.shape_cast %get3A_47 : vector<1x768x768xf32> to vector<768x768xf32>
    %dot_general3A_49 = arith.constant dense<0.000000e+00> : vector<128x768xf32>
    %dot_general3A_50 = tpu.matmul %max3A_43, %get3A_48, %dot_general3A_49 {dimension_numbers = #tpu.dot_dimension_numbers<[1], [1], [0], [0], [0, 0, 1, 0], [], []>, transpose_lhs_hint = false} : vector<128x768xf32>, vector<768x768xf32>, vector<128x768xf32> -> vector<128x768xf32>
    %get3A_51 = arith.constant 0 : index
    %get3A_52 = arith.constant 0 : index
    %get3A_53 = arith.constant 0 : index
    %get3A_54 = vector.load %arg11[%get3A_51, %get3A_52, %get3A_53] : memref<1x1x768xf32, #tpu.memory_space<vmem>>, vector<1x1x768xf32>
    %get3A_55 = vector.shape_cast %get3A_54 : vector<1x1x768xf32> to vector<1x768xf32>
    %add3A_56 = vector.broadcast %get3A_55 : vector<1x768xf32> to vector<128x768xf32>
    %add3A_57 = arith.addf %dot_general3A_50, %add3A_56 : vector<128x768xf32>
    %get3A_58 = arith.constant 0 : index
    %get3A_59 = arith.constant 0 : index
    %get3A_60 = vector.load %arg12[%get3A_58, %get3A_59] : memref<128x768xf32, #tpu.memory_space<vmem>>, vector<128x768xf32>
    %broadcast_in_dim3A = vector.shape_cast %and3A : vector<128x1xi1> to vector<128x1xi1>
    %broadcast_in_dim3A_61 = vector.broadcast %broadcast_in_dim3A : vector<128x1xi1> to vector<128x768xi1>
    %select_n3A = arith.select %broadcast_in_dim3A_61, %add3A_57, %get3A_60 : vector<128x768xi1>, vector<128x768xf32>
    %swap3A = arith.constant 0 : index
    %swap3A_62 = arith.constant 0 : index
    %swap3A_63 = vector.load %arg12[%swap3A, %swap3A_62] : memref<128x768xf32, #tpu.memory_space<vmem>>, vector<128x768xf32>
    tpu.vector_store %arg12[%swap3A, %swap3A_62], %select_n3A {strides = array<i32>} : memref<128x768xf32, #tpu.memory_space<vmem>>, vector<128x768xf32>,
    return
  }
  func.func @transform_0(%arg0: i32, %arg1: memref<96xi32, #tpu.memory_space<smem>>, %arg2: memref<96xi32, #tpu.memory_space<smem>>, %arg3: memref<96xi32, #tpu.memory_space<smem>>, %arg4: memref<96xi32, #tpu.memory_space<smem>>) -> (i32, i32) {
    %get3A = arith.index_cast %arg0 : i32 to index
    %get3A_0 = memref.load %arg2[%get3A] : memref<96xi32, #tpu.memory_space<smem>>
    %c0_i32 = arith.constant 0 : i32
    %c0_i32_1 = arith.constant 0 : i32
    return %get3A_0, %c0_i32 : i32, i32
  }
  func.func @transform_1(%arg0: i32, %arg1: memref<96xi32, #tpu.memory_space<smem>>, %arg2: memref<96xi32, #tpu.memory_space<smem>>, %arg3: memref<96xi32, #tpu.memory_space<smem>>, %arg4: memref<96xi32, #tpu.memory_space<smem>>) -> (i32, i32, i32) {
    %get3A = arith.index_cast %arg0 : i32 to index
    %get3A_0 = memref.load %arg1[%get3A] : memref<96xi32, #tpu.memory_space<smem>>
    %c0_i32 = arith.constant 0 : i32
    %c0_i32_1 = arith.constant 0 : i32
    %c0_i32_2 = arith.constant 0 : i32
    return %get3A_0, %c0_i32, %c0_i32_1 : i32, i32, i32
  }
  func.func @transform_2(%arg0: i32, %arg1: memref<96xi32, #tpu.memory_space<smem>>, %arg2: memref<96xi32, #tpu.memory_space<smem>>, %arg3: memref<96xi32, #tpu.memory_space<smem>>, %arg4: memref<96xi32, #tpu.memory_space<smem>>) -> (i32, i32, i32) {
    %get3A = arith.index_cast %arg0 : i32 to index
    %get3A_0 = memref.load %arg1[%get3A] : memref<96xi32, #tpu.memory_space<smem>>
    %c0_i32 = arith.constant 0 : i32
    %c0_i32_1 = arith.constant 0 : i32
    %c0_i32_2 = arith.constant 0 : i32
    return %get3A_0, %c0_i32, %c0_i32_1 : i32, i32, i32
  }
  func.func @transform_3(%arg0: i32, %arg1: memref<96xi32, #tpu.memory_space<smem>>, %arg2: memref<96xi32, #tpu.memory_space<smem>>, %arg3: memref<96xi32, #tpu.memory_space<smem>>, %arg4: memref<96xi32, #tpu.memory_space<smem>>) -> (i32, i32, i32) {
    %get3A = arith.index_cast %arg0 : i32 to index
    %get3A_0 = memref.load %arg1[%get3A] : memref<96xi32, #tpu.memory_space<smem>>
    %c0_i32 = arith.constant 0 : i32
    %c0_i32_1 = arith.constant 0 : i32
    %c0_i32_2 = arith.constant 0 : i32
    return %get3A_0, %c0_i32, %c0_i32_1 : i32, i32, i32
  }
  func.func @transform_4(%arg0: i32, %arg1: memref<96xi32, #tpu.memory_space<smem>>, %arg2: memref<96xi32, #tpu.memory_space<smem>>, %arg3: memref<96xi32, #tpu.memory_space<smem>>, %arg4: memref<96xi32, #tpu.memory_space<smem>>) -> (i32, i32, i32) {
    %get3A = arith.index_cast %arg0 : i32 to index
    %get3A_0 = memref.load %arg1[%get3A] : memref<96xi32, #tpu.memory_space<smem>>
    %c0_i32 = arith.constant 0 : i32
    %c0_i32_1 = arith.constant 0 : i32
    %c0_i32_2 = arith.constant 0 : i32
    return %get3A_0, %c0_i32, %c0_i32_1 : i32, i32, i32
  }
  func.func @transform_5(%arg0: i32, %arg1: memref<96xi32, #tpu.memory_space<smem>>, %arg2: memref<96xi32, #tpu.memory_space<smem>>, %arg3: memref<96xi32, #tpu.memory_space<smem>>, %arg4: memref<96xi32, #tpu.memory_space<smem>>) -> (i32, i32, i32) {
    %get3A = arith.index_cast %arg0 : i32 to index
    %get3A_0 = memref.load %arg1[%get3A] : memref<96xi32, #tpu.memory_space<smem>>
    %c0_i32 = arith.constant 0 : i32
    %c0_i32_1 = arith.constant 0 : i32
    %c0_i32_2 = arith.constant 0 : i32
    return %get3A_0, %c0_i32, %c0_i32_1 : i32, i32, i32
  }
  func.func @transform_6(%arg0: i32, %arg1: memref<96xi32, #tpu.memory_space<smem>>, %arg2: memref<96xi32, #tpu.memory_space<smem>>, %arg3: memref<96xi32, #tpu.memory_space<smem>>, %arg4: memref<96xi32, #tpu.memory_space<smem>>) -> (i32, i32, i32) {
    %get3A = arith.index_cast %arg0 : i32 to index
    %get3A_0 = memref.load %arg1[%get3A] : memref<96xi32, #tpu.memory_space<smem>>
    %c0_i32 = arith.constant 0 : i32
    %c0_i32_1 = arith.constant 0 : i32
    %c0_i32_2 = arith.constant 0 : i32
    return %get3A_0, %c0_i32, %c0_i32_1 : i32, i32, i32
  }
  func.func @transform_7(%arg0: i32, %arg1: memref<96xi32, #tpu.memory_space<smem>>, %arg2: memref<96xi32, #tpu.memory_space<smem>>, %arg3: memref<96xi32, #tpu.memory_space<smem>>, %arg4: memref<96xi32, #tpu.memory_space<smem>>) -> (i32, i32) {
    %get3A = arith.index_cast %arg0 : i32 to index
    %get3A_0 = memref.load %arg2[%get3A] : memref<96xi32, #tpu.memory_space<smem>>
    %c0_i32 = arith.constant 0 : i32
    %c0_i32_1 = arith.constant 0 : i32
    return %get3A_0, %c0_i32 : i32, i32
  }
}

</mosaic_0001>

<sc_bundles>
// kernel: kernel.6.cloned.1.call-start
scs
__scs_entry_jumppad:
0x0: {  	(pc) =	sbr.rel $0x88, $3  }
0x1: {  	(tag) =	ssettag $0x0;
	lr =	simm.s32 $0x1  }
0x2: {  	[smem:$0x3F98] =	sst lr;
	_ =	strace $0xD0000000  }
0x3: {  	_ = 	snop  }
0x4: {  	_ = 	snop  }
0x5: {  	_ = 	snop  }
0x6: {  	_ = 	snop  }
0x7: {  	_ = 	snop  }
__scs_overlays_trampoline_lowered:
0x8: {  	[smem:$0x3FA7] =	sst s0  }
0x9: {  	[smem:$0x3FA8] =	sst s1  }
0xa: {  	[smem:$0x3FA9] =	sst s2  }
0xb: {  	[smem:$0x3FAA] =	sst s3  }
0xc: {  	[smem:$0x3FAB] =	sst s4  }
0xd: {  	[smem:$0x3FAC] =	sst s5  }
0xe: {  	[smem:$0x3FAD] =	sst s6  }
0xf: {  	[smem:$0x3FAE] =	sst s7  }
0x10: {  	[smem:$0x3FAF] =	sst s8  }
0x11: {  	[smem:$0x3FB0] =	sst s9;
	s0 =	simm.s32 @!p0 $0x0  }
0x12: {  	s1 =	sld [smem:$0x3F96];
	s0 =	simm.s32 @p0 $0x1  }
0x13: {  	[smem:$0x3FB1] =	sst s0;
	s0 =	simm.s32 @!p1 $0x0  }
0x14: {  	s2 =	sld [smem:$0x3F95];
	s0 =	simm.s32 @p1 $0x1  }
0x15: {  	[smem:$0x3FB2] =	sst s0;
	s0 =	simm.s32 @!p2 $0x0  }
0x16: {  	s3 =	sld [smem:$0x3FDB];
	s0 =	simm.s32 @p2 $0x1  }
0x17: {  	s4 =	simm.s32 $0x1BF5;
	[smem:$0x3FB4] =	sst s0  }
0x18: {  	s0 =	sld [smem:$0x3F97];
	_ =	swait.ge [sflag:s4], $0x0  }
0x19: {  	s7 =	sld [smem:$0x3F98]  }
0x1a: {  	s8 =	sadd.s32 $0xFFFFE003, lr  }
0x1b: {  	s9 =	sadd.s32 $0xFFFFFEF7, lr;
	s5 =	simm.s32 $0xFFFFFFFF;
	p2 =	slt.u32 s8, $0xFFFFF086  }
0x1c: {  	p1 =	slt.u32 s9, $0xF7A;
	s5 =	simm.s32 @!p2 $0x0  }
0x1d: {  	s5 =	simm.s32 @p1 $0x1;
	p0 =	seq.s32 s7, s2  }
0x1e: {  	s7 =	smul.u32 @!p0 $0xF7A, s2;
	p2 =	seq.s32 @!p0 s5, $0x0  }
0x1f: {  	s9 =	smul.u32 $0xF7A, s1;
	s8 =	simm.s32 @!p0 $0x1BF5;
	p2 =	por !p2, p0  }
0x20: {  	[sflag:s8] =	ssyncset.s32 @!p0 $0xFFFFF086;
	s6 =	sadd.s32 @!p0 s3, s7;
	s7 =	simm.s32 @!p0 $0x108  }
0x21: {  	s3 =	sadd.s32 s3, s9;
	s6 =	sadd.s32 @!p0 $0x88, s6;
	s7 =	simm.s32 @p2 $0x1082  }
0x22: {  	[simem:s7], [sflag:s8] =	dma.local @!p0 [hbm:s6], $0xF7A  }
0x23: {  	s9 =	sor.u32 $0xD0000000, s2;
	s6 =	simm.s32 $0x108;
	_ =	swait.ge @!p0 [sflag:s8], $0x0  }
0x24: {  	s3 =	sadd.s32 $0x88, s3;
	s6 =	simm.s32 @!p1 $0x1082;
	[sflag:s4] =	ssyncset.s32 $0xFFFFF086  }
0x25: {  	[simem:s6], [sflag:s4] =	dma.local [hbm:s3], $0xF7A  }
0x26: {  	[smem:$0x3F98] =	sst s1;
	(tag) =	ssettag s2;
	_ =	strace s9  }
0x27: {  	s1 =	sld [smem:$0x3FA8]  }
0x28: {  	s2 =	sld [smem:$0x3FA9]  }
0x29: {  	s4 =	sld [smem:$0x3FAB]  }
0x2a: {  	p0 =	seq.s32 s5, $0x0;
	s5 =	sld [smem:$0x3FAC]  }
0x2b: {  	s6 =	sld [smem:$0x3FAD]  }
0x2c: {  	s7 =	sld [smem:$0x3FAE]  }
0x2d: {  	s3 =	simm.s32 $0x108;
	s8 =	sld [smem:$0x3FAF]  }
0x2e: {  	s3 =	simm.s32 @!p0 $0x1082;
	s9 =	sld [smem:$0x3FB0]  }
0x2f: {  	lr =	sadd.s32 s0, s3;
	s0 =	sld [smem:$0x3FA7]  }
0x30: {  	s3 =	sld [smem:$0x3FAA]  }
0x31: {  	[smem:$0x3FB3] =	sst s10  }
0x32: {  	s10 =	sld [smem:$0x3FB1];
	_ =	sdelay $0x3  }
0x33: {  	p0 =	seq.s32 s10, $0x1;
	s10 =	sld [smem:$0x3FB3];
	_ =	sdelay $0x3  }
0x34: {  	[smem:$0x3FB3] =	sst s10  }
0x35: {  	s10 =	sld [smem:$0x3FB2];
	_ =	sdelay $0x3  }
0x36: {  	p1 =	seq.s32 s10, $0x1;
	s10 =	sld [smem:$0x3FB3];
	_ =	sdelay $0x3  }
0x37: {  	[smem:$0x3FB3] =	sst s10  }
0x38: {  	s10 =	sld [smem:$0x3FB4]  }
0x39: {  	_ = 	snop;
	(pc) =	sbr.ind lr, $3  }
0x3a: {  	_ = 	snop  }
0x3b: {  	_ = 	snop  }
0x3c: {  	p2 =	seq.s32 s10, $0x1;
	s10 =	sld [smem:$0x3FB3]  }
0x3d: {  	_ =	shalt  }
0x3e: {  	_ =	shalt  }
0x3f: {  	_ =	shalt  }
0x40: {  	_ =	shalt  }
0x41: {  	_ =	shalt  }
0x42: {  	_ =	shalt  }
0x43: {  	_ =	shalt  }
0x44: {  	_ =	shalt  }
0x45: {  	_ =	shalt  }
0x46: {  	_ =	shalt  }
0x47: {  	_ =	shalt  }
0x48: {  	_ =	shalt  }
0x49: {  	_ =	shalt  }
0x4a: {  	_ =	shalt  }
0x4b: {  	_ =	shalt  }
0x4c: {  	_ =	shalt  }
0x4d: {  	_ =	shalt  }
0x4e: {  	_ =	shalt  }
0x4f: {  	_ =	shalt  }
0x50: {  	_ =	shalt  }
0x51: {  	_ =	shalt  }
0x52: {  	_ =	shalt  }
0x53: {  	_ =	shalt  }
0x54: {  	_ =	shalt  }
0x55: {  	_ =	shalt  }
0x56: {  	_ =	shalt  }
0x57: {  	_ =	shalt  }
0x58: {  	_ =	shalt  }
0x59: {  	_ =	shalt  }
0x5a: {  	_ =	shalt  }
0x5b: {  	_ =	shalt  }
0x5c: {  	_ =	shalt  }
0x5d: {  	_ =	shalt  }
0x5e: {  	_ =	shalt  }
0x5f: {  	_ =	shalt  }
0x60: {  	_ =	shalt  }
0x61: {  	_ =	shalt  }
0x62: {  	_ =	shalt  }
0x63: {  	_ =	shalt  }
0x64: {  	_ =	shalt  }
0x65: {  	_ =	shalt  }
0x66: {  	_ =	shalt  }
0x67: {  	_ =	shalt  }
0x68: {  	_ =	shalt  }
0x69: {  	_ =	shalt  }
0x6a: {  	_ =	shalt  }
0x6b: {  	_ =	shalt  }
0x6c: {  	_ =	shalt  }
0x6d: {  	_ =	shalt  }
0x6e: {  	_ =	shalt  }
0x6f: {  	_ =	shalt  }
0x70: {  	_ =	shalt  }
0x71: {  	_ =	shalt  }
0x72: {  	_ =	shalt  }
0x73: {  	_ =	shalt  }
0x74: {  	_ =	shalt  }
0x75: {  	_ =	shalt  }
0x76: {  	_ =	shalt  }
0x77: {  	_ =	shalt  }
0x78: {  	_ =	shalt  }
0x79: {  	_ =	shalt  }
0x7a: {  	_ =	shalt  }
0x7b: {  	_ =	shalt  }
0x7c: {  	_ =	shalt  }
0x7d: {  	_ =	shalt  }
0x7e: {  	_ =	shalt  }
0x7f: {  	_ =	shalt  }
0x80: {  	_ =	shalt  }
0x81: {  	_ =	shalt  }
0x82: {  	_ =	shalt  }
0x83: {  	_ =	shalt  }
0x84: {  	_ =	shalt  }
0x85: {  	_ =	shalt  }
0x86: {  	_ =	shalt  }
0x87: {  	_ =	shalt  }
.Lfunc_end0:
.L_simem_size_0:
called_computation_lowered:
.L_overlay_start_0:
0x88: {  	s2 =	sld [smem:$0x3FD9]  }
0x89: {  	s3 =	sld [smem:$0x3FFE];
	_ =	sdelay $0x1  }
0x8a: {  	s1 =	srdreg.scid  }
0x8b: {  	s0 =	sand.u32 $0x1, s1  }
0x8c: {  	s17 =	sshll.u32 s0, $0xA;
	s2 =	sadd.s32 s3, s2  }
0x8d: {  	s2 =	sadd.s32 s2, s17  }
0x8e: {  	[smem:$0x3FBF] =	sst s2  }
0x8f: {  	_ = 	snop  }
0x90: {  	s2 =	sld [smem:$0x3FC9];
	(tm) =	ssettm $0x1  }
0x91: {  	s18 =	sld [smem:$0x3FFB];
	_ =	sdelay $0x3  }
0x92: {  	_ =	strace s18  }
0x93: {  	s3 =	sld [smem:$0x3FFC];
	_ =	sdelay $0x3  }
0x94: {  	_ =	strace s3  }
0x95: {  	s3 =	sld [smem:$0x3FFD];
	_ =	sdelay $0x3  }
0x96: {  	_ =	strace s3  }
0x97: {  	_ =	strace $0x8FFFFFFF  }
0x98: {  	s19 =	sld [smem:$0x3FDB];
	_ =	sdelay $0x1  }
0x99: {  	s4 =	simm.s32 $_scs_section_size  }
0x9a: {  	s5 =	simm.s32 $_size__tile_overlayer_lowered;
	s6 =	simm.s32 $_tile_overlayer_lowered  }
0x9b: {  	s22 =	simm.s32 $0x1BFF;
	s21 =	sshll.u32 s6, $0x1;
	s3 =	sadd.s32 s4, s19  }
0x9c: {  	s7 =	simm.s32 $0x0;
	s20 =	sshll.u32 s5, $0x1;
	s5 =	sadd.s32 s21, s3  }
0x9d: {  	[timem:s7], [sflag:s22] =	dma.local [hbm:s5], s20  }
0x9e: {  	_ =	swait.ge [sflag:s22], s20  }
0x9f: {  	s4 =	ssub.s32 $0x0, s20;
	[sflag:s22] =	ssyncset.done $0x0  }
0xa0: {  	[sflag:s22] =	ssyncadd.s32 s4;
	_ =	sdelay $0x1  }
0xa1: {  	s23 =	simm.s32 $0x1B8B  }
0xa2: {  	_ =	swait.ge [sflag:s23], $0x1  }
0xa3: {  	[sflag:s23] =	ssyncset.done $0x0  }
0xa4: {  	s25 =	simm.s32 $0x1B8E;
	s24 =	sld [smem:$0x3FFE];
	[sflag:s23] =	ssyncadd.s32 $0xFFFFFFFF  }
0xa5: {  	s26 =	simm.s32 $execute0_lowered;
	[smem:$0x3FD2] =	sst s25  }
0xa6: {  	s5 =	sshll.u32 s26, $0x1;
	_ =	strace $0x80000046;
	[dreg:$0x1] =	wrdreg $0xFFFFFFFF  }
0xa7: {  	s28 =	simm.s32 $_size_execute0_lowered;
	s3 =	sadd.s32 s3, s5;
	[dreg:$0x0] =	wrdreg $0x0  }
0xa8: {  	s5 =	sshll.u32 s28, $0x1;
	[dreg:$0x2] =	wrdreg s3  }
0xa9: {  	[dreg:$0x3] =	wrdreg s5  }
0xaa: {  	[dreg:$0x4] =	wrdreg $0xC0  }
0xab: {  	_ =	task [dreg:s7], $0x5FFFF  }
0xac: {  	[dreg:$0x1] =	wrdreg $0xFFFFFFFF  }
0xad: {  	[dreg:$0x0] =	wrdreg $0x60  }
0xae: {  	[dreg:$0x2] =	wrdreg s24  }
0xaf: {  	[dreg:$0x3] =	wrdreg s2  }
0xb0: {  	[dreg:$0x4] =	wrdreg $0x9  }
0xb1: {  	_ =	task.clear_ibuf [dreg:s7], $0x5FFFF;
	_ =	strace $0x90000046  }
0xb2: {  	s29 =	simm.s32 $0x9;
	_ =	strace $0x80000048  }
0xb3: {  	_ =	swait.ge [sflag:s29], $0x1  }
0xb4: {  	[sflag:s29] =	ssyncadd.s32 $0xFFFFFFFF  }
0xb5: {  	_ =	strace $0x90000048  }
0xb6: {  	_ =	sfence  }
0xb7: {  	s30 =	sld [smem:$0x0];
	_ =	sdelay $0x2  }
0xb8: {  	s31 =	sshll.u32 s1, $0xD;
	s1 =	sshrl.u32 s1, $0x2  }
0xb9: {  	s3 =	sand.u32 $0x4000, s31;
	s1 =	sadd.s32 s1, s30  }
0xba: {  	s0 =	sor.u32 s3, s0;
	s1 =	sshll.u32 s1, $0x11  }
0xbb: {  	s0 =	sor.u32 s1, s0  }
0xbc: {  	s0 =	sadd.s32 $0x8F2B, s0  }
0xbd: {  	[sflag:s0] =	ssyncadd.remote.s32 $0x1  }
0xbe: {  	_ =	sfence.sel $0xFFFF  }
0xbf: {  	[dreg:$0x0] =	wrdreg $0xFFFFFFFF;
	(pc) =	sbr.abs _section_cstart, $3  }
0xc0: {  	[dreg:$0x1] =	wrdreg $0xFFFFFFFF  }
0xc1: {  	_ =	task.clear_ibuf [dreg:s7], $0x2FFFF;
	_ =	strace $0x9FFFFFFF  }
0xc2: {  	(tm) =	ssettm $0x7FFFFFFF  }
0xc3: {  	_ =	shalt  }
tec
execute0_lowered:
.L_overlay_start_1:
0x0: {  	(tag) =	ssettag $0x1  }
0x1: {  	s1 =	srdreg.scid  }
0x2: {  	s0 =	stileid.u32;
	s4 =	sand.u32 $0x1, s1  }
0x3: {  	s5 =	rddreg [dreg:$0x1];
	s2 =	sshll.u32 s0, $0x5;
	s3 =	sshll.u32 s4, $0x4  }
0x4: {  	s1 =	rddreg [dreg:$0x0];
	s3 =	sor.u32 s3, s2;
	s2 =	simm.s32 $0x0  }
0x5: {  	s22 =	simm.s32 $0x80;
	[smem:$0x7FF] =	sst s2  }
0x6: {  	s23 =	simm.s32 $0x900;
	_ =	strace $0x80000047;
	[dreg:$0x7] =	wrdreg s22  }
0x7: {  	s24 =	simm.s32 $0x1100;
	[dreg:$0x8] =	wrdreg s23  }
0x8: {  	s25 =	simm.s32 $0x1900;
	[dreg:$0x9] =	wrdreg s24  }
0x9: {  	s26 =	simm.s32 $0x2100;
	[dreg:$0xa] =	wrdreg s25  }
0xa: {  	s9 =	simm.s32 $0x5100;
	s0 =	simm.s32 $0x2900;
	[dreg:$0xb] =	wrdreg s26  }
0xb: {  	s10 =	simm.s32 $0x5900;
	s11 =	simm.s32 $0x6100;
	[dreg:$0xc] =	wrdreg s0  }
0xc: {  	s12 =	simm.s32 $0x6900;
	s13 =	simm.s32 $0x7100;
	[dreg:$0x11] =	wrdreg s9  }
0xd: {  	s14 =	simm.s32 $0x7900;
	s15 =	simm.s32 $0x8100;
	[dreg:$0x12] =	wrdreg s10  }
0xe: {  	s17 =	simm.s32 $0x8900;
	s18 =	simm.s32 $0x9100;
	[dreg:$0x13] =	wrdreg s11  }
0xf: {  	s19 =	simm.s32 $0x9900;
	s28 =	simm.s32 $0x15900;
	[dreg:$0x14] =	wrdreg s12  }
0x10: {  	s29 =	simm.s32 $0x16100;
	s30 =	simm.s32 $0x16900;
	[dreg:$0x15] =	wrdreg s13  }
0x11: {  	s31 =	simm.s32 $0x17100;
	s4 =	ssub.s32 $0x2, s4;
	[dreg:$0x16] =	wrdreg s14  }
0x12: {  	s16 =	sshrl.u32 s4, $0x1;
	s6 =	sand.u32 $0xF0, s3;
	[dreg:$0x17] =	wrdreg s15  }
0x13: {  	s3 =	sadd.s32 s3, s1;
	s7 =	smul.u32 $0x1800, s6;
	[dreg:$0x18] =	wrdreg s17  }
0x14: {  	s8 =	sadd.s32 $0x18200, s3;
	s6 =	smul.u32 $0x300, s6;
	[dreg:$0x19] =	wrdreg s18  }
0x15: {  	s3 =	sadd.s32 $0x18208, s3;
	[dreg:$0x1a] =	wrdreg s19;
	s22 =	simm.s32 $0xB100  }
0x16: {  	s23 =	simm.s32 $0xB900;
	s9 =	simm.s32 $0xC100;
	s24 =	simm.s32 $0xC900  }
0x17: {  	s10 =	simm.s32 $0x1;
	s25 =	simm.s32 $0xD100;
	[dreg:$0x3] =	wrdreg s8  }
0x18: {  	s11 =	simm.s32 $0x2;
	s26 =	simm.s32 $0xD900;
	[dreg:$0x4] =	wrdreg s3  }
0x19: {  	s13 =	simm.s32 $0xE900;
	s14 =	simm.s32 $0xF100;
	[dreg:$0x1d] =	wrdreg s22  }
0x1a: {  	s15 =	simm.s32 $0xF900;
	s17 =	simm.s32 $0x10900;
	[dreg:$0x1e] =	wrdreg s23  }
0x1b: {  	s18 =	simm.s32 $0x11100;
	s19 =	simm.s32 $0x11900;
	[dreg:$0x1f] =	wrdreg s24  }
0x1c: {  	s8 =	simm.s32 $0x4900;
	s3 =	sadd.s32 $0x18400, s1;
	[smem:$0x7FC] =	sst s25  }
0x1d: {  	[smem:$0x7FD] =	sst s26;
	s22 =	simm.s32 $0x13100;
	s23 =	simm.s32 $0x13900  }
0x1e: {  	s24 =	simm.s32 $0x14100;
	s25 =	simm.s32 $0x14900;
	s26 =	simm.s32 $0x15100  }
0x1f: {  	s7 =	sshrl.u32 s7, $0x3;
	s20 =	sadd.s32 s5, s6;
	[dreg:$0x10] =	wrdreg s8  }
0x20: {  	s6 =	simm.s32 $0x3900;
	s8 =	simm.s32 $0x100;
	[dreg:$0x5] =	wrdreg s20  }
0x21: {  	s5 =	sadd.s32 s5, s7;
	[dreg:$0xe] =	wrdreg s6;
	s7 =	simm.s32 $0x4100  }
0x22: {  	s6 =	ssub.s32 s4, s16;
	s4 =	sadd.s32 $0x18500, s1;
	s20 =	simm.s32 $0xA100  }
0x23: {  	s16 =	simm.s32 $0x10100;
	s21 =	sadd.s32 $0x1800, s5;
	[dreg:$0xf] =	wrdreg s7  }
0x24: {  	s5 =	simm.s32 $0x3100;
	s6 =	smax.u32 s6, $0x1;
	[dreg:$0x1b] =	wrdreg s20  }
0x25: {  	v2 =	vlaneseq.u32;
	s7 =	simm.s32 $0x3;
	s20 =	simm.s32 $0x12100;
	[dreg:$0x6] =	wrdreg s21  }
0x26: {  	vm0 =	vmmov $0xffff;
	v1 =	vshrl.u32 v2, $0x3;
	[dreg:$0xd] =	wrdreg s5;
	s5 =	sadd.s32 $0x18600, s1;
	s21 =	simm.s32 $0xA900  }
0x27: {  	v0 =	vand.u32 $0x7, v2;
	v2 =	vor.u32 $0x8, v2;
	v1 =	vmul.u32 $0x8, v1;
	s1 =	simm.s32 $0x17900;
	[dreg:$0x1c] =	wrdreg s21;
	s21 =	simm.s32 $0x12900  }
.LBB2_1:
0x28: {  	s0 =	rddreg [dreg:$0x3]  }
0x29: {  	[tilespmem:s2], [sflag:$0x3] =	stream.linear.gather [hbm4b:s0+s2], $0x40, $0x38;
	[tilespmem:$0x18100] =	vst v63  }
0x2a: {  	_ =	swait.ge [sflag:s7], $0x40  }
0x2b: {  	s0 =	rddreg [dreg:$0x4];
	[sflag:s7] =	ssyncset.done $0x0  }
0x2c: {  	s12 =	rddreg [dreg:$0x7];
	[sflag:s7] =	ssyncadd.s32 $0xFFFFFFC0  }
0x2d: {  	[tilespmem:s12], [sflag:$0x3] =	stream.linear.gather [hbm4b:s0+s2], $0x40, $0x38;
	[tilespmem:$0x18100] =	vst v63  }
0x2e: {  	_ =	swait.ge [sflag:s7], $0x40  }
0x2f: {  	[sflag:s7] =	ssyncset.done $0x0  }
0x30: {  	s0 =	rddreg [dreg:$0x5];
	[sflag:s7] =	ssyncadd.s32 $0xFFFFFFC0  }
0x31: {  	[tilespmem:s8], [sflag:$0x1] =	stream.linear.gather [hbm4b:s0+s2], $0xC000, $0x38;
	[tilespmem:$0x18100] =	vst v63  }
0x32: {  	s12 =	rddreg [dreg:$0x6]  }
0x33: {  	[tilespmem:s9], [sflag:$0x2] =	stream.linear.gather [hbm4b:s12+s2], $0xC000, $0x38;
	[tilespmem:$0x18100] =	vst v63  }
0x34: {  	_ =	swait.ge [sflag:s10], $0xC000  }
0x35: {  	[sflag:s10] =	ssyncset.done $0x0  }
0x36: {  	[sflag:s10] =	ssyncadd.s32 $0xFFFF4000  }
0x37: {  	v3 =	vld [tilespmem:$0x0];
	_ =	sdelay $0x4  }
0x38: {  	v4 =	vshrl.u32 v3, $0x3  }
0x39: {  	v4 =	vmul.u32 $0x30, v4  }
0x3a: {  	v3 =	vand.u32 $0x7, v3  }
0x3b: {  	v3 =	vor.u32 v3, v4  }
0x3c: {  	v4 =	vperm.xlane v3, v0;
	_ =	sdelay $0x1  }
0x3d: {  	v4 =	vadd.s32 v1, v4;
	_ =	sdelay $0x3  }
0x3e: {  	v3 =	vperm.xlane v3, v2  }
0x3f: {  	[hbm4b:s3+s2] =	stream.indirect_vreg.scatter [tilespmem:s8], [sflag:$0x1], $0x80, v4, vm0, $0xb8;
	[tilespmem:$0x18100] =	vst v63  }
0x40: {  	s0 =	rddreg [dreg:$0x8];
	v3 =	vadd.s32 v1, v3  }
0x41: {  	[hbm4b:s4+s2] =	stream.indirect_vreg.scatter [tilespmem:s0], [sflag:$0x1], $0x80, v4, vm0, $0xb8;
	[tilespmem:$0x18100] =	vst v63  }
0x42: {  	s12 =	rddreg [dreg:$0x9]  }
0x43: {  	[hbm4b:s5+s2] =	stream.indirect_vreg.scatter [tilespmem:s12], [sflag:$0x1], $0x80, v4, vm0, $0xb8;
	[tilespmem:$0x18100] =	vst v63  }
0x44: {  	s0 =	rddreg [dreg:$0xa]  }
0x45: {  	[hbm4b:s3+s2] =	stream.indirect_vreg.scatter [tilespmem:s0], [sflag:$0x1], $0x80, v3, vm0, $0xb8;
	[tilespmem:$0x18100] =	vst v63  }
0x46: {  	s12 =	rddreg [dreg:$0xb]  }
0x47: {  	[hbm4b:s4+s2] =	stream.indirect_vreg.scatter [tilespmem:s12], [sflag:$0x1], $0x80, v3, vm0, $0xb8;
	[tilespmem:$0x18100] =	vst v63  }
0x48: {  	s0 =	rddreg [dreg:$0xc]  }
0x49: {  	[hbm4b:s5+s2] =	stream.indirect_vreg.scatter [tilespmem:s0], [sflag:$0x1], $0x80, v3, vm0, $0xb8;
	[tilespmem:$0x18100] =	vst v63  }
0x4a: {  	v3 =	vld [tilespmem:$0x10];
	_ =	sdelay $0x4  }
0x4b: {  	v57 =	vshrl.u32 v3, $0x3  }
0x4c: {  	v4 =	vmul.u32 $0x30, v57  }
0x4d: {  	v3 =	vand.u32 $0x7, v3  }
0x4e: {  	v3 =	vor.u32 v3, v4  }
0x4f: {  	v4 =	vperm.xlane v3, v0;
	_ =	sdelay $0x1  }
0x50: {  	v4 =	vadd.s32 v1, v4;
	_ =	sdelay $0x3  }
0x51: {  	s0 =	rddreg [dreg:$0xd];
	v3 =	vperm.xlane v3, v2  }
0x52: {  	[hbm4b:s3+s2] =	stream.indirect_vreg.scatter [tilespmem:s0], [sflag:$0x1], $0x80, v4, vm0, $0xb8;
	[tilespmem:$0x18100] =	vst v63  }
0x53: {  	s12 =	rddreg [dreg:$0xe];
	v3 =	vadd.s32 v1, v3  }
0x54: {  	[hbm4b:s4+s2] =	stream.indirect_vreg.scatter [tilespmem:s12], [sflag:$0x1], $0x80, v4, vm0, $0xb8;
	[tilespmem:$0x18100] =	vst v63  }
0x55: {  	s0 =	rddreg [dreg:$0xf]  }
0x56: {  	[hbm4b:s5+s2] =	stream.indirect_vreg.scatter [tilespmem:s0], [sflag:$0x1], $0x80, v4, vm0, $0xb8;
	[tilespmem:$0x18100] =	vst v63  }
0x57: {  	s12 =	rddreg [dreg:$0x10]  }
0x58: {  	[hbm4b:s3+s2] =	stream.indirect_vreg.scatter [tilespmem:s12], [sflag:$0x1], $0x80, v3, vm0, $0xb8;
	[tilespmem:$0x18100] =	vst v63  }
0x59: {  	s0 =	rddreg [dreg:$0x11]  }
0x5a: {  	[hbm4b:s4+s2] =	stream.indirect_vreg.scatter [tilespmem:s0], [sflag:$0x1], $0x80, v3, vm0, $0xb8;
	[tilespmem:$0x18100] =	vst v63  }
0x5b: {  	s12 =	rddreg [dreg:$0x12]  }
0x5c: {  	[hbm4b:s5+s2] =	stream.indirect_vreg.scatter [tilespmem:s12], [sflag:$0x1], $0x80, v3, vm0, $0xb8;
	[tilespmem:$0x18100] =	vst v63  }
0x5d: {  	v3 =	vld [tilespmem:$0x20];
	_ =	sdelay $0x4  }
0x5e: {  	v58 =	vshrl.u32 v3, $0x3  }
0x5f: {  	v4 =	vmul.u32 $0x30, v58  }
0x60: {  	v3 =	vand.u32 $0x7, v3  }
0x61: {  	v3 =	vor.u32 v3, v4  }
0x62: {  	v4 =	vperm.xlane v3, v0;
	_ =	sdelay $0x1  }
0x63: {  	v4 =	vadd.s32 v1, v4;
	_ =	sdelay $0x3  }
0x64: {  	s0 =	rddreg [dreg:$0x13];
	v3 =	vperm.xlane v3, v2  }
0x65: {  	[hbm4b:s3+s2] =	stream.indirect_vreg.scatter [tilespmem:s0], [sflag:$0x1], $0x80, v4, vm0, $0xb8;
	[tilespmem:$0x18100] =	vst v63  }
0x66: {  	s12 =	rddreg [dreg:$0x14];
	v3 =	vadd.s32 v1, v3  }
0x67: {  	[hbm4b:s4+s2] =	stream.indirect_vreg.scatter [tilespmem:s12], [sflag:$0x1], $0x80, v4, vm0, $0xb8;
	[tilespmem:$0x18100] =	vst v63  }
0x68: {  	s0 =	rddreg [dreg:$0x15]  }
0x69: {  	[hbm4b:s5+s2] =	stream.indirect_vreg.scatter [tilespmem:s0], [sflag:$0x1], $0x80, v4, vm0, $0xb8;
	[tilespmem:$0x18100] =	vst v63  }
0x6a: {  	s12 =	rddreg [dreg:$0x16]  }
0x6b: {  	[hbm4b:s3+s2] =	stream.indirect_vreg.scatter [tilespmem:s12], [sflag:$0x1], $0x80, v3, vm0, $0xb8;
	[tilespmem:$0x18100] =	vst v63  }
0x6c: {  	s0 =	rddreg [dreg:$0x17]  }
0x6d: {  	[hbm4b:s4+s2] =	stream.indirect_vreg.scatter [tilespmem:s0], [sflag:$0x1], $0x80, v3, vm0, $0xb8;
	[tilespmem:$0x18100] =	vst v63  }
0x6e: {  	s12 =	rddreg [dreg:$0x18]  }
0x6f: {  	[hbm4b:s5+s2] =	stream.indirect_vreg.scatter [tilespmem:s12], [sflag:$0x1], $0x80, v3, vm0, $0xb8;
	[tilespmem:$0x18100] =	vst v63  }
0x70: {  	v3 =	vld [tilespmem:$0x30];
	_ =	sdelay $0x4  }
0x71: {  	v59 =	vshrl.u32 v3, $0x3  }
0x72: {  	v4 =	vmul.u32 $0x30, v59  }
0x73: {  	v3 =	vand.u32 $0x7, v3  }
0x74: {  	v3 =	vor.u32 v3, v4  }
0x75: {  	v4 =	vperm.xlane v3, v0;
	_ =	sdelay $0x1  }
0x76: {  	v4 =	vadd.s32 v1, v4;
	_ =	sdelay $0x3  }
0x77: {  	s0 =	rddreg [dreg:$0x19];
	v3 =	vperm.xlane v3, v2  }
0x78: {  	[hbm4b:s3+s2] =	stream.indirect_vreg.scatter [tilespmem:s0], [sflag:$0x1], $0x80, v4, vm0, $0xb8;
	[tilespmem:$0x18100] =	vst v63  }
0x79: {  	s12 =	rddreg [dreg:$0x1a];
	v3 =	vadd.s32 v1, v3  }
0x7a: {  	[hbm4b:s4+s2] =	stream.indirect_vreg.scatter [tilespmem:s12], [sflag:$0x1], $0x80, v4, vm0, $0xb8;
	[tilespmem:$0x18100] =	vst v63  }
0x7b: {  	s0 =	rddreg [dreg:$0x1b]  }
0x7c: {  	[hbm4b:s5+s2] =	stream.indirect_vreg.scatter [tilespmem:s0], [sflag:$0x1], $0x80, v4, vm0, $0xb8;
	[tilespmem:$0x18100] =	vst v63  }
0x7d: {  	s12 =	rddreg [dreg:$0x1c]  }
0x7e: {  	[hbm4b:s3+s2] =	stream.indirect_vreg.scatter [tilespmem:s12], [sflag:$0x1], $0x80, v3, vm0, $0xb8;
	[tilespmem:$0x18100] =	vst v63  }
0x7f: {  	s0 =	rddreg [dreg:$0x1d]  }
0x80: {  	[hbm4b:s4+s2] =	stream.indirect_vreg.scatter [tilespmem:s0], [sflag:$0x1], $0x80, v3, vm0, $0xb8;
	[tilespmem:$0x18100] =	vst v63  }
0x81: {  	s12 =	rddreg [dreg:$0x1e]  }
0x82: {  	[hbm4b:s5+s2] =	stream.indirect_vreg.scatter [tilespmem:s12], [sflag:$0x1], $0x80, v3, vm0, $0xb8;
	[tilespmem:$0x18100] =	vst v63  }
0x83: {  	_ =	swait.ge [sflag:s11], $0xC000  }
0x84: {  	[sflag:s11] =	ssyncset.done $0x0  }
0x85: {  	[sflag:s11] =	ssyncadd.s32 $0xFFFF4000  }
0x86: {  	v3 =	vld [tilespmem:$0x80];
	_ =	sdelay $0x4  }
0x87: {  	v60 =	vshrl.u32 v3, $0x3  }
0x88: {  	v4 =	vmul.u32 $0x30, v60  }
0x89: {  	v3 =	vand.u32 $0x7, v3  }
0x8a: {  	v3 =	vor.u32 v3, v4  }
0x8b: {  	v4 =	vperm.xlane v3, v0;
	_ =	sdelay $0x1  }
0x8c: {  	v4 =	vadd.s32 v1, v4;
	_ =	sdelay $0x3  }
0x8d: {  	s0 =	rddreg [dreg:$0x1f];
	v3 =	vperm.xlane v3, v2  }
0x8e: {  	[hbm4b:s3+s2] =	stream.indirect_vreg.scatter [tilespmem:s9], [sflag:$0x2], $0x80, v4, vm0, $0xb8;
	[tilespmem:$0x18100] =	vst v63  }
0x8f: {  	s12 =	sld [smem:$0x7FC];
	v3 =	vadd.s32 v1, v3  }
0x90: {  	[hbm4b:s4+s2] =	stream.indirect_vreg.scatter [tilespmem:s0], [sflag:$0x2], $0x80, v4, vm0, $0xb8;
	[tilespmem:$0x18100] =	vst v63  }
0x91: {  	s0 =	sld [smem:$0x7FD]  }
0x92: {  	[hbm4b:s5+s2] =	stream.indirect_vreg.scatter [tilespmem:s12], [sflag:$0x2], $0x80, v4, vm0, $0xb8;
	[tilespmem:$0x18100] =	vst v63  }
0x93: {  	_ = 	snop  }
0x94: {  	[hbm4b:s3+s2] =	stream.indirect_vreg.scatter [tilespmem:s0], [sflag:$0x2], $0x80, v3, vm0, $0xb8;
	[tilespmem:$0x18100] =	vst v63  }
0x95: {  	s12 =	simm.s32 $0xE100  }
0x96: {  	[hbm4b:s4+s2] =	stream.indirect_vreg.scatter [tilespmem:s12], [sflag:$0x2], $0x80, v3, vm0, $0xb8;
	[tilespmem:$0x18100] =	vst v63  }
0x97: {  	_ = 	snop  }
0x98: {  	[hbm4b:s5+s2] =	stream.indirect_vreg.scatter [tilespmem:s13], [sflag:$0x2], $0x80, v3, vm0, $0xb8;
	[tilespmem:$0x18100] =	vst v63  }
0x99: {  	v3 =	vld [tilespmem:$0x90];
	_ =	sdelay $0x4  }
0x9a: {  	v61 =	vshrl.u32 v3, $0x3  }
0x9b: {  	v4 =	vmul.u32 $0x30, v61  }
0x9c: {  	v3 =	vand.u32 $0x7, v3  }
0x9d: {  	v3 =	vor.u32 v3, v4  }
0x9e: {  	v4 =	vperm.xlane v3, v0;
	_ =	sdelay $0x1  }
0x9f: {  	v4 =	vadd.s32 v1, v4;
	_ =	sdelay $0x3  }
0xa0: {  	v3 =	vperm.xlane v3, v2  }
0xa1: {  	[hbm4b:s3+s2] =	stream.indirect_vreg.scatter [tilespmem:s14], [sflag:$0x2], $0x80, v4, vm0, $0xb8;
	[tilespmem:$0x18100] =	vst v63  }
0xa2: {  	v3 =	vadd.s32 v1, v3  }
0xa3: {  	[hbm4b:s4+s2] =	stream.indirect_vreg.scatter [tilespmem:s15], [sflag:$0x2], $0x80, v4, vm0, $0xb8;
	[tilespmem:$0x18100] =	vst v63  }
0xa4: {  	_ = 	snop  }
0xa5: {  	[hbm4b:s5+s2] =	stream.indirect_vreg.scatter [tilespmem:s16], [sflag:$0x2], $0x80, v4, vm0, $0xb8;
	[tilespmem:$0x18100] =	vst v63  }
0xa6: {  	_ = 	snop  }
0xa7: {  	[hbm4b:s3+s2] =	stream.indirect_vreg.scatter [tilespmem:s17], [sflag:$0x2], $0x80, v3, vm0, $0xb8;
	[tilespmem:$0x18100] =	vst v63  }
0xa8: {  	_ = 	snop  }
0xa9: {  	[hbm4b:s4+s2] =	stream.indirect_vreg.scatter [tilespmem:s18], [sflag:$0x2], $0x80, v3, vm0, $0xb8;
	[tilespmem:$0x18100] =	vst v63  }
0xaa: {  	_ = 	snop  }
0xab: {  	[hbm4b:s5+s2] =	stream.indirect_vreg.scatter [tilespmem:s19], [sflag:$0x2], $0x80, v3, vm0, $0xb8;
	[tilespmem:$0x18100] =	vst v63  }
0xac: {  	v3 =	vld [tilespmem:$0xA0];
	_ =	sdelay $0x4  }
0xad: {  	v62 =	vshrl.u32 v3, $0x3  }
0xae: {  	v4 =	vmul.u32 $0x30, v62  }
0xaf: {  	v3 =	vand.u32 $0x7, v3  }
0xb0: {  	v3 =	vor.u32 v3, v4  }
0xb1: {  	v4 =	vperm.xlane v3, v0;
	_ =	sdelay $0x1  }
0xb2: {  	v4 =	vadd.s32 v1, v4;
	_ =	sdelay $0x3  }
0xb3: {  	v3 =	vperm.xlane v3, v2  }
0xb4: {  	[hbm4b:s3+s2] =	stream.indirect_vreg.scatter [tilespmem:s20], [sflag:$0x2], $0x80, v4, vm0, $0xb8;
	[tilespmem:$0x18100] =	vst v63  }
0xb5: {  	v3 =	vadd.s32 v1, v3  }
0xb6: {  	[hbm4b:s4+s2] =	stream.indirect_vreg.scatter [tilespmem:s21], [sflag:$0x2], $0x80, v4, vm0, $0xb8;
	[tilespmem:$0x18100] =	vst v63  }
0xb7: {  	_ = 	snop  }
0xb8: {  	[hbm4b:s5+s2] =	stream.indirect_vreg.scatter [tilespmem:s22], [sflag:$0x2], $0x80, v4, vm0, $0xb8;
	[tilespmem:$0x18100] =	vst v63  }
0xb9: {  	_ = 	snop  }
0xba: {  	[hbm4b:s3+s2] =	stream.indirect_vreg.scatter [tilespmem:s23], [sflag:$0x2], $0x80, v3, vm0, $0xb8;
	[tilespmem:$0x18100] =	vst v63  }
0xbb: {  	_ = 	snop  }
0xbc: {  	[hbm4b:s4+s2] =	stream.indirect_vreg.scatter [tilespmem:s24], [sflag:$0x2], $0x80, v3, vm0, $0xb8;
	[tilespmem:$0x18100] =	vst v63  }
0xbd: {  	_ = 	snop  }
0xbe: {  	[hbm4b:s5+s2] =	stream.indirect_vreg.scatter [tilespmem:s25], [sflag:$0x2], $0x80, v3, vm0, $0xb8;
	[tilespmem:$0x18100] =	vst v63  }
0xbf: {  	v3 =	vld [tilespmem:$0xB0];
	_ =	sdelay $0x4  }
0xc0: {  	v63 =	vshrl.u32 v3, $0x3  }
0xc1: {  	v4 =	vmul.u32 $0x30, v63  }
0xc2: {  	v3 =	vand.u32 $0x7, v3  }
0xc3: {  	v3 =	vor.u32 v3, v4  }
0xc4: {  	v4 =	vperm.xlane v3, v0;
	_ =	sdelay $0x1  }
0xc5: {  	v4 =	vadd.s32 v1, v4;
	_ =	sdelay $0x3  }
0xc6: {  	v3 =	vperm.xlane v3, v2  }
0xc7: {  	[hbm4b:s3+s2] =	stream.indirect_vreg.scatter [tilespmem:s26], [sflag:$0x2], $0x80, v4, vm0, $0xb8;
	[tilespmem:$0x18100] =	vst v63  }
0xc8: {  	v3 =	vadd.s32 v1, v3  }
0xc9: {  	[hbm4b:s4+s2] =	stream.indirect_vreg.scatter [tilespmem:s28], [sflag:$0x2], $0x80, v4, vm0, $0xb8;
	[tilespmem:$0x18100] =	vst v63  }
0xca: {  	_ = 	snop  }
0xcb: {  	[hbm4b:s5+s2] =	stream.indirect_vreg.scatter [tilespmem:s29], [sflag:$0x2], $0x80, v4, vm0, $0xb8;
	[tilespmem:$0x18100] =	vst v63  }
0xcc: {  	_ = 	snop  }
0xcd: {  	[hbm4b:s3+s2] =	stream.indirect_vreg.scatter [tilespmem:s30], [sflag:$0x2], $0x80, v3, vm0, $0xb8;
	[tilespmem:$0x18100] =	vst v63  }
0xce: {  	_ = 	snop  }
0xcf: {  	[hbm4b:s4+s2] =	stream.indirect_vreg.scatter [tilespmem:s31], [sflag:$0x2], $0x80, v3, vm0, $0xb8;
	[tilespmem:$0x18100] =	vst v63  }
0xd0: {  	_ = 	snop  }
0xd1: {  	[hbm4b:s5+s2] =	stream.indirect_vreg.scatter [tilespmem:s1], [sflag:$0x2], $0x80, v3, vm0, $0xb8;
	[tilespmem:$0x18100] =	vst v63  }
0xd2: {  	p0 =	sne.s32 s6, $0x1;
	_ =	swait.ge [sflag:s10], $0xC000  }
.Ltmp0:
0xd3: {  	[sflag:s10] =	ssyncset.done $0x0;
	(pc) =	sbr.rel @p0 .LBB2_1-.Ltmp0, $4  }
0xd4: {  	[sflag:s10] =	ssyncadd.s32 $0xFFFF4000  }
0xd5: {  	_ =	swait.ge [sflag:s11], $0xC000  }
0xd6: {  	[sflag:s11] =	ssyncset.done $0x0  }
0xd7: {  	s6 =	sadd.s32 $0xFFFFFFFF, s6;
	[sflag:s11] =	ssyncadd.s32 $0xFFFF4000  }
0xd8: {  	_ =	sfence.sel $0x180000  }
0xd9: {  	[bflag:$0x0] =	sbarrier.arrive $0xFFFF  }
0xda: {  	_ =	strace $0x90000047  }
0xdb: {  	s0 =	stileid.u32;
	[bflag:$0x2] =	sbarrier.arrive $0xFFFF  }
0xdc: {  	p0 =	sne.s32 s0, $0x0;
	s0 =	rddreg [dreg:$0x2]  }
0xdd: {  	s0 =	sadd.s32 @!p0 $0x100000, s0  }
0xde: {  	[sflag:s0] =	ssyncadd.tile.s32 @!p0 $0x1;
	_ =	shalt  }
.Lfunc_end2:
_tile_overlayer_lowered:
.L_overlay_start_2:
0xdf: {  	(tag) =	ssettag $0x2  }
0xe0: {  	s0 =	rddreg [dreg:$0x0];
	s2 =	stileid.u32  }
0xe1: {  	s1 =	rddreg [dreg:$0x1];
	p0 =	sne.s32 s2, $0x0  }
0xe2: {  	s3 =	rddreg [dreg:$0x2];
	[bflag:$0x3] =	sbarrier.arrive $0xFFFF;
	s2 =	simm.s32 @!p0 $0x1C03  }
0xe3: {  	[timem:s3], [sflag:s2] =	dma.local @!p0 [hbm:s0], s1  }
0xe4: {  	s0 =	simm.s32 @!p0 $0x3  }
0xe5: {  	_ =	swait.ge @!p0 [sflag:s0], s1  }
0xe6: {  	s1 =	ssub.s32 @!p0 $0x0, s1;
	[sflag:s0] =	ssyncset.done @!p0 $0x0  }
0xe7: {  	[sflag:s0] =	ssyncadd.s32 @!p0 s1  }
0xe8: {  	[bflag:$0x3] =	sbarrier.arrive $0xFFFF  }
0xe9: {  	_ =	shalt  }

// kernel: kernel.9.cloned.1.call-start
scs
__scs_entry_jumppad:
0x0: {  	(pc) =	sbr.rel $0x88, $3  }
0x1: {  	(tag) =	ssettag $0x0;
	lr =	simm.s32 $0x1  }
0x2: {  	[smem:$0x3F98] =	sst lr;
	_ =	strace $0xD0000000  }
0x3: {  	_ = 	snop  }
0x4: {  	_ = 	snop  }
0x5: {  	_ = 	snop  }
0x6: {  	_ = 	snop  }
0x7: {  	_ = 	snop  }
__scs_overlays_trampoline_lowered:
0x8: {  	[smem:$0x3FA7] =	sst s0  }
0x9: {  	[smem:$0x3FA8] =	sst s1  }
0xa: {  	[smem:$0x3FA9] =	sst s2  }
0xb: {  	[smem:$0x3FAA] =	sst s3  }
0xc: {  	[smem:$0x3FAB] =	sst s4  }
0xd: {  	[smem:$0x3FAC] =	sst s5  }
0xe: {  	[smem:$0x3FAD] =	sst s6  }
0xf: {  	[smem:$0x3FAE] =	sst s7  }
0x10: {  	[smem:$0x3FAF] =	sst s8  }
0x11: {  	[smem:$0x3FB0] =	sst s9;
	s0 =	simm.s32 @!p0 $0x0  }
0x12: {  	s1 =	sld [smem:$0x3F96];
	s0 =	simm.s32 @p0 $0x1  }
0x13: {  	[smem:$0x3FB1] =	sst s0;
	s0 =	simm.s32 @!p1 $0x0  }
0x14: {  	s2 =	sld [smem:$0x3F95];
	s0 =	simm.s32 @p1 $0x1  }
0x15: {  	[smem:$0x3FB2] =	sst s0;
	s0 =	simm.s32 @!p2 $0x0  }
0x16: {  	s3 =	sld [smem:$0x3FDB];
	s0 =	simm.s32 @p2 $0x1  }
0x17: {  	s4 =	simm.s32 $0x1BF5;
	[smem:$0x3FB4] =	sst s0  }
0x18: {  	s0 =	sld [smem:$0x3F97];
	_ =	swait.ge [sflag:s4], $0x0  }
0x19: {  	s7 =	sld [smem:$0x3F98]  }
0x1a: {  	s8 =	sadd.s32 $0xFFFFE003, lr  }
0x1b: {  	s9 =	sadd.s32 $0xFFFFFEF7, lr;
	s5 =	simm.s32 $0xFFFFFFFF;
	p2 =	slt.u32 s8, $0xFFFFF086  }
0x1c: {  	p1 =	slt.u32 s9, $0xF7A;
	s5 =	simm.s32 @!p2 $0x0  }
0x1d: {  	s5 =	simm.s32 @p1 $0x1;
	p0 =	seq.s32 s7, s2  }
0x1e: {  	s7 =	smul.u32 @!p0 $0xF7A, s2;
	p2 =	seq.s32 @!p0 s5, $0x0  }
0x1f: {  	s9 =	smul.u32 $0xF7A, s1;
	s8 =	simm.s32 @!p0 $0x1BF5;
	p2 =	por !p2, p0  }
0x20: {  	[sflag:s8] =	ssyncset.s32 @!p0 $0xFFFFF086;
	s6 =	sadd.s32 @!p0 s3, s7;
	s7 =	simm.s32 @!p0 $0x108  }
0x21: {  	s3 =	sadd.s32 s3, s9;
	s6 =	sadd.s32 @!p0 $0x88, s6;
	s7 =	simm.s32 @p2 $0x1082  }
0x22: {  	[simem:s7], [sflag:s8] =	dma.local @!p0 [hbm:s6], $0xF7A  }
0x23: {  	s9 =	sor.u32 $0xD0000000, s2;
	s6 =	simm.s32 $0x108;
	_ =	swait.ge @!p0 [sflag:s8], $0x0  }
0x24: {  	s3 =	sadd.s32 $0x88, s3;
	s6 =	simm.s32 @!p1 $0x1082;
	[sflag:s4] =	ssyncset.s32 $0xFFFFF086  }
0x25: {  	[simem:s6], [sflag:s4] =	dma.local [hbm:s3], $0xF7A  }
0x26: {  	[smem:$0x3F98] =	sst s1;
	(tag) =	ssettag s2;
	_ =	strace s9  }
0x27: {  	s1 =	sld [smem:$0x3FA8]  }
0x28: {  	s2 =	sld [smem:$0x3FA9]  }
0x29: {  	s4 =	sld [smem:$0x3FAB]  }
0x2a: {  	p0 =	seq.s32 s5, $0x0;
	s5 =	sld [smem:$0x3FAC]  }
0x2b: {  	s6 =	sld [smem:$0x3FAD]  }
0x2c: {  	s7 =	sld [smem:$0x3FAE]  }
0x2d: {  	s3 =	simm.s32 $0x108;
	s8 =	sld [smem:$0x3FAF]  }
0x2e: {  	s3 =	simm.s32 @!p0 $0x1082;
	s9 =	sld [smem:$0x3FB0]  }
0x2f: {  	lr =	sadd.s32 s0, s3;
	s0 =	sld [smem:$0x3FA7]  }
0x30: {  	s3 =	sld [smem:$0x3FAA]  }
0x31: {  	[smem:$0x3FB3] =	sst s10  }
0x32: {  	s10 =	sld [smem:$0x3FB1];
	_ =	sdelay $0x3  }
0x33: {  	p0 =	seq.s32 s10, $0x1;
	s10 =	sld [smem:$0x3FB3];
	_ =	sdelay $0x3  }
0x34: {  	[smem:$0x3FB3] =	sst s10  }
0x35: {  	s10 =	sld [smem:$0x3FB2];
	_ =	sdelay $0x3  }
0x36: {  	p1 =	seq.s32 s10, $0x1;
	s10 =	sld [smem:$0x3FB3];
	_ =	sdelay $0x3  }
0x37: {  	[smem:$0x3FB3] =	sst s10  }
0x38: {  	s10 =	sld [smem:$0x3FB4]  }
0x39: {  	_ = 	snop;
	(pc) =	sbr.ind lr, $3  }
0x3a: {  	_ = 	snop  }
0x3b: {  	_ = 	snop  }
0x3c: {  	p2 =	seq.s32 s10, $0x1;
	s10 =	sld [smem:$0x3FB3]  }
0x3d: {  	_ =	shalt  }
0x3e: {  	_ =	shalt  }
0x3f: {  	_ =	shalt  }
0x40: {  	_ =	shalt  }
0x41: {  	_ =	shalt  }
0x42: {  	_ =	shalt  }
0x43: {  	_ =	shalt  }
0x44: {  	_ =	shalt  }
0x45: {  	_ =	shalt  }
0x46: {  	_ =	shalt  }
0x47: {  	_ =	shalt  }
0x48: {  	_ =	shalt  }
0x49: {  	_ =	shalt  }
0x4a: {  	_ =	shalt  }
0x4b: {  	_ =	shalt  }
0x4c: {  	_ =	shalt  }
0x4d: {  	_ =	shalt  }
0x4e: {  	_ =	shalt  }
0x4f: {  	_ =	shalt  }
0x50: {  	_ =	shalt  }
0x51: {  	_ =	shalt  }
0x52: {  	_ =	shalt  }
0x53: {  	_ =	shalt  }
0x54: {  	_ =	shalt  }
0x55: {  	_ =	shalt  }
0x56: {  	_ =	shalt  }
0x57: {  	_ =	shalt  }
0x58: {  	_ =	shalt  }
0x59: {  	_ =	shalt  }
0x5a: {  	_ =	shalt  }
0x5b: {  	_ =	shalt  }
0x5c: {  	_ =	shalt  }
0x5d: {  	_ =	shalt  }
0x5e: {  	_ =	shalt  }
0x5f: {  	_ =	shalt  }
0x60: {  	_ =	shalt  }
0x61: {  	_ =	shalt  }
0x62: {  	_ =	shalt  }
0x63: {  	_ =	shalt  }
0x64: {  	_ =	shalt  }
0x65: {  	_ =	shalt  }
0x66: {  	_ =	shalt  }
0x67: {  	_ =	shalt  }
0x68: {  	_ =	shalt  }
0x69: {  	_ =	shalt  }
0x6a: {  	_ =	shalt  }
0x6b: {  	_ =	shalt  }
0x6c: {  	_ =	shalt  }
0x6d: {  	_ =	shalt  }
0x6e: {  	_ =	shalt  }
0x6f: {  	_ =	shalt  }
0x70: {  	_ =	shalt  }
0x71: {  	_ =	shalt  }
0x72: {  	_ =	shalt  }
0x73: {  	_ =	shalt  }
0x74: {  	_ =	shalt  }
0x75: {  	_ =	shalt  }
0x76: {  	_ =	shalt  }
0x77: {  	_ =	shalt  }
0x78: {  	_ =	shalt  }
0x79: {  	_ =	shalt  }
0x7a: {  	_ =	shalt  }
0x7b: {  	_ =	shalt  }
0x7c: {  	_ =	shalt  }
0x7d: {  	_ =	shalt  }
0x7e: {  	_ =	shalt  }
0x7f: {  	_ =	shalt  }
0x80: {  	_ =	shalt  }
0x81: {  	_ =	shalt  }
0x82: {  	_ =	shalt  }
0x83: {  	_ =	shalt  }
0x84: {  	_ =	shalt  }
0x85: {  	_ =	shalt  }
0x86: {  	_ =	shalt  }
0x87: {  	_ =	shalt  }
.Lfunc_end0:
.L_simem_size_0:
called_computation.1_lowered:
.L_overlay_start_0:
0x88: {  	s2 =	sld [smem:$0x3FD9]  }
0x89: {  	s3 =	sld [smem:$0x3FFE];
	_ =	sdelay $0x1  }
0x8a: {  	s1 =	srdreg.scid  }
0x8b: {  	s0 =	sand.u32 $0x1, s1  }
0x8c: {  	s14 =	sshll.u32 s0, $0xA;
	s2 =	sadd.s32 s3, s2  }
0x8d: {  	s2 =	sadd.s32 s2, s14  }
0x8e: {  	[smem:$0x3FBF] =	sst s2  }
0x8f: {  	_ = 	snop  }
0x90: {  	s2 =	sld [smem:$0x3FD0];
	_ =	sdelay $0x2  }
0x91: {  	s15 =	simm.s32 $0xA;
	s4 =	simm.s32 $0x10  }
0x92: {  	[smem:s4], [sflag:s15] =	dma.local [hbm:s2], $0x1  }
0x93: {  	_ =	swait.eq [sflag:s15], $0x1  }
0x94: {  	[sflag:s15] =	ssyncset.done $0x0  }
0x95: {  	[sflag:s15] =	ssyncadd.s32 $0xFFFFFFFF  }
0x96: {  	s16 =	sld [smem:$0x10];
	(tm) =	ssettm $0x1  }
0x97: {  	s17 =	sld [smem:$0x3FFB];
	_ =	sdelay $0x3  }
0x98: {  	_ =	strace s17  }
0x99: {  	s3 =	sld [smem:$0x3FFC];
	_ =	sdelay $0x3  }
0x9a: {  	_ =	strace s3  }
0x9b: {  	s3 =	sld [smem:$0x3FFD];
	_ =	sdelay $0x3  }
0x9c: {  	_ =	strace s3  }
0x9d: {  	_ =	strace $0x8FFFFFFF  }
0x9e: {  	s18 =	sld [smem:$0x3FDB];
	_ =	sdelay $0x1  }
0x9f: {  	s19 =	simm.s32 $_scs_section_size  }
0xa0: {  	s5 =	simm.s32 $_size__tile_overlayer_lowered;
	s6 =	simm.s32 $_tile_overlayer_lowered  }
0xa1: {  	s22 =	simm.s32 $0x1BFF;
	s21 =	sshll.u32 s6, $0x1;
	s3 =	sadd.s32 s19, s18  }
0xa2: {  	s7 =	simm.s32 $0x0;
	s20 =	sshll.u32 s5, $0x1;
	s5 =	sadd.s32 s21, s3  }
0xa3: {  	[timem:s7], [sflag:s22] =	dma.local [hbm:s5], s20  }
0xa4: {  	_ =	swait.ge [sflag:s22], s20  }
0xa5: {  	s4 =	ssub.s32 $0x0, s20;
	[sflag:s22] =	ssyncset.done $0x0  }
0xa6: {  	[sflag:s22] =	ssyncadd.s32 s4;
	_ =	sdelay $0x1  }
0xa7: {  	s23 =	simm.s32 $0x1B8B  }
0xa8: {  	_ =	swait.ge [sflag:s23], $0x1  }
0xa9: {  	[sflag:s23] =	ssyncset.done $0x0  }
0xaa: {  	s25 =	simm.s32 $0x1B8E;
	s24 =	sld [smem:$0x3FFE];
	[sflag:s23] =	ssyncadd.s32 $0xFFFFFFFF  }
0xab: {  	s26 =	simm.s32 $execute0_lowered;
	[smem:$0x3FD2] =	sst s25  }
0xac: {  	s5 =	sshll.u32 s26, $0x1;
	_ =	strace $0x80000049;
	[dreg:$0x1] =	wrdreg $0xFFFFFFFF  }
0xad: {  	s28 =	simm.s32 $_size_execute0_lowered;
	s3 =	sadd.s32 s3, s5;
	[dreg:$0x0] =	wrdreg $0x0  }
0xae: {  	s5 =	sshll.u32 s28, $0x1;
	[dreg:$0x2] =	wrdreg s3  }
0xaf: {  	[dreg:$0x3] =	wrdreg s5  }
0xb0: {  	[dreg:$0x4] =	wrdreg $0xC0  }
0xb1: {  	_ =	task [dreg:s7], $0x5FFFF  }
0xb2: {  	[dreg:$0x1] =	wrdreg $0xFFFFFFFF  }
0xb3: {  	[dreg:$0x0] =	wrdreg $0x60  }
0xb4: {  	[dreg:$0x2] =	wrdreg s24  }
0xb5: {  	[dreg:$0x3] =	wrdreg s16  }
0xb6: {  	[dreg:$0x4] =	wrdreg $0x9  }
0xb7: {  	_ =	task.clear_ibuf [dreg:s7], $0x5FFFF;
	_ =	strace $0x90000049  }
0xb8: {  	s29 =	simm.s32 $0x9;
	_ =	strace $0x8000004B  }
0xb9: {  	_ =	swait.ge [sflag:s29], $0x1  }
0xba: {  	[sflag:s29] =	ssyncadd.s32 $0xFFFFFFFF  }
0xbb: {  	_ =	strace $0x9000004B  }
0xbc: {  	_ =	sfence  }
0xbd: {  	s30 =	sld [smem:$0x0];
	_ =	sdelay $0x2  }
0xbe: {  	s31 =	sshll.u32 s1, $0xD;
	s1 =	sshrl.u32 s1, $0x2  }
0xbf: {  	s3 =	sand.u32 $0x4000, s31;
	s1 =	sadd.s32 s1, s30  }
0xc0: {  	s0 =	sor.u32 s3, s0;
	s1 =	sshll.u32 s1, $0x11  }
0xc1: {  	s0 =	sor.u32 s1, s0  }
0xc2: {  	s0 =	sadd.s32 $0x8F2B, s0  }
0xc3: {  	[sflag:s0] =	ssyncadd.remote.s32 $0x1  }
0xc4: {  	_ =	sfence.sel $0xFFFF  }
0xc5: {  	[dreg:$0x0] =	wrdreg $0xFFFFFFFF;
	(pc) =	sbr.abs _section_cstart, $3  }
0xc6: {  	[dreg:$0x1] =	wrdreg $0xFFFFFFFF  }
0xc7: {  	_ =	task.clear_ibuf [dreg:s7], $0x2FFFF;
	_ =	strace $0x9FFFFFFF  }
0xc8: {  	(tm) =	ssettm $0x7FFFFFFF  }
0xc9: {  	_ =	shalt  }
tec
execute0_lowered:
.L_overlay_start_1:
0x0: {  	(tag) =	ssettag $0x1  }
0x1: {  	s0 =	rddreg [dreg:$0x0]  }
0x2: {  	s1 =	rddreg [dreg:$0x1]  }
0x3: {  	s2 =	srdreg.scid;
	s4 =	stileid.u32;
	s15 =	simm.s32 $0x3  }
0x4: {  	s19 =	simm.s32 $0x4200;
	s28 =	simm.s32 $0x10200;
	s16 =	simm.s32 $0x1AA00  }
0x5: {  	s17 =	simm.s32 $0x1B200;
	s18 =	simm.s32 $0x1BA00;
	s20 =	simm.s32 $0x1  }
0x6: {  	s21 =	simm.s32 $0x2;
	s22 =	simm.s32 $0x0;
	s3 =	sand.u32 $0x1, s2  }
0x7: {  	s2 =	simm.s32 $0x0;
	s4 =	sshll.u32 s4, $0x7;
	s29 =	sadd.s32 $0x18200, s0  }
0x8: {  	s11 =	sadd.s32 $0x18600, s0;
	s5 =	sshll.u32 s3, $0x6;
	[smem:$0x7FF] =	sst s2  }
0x9: {  	s30 =	ssub.s32 $0x2, s3;
	s3 =	sadd.s32 $0x18400, s0;
	s4 =	sor.u32 s5, s4  }
0xa: {  	_ =	strace $0x8000004A;
	s31 =	sshrl.u32 s30, $0x1;
	s6 =	sshll.u32 s4, $0x4  }
0xb: {  	s8 =	sshrl.u32 s4, $0x3;
	s14 =	ssub.s32 s30, s31;
	s9 =	sadd.s32 s6, s0  }
0xc: {  	s10 =	sor.u32 $0x4, s8;
	s4 =	sadd.s32 s29, s8;
	s12 =	smul.u32 $0x300, s8  }
0xd: {  	s14 =	smax.u32 s14, $0x1;
	s5 =	sadd.s32 s29, s10;
	s6 =	sadd.s32 $0x100, s4  }
0xe: {  	v2 =	vlaneseq.u32;
	s7 =	sadd.s32 $0x104, s4;
	s8 =	sadd.s32 $0x200, s9;
	s13 =	smul.u32 $0x300, s10  }
0xf: {  	vm0 =	vmmov $0xffff;
	v1 =	vshrl.u32 v2, $0x3;
	s9 =	sadd.s32 $0x8200, s9;
	s10 =	sadd.s32 $0x18500, s0;
	s0 =	simm.s32 $0x19A00  }
0x10: {  	v0 =	vand.u32 $0x7, v2;
	v2 =	vor.u32 $0x8, v2;
	v1 =	vmul.u32 $0x8, v1;
	s12 =	sadd.s32 s1, s12;
	s13 =	sadd.s32 s1, s13;
	s1 =	simm.s32 $0x1A200  }
.LBB2_1:
0x11: {  	[tilespmem:s2], [sflag:$0x3] =	stream.linear.gather [hbm4b:s4+s2], $0x20, $0x38;
	[tilespmem:$0x1C200] =	vst v63  }
0x12: {  	_ =	swait.ge [sflag:s15], $0x20  }
0x13: {  	[sflag:s15] =	ssyncset.done $0x0  }
0x14: {  	s23 =	simm.s32 $0x100;
	[sflag:s15] =	ssyncadd.s32 $0xFFFFFFE0  }
0x15: {  	[tilespmem:s23], [sflag:$0x3] =	stream.linear.gather [hbm4b:s5+s2], $0x20, $0x38;
	[tilespmem:$0x1C200] =	vst v63  }
0x16: {  	_ =	swait.ge [sflag:s15], $0x20  }
0x17: {  	[sflag:s15] =	ssyncset.done $0x0  }
0x18: {  	s24 =	simm.s32 $0x80;
	[sflag:s15] =	ssyncadd.s32 $0xFFFFFFE0  }
0x19: {  	[tilespmem:s24], [sflag:$0x3] =	stream.linear.gather [hbm4b:s6+s2], $0x20, $0x38;
	[tilespmem:$0x1C200] =	vst v63  }
0x1a: {  	_ =	swait.ge [sflag:s15], $0x20  }
0x1b: {  	[sflag:s15] =	ssyncset.done $0x0  }
0x1c: {  	s25 =	simm.s32 $0x180;
	[sflag:s15] =	ssyncadd.s32 $0xFFFFFFE0  }
0x1d: {  	[tilespmem:s25], [sflag:$0x3] =	stream.linear.gather [hbm4b:s7+s2], $0x20, $0x38;
	[tilespmem:$0x1C200] =	vst v63  }
0x1e: {  	_ =	swait.ge [sflag:s15], $0x20  }
0x1f: {  	[sflag:s15] =	ssyncset.done $0x0  }
0x20: {  	s23 =	simm.s32 $0x200;
	[sflag:s15] =	ssyncadd.s32 $0xFFFFFFE0  }
0x21: {  	[tilespmem:s23], [sflag:$0x3] =	stream.linear.gather [hbm4b:s8+s2], $0x2000, $0x38;
	[tilespmem:$0x1C200] =	vst v63  }
0x22: {  	_ =	swait.ge [sflag:s15], $0x2000  }
0x23: {  	[sflag:s15] =	ssyncset.done $0x0  }
0x24: {  	s24 =	simm.s32 $0x2200;
	[sflag:s15] =	ssyncadd.s32 $0xFFFFE000  }
0x25: {  	[tilespmem:s24], [sflag:$0x3] =	stream.linear.gather [hbm4b:s9+s2], $0x2000, $0x38;
	[tilespmem:$0x1C200] =	vst v63  }
0x26: {  	_ =	swait.ge [sflag:s15], $0x2000  }
0x27: {  	[sflag:s15] =	ssyncset.done $0x0  }
0x28: {  	[sflag:s15] =	ssyncadd.s32 $0xFFFFE000  }
0x29: {  	v3 =	vld [tilespmem:$0x0];
	_ =	sdelay $0x4  }
0x2a: {  	v4 =	vshrl.u32 v3, $0x3  }
0x2b: {  	v4 =	vmul.u32 $0x30, v4  }
0x2c: {  	v3 =	vand.u32 $0x7, v3  }
0x2d: {  	v3 =	vor.u32 v3, v4  }
0x2e: {  	v4 =	vperm.xlane v3, v0;
	_ =	sdelay $0x1  }
0x2f: {  	v4 =	vadd.s32 v1, v4;
	_ =	sdelay $0x3  }
0x30: {  	v3 =	vperm.xlane v3, v2  }
0x31: {  	[tilespmem:s19], [sflag:$0x1] =	stream.indirect_vreg.gather [hbm4b:s3+s2], $0x80, v4, vm0, $0xb8;
	[tilespmem:$0x1C200] =	vst v63  }
0x32: {  	s25 =	simm.s32 $0x4A00;
	v3 =	vadd.s32 v1, v3  }
0x33: {  	[tilespmem:s25], [sflag:$0x1] =	stream.indirect_vreg.gather [hbm4b:s10+s2], $0x80, v4, vm0, $0xb8;
	[tilespmem:$0x1C200] =	vst v63  }
0x34: {  	s26 =	simm.s32 $0x5200  }
0x35: {  	[tilespmem:s26], [sflag:$0x1] =	stream.indirect_vreg.gather [hbm4b:s11+s2], $0x80, v4, vm0, $0xb8;
	[tilespmem:$0x1C200] =	vst v63  }
0x36: {  	s30 =	simm.s32 $0x5A00  }
0x37: {  	[tilespmem:s30], [sflag:$0x1] =	stream.indirect_vreg.gather [hbm4b:s3+s2], $0x80, v3, vm0, $0xb8;
	[tilespmem:$0x1C200] =	vst v63  }
0x38: {  	s31 =	simm.s32 $0x6200  }
0x39: {  	[tilespmem:s31], [sflag:$0x1] =	stream.indirect_vreg.gather [hbm4b:s10+s2], $0x80, v3, vm0, $0xb8;
	[tilespmem:$0x1C200] =	vst v63  }
0x3a: {  	s26 =	simm.s32 $0x6A00  }
0x3b: {  	[tilespmem:s26], [sflag:$0x1] =	stream.indirect_vreg.gather [hbm4b:s11+s2], $0x80, v3, vm0, $0xb8;
	[tilespmem:$0x1C200] =	vst v63  }
0x3c: {  	v3 =	vld [tilespmem:$0x10];
	_ =	sdelay $0x4  }
0x3d: {  	v4 =	vshrl.u32 v3, $0x3  }
0x3e: {  	v4 =	vmul.u32 $0x30, v4  }
0x3f: {  	v3 =	vand.u32 $0x7, v3  }
0x40: {  	v3 =	vor.u32 v3, v4  }
0x41: {  	v4 =	vperm.xlane v3, v0;
	_ =	sdelay $0x1  }
0x42: {  	v4 =	vadd.s32 v1, v4;
	_ =	sdelay $0x3  }
0x43: {  	s30 =	simm.s32 $0x7200;
	v3 =	vperm.xlane v3, v2  }
0x44: {  	[tilespmem:s30], [sflag:$0x1] =	stream.indirect_vreg.gather [hbm4b:s3+s2], $0x80, v4, vm0, $0xb8;
	[tilespmem:$0x1C200] =	vst v63  }
0x45: {  	s31 =	simm.s32 $0x7A00;
	v3 =	vadd.s32 v1, v3  }
0x46: {  	[tilespmem:s31], [sflag:$0x1] =	stream.indirect_vreg.gather [hbm4b:s10+s2], $0x80, v4, vm0, $0xb8;
	[tilespmem:$0x1C200] =	vst v63  }
0x47: {  	s26 =	simm.s32 $0x8200  }
0x48: {  	[tilespmem:s26], [sflag:$0x1] =	stream.indirect_vreg.gather [hbm4b:s11+s2], $0x80, v4, vm0, $0xb8;
	[tilespmem:$0x1C200] =	vst v63  }
0x49: {  	s30 =	simm.s32 $0x8A00  }
0x4a: {  	[tilespmem:s30], [sflag:$0x1] =	stream.indirect_vreg.gather [hbm4b:s3+s2], $0x80, v3, vm0, $0xb8;
	[tilespmem:$0x1C200] =	vst v63  }
0x4b: {  	s31 =	simm.s32 $0x9200  }
0x4c: {  	[tilespmem:s31], [sflag:$0x1] =	stream.indirect_vreg.gather [hbm4b:s10+s2], $0x80, v3, vm0, $0xb8;
	[tilespmem:$0x1C200] =	vst v63  }
0x4d: {  	s26 =	simm.s32 $0x9A00  }
0x4e: {  	[tilespmem:s26], [sflag:$0x1] =	stream.indirect_vreg.gather [hbm4b:s11+s2], $0x80, v3, vm0, $0xb8;
	[tilespmem:$0x1C200] =	vst v63  }
0x4f: {  	v3 =	vld [tilespmem:$0x80];
	_ =	sdelay $0x4  }
0x50: {  	v4 =	vshrl.u32 v3, $0x3  }
0x51: {  	v4 =	vmul.u32 $0x30, v4  }
0x52: {  	v3 =	vand.u32 $0x7, v3  }
0x53: {  	v3 =	vor.u32 v3, v4  }
0x54: {  	v4 =	vperm.xlane v3, v0;
	_ =	sdelay $0x1  }
0x55: {  	v4 =	vadd.s32 v1, v4;
	_ =	sdelay $0x3  }
0x56: {  	s30 =	simm.s32 $0xA200;
	v3 =	vperm.xlane v3, v2  }
0x57: {  	[tilespmem:s30], [sflag:$0x1] =	stream.indirect_vreg.gather [hbm4b:s3+s2], $0x80, v4, vm0, $0xb8;
	[tilespmem:$0x1C200] =	vst v63  }
0x58: {  	s31 =	simm.s32 $0xAA00;
	v3 =	vadd.s32 v1, v3  }
0x59: {  	[tilespmem:s31], [sflag:$0x1] =	stream.indirect_vreg.gather [hbm4b:s10+s2], $0x80, v4, vm0, $0xb8;
	[tilespmem:$0x1C200] =	vst v63  }
0x5a: {  	s26 =	simm.s32 $0xB200  }
0x5b: {  	[tilespmem:s26], [sflag:$0x1] =	stream.indirect_vreg.gather [hbm4b:s11+s2], $0x80, v4, vm0, $0xb8;
	[tilespmem:$0x1C200] =	vst v63  }
0x5c: {  	s30 =	simm.s32 $0xBA00  }
0x5d: {  	[tilespmem:s30], [sflag:$0x1] =	stream.indirect_vreg.gather [hbm4b:s3+s2], $0x80, v3, vm0, $0xb8;
	[tilespmem:$0x1C200] =	vst v63  }
0x5e: {  	s31 =	simm.s32 $0xC200  }
0x5f: {  	[tilespmem:s31], [sflag:$0x1] =	stream.indirect_vreg.gather [hbm4b:s10+s2], $0x80, v3, vm0, $0xb8;
	[tilespmem:$0x1C200] =	vst v63  }
0x60: {  	s26 =	simm.s32 $0xCA00  }
0x61: {  	[tilespmem:s26], [sflag:$0x1] =	stream.indirect_vreg.gather [hbm4b:s11+s2], $0x80, v3, vm0, $0xb8;
	[tilespmem:$0x1C200] =	vst v63  }
0x62: {  	v3 =	vld [tilespmem:$0x90];
	_ =	sdelay $0x4  }
0x63: {  	v4 =	vshrl.u32 v3, $0x3  }
0x64: {  	v4 =	vmul.u32 $0x30, v4  }
0x65: {  	v3 =	vand.u32 $0x7, v3  }
0x66: {  	v3 =	vor.u32 v3, v4  }
0x67: {  	v4 =	vperm.xlane v3, v0;
	_ =	sdelay $0x1  }
0x68: {  	v4 =	vadd.s32 v1, v4;
	_ =	sdelay $0x3  }
0x69: {  	s30 =	simm.s32 $0xD200;
	v3 =	vperm.xlane v3, v2  }
0x6a: {  	[tilespmem:s30], [sflag:$0x1] =	stream.indirect_vreg.gather [hbm4b:s3+s2], $0x80, v4, vm0, $0xb8;
	[tilespmem:$0x1C200] =	vst v63  }
0x6b: {  	s31 =	simm.s32 $0xDA00;
	v3 =	vadd.s32 v1, v3  }
0x6c: {  	[tilespmem:s31], [sflag:$0x1] =	stream.indirect_vreg.gather [hbm4b:s10+s2], $0x80, v4, vm0, $0xb8;
	[tilespmem:$0x1C200] =	vst v63  }
0x6d: {  	s26 =	simm.s32 $0xE200  }
0x6e: {  	[tilespmem:s26], [sflag:$0x1] =	stream.indirect_vreg.gather [hbm4b:s11+s2], $0x80, v4, vm0, $0xb8;
	[tilespmem:$0x1C200] =	vst v63  }
0x6f: {  	s30 =	simm.s32 $0xEA00  }
0x70: {  	[tilespmem:s30], [sflag:$0x1] =	stream.indirect_vreg.gather [hbm4b:s3+s2], $0x80, v3, vm0, $0xb8;
	[tilespmem:$0x1C200] =	vst v63  }
0x71: {  	s31 =	simm.s32 $0xF200  }
0x72: {  	[tilespmem:s31], [sflag:$0x1] =	stream.indirect_vreg.gather [hbm4b:s10+s2], $0x80, v3, vm0, $0xb8;
	[tilespmem:$0x1C200] =	vst v63  }
0x73: {  	s26 =	simm.s32 $0xFA00  }
0x74: {  	[tilespmem:s26], [sflag:$0x1] =	stream.indirect_vreg.gather [hbm4b:s11+s2], $0x80, v3, vm0, $0xb8;
	[tilespmem:$0x1C200] =	vst v63  }
0x75: {  	v3 =	vld [tilespmem:$0x100];
	_ =	sdelay $0x4  }
0x76: {  	v4 =	vshrl.u32 v3, $0x3  }
0x77: {  	v4 =	vmul.u32 $0x30, v4  }
0x78: {  	v3 =	vand.u32 $0x7, v3  }
0x79: {  	v3 =	vor.u32 v3, v4  }
0x7a: {  	v4 =	vperm.xlane v3, v0;
	_ =	sdelay $0x1  }
0x7b: {  	v4 =	vadd.s32 v1, v4;
	_ =	sdelay $0x3  }
0x7c: {  	v3 =	vperm.xlane v3, v2  }
0x7d: {  	[tilespmem:s28], [sflag:$0x2] =	stream.indirect_vreg.gather [hbm4b:s3+s2], $0x80, v4, vm0, $0xb8;
	[tilespmem:$0x1C200] =	vst v63  }
0x7e: {  	s30 =	simm.s32 $0x10A00;
	v3 =	vadd.s32 v1, v3  }
0x7f: {  	[tilespmem:s30], [sflag:$0x2] =	stream.indirect_vreg.gather [hbm4b:s10+s2], $0x80, v4, vm0, $0xb8;
	[tilespmem:$0x1C200] =	vst v63  }
0x80: {  	s31 =	simm.s32 $0x11200  }
0x81: {  	[tilespmem:s31], [sflag:$0x2] =	stream.indirect_vreg.gather [hbm4b:s11+s2], $0x80, v4, vm0, $0xb8;
	[tilespmem:$0x1C200] =	vst v63  }
0x82: {  	s26 =	simm.s32 $0x11A00  }
0x83: {  	[tilespmem:s26], [sflag:$0x2] =	stream.indirect_vreg.gather [hbm4b:s3+s2], $0x80, v3, vm0, $0xb8;
	[tilespmem:$0x1C200] =	vst v63  }
0x84: {  	s30 =	simm.s32 $0x12200  }
0x85: {  	[tilespmem:s30], [sflag:$0x2] =	stream.indirect_vreg.gather [hbm4b:s10+s2], $0x80, v3, vm0, $0xb8;
	[tilespmem:$0x1C200] =	vst v63  }
0x86: {  	s31 =	simm.s32 $0x12A00  }
0x87: {  	[tilespmem:s31], [sflag:$0x2] =	stream.indirect_vreg.gather [hbm4b:s11+s2], $0x80, v3, vm0, $0xb8;
	[tilespmem:$0x1C200] =	vst v63  }
0x88: {  	v3 =	vld [tilespmem:$0x110];
	_ =	sdelay $0x4  }
0x89: {  	v4 =	vshrl.u32 v3, $0x3  }
0x8a: {  	v4 =	vmul.u32 $0x30, v4  }
0x8b: {  	v3 =	vand.u32 $0x7, v3  }
0x8c: {  	v3 =	vor.u32 v3, v4  }
0x8d: {  	v4 =	vperm.xlane v3, v0;
	_ =	sdelay $0x1  }
0x8e: {  	v4 =	vadd.s32 v1, v4;
	_ =	sdelay $0x3  }
0x8f: {  	s26 =	simm.s32 $0x13200;
	v3 =	vperm.xlane v3, v2  }
0x90: {  	[tilespmem:s26], [sflag:$0x2] =	stream.indirect_vreg.gather [hbm4b:s3+s2], $0x80, v4, vm0, $0xb8;
	[tilespmem:$0x1C200] =	vst v63  }
0x91: {  	s30 =	simm.s32 $0x13A00;
	v3 =	vadd.s32 v1, v3  }
0x92: {  	[tilespmem:s30], [sflag:$0x2] =	stream.indirect_vreg.gather [hbm4b:s10+s2], $0x80, v4, vm0, $0xb8;
	[tilespmem:$0x1C200] =	vst v63  }
0x93: {  	s31 =	simm.s32 $0x14200  }
0x94: {  	[tilespmem:s31], [sflag:$0x2] =	stream.indirect_vreg.gather [hbm4b:s11+s2], $0x80, v4, vm0, $0xb8;
	[tilespmem:$0x1C200] =	vst v63  }
0x95: {  	s26 =	simm.s32 $0x14A00  }
0x96: {  	[tilespmem:s26], [sflag:$0x2] =	stream.indirect_vreg.gather [hbm4b:s3+s2], $0x80, v3, vm0, $0xb8;
	[tilespmem:$0x1C200] =	vst v63  }
0x97: {  	s30 =	simm.s32 $0x15200  }
0x98: {  	[tilespmem:s30], [sflag:$0x2] =	stream.indirect_vreg.gather [hbm4b:s10+s2], $0x80, v3, vm0, $0xb8;
	[tilespmem:$0x1C200] =	vst v63  }
0x99: {  	s31 =	simm.s32 $0x15A00  }
0x9a: {  	[tilespmem:s31], [sflag:$0x2] =	stream.indirect_vreg.gather [hbm4b:s11+s2], $0x80, v3, vm0, $0xb8;
	[tilespmem:$0x1C200] =	vst v63  }
0x9b: {  	v3 =	vld [tilespmem:$0x180];
	_ =	sdelay $0x4  }
0x9c: {  	v4 =	vshrl.u32 v3, $0x3  }
0x9d: {  	v4 =	vmul.u32 $0x30, v4  }
0x9e: {  	v3 =	vand.u32 $0x7, v3  }
0x9f: {  	v3 =	vor.u32 v3, v4  }
0xa0: {  	v4 =	vperm.xlane v3, v0;
	_ =	sdelay $0x1  }
0xa1: {  	v4 =	vadd.s32 v1, v4;
	_ =	sdelay $0x3  }
0xa2: {  	s26 =	simm.s32 $0x16200;
	v3 =	vperm.xlane v3, v2  }
0xa3: {  	[tilespmem:s26], [sflag:$0x2] =	stream.indirect_vreg.gather [hbm4b:s3+s2], $0x80, v4, vm0, $0xb8;
	[tilespmem:$0x1C200] =	vst v63  }
0xa4: {  	s30 =	simm.s32 $0x16A00;
	v3 =	vadd.s32 v1, v3  }
0xa5: {  	[tilespmem:s30], [sflag:$0x2] =	stream.indirect_vreg.gather [hbm4b:s10+s2], $0x80, v4, vm0, $0xb8;
	[tilespmem:$0x1C200] =	vst v63  }
0xa6: {  	s31 =	simm.s32 $0x17200  }
0xa7: {  	[tilespmem:s31], [sflag:$0x2] =	stream.indirect_vreg.gather [hbm4b:s11+s2], $0x80, v4, vm0, $0xb8;
	[tilespmem:$0x1C200] =	vst v63  }
0xa8: {  	s26 =	simm.s32 $0x17A00  }
0xa9: {  	[tilespmem:s26], [sflag:$0x2] =	stream.indirect_vreg.gather [hbm4b:s3+s2], $0x80, v3, vm0, $0xb8;
	[tilespmem:$0x1C200] =	vst v63  }
0xaa: {  	s30 =	simm.s32 $0x18200  }
0xab: {  	[tilespmem:s30], [sflag:$0x2] =	stream.indirect_vreg.gather [hbm4b:s10+s2], $0x80, v3, vm0, $0xb8;
	[tilespmem:$0x1C200] =	vst v63  }
0xac: {  	s31 =	simm.s32 $0x18A00  }
0xad: {  	[tilespmem:s31], [sflag:$0x2] =	stream.indirect_vreg.gather [hbm4b:s11+s2], $0x80, v3, vm0, $0xb8;
	[tilespmem:$0x1C200] =	vst v63  }
0xae: {  	v3 =	vld [tilespmem:$0x190];
	_ =	sdelay $0x4  }
0xaf: {  	v4 =	vshrl.u32 v3, $0x3  }
0xb0: {  	v4 =	vmul.u32 $0x30, v4  }
0xb1: {  	v3 =	vand.u32 $0x7, v3  }
0xb2: {  	v3 =	vor.u32 v3, v4  }
0xb3: {  	v4 =	vperm.xlane v3, v0;
	_ =	sdelay $0x1  }
0xb4: {  	v4 =	vadd.s32 v1, v4;
	_ =	sdelay $0x3  }
0xb5: {  	s26 =	simm.s32 $0x19200;
	v3 =	vperm.xlane v3, v2  }
0xb6: {  	[tilespmem:s26], [sflag:$0x2] =	stream.indirect_vreg.gather [hbm4b:s3+s2], $0x80, v4, vm0, $0xb8;
	[tilespmem:$0x1C200] =	vst v63  }
0xb7: {  	v3 =	vadd.s32 v1, v3  }
0xb8: {  	[tilespmem:s0], [sflag:$0x2] =	stream.indirect_vreg.gather [hbm4b:s10+s2], $0x80, v4, vm0, $0xb8;
	[tilespmem:$0x1C200] =	vst v63  }
0xb9: {  	_ = 	snop  }
0xba: {  	[tilespmem:s1], [sflag:$0x2] =	stream.indirect_vreg.gather [hbm4b:s11+s2], $0x80, v4, vm0, $0xb8;
	[tilespmem:$0x1C200] =	vst v63  }
0xbb: {  	_ = 	snop  }
0xbc: {  	[tilespmem:s16], [sflag:$0x2] =	stream.indirect_vreg.gather [hbm4b:s3+s2], $0x80, v3, vm0, $0xb8;
	[tilespmem:$0x1C200] =	vst v63  }
0xbd: {  	_ = 	snop  }
0xbe: {  	[tilespmem:s17], [sflag:$0x2] =	stream.indirect_vreg.gather [hbm4b:s10+s2], $0x80, v3, vm0, $0xb8;
	[tilespmem:$0x1C200] =	vst v63  }
0xbf: {  	_ = 	snop  }
0xc0: {  	[tilespmem:s18], [sflag:$0x2] =	stream.indirect_vreg.gather [hbm4b:s11+s2], $0x80, v3, vm0, $0xb8;
	[tilespmem:$0x1C200] =	vst v63  }
0xc1: {  	_ =	swait.ge [sflag:s20], $0x6000  }
0xc2: {  	[sflag:s20] =	ssyncset.done $0x0  }
0xc3: {  	s30 =	simm.s32 $0x0;
	[sflag:s20] =	ssyncadd.s32 $0xFFFFA000  }
0xc4: {  	s25 =	smul.u32 $0x1800, s30;
	_ =	swait.ge [sflag:s20], $0x6000  }
0xc5: {  	s26 =	sand.u32 $0x380, s2;
	[sflag:s20] =	ssyncset.done $0x0  }
0xc6: {  	s29 =	sor.u32 s26, s25;
	[sflag:s20] =	ssyncadd.s32 $0xFFFFA000  }
0xc7: {  	v4 =	vld [tilespmem:s29+$0x4210]  }
0xc8: {  	v3 =	vld [tilespmem:s29+$0xA210]  }
0xc9: {  	v6 =	vld [tilespmem:s29+$0x4220]  }
0xca: {  	v5 =	vld [tilespmem:s29+$0xA220]  }
0xcb: {  	v10 =	vld [tilespmem:s29+$0x4230]  }
0xcc: {  	v9 =	vld [tilespmem:s29+$0xA230]  }
0xcd: {  	v12 =	vld [tilespmem:s29+$0x4240]  }
0xce: {  	v11 =	vld [tilespmem:s29+$0xA240]  }
0xcf: {  	v13 =	vld [tilespmem:s29+$0x4260]  }
0xd0: {  	v14 =	vld [tilespmem:s29+$0x4270]  }
0xd1: {  	v15 =	vld [tilespmem:s29+$0x4600]  }
0xd2: {  	v16 =	vld [tilespmem:s29+$0x4610]  }
0xd3: {  	v17 =	vld [tilespmem:s29+$0x4620]  }
0xd4: {  	v18 =	vld [tilespmem:s29+$0x4630]  }
0xd5: {  	v19 =	vld [tilespmem:s29+$0x4640]  }
0xd6: {  	v20 =	vld [tilespmem:s29+$0x4650]  }
0xd7: {  	v21 =	vld [tilespmem:s29+$0x4660]  }
0xd8: {  	v22 =	vld [tilespmem:s29+$0x4670]  }
0xd9: {  	v23 =	vld [tilespmem:s29+$0x4A00]  }
0xda: {  	v24 =	vld [tilespmem:s29+$0x4A10]  }
0xdb: {  	v25 =	vld [tilespmem:s29+$0x4A20]  }
0xdc: {  	v26 =	vld [tilespmem:s29+$0x4A30]  }
0xdd: {  	v27 =	vld [tilespmem:s29+$0x4A40]  }
0xde: {  	v28 =	vld [tilespmem:s29+$0x4A50]  }
0xdf: {  	v29 =	vld [tilespmem:s29+$0x4A60]  }
0xe0: {  	v30 =	vld [tilespmem:s29+$0x4A70]  }
0xe1: {  	v31 =	vld [tilespmem:s29+$0x4E00]  }
0xe2: {  	v32 =	vld [tilespmem:s29+$0x4E10]  }
0xe3: {  	v33 =	vld [tilespmem:s29+$0x4E20]  }
0xe4: {  	v34 =	vld [tilespmem:s29+$0x4E30]  }
0xe5: {  	v35 =	vld [tilespmem:s29+$0x4E40]  }
0xe6: {  	v36 =	vld [tilespmem:s29+$0x4E50]  }
0xe7: {  	v37 =	vld [tilespmem:s29+$0x4E60]  }
0xe8: {  	v38 =	vld [tilespmem:s29+$0x4E70]  }
0xe9: {  	v39 =	vld [tilespmem:s29+$0x5200]  }
0xea: {  	v40 =	vld [tilespmem:s29+$0x5210]  }
0xeb: {  	v41 =	vld [tilespmem:s29+$0x5220]  }
0xec: {  	v42 =	vld [tilespmem:s29+$0x5230]  }
0xed: {  	v43 =	vld [tilespmem:s29+$0x5240]  }
0xee: {  	v44 =	vld [tilespmem:s29+$0x5250]  }
0xef: {  	v45 =	vld [tilespmem:s29+$0x5260]  }
0xf0: {  	v46 =	vld [tilespmem:s29+$0x5600]  }
0xf1: {  	v47 =	vld [tilespmem:s29+$0x5610]  }
0xf2: {  	v48 =	vld [tilespmem:s29+$0xB610]  }
0xf3: {  	v49 =	vld [tilespmem:s29+$0xB630]  }
0xf4: {  	v50 =	vld [tilespmem:s29+$0x5630]  }
0xf5: {  	v51 =	vld [tilespmem:s29+$0x5620]  }
0xf6: {  	v7 =	vld [tilespmem:s23+$0x0]  }
0xf7: {  	v8 =	vld [tilespmem:s24+$0x0]  }
0xf8: {  	v52 =	vld [tilespmem:s29+$0xB620]  }
0xf9: {  	v53 =	vld [tilespmem:s29+$0xB600]  }
0xfa: {  	v54 =	vld [tilespmem:s29+$0x5270]  }
0xfb: {  	v55 =	vld [tilespmem:s29+$0xB270];
	v50 =	vmul.f32 v50, v7  }
0xfc: {  	v56 =	vld [tilespmem:s29+$0xB260];
	v49 =	vmul.f32 v49, v8;
	v51 =	vmul.f32 v51, v7  }
0xfd: {  	v57 =	vld [tilespmem:s29+$0xB250];
	v52 =	vmul.f32 v52, v8;
	v47 =	vmul.f32 v47, v7  }
0xfe: {  	v61 =	vld [tilespmem:s29+$0xB200];
	v48 =	vmul.f32 v48, v8;
	v46 =	vmul.f32 v46, v7  }
0xff: {  	v58 =	vld [tilespmem:s29+$0xB240];
	v62 =	vmul.f32 v53, v8;
	v63 =	vmul.f32 v54, v7;
	v49 =	vadd.f32 v49, v50  }
0x100: {  	v53 =	vld [tilespmem:s29+$0xB230];
	v59 =	vmul.f32 v55, v8;
	v45 =	vmul.f32 v45, v7;
	v51 =	vadd.f32 v52, v51  }
0x101: {  	v60 =	vmul.f32 v56, v8;
	v44 =	vmul.f32 v44, v7;
	v56 =	vld [tilespmem:s29+$0xAE60];
	v47 =	vadd.f32 v48, v47;
	[tilespmem:s29+$0x5630] =	vst v49  }
0x102: {  	v43 =	vmul.f32 v43, v7;
	v39 =	vmul.f32 v39, v7;
	v55 =	vld [tilespmem:s29+$0xAA70];
	v46 =	vadd.f32 v62, v46;
	[tilespmem:s29+$0x5620] =	vst v51  }
0x103: {  	v61 =	vmul.f32 v61, v8;
	v12 =	vmul.f32 v12, v7;
	v48 =	vld [tilespmem:s29+$0xB220];
	v52 =	vadd.f32 v59, v63;
	[tilespmem:s29+$0x5610] =	vst v47  }
0x104: {  	v11 =	vmul.f32 v11, v8;
	v63 =	vmul.f32 v58, v8;
	v45 =	vadd.f32 v60, v45;
	v58 =	vld [tilespmem:s29+$0xAE50];
	[tilespmem:s29+$0x5600] =	vst v46  }
0x105: {  	v42 =	vmul.f32 v42, v7;
	v62 =	vmul.f32 v57, v8;
	v59 =	vld [tilespmem:s29+$0xAE40];
	v39 =	vadd.f32 v61, v39;
	[tilespmem:s29+$0x5270] =	vst v52  }
0x106: {  	v41 =	vmul.f32 v41, v7;
	v40 =	vmul.f32 v40, v7;
	v60 =	vld [tilespmem:s29+$0xAE30];
	v11 =	vadd.f32 v11, v12;
	[tilespmem:s29+$0x5260] =	vst v45  }
0x107: {  	v38 =	vmul.f32 v38, v7;
	v61 =	vld [tilespmem:s29+$0xAA10];
	v44 =	vadd.f32 v62, v44;
	[tilespmem:s29+$0x5200] =	vst v39;
	v57 =	vmul.f32 v53, v8  }
0x108: {  	v37 =	vmul.f32 v37, v7;
	v49 =	vld [tilespmem:s29+$0xB210];
	v43 =	vadd.f32 v63, v43;
	[tilespmem:s29+$0x4240] =	vst v11;
	v46 =	vmul.f32 v56, v8  }
0x109: {  	v36 =	vmul.f32 v36, v7;
	v47 =	vld [tilespmem:s29+$0xAE70];
	[tilespmem:s29+$0x5250] =	vst v44;
	v48 =	vmul.f32 v48, v8;
	v42 =	vadd.f32 v57, v42  }
0x10a: {  	v35 =	vmul.f32 v35, v7;
	v62 =	vld [tilespmem:s29+$0xAE20];
	[tilespmem:s29+$0x5240] =	vst v43;
	v54 =	vmul.f32 v58, v8;
	v37 =	vadd.f32 v46, v37  }
0x10b: {  	v34 =	vmul.f32 v34, v7;
	v63 =	vld [tilespmem:s29+$0xAE10];
	v45 =	vmul.f32 v59, v8;
	v41 =	vadd.f32 v48, v41;
	[tilespmem:s29+$0x5230] =	vst v42  }
0x10c: {  	v33 =	vmul.f32 v33, v7;
	v56 =	vld [tilespmem:s29+$0xAA60];
	v44 =	vmul.f32 v60, v8;
	v36 =	vadd.f32 v54, v36;
	[tilespmem:s29+$0x4E60] =	vst v37  }
0x10d: {  	v32 =	vmul.f32 v32, v7;
	v53 =	vld [tilespmem:s29+$0xAE00];
	v49 =	vmul.f32 v49, v8;
	v35 =	vadd.f32 v45, v35;
	[tilespmem:s29+$0x5220] =	vst v41  }
0x10e: {  	v6 =	vmul.f32 v6, v7;
	v12 =	vld [tilespmem:s29+$0x5660];
	v47 =	vmul.f32 v47, v8;
	v34 =	vadd.f32 v44, v34;
	[tilespmem:s29+$0x4E50] =	vst v36  }
0x10f: {  	v5 =	vmul.f32 v5, v8;
	v58 =	vld [tilespmem:s29+$0xAA40];
	v43 =	vmul.f32 v62, v8;
	v40 =	vadd.f32 v49, v40;
	[tilespmem:s29+$0x4E40] =	vst v35  }
0x110: {  	v29 =	vmul.f32 v29, v7;
	v59 =	vld [tilespmem:s29+$0xAA30];
	v42 =	vmul.f32 v63, v8;
	v38 =	vadd.f32 v47, v38;
	[tilespmem:s29+$0x4E30] =	vst v34  }
0x111: {  	v5 =	vadd.f32 v5, v6;
	v6 =	vld [tilespmem:s29+$0x4200];
	v39 =	vmul.f32 v56, v8;
	v33 =	vadd.f32 v43, v33;
	[tilespmem:s29+$0x5210] =	vst v40  }
0x112: {  	v31 =	vmul.f32 v31, v7;
	v60 =	vld [tilespmem:s29+$0xAA20];
	v41 =	vmul.f32 v53, v8;
	v32 =	vadd.f32 v42, v32;
	[tilespmem:s29+$0x4E70] =	vst v38  }
0x113: {  	v24 =	vmul.f32 v24, v7;
	v57 =	vld [tilespmem:s29+$0xAA50];
	v34 =	vmul.f32 v61, v8;
	v29 =	vadd.f32 v39, v29;
	[tilespmem:s29+$0x4E20] =	vst v33  }
0x114: {  	v27 =	vmul.f32 v27, v7;
	v62 =	vld [tilespmem:s29+$0xAA00];
	v37 =	vmul.f32 v58, v8;
	v31 =	vadd.f32 v41, v31;
	[tilespmem:s29+$0x4E10] =	vst v32  }
0x115: {  	v26 =	vmul.f32 v26, v7;
	v63 =	vld [tilespmem:s29+$0xA670];
	v36 =	vmul.f32 v59, v8;
	v24 =	vadd.f32 v34, v24;
	[tilespmem:s29+$0x4A60] =	vst v29  }
0x116: {  	v30 =	vmul.f32 v30, v7;
	v40 =	vmul.f32 v55, v8;
	v27 =	vadd.f32 v37, v27;
	v29 =	vld [tilespmem:s29+$0xA640];
	[tilespmem:s29+$0x4E00] =	vst v31  }
0x117: {  	v25 =	vmul.f32 v25, v7;
	v35 =	vmul.f32 v60, v8;
	v26 =	vadd.f32 v36, v26;
	v31 =	vld [tilespmem:s29+$0xA660];
	[tilespmem:s29+$0x4A10] =	vst v24  }
0x118: {  	v28 =	vmul.f32 v28, v7;
	v38 =	vmul.f32 v57, v8;
	v30 =	vadd.f32 v40, v30;
	v24 =	vld [tilespmem:s29+$0xA270];
	[tilespmem:s29+$0x4A40] =	vst v27  }
0x119: {  	v23 =	vmul.f32 v23, v7;
	v33 =	vmul.f32 v62, v8;
	v25 =	vadd.f32 v35, v25;
	v27 =	vld [tilespmem:s29+$0xA620];
	[tilespmem:s29+$0x4A30] =	vst v26  }
0x11a: {  	v22 =	vmul.f32 v22, v7;
	v32 =	vmul.f32 v63, v8;
	v28 =	vadd.f32 v38, v28;
	[tilespmem:s29+$0x4A70] =	vst v30;
	v30 =	vld [tilespmem:s29+$0xA650]  }
0x11b: {  	v19 =	vmul.f32 v19, v7;
	v23 =	vadd.f32 v33, v23;
	[tilespmem:s29+$0x4A20] =	vst v25;
	v25 =	vld [tilespmem:s29+$0xA600];
	v29 =	vmul.f32 v29, v8  }
0x11c: {  	v21 =	vmul.f32 v21, v7;
	v22 =	vadd.f32 v32, v22;
	[tilespmem:s29+$0x4A50] =	vst v28;
	v28 =	vld [tilespmem:s29+$0xA630];
	v31 =	vmul.f32 v31, v8  }
0x11d: {  	v14 =	vmul.f32 v14, v7;
	[tilespmem:s29+$0x4A00] =	vst v23;
	v23 =	vld [tilespmem:s29+$0xA260];
	v24 =	vmul.f32 v24, v8;
	v19 =	vadd.f32 v29, v19  }
0x11e: {  	v17 =	vmul.f32 v17, v7;
	v26 =	vld [tilespmem:s29+$0xA610];
	[tilespmem:s29+$0x4670] =	vst v22;
	v27 =	vmul.f32 v27, v8;
	v21 =	vadd.f32 v31, v21  }
0x11f: {  	v20 =	vmul.f32 v20, v7;
	v22 =	vld [tilespmem:s29+$0x4250];
	v30 =	vmul.f32 v30, v8;
	v14 =	vadd.f32 v24, v14;
	[tilespmem:s29+$0x4640] =	vst v19  }
0x120: {  	v15 =	vmul.f32 v15, v7;
	v25 =	vmul.f32 v25, v8;
	v17 =	vadd.f32 v27, v17;
	v19 =	vld [tilespmem:s29+$0xB650];
	[tilespmem:s29+$0x4660] =	vst v21  }
0x121: {  	v18 =	vmul.f32 v18, v7;
	v28 =	vmul.f32 v28, v8;
	v20 =	vadd.f32 v30, v20;
	v21 =	vld [tilespmem:s29+$0xA250];
	[tilespmem:s29+$0x4270] =	vst v14  }
0x122: {  	v13 =	vmul.f32 v13, v7;
	v23 =	vmul.f32 v23, v8;
	v15 =	vadd.f32 v25, v15;
	[tilespmem:s29+$0x4620] =	vst v17;
	v17 =	vld [tilespmem:s29+$0x5640]  }
0x123: {  	v16 =	vmul.f32 v16, v7;
	v26 =	vmul.f32 v26, v8;
	v18 =	vadd.f32 v28, v18;
	[tilespmem:s29+$0x4650] =	vst v20;
	v20 =	vld [tilespmem:s29+$0xB640]  }
0x124: {  	v10 =	vmul.f32 v10, v7;
	v9 =	vmul.f32 v9, v8;
	v13 =	vadd.f32 v23, v13;
	[tilespmem:s29+$0x4600] =	vst v15;
	v15 =	vld [tilespmem:s29+$0x5650]  }
0x125: {  	v4 =	vmul.f32 v4, v7;
	v3 =	vmul.f32 v3, v8;
	v16 =	vadd.f32 v26, v16;
	[tilespmem:s29+$0x4630] =	vst v18;
	v18 =	vld [tilespmem:s29+$0xB660]  }
0x126: {  	v9 =	vadd.f32 v9, v10;
	v10 =	vmul.f32 v22, v7;
	v14 =	vld [tilespmem:s29+$0x5670];
	[tilespmem:s29+$0x4260] =	vst v13;
	v13 =	vmul.f32 v21, v8  }
0x127: {  	v3 =	vadd.f32 v3, v4;
	[tilespmem:s29+$0x4610] =	vst v16;
	v16 =	vld [tilespmem:s29+$0xB670]  }
0x128: {  	s31 =	simm.s32 $0x0;
	[tilespmem:s29+$0x4230] =	vst v9;
	v9 =	vld [tilespmem:s29+$0xA200];
	v11 =	vmul.f32 v17, v7;
	v17 =	vmul.f32 v20, v8;
	v4 =	vadd.f32 v13, v10  }
0x129: {  	s25 =	smul.u32 $0x1800, s31;
	s26 =	simm.s32 $0x80;
	[tilespmem:s29+$0x4220] =	vst v5;
	v5 =	vmul.f32 v15, v7;
	v10 =	vmul.f32 v19, v8  }
0x12a: {  	s30 =	sand.u32 $0x380, s26;
	v11 =	vadd.f32 v17, v11;
	[tilespmem:s29+$0x4250] =	vst v4;
	v4 =	vmul.f32 v12, v7;
	v12 =	vmul.f32 v18, v8  }
0x12b: {  	s25 =	sor.u32 s30, s25;
	[tilespmem:s29+$0x4210] =	vst v3;
	v5 =	vadd.f32 v10, v5  }
0x12c: {  	v3 =	vld [tilespmem:s25+$0x4210];
	v10 =	vmul.f32 v14, v7;
	[tilespmem:s29+$0x5640] =	vst v11;
	v11 =	vmul.f32 v16, v8;
	v12 =	vadd.f32 v12, v4  }
0x12d: {  	v7 =	vmul.f32 v6, v7;
	v8 =	vmul.f32 v9, v8;
	v4 =	vld [tilespmem:s25+$0xA210];
	[tilespmem:s29+$0x5650] =	vst v5  }
0x12e: {  	v9 =	vadd.f32 v11, v10;
	v6 =	vld [tilespmem:s25+$0x4220];
	[tilespmem:s29+$0x5660] =	vst v12  }
0x12f: {  	v7 =	vadd.f32 v8, v7;
	v5 =	vld [tilespmem:s25+$0xA220]  }
0x130: {  	v8 =	vld [tilespmem:s25+$0x4230];
	[tilespmem:s29+$0x5670] =	vst v9  }
0x131: {  	v18 =	vld [tilespmem:s25+$0x4630];
	[tilespmem:s29+$0x4200] =	vst v7  }
0x132: {  	v7 =	vld [tilespmem:s25+$0xA230]  }
0x133: {  	v10 =	vld [tilespmem:s25+$0x4240]  }
0x134: {  	v9 =	vld [tilespmem:s25+$0xA240]  }
0x135: {  	v12 =	vld [tilespmem:s25+$0x4250]  }
0x136: {  	v11 =	vld [tilespmem:s25+$0xA250]  }
0x137: {  	v13 =	vld [tilespmem:s25+$0x4260]  }
0x138: {  	v14 =	vld [tilespmem:s25+$0x4270]  }
0x139: {  	v15 =	vld [tilespmem:s25+$0x4600]  }
0x13a: {  	v16 =	vld [tilespmem:s25+$0x4610]  }
0x13b: {  	v17 =	vld [tilespmem:s25+$0x4620]  }
0x13c: {  	v19 =	vld [tilespmem:s25+$0x4640]  }
0x13d: {  	v20 =	vld [tilespmem:s25+$0x4650]  }
0x13e: {  	v21 =	vld [tilespmem:s25+$0x4660]  }
0x13f: {  	v22 =	vld [tilespmem:s25+$0x4670]  }
0x140: {  	v23 =	vld [tilespmem:s25+$0x4A00]  }
0x141: {  	v24 =	vld [tilespmem:s25+$0x4A10]  }
0x142: {  	v25 =	vld [tilespmem:s25+$0x4A20]  }
0x143: {  	v26 =	vld [tilespmem:s25+$0x4A30]  }
0x144: {  	v27 =	vld [tilespmem:s25+$0x4A40]  }
0x145: {  	v28 =	vld [tilespmem:s25+$0x4A50]  }
0x146: {  	v29 =	vld [tilespmem:s25+$0x4A60]  }
0x147: {  	v30 =	vld [tilespmem:s25+$0x4A70]  }
0x148: {  	v31 =	vld [tilespmem:s25+$0x4E00]  }
0x149: {  	v34 =	vld [tilespmem:s25+$0x4E10]  }
0x14a: {  	v35 =	vld [tilespmem:s25+$0x4E20]  }
0x14b: {  	v36 =	vld [tilespmem:s25+$0x4E30]  }
0x14c: {  	v37 =	vld [tilespmem:s25+$0x4E40]  }
0x14d: {  	v38 =	vld [tilespmem:s25+$0x4E50]  }
0x14e: {  	v39 =	vld [tilespmem:s25+$0x4E60]  }
0x14f: {  	v40 =	vld [tilespmem:s25+$0x4E70]  }
0x150: {  	v41 =	vld [tilespmem:s25+$0x5200]  }
0x151: {  	v42 =	vld [tilespmem:s25+$0x5210]  }
0x152: {  	v43 =	vld [tilespmem:s25+$0x5220]  }
0x153: {  	v44 =	vld [tilespmem:s25+$0x5230]  }
0x154: {  	v45 =	vld [tilespmem:s25+$0x5240]  }
0x155: {  	v46 =	vld [tilespmem:s25+$0x5250]  }
0x156: {  	v47 =	vld [tilespmem:s25+$0x5260]  }
0x157: {  	v48 =	vld [tilespmem:s25+$0x5600]  }
0x158: {  	v50 =	vld [tilespmem:s25+$0x5610]  }
0x159: {  	v49 =	vld [tilespmem:s25+$0xB610]  }
0x15a: {  	s29 =	simm.s32 $0x2;
	v51 =	vld [tilespmem:s25+$0xB630]  }
.LBB2_2:
0x15b: {  	p0 =	sne.s32 s29, $0x1F;
	v52 =	vld [tilespmem:s25+$0x5630]  }
0x15c: {  	s23 =	sadd.s32 $0x80, s23;
	v53 =	vld [tilespmem:s25+$0x5620]  }
0x15d: {  	s24 =	sadd.s32 $0x80, s24;
	v33 =	vld [tilespmem:s23+$0x0]  }
0x15e: {  	v32 =	vld [tilespmem:s24+$0x0]  }
0x15f: {  	v54 =	vld [tilespmem:s25+$0xB620]  }
0x160: {  	v55 =	vld [tilespmem:s25+$0xB600]  }
0x161: {  	v56 =	vld [tilespmem:s25+$0x5270]  }
0x162: {  	v57 =	vld [tilespmem:s25+$0xB270];
	v50 =	vmul.f32 v50, v33;
	v53 =	vmul.f32 v53, v33  }
0x163: {  	v52 =	vmul.f32 v52, v33;
	v58 =	vld [tilespmem:s25+$0xB260];
	v51 =	vmul.f32 v51, v32  }
0x164: {  	v49 =	vmul.f32 v49, v32;
	v59 =	vld [tilespmem:s25+$0xB250];
	v54 =	vmul.f32 v54, v32  }
0x165: {  	v48 =	vmul.f32 v48, v33;
	v60 =	vld [tilespmem:s25+$0xB240];
	v55 =	vmul.f32 v55, v32;
	v51 =	vadd.f32 v51, v52  }
0x166: {  	v49 =	vadd.f32 v49, v50;
	v52 =	vld [tilespmem:s25+$0xB230];
	v56 =	vmul.f32 v56, v33;
	v50 =	vadd.f32 v54, v53  }
0x167: {  	v47 =	vmul.f32 v47, v33;
	v53 =	vld [tilespmem:s25+$0xB220];
	v54 =	vmul.f32 v57, v32;
	v48 =	vadd.f32 v55, v48;
	[tilespmem:s25+$0x5630] =	vst v51  }
0x168: {  	v46 =	vmul.f32 v46, v33;
	v51 =	vld [tilespmem:s25+$0xB210];
	v55 =	vmul.f32 v58, v32;
	[tilespmem:s25+$0x5620] =	vst v50  }
0x169: {  	v45 =	vmul.f32 v45, v33;
	v50 =	vld [tilespmem:s25+$0xB200];
	v57 =	vmul.f32 v59, v32;
	v54 =	vadd.f32 v54, v56;
	[tilespmem:s25+$0x5610] =	vst v49  }
0x16a: {  	v44 =	vmul.f32 v44, v33;
	v49 =	vld [tilespmem:s25+$0xAE70];
	v56 =	vmul.f32 v60, v32;
	v47 =	vadd.f32 v55, v47;
	[tilespmem:s25+$0x5600] =	vst v48  }
0x16b: {  	v43 =	vmul.f32 v43, v33;
	v48 =	vld [tilespmem:s25+$0xAE60];
	v52 =	vmul.f32 v52, v32;
	v46 =	vadd.f32 v57, v46;
	[tilespmem:s25+$0x5270] =	vst v54  }
0x16c: {  	v42 =	vmul.f32 v42, v33;
	v54 =	vld [tilespmem:s25+$0xAE50];
	v53 =	vmul.f32 v53, v32;
	v45 =	vadd.f32 v56, v45;
	[tilespmem:s25+$0x5260] =	vst v47  }
0x16d: {  	v41 =	vmul.f32 v41, v33;
	v47 =	vld [tilespmem:s25+$0xAE40];
	v51 =	vmul.f32 v51, v32;
	v44 =	vadd.f32 v52, v44;
	[tilespmem:s25+$0x5250] =	vst v46  }
0x16e: {  	v40 =	vmul.f32 v40, v33;
	v46 =	vld [tilespmem:s25+$0xAE30];
	v50 =	vmul.f32 v50, v32;
	v43 =	vadd.f32 v53, v43;
	[tilespmem:s25+$0x5240] =	vst v45  }
0x16f: {  	v39 =	vmul.f32 v39, v33;
	v45 =	vld [tilespmem:s25+$0xAE20];
	v49 =	vmul.f32 v49, v32;
	v42 =	vadd.f32 v51, v42;
	[tilespmem:s25+$0x5230] =	vst v44  }
0x170: {  	v38 =	vmul.f32 v38, v33;
	v44 =	vld [tilespmem:s25+$0xAE10];
	v48 =	vmul.f32 v48, v32;
	v41 =	vadd.f32 v50, v41;
	[tilespmem:s25+$0x5220] =	vst v43  }
0x171: {  	v37 =	vmul.f32 v37, v33;
	v43 =	vld [tilespmem:s25+$0xAE00];
	v50 =	vmul.f32 v54, v32;
	v40 =	vadd.f32 v49, v40;
	[tilespmem:s25+$0x5210] =	vst v42  }
0x172: {  	v36 =	vmul.f32 v36, v33;
	v42 =	vld [tilespmem:s25+$0xAA70];
	v47 =	vmul.f32 v47, v32;
	v39 =	vadd.f32 v48, v39;
	[tilespmem:s25+$0x5200] =	vst v41  }
0x173: {  	v35 =	vmul.f32 v35, v33;
	v41 =	vld [tilespmem:s25+$0xAA60];
	v46 =	vmul.f32 v46, v32;
	v38 =	vadd.f32 v50, v38;
	[tilespmem:s25+$0x4E70] =	vst v40  }
0x174: {  	v34 =	vmul.f32 v34, v33;
	v40 =	vld [tilespmem:s25+$0xAA50];
	v45 =	vmul.f32 v45, v32;
	v37 =	vadd.f32 v47, v37;
	[tilespmem:s25+$0x4E60] =	vst v39  }
0x175: {  	v31 =	vmul.f32 v31, v33;
	v39 =	vld [tilespmem:s25+$0xAA40];
	v44 =	vmul.f32 v44, v32;
	v36 =	vadd.f32 v46, v36;
	[tilespmem:s25+$0x4E50] =	vst v38  }
0x176: {  	v30 =	vmul.f32 v30, v33;
	v38 =	vld [tilespmem:s25+$0xAA30];
	v43 =	vmul.f32 v43, v32;
	v35 =	vadd.f32 v45, v35;
	[tilespmem:s25+$0x4E40] =	vst v37  }
0x177: {  	v29 =	vmul.f32 v29, v33;
	v37 =	vld [tilespmem:s25+$0xAA20];
	v42 =	vmul.f32 v42, v32;
	v34 =	vadd.f32 v44, v34;
	[tilespmem:s25+$0x4E30] =	vst v36  }
0x178: {  	v28 =	vmul.f32 v28, v33;
	v36 =	vld [tilespmem:s25+$0xAA10];
	v41 =	vmul.f32 v41, v32;
	v31 =	vadd.f32 v43, v31;
	[tilespmem:s25+$0x4E20] =	vst v35  }
0x179: {  	v27 =	vmul.f32 v27, v33;
	v35 =	vld [tilespmem:s25+$0xAA00];
	v40 =	vmul.f32 v40, v32;
	v30 =	vadd.f32 v42, v30;
	[tilespmem:s25+$0x4E10] =	vst v34  }
0x17a: {  	v26 =	vmul.f32 v26, v33;
	v34 =	vld [tilespmem:s25+$0xA670];
	v39 =	vmul.f32 v39, v32;
	v29 =	vadd.f32 v41, v29;
	[tilespmem:s25+$0x4E00] =	vst v31  }
0x17b: {  	v25 =	vmul.f32 v25, v33;
	v31 =	vld [tilespmem:s25+$0xA660];
	v38 =	vmul.f32 v38, v32;
	v28 =	vadd.f32 v40, v28;
	[tilespmem:s25+$0x4A70] =	vst v30  }
0x17c: {  	v24 =	vmul.f32 v24, v33;
	v30 =	vld [tilespmem:s25+$0xA650];
	v37 =	vmul.f32 v37, v32;
	v27 =	vadd.f32 v39, v27;
	[tilespmem:s25+$0x4A60] =	vst v29  }
0x17d: {  	v23 =	vmul.f32 v23, v33;
	v29 =	vld [tilespmem:s25+$0xA640];
	v36 =	vmul.f32 v36, v32;
	v26 =	vadd.f32 v38, v26;
	[tilespmem:s25+$0x4A50] =	vst v28  }
0x17e: {  	v22 =	vmul.f32 v22, v33;
	v28 =	vld [tilespmem:s25+$0xA630];
	v35 =	vmul.f32 v35, v32;
	v25 =	vadd.f32 v37, v25;
	[tilespmem:s25+$0x4A40] =	vst v27  }
0x17f: {  	v21 =	vmul.f32 v21, v33;
	v27 =	vld [tilespmem:s25+$0xA620];
	v34 =	vmul.f32 v34, v32;
	v24 =	vadd.f32 v36, v24;
	[tilespmem:s25+$0x4A30] =	vst v26  }
0x180: {  	v20 =	vmul.f32 v20, v33;
	v26 =	vld [tilespmem:s25+$0xA610];
	v31 =	vmul.f32 v31, v32;
	v23 =	vadd.f32 v35, v23;
	[tilespmem:s25+$0x4A20] =	vst v25  }
0x181: {  	v19 =	vmul.f32 v19, v33;
	v25 =	vld [tilespmem:s25+$0xA600];
	v30 =	vmul.f32 v30, v32;
	v22 =	vadd.f32 v34, v22;
	[tilespmem:s25+$0x4A10] =	vst v24  }
0x182: {  	v18 =	vmul.f32 v18, v33;
	v24 =	vld [tilespmem:s25+$0xA270];
	v29 =	vmul.f32 v29, v32;
	v21 =	vadd.f32 v31, v21;
	[tilespmem:s25+$0x4A00] =	vst v23  }
0x183: {  	v17 =	vmul.f32 v17, v33;
	v23 =	vld [tilespmem:s25+$0xA260];
	v28 =	vmul.f32 v28, v32;
	v20 =	vadd.f32 v30, v20;
	[tilespmem:s25+$0x4670] =	vst v22  }
0x184: {  	v16 =	vmul.f32 v16, v33;
	v22 =	vmul.f32 v27, v32;
	v19 =	vadd.f32 v29, v19;
	[tilespmem:s25+$0x4660] =	vst v21;
	v21 =	vld [tilespmem:s25+$0xB640]  }
0x185: {  	v15 =	vmul.f32 v15, v33;
	v26 =	vmul.f32 v26, v32;
	v18 =	vadd.f32 v28, v18;
	[tilespmem:s25+$0x4650] =	vst v20;
	v20 =	vld [tilespmem:s25+$0xB650]  }
0x186: {  	v14 =	vmul.f32 v14, v33;
	v25 =	vmul.f32 v25, v32;
	v17 =	vadd.f32 v22, v17;
	[tilespmem:s25+$0x4640] =	vst v19;
	v19 =	vld [tilespmem:s25+$0xB660]  }
0x187: {  	v13 =	vmul.f32 v13, v33;
	v22 =	vmul.f32 v24, v32;
	v16 =	vadd.f32 v26, v16;
	[tilespmem:s25+$0x4630] =	vst v18;
	v18 =	vld [tilespmem:s25+$0xB670]  }
0x188: {  	v12 =	vmul.f32 v12, v33;
	v23 =	vmul.f32 v23, v32;
	v15 =	vadd.f32 v25, v15;
	[tilespmem:s25+$0x4620] =	vst v17;
	v17 =	vld [tilespmem:s25+$0x5640]  }
0x189: {  	v10 =	vmul.f32 v10, v33;
	v11 =	vmul.f32 v11, v32;
	v14 =	vadd.f32 v22, v14;
	[tilespmem:s25+$0x4610] =	vst v16;
	v16 =	vld [tilespmem:s25+$0x5650]  }
0x18a: {  	v8 =	vmul.f32 v8, v33;
	v9 =	vmul.f32 v9, v32;
	v13 =	vadd.f32 v23, v13;
	[tilespmem:s25+$0x4600] =	vst v15;
	v15 =	vld [tilespmem:s25+$0x5660]  }
0x18b: {  	v6 =	vmul.f32 v6, v33;
	v7 =	vmul.f32 v7, v32;
	v11 =	vadd.f32 v11, v12;
	[tilespmem:s25+$0x4270] =	vst v14;
	v12 =	vld [tilespmem:s25+$0x5670]  }
0x18c: {  	v3 =	vmul.f32 v3, v33;
	v5 =	vmul.f32 v5, v32;
	v9 =	vadd.f32 v9, v10;
	v14 =	vld [tilespmem:s25+$0x4200];
	[tilespmem:s25+$0x4260] =	vst v13  }
0x18d: {  	v4 =	vmul.f32 v4, v32;
	v7 =	vadd.f32 v7, v8;
	v10 =	vld [tilespmem:s25+$0xA200];
	[tilespmem:s25+$0x4250] =	vst v11;
	v8 =	vmul.f32 v17, v33  }
0x18e: {  	s30 =	sshrl.u32 s29, $0x3;
	v5 =	vadd.f32 v5, v6;
	v6 =	vmul.f32 v21, v32;
	[tilespmem:s25+$0x4240] =	vst v9;
	v9 =	vmul.f32 v16, v33  }
0x18f: {  	s26 =	sadd.s32 $0x80, s26;
	s30 =	smul.u32 $0x1800, s30;
	v3 =	vadd.f32 v4, v3;
	v4 =	vmul.f32 v20, v32;
	[tilespmem:s25+$0x4230] =	vst v7;
	v7 =	vmul.f32 v15, v33  }
0x190: {  	s31 =	sand.u32 $0x380, s26;
	[tilespmem:s25+$0x4220] =	vst v5;
	v5 =	vadd.f32 v6, v8;
	v6 =	vmul.f32 v19, v32;
	v8 =	vmul.f32 v12, v33  }
0x191: {  	s30 =	sor.u32 s31, s30;
	v9 =	vadd.f32 v4, v9;
	v12 =	vmul.f32 v18, v32;
	v11 =	vmul.f32 v14, v33;
	[tilespmem:s25+$0x4210] =	vst v3  }
0x192: {  	v3 =	vld [tilespmem:s30+$0x4210];
	v10 =	vmul.f32 v10, v32;
	[tilespmem:s25+$0x5640] =	vst v5;
	v5 =	vadd.f32 v6, v7  }
0x193: {  	v7 =	vadd.f32 v12, v8;
	v4 =	vld [tilespmem:s30+$0xA210];
	[tilespmem:s25+$0x5650] =	vst v9  }
0x194: {  	v6 =	vld [tilespmem:s30+$0x4220];
	v9 =	vadd.f32 v10, v11;
	[tilespmem:s25+$0x5660] =	vst v5  }
0x195: {  	v5 =	vld [tilespmem:s30+$0xA220];
	[tilespmem:s25+$0x5670] =	vst v7  }
0x196: {  	v8 =	vld [tilespmem:s30+$0x4230];
	[tilespmem:s25+$0x4200] =	vst v9;
	s25 =	smov.u32 s30  }
0x197: {  	v7 =	vld [tilespmem:s25+$0xA230]  }
0x198: {  	v10 =	vld [tilespmem:s25+$0x4240]  }
0x199: {  	v9 =	vld [tilespmem:s25+$0xA240]  }
0x19a: {  	v12 =	vld [tilespmem:s25+$0x4250]  }
0x19b: {  	v11 =	vld [tilespmem:s25+$0xA250]  }
0x19c: {  	v13 =	vld [tilespmem:s25+$0x4260]  }
0x19d: {  	v14 =	vld [tilespmem:s25+$0x4270]  }
0x19e: {  	v15 =	vld [tilespmem:s25+$0x4600]  }
0x19f: {  	v16 =	vld [tilespmem:s25+$0x4610]  }
0x1a0: {  	v17 =	vld [tilespmem:s25+$0x4620]  }
0x1a1: {  	v18 =	vld [tilespmem:s25+$0x4630]  }
0x1a2: {  	v19 =	vld [tilespmem:s25+$0x4640]  }
0x1a3: {  	v20 =	vld [tilespmem:s25+$0x4650]  }
0x1a4: {  	v21 =	vld [tilespmem:s25+$0x4660]  }
0x1a5: {  	v22 =	vld [tilespmem:s25+$0x4670]  }
0x1a6: {  	v23 =	vld [tilespmem:s25+$0x4A00]  }
0x1a7: {  	v24 =	vld [tilespmem:s25+$0x4A10]  }
0x1a8: {  	v25 =	vld [tilespmem:s25+$0x4A20]  }
0x1a9: {  	v26 =	vld [tilespmem:s25+$0x4A30]  }
0x1aa: {  	v27 =	vld [tilespmem:s25+$0x4A40]  }
0x1ab: {  	v28 =	vld [tilespmem:s25+$0x4A50]  }
0x1ac: {  	v29 =	vld [tilespmem:s25+$0x4A60]  }
0x1ad: {  	v30 =	vld [tilespmem:s25+$0x4A70]  }
0x1ae: {  	v31 =	vld [tilespmem:s25+$0x4E00]  }
0x1af: {  	v34 =	vld [tilespmem:s25+$0x4E10]  }
0x1b0: {  	v35 =	vld [tilespmem:s25+$0x4E20]  }
0x1b1: {  	v36 =	vld [tilespmem:s25+$0x4E30]  }
0x1b2: {  	v37 =	vld [tilespmem:s25+$0x4E40]  }
0x1b3: {  	v38 =	vld [tilespmem:s25+$0x4E50]  }
0x1b4: {  	v39 =	vld [tilespmem:s25+$0x4E60]  }
0x1b5: {  	v40 =	vld [tilespmem:s25+$0x4E70]  }
0x1b6: {  	v41 =	vld [tilespmem:s25+$0x5200]  }
0x1b7: {  	v42 =	vld [tilespmem:s25+$0x5210]  }
0x1b8: {  	v43 =	vld [tilespmem:s25+$0x5220]  }
0x1b9: {  	v44 =	vld [tilespmem:s25+$0x5230]  }
0x1ba: {  	v45 =	vld [tilespmem:s25+$0x5240]  }
0x1bb: {  	v46 =	vld [tilespmem:s25+$0x5250]  }
.Ltmp0:
0x1bc: {  	v47 =	vld [tilespmem:s25+$0x5260];
	(pc) =	sbr.rel @p0 .LBB2_2-.Ltmp0, $4  }
0x1bd: {  	v48 =	vld [tilespmem:s25+$0x5600]  }
0x1be: {  	v50 =	vld [tilespmem:s25+$0x5610]  }
0x1bf: {  	v49 =	vld [tilespmem:s25+$0xB610]  }
0x1c0: {  	s29 =	sadd.s32 $0x1, s29;
	v51 =	vld [tilespmem:s25+$0xB630]  }
0x1c1: {  	v52 =	vld [tilespmem:s25+$0x5630]  }
0x1c2: {  	v53 =	vld [tilespmem:s25+$0x5620];
	s23 =	sadd.s32 $0x80, s23  }
0x1c3: {  	s24 =	sadd.s32 $0x80, s24;
	v32 =	vld [tilespmem:s23+$0x0]  }
0x1c4: {  	v33 =	vld [tilespmem:s24+$0x0]  }
0x1c5: {  	v54 =	vld [tilespmem:s25+$0xB620]  }
0x1c6: {  	v55 =	vld [tilespmem:s25+$0xB600]  }
0x1c7: {  	v56 =	vld [tilespmem:s25+$0x5270]  }
0x1c8: {  	v57 =	vld [tilespmem:s25+$0xB270]  }
0x1c9: {  	v58 =	vld [tilespmem:s25+$0xB260];
	v52 =	vmul.f32 v52, v32;
	v51 =	vmul.f32 v51, v33  }
0x1ca: {  	v53 =	vmul.f32 v53, v32;
	v54 =	vmul.f32 v54, v33  }
0x1cb: {  	v59 =	vld [tilespmem:s25+$0xB250];
	v50 =	vmul.f32 v50, v32;
	v49 =	vmul.f32 v49, v33  }
0x1cc: {  	v61 =	vld [tilespmem:s25+$0xB220];
	v48 =	vmul.f32 v48, v32;
	v62 =	vmul.f32 v55, v33;
	v51 =	vadd.f32 v51, v52  }
0x1cd: {  	v60 =	vld [tilespmem:s25+$0xB240];
	v63 =	vmul.f32 v56, v32;
	v57 =	vmul.f32 v57, v33;
	v53 =	vadd.f32 v54, v53  }
0x1ce: {  	v47 =	vmul.f32 v47, v32;
	v58 =	vmul.f32 v58, v33;
	v52 =	vld [tilespmem:s25+$0xB230];
	v49 =	vadd.f32 v49, v50;
	[tilespmem:s25+$0x5630] =	vst v51  }
0x1cf: {  	v46 =	vmul.f32 v46, v32;
	v45 =	vmul.f32 v45, v32;
	v50 =	vld [tilespmem:s25+$0xB200];
	v48 =	vadd.f32 v62, v48;
	[tilespmem:s25+$0x5620] =	vst v53  }
0x1d0: {  	v44 =	vmul.f32 v44, v32;
	v62 =	vmul.f32 v59, v33;
	v47 =	vadd.f32 v58, v47;
	v58 =	vld [tilespmem:s25+$0xAE30];
	[tilespmem:s25+$0x5610] =	vst v49  }
0x1d1: {  	v43 =	vmul.f32 v43, v32;
	v59 =	vmul.f32 v61, v33;
	v51 =	vld [tilespmem:s25+$0xB210];
	v53 =	vadd.f32 v57, v63;
	[tilespmem:s25+$0x5600] =	vst v48  }
0x1d2: {  	v42 =	vmul.f32 v42, v32;
	v49 =	vld [tilespmem:s25+$0xAE70];
	v63 =	vmul.f32 v60, v33;
	v46 =	vadd.f32 v62, v46;
	[tilespmem:s25+$0x5260] =	vst v47  }
0x1d3: {  	v41 =	vmul.f32 v41, v32;
	v48 =	vld [tilespmem:s25+$0xAE60];
	v43 =	vadd.f32 v59, v43;
	[tilespmem:s25+$0x5270] =	vst v53;
	v52 =	vmul.f32 v52, v33  }
0x1d4: {  	v40 =	vmul.f32 v40, v32;
	v57 =	vld [tilespmem:s25+$0xAE40];
	v45 =	vadd.f32 v63, v45;
	[tilespmem:s25+$0x5250] =	vst v46;
	v50 =	vmul.f32 v50, v33  }
0x1d5: {  	v36 =	vmul.f32 v36, v32;
	v60 =	vld [tilespmem:s25+$0xAE20];
	[tilespmem:s25+$0x5220] =	vst v43;
	v46 =	vmul.f32 v58, v33;
	v44 =	vadd.f32 v52, v44  }
0x1d6: {  	v39 =	vmul.f32 v39, v32;
	v62 =	vld [tilespmem:s25+$0xAE00];
	[tilespmem:s25+$0x5240] =	vst v45;
	v51 =	vmul.f32 v51, v33;
	v41 =	vadd.f32 v50, v41  }
0x1d7: {  	v38 =	vmul.f32 v38, v32;
	v53 =	vld [tilespmem:s25+$0xAE50];
	v49 =	vmul.f32 v49, v33;
	v36 =	vadd.f32 v46, v36;
	[tilespmem:s25+$0x5230] =	vst v44  }
0x1d8: {  	v37 =	vmul.f32 v37, v32;
	v61 =	vld [tilespmem:s25+$0xAE10];
	v48 =	vmul.f32 v48, v33;
	v42 =	vadd.f32 v51, v42;
	[tilespmem:s25+$0x5200] =	vst v41  }
0x1d9: {  	v35 =	vmul.f32 v35, v32;
	v59 =	vld [tilespmem:s25+$0xAA10];
	v47 =	vmul.f32 v57, v33;
	v40 =	vadd.f32 v49, v40;
	[tilespmem:s25+$0x4E30] =	vst v36  }
0x1da: {  	v34 =	vmul.f32 v34, v32;
	v63 =	vld [tilespmem:s25+$0xAA70];
	v45 =	vmul.f32 v60, v33;
	v39 =	vadd.f32 v48, v39;
	[tilespmem:s25+$0x5210] =	vst v42  }
0x1db: {  	v55 =	vld [tilespmem:s25+$0xAA50];
	v31 =	vmul.f32 v31, v32;
	v43 =	vmul.f32 v62, v33;
	v37 =	vadd.f32 v47, v37;
	[tilespmem:s25+$0x4E70] =	vst v40  }
0x1dc: {  	v30 =	vmul.f32 v30, v32;
	v52 =	vld [tilespmem:s25+$0xAA60];
	v54 =	vmul.f32 v53, v33;
	v35 =	vadd.f32 v45, v35;
	[tilespmem:s25+$0x4E60] =	vst v39  }
0x1dd: {  	v56 =	vld [tilespmem:s25+$0xAA40];
	v29 =	vmul.f32 v29, v32;
	v44 =	vmul.f32 v61, v33;
	v31 =	vadd.f32 v43, v31;
	[tilespmem:s25+$0x4E40] =	vst v37  }
0x1de: {  	v24 =	vmul.f32 v24, v32;
	v58 =	vld [tilespmem:s25+$0xAA20];
	v36 =	vmul.f32 v59, v33;
	v38 =	vadd.f32 v54, v38;
	[tilespmem:s25+$0x4E20] =	vst v35  }
0x1df: {  	v28 =	vmul.f32 v28, v32;
	v60 =	vld [tilespmem:s25+$0xAA00];
	v34 =	vadd.f32 v44, v34;
	v42 =	vmul.f32 v63, v33;
	[tilespmem:s25+$0x4E00] =	vst v31  }
0x1e0: {  	v27 =	vmul.f32 v27, v32;
	v57 =	vld [tilespmem:s25+$0xAA30];
	v40 =	vmul.f32 v55, v33;
	v24 =	vadd.f32 v36, v24;
	[tilespmem:s25+$0x4E50] =	vst v38  }
0x1e1: {  	v26 =	vmul.f32 v26, v32;
	v61 =	vld [tilespmem:s25+$0xA670];
	v41 =	vmul.f32 v52, v33;
	[tilespmem:s25+$0x4E10] =	vst v34;
	v30 =	vadd.f32 v42, v30  }
0x1e2: {  	v25 =	vmul.f32 v25, v32;
	v39 =	vmul.f32 v56, v33;
	v28 =	vadd.f32 v40, v28;
	[tilespmem:s25+$0x4A10] =	vst v24  }
0x1e3: {  	v23 =	vmul.f32 v23, v32;
	v31 =	vld [tilespmem:s25+$0xA660];
	v37 =	vmul.f32 v58, v33;
	v29 =	vadd.f32 v41, v29;
	[tilespmem:s25+$0x4A70] =	vst v30  }
0x1e4: {  	v22 =	vmul.f32 v22, v32;
	v35 =	vmul.f32 v60, v33;
	v27 =	vadd.f32 v39, v27;
	v30 =	vld [tilespmem:s25+$0xA650];
	[tilespmem:s25+$0x4A50] =	vst v28  }
0x1e5: {  	v10 =	vmul.f32 v10, v32;
	v38 =	vmul.f32 v57, v33;
	v25 =	vadd.f32 v37, v25;
	[tilespmem:s25+$0x4A60] =	vst v29;
	v29 =	vld [tilespmem:s25+$0xA640]  }
0x1e6: {  	v9 =	vmul.f32 v9, v33;
	v34 =	vmul.f32 v61, v33;
	v23 =	vadd.f32 v35, v23;
	v28 =	vld [tilespmem:s25+$0xA630];
	[tilespmem:s25+$0x4A40] =	vst v27  }
0x1e7: {  	v21 =	vmul.f32 v21, v32;
	v26 =	vadd.f32 v38, v26;
	v27 =	vld [tilespmem:s25+$0xA620];
	[tilespmem:s25+$0x4A20] =	vst v25  }
0x1e8: {  	v9 =	vadd.f32 v9, v10;
	v10 =	vld [tilespmem:s25+$0xA200];
	v24 =	vmul.f32 v31, v33;
	v22 =	vadd.f32 v34, v22;
	[tilespmem:s25+$0x4A00] =	vst v23  }
0x1e9: {  	v20 =	vmul.f32 v20, v32;
	[tilespmem:s25+$0x4A30] =	vst v26;
	v26 =	vld [tilespmem:s25+$0xA610];
	v23 =	vmul.f32 v30, v33  }
0x1ea: {  	v19 =	vmul.f32 v19, v32;
	v25 =	vld [tilespmem:s25+$0xA600];
	v21 =	vadd.f32 v24, v21;
	[tilespmem:s25+$0x4670] =	vst v22;
	v22 =	vmul.f32 v29, v33  }
0x1eb: {  	v18 =	vmul.f32 v18, v32;
	v31 =	vld [tilespmem:s25+$0xA270];
	v20 =	vadd.f32 v23, v20;
	v23 =	vmul.f32 v28, v33  }
0x1ec: {  	v17 =	vmul.f32 v17, v32;
	v24 =	vld [tilespmem:s25+$0xA260];
	[tilespmem:s25+$0x4660] =	vst v21;
	v19 =	vadd.f32 v22, v19;
	v22 =	vmul.f32 v27, v33  }
0x1ed: {  	v12 =	vmul.f32 v12, v32;
	v11 =	vmul.f32 v11, v33;
	v21 =	vld [tilespmem:s25+$0xB640];
	[tilespmem:s25+$0x4650] =	vst v20;
	v18 =	vadd.f32 v23, v18  }
0x1ee: {  	v16 =	vmul.f32 v16, v32;
	v20 =	vld [tilespmem:s25+$0xB650];
	v23 =	vmul.f32 v26, v33;
	[tilespmem:s25+$0x4640] =	vst v19;
	v17 =	vadd.f32 v22, v17  }
0x1ef: {  	v15 =	vmul.f32 v15, v32;
	v11 =	vadd.f32 v11, v12;
	v19 =	vld [tilespmem:s25+$0xB660];
	[tilespmem:s25+$0x4630] =	vst v18;
	v18 =	vmul.f32 v25, v33  }
0x1f0: {  	v14 =	vmul.f32 v14, v32;
	v22 =	vld [tilespmem:s25+$0xB670];
	v16 =	vadd.f32 v23, v16;
	[tilespmem:s25+$0x4620] =	vst v17;
	v17 =	vmul.f32 v31, v33  }
0x1f1: {  	[tilespmem:s25+$0x4250] =	vst v11;
	v15 =	vadd.f32 v18, v15;
	v18 =	vld [tilespmem:s25+$0x5640]  }
0x1f2: {  	v8 =	vmul.f32 v8, v32;
	v7 =	vmul.f32 v7, v33;
	[tilespmem:s25+$0x4610] =	vst v16;
	v16 =	vld [tilespmem:s25+$0x5650];
	v14 =	vadd.f32 v17, v14  }
0x1f3: {  	v6 =	vmul.f32 v6, v32;
	v5 =	vmul.f32 v5, v33;
	[tilespmem:s25+$0x4600] =	vst v15;
	v15 =	vld [tilespmem:s25+$0x5660]  }
0x1f4: {  	v3 =	vmul.f32 v3, v32;
	v4 =	vmul.f32 v4, v33;
	v7 =	vadd.f32 v7, v8;
	[tilespmem:s25+$0x4270] =	vst v14;
	v14 =	vld [tilespmem:s25+$0x5670]  }
0x1f5: {  	v13 =	vmul.f32 v13, v32;
	v12 =	vld [tilespmem:s25+$0x4200];
	v5 =	vadd.f32 v5, v6;
	[tilespmem:s25+$0x4240] =	vst v9;
	v23 =	vmul.f32 v24, v33  }
0x1f6: {  	v3 =	vadd.f32 v4, v3;
	[tilespmem:s25+$0x4230] =	vst v7;
	v6 =	vmul.f32 v21, v33;
	v8 =	vmul.f32 v18, v32  }
0x1f7: {  	[tilespmem:s25+$0x4220] =	vst v5;
	v13 =	vadd.f32 v23, v13;
	v4 =	vmul.f32 v20, v33;
	v9 =	vmul.f32 v16, v32  }
0x1f8: {  	[tilespmem:s25+$0x4210] =	vst v3;
	v7 =	vmul.f32 v15, v32;
	v5 =	vadd.f32 v6, v8;
	v6 =	vmul.f32 v19, v33  }
0x1f9: {  	[tilespmem:s25+$0x4260] =	vst v13;
	v3 =	vadd.f32 v4, v9;
	v4 =	vmul.f32 v22, v33;
	v8 =	vmul.f32 v14, v32  }
0x1fa: {  	v10 =	vmul.f32 v10, v33;
	v9 =	vmul.f32 v12, v32;
	[tilespmem:s25+$0x5640] =	vst v5;
	v5 =	vadd.f32 v6, v7  }
0x1fb: {  	[tilespmem:s25+$0x5650] =	vst v3;
	v3 =	vadd.f32 v4, v8  }
0x1fc: {  	v4 =	vadd.f32 v10, v9;
	[tilespmem:s25+$0x5660] =	vst v5  }
0x1fd: {  	[tilespmem:s25+$0x5670] =	vst v3  }
0x1fe: {  	s26 =	simm.s32 $0x0;
	[tilespmem:s25+$0x4200] =	vst v4  }
0x1ff: {  	[hbm4b:s12+s26] =	stream.linear.scatter [tilespmem:s19], [sflag:$0x1], $0x6000, $0x38;
	[tilespmem:$0x1C200] =	vst v63  }
0x200: {  	_ =	swait.ge [sflag:s21], $0x6000  }
0x201: {  	[sflag:s21] =	ssyncset.done $0x0  }
0x202: {  	s30 =	simm.s32 $0x0;
	[sflag:s21] =	ssyncadd.s32 $0xFFFFA000  }
0x203: {  	s24 =	smul.u32 $0x1800, s30;
	_ =	swait.ge [sflag:s21], $0x6000  }
0x204: {  	s23 =	sand.u32 $0x380, s26;
	[sflag:s21] =	ssyncset.done $0x0  }
0x205: {  	s29 =	sor.u32 s23, s24;
	[sflag:s21] =	ssyncadd.s32 $0xFFFFA000  }
0x206: {  	v4 =	vld [tilespmem:s29+$0x10210]  }
0x207: {  	v3 =	vld [tilespmem:s29+$0x16210]  }
0x208: {  	v6 =	vld [tilespmem:s29+$0x10220]  }
0x209: {  	v5 =	vld [tilespmem:s29+$0x16220]  }
0x20a: {  	v10 =	vld [tilespmem:s29+$0x10230]  }
0x20b: {  	v7 =	vld [tilespmem:s29+$0x16230]  }
0x20c: {  	v12 =	vld [tilespmem:s29+$0x10240]  }
0x20d: {  	v11 =	vld [tilespmem:s29+$0x16240]  }
0x20e: {  	v13 =	vld [tilespmem:s29+$0x10260]  }
0x20f: {  	v14 =	vld [tilespmem:s29+$0x10270]  }
0x210: {  	v15 =	vld [tilespmem:s29+$0x10600]  }
0x211: {  	v16 =	vld [tilespmem:s29+$0x10610]  }
0x212: {  	v17 =	vld [tilespmem:s29+$0x10620]  }
0x213: {  	v18 =	vld [tilespmem:s29+$0x10630]  }
0x214: {  	v19 =	vld [tilespmem:s29+$0x10640]  }
0x215: {  	v20 =	vld [tilespmem:s29+$0x10650]  }
0x216: {  	v21 =	vld [tilespmem:s29+$0x10660]  }
0x217: {  	v22 =	vld [tilespmem:s29+$0x10670]  }
0x218: {  	v23 =	vld [tilespmem:s29+$0x10A00]  }
0x219: {  	v24 =	vld [tilespmem:s29+$0x10A10]  }
0x21a: {  	v25 =	vld [tilespmem:s29+$0x10A20]  }
0x21b: {  	v26 =	vld [tilespmem:s29+$0x10A30]  }
0x21c: {  	v27 =	vld [tilespmem:s29+$0x10A40]  }
0x21d: {  	v28 =	vld [tilespmem:s29+$0x10A50]  }
0x21e: {  	v29 =	vld [tilespmem:s29+$0x10A60]  }
0x21f: {  	v30 =	vld [tilespmem:s29+$0x10A70]  }
0x220: {  	v31 =	vld [tilespmem:s29+$0x10E00]  }
0x221: {  	v32 =	vld [tilespmem:s29+$0x10E10]  }
0x222: {  	v33 =	vld [tilespmem:s29+$0x10E20]  }
0x223: {  	v34 =	vld [tilespmem:s29+$0x10E30]  }
0x224: {  	v35 =	vld [tilespmem:s29+$0x10E40]  }
0x225: {  	v36 =	vld [tilespmem:s29+$0x10E50]  }
0x226: {  	v37 =	vld [tilespmem:s29+$0x10E60]  }
0x227: {  	v38 =	vld [tilespmem:s29+$0x10E70]  }
0x228: {  	v39 =	vld [tilespmem:s29+$0x11200]  }
0x229: {  	v40 =	vld [tilespmem:s29+$0x11210]  }
0x22a: {  	v41 =	vld [tilespmem:s29+$0x11220]  }
0x22b: {  	v42 =	vld [tilespmem:s29+$0x11230]  }
0x22c: {  	v43 =	vld [tilespmem:s29+$0x11240]  }
0x22d: {  	v44 =	vld [tilespmem:s29+$0x11250]  }
0x22e: {  	v45 =	vld [tilespmem:s29+$0x11260]  }
0x22f: {  	v46 =	vld [tilespmem:s29+$0x11600]  }
0x230: {  	v47 =	vld [tilespmem:s29+$0x11610]  }
0x231: {  	v48 =	vld [tilespmem:s29+$0x17610]  }
0x232: {  	v49 =	vld [tilespmem:s29+$0x17630]  }
0x233: {  	v50 =	vld [tilespmem:s29+$0x11630]  }
0x234: {  	s24 =	simm.s32 $0x1200;
	v51 =	vld [tilespmem:s29+$0x11620]  }
0x235: {  	s25 =	simm.s32 $0x3200;
	v8 =	vld [tilespmem:s24+$0x0]  }
0x236: {  	v9 =	vld [tilespmem:s25+$0x0]  }
0x237: {  	v52 =	vld [tilespmem:s29+$0x17620]  }
0x238: {  	v62 =	vld [tilespmem:s29+$0x17600]  }
0x239: {  	v63 =	vld [tilespmem:s29+$0x11270]  }
0x23a: {  	v60 =	vld [tilespmem:s29+$0x17270];
	v50 =	vmul.f32 v50, v8  }
0x23b: {  	v61 =	vld [tilespmem:s29+$0x17260];
	v49 =	vmul.f32 v49, v9;
	v51 =	vmul.f32 v51, v8  }
0x23c: {  	v57 =	vld [tilespmem:s29+$0x17250];
	v52 =	vmul.f32 v52, v9;
	v47 =	vmul.f32 v47, v8  }
0x23d: {  	v58 =	vld [tilespmem:s29+$0x17240];
	v48 =	vmul.f32 v48, v9;
	v46 =	vmul.f32 v46, v8;
	v49 =	vadd.f32 v49, v50  }
0x23e: {  	v53 =	vld [tilespmem:s29+$0x17230];
	v62 =	vmul.f32 v62, v9;
	v63 =	vmul.f32 v63, v8;
	v51 =	vadd.f32 v52, v51  }
0x23f: {  	v56 =	vld [tilespmem:s29+$0x16E60];
	v59 =	vmul.f32 v60, v9;
	v45 =	vmul.f32 v45, v8;
	v47 =	vadd.f32 v48, v47;
	[tilespmem:s29+$0x11630] =	vst v49  }
0x240: {  	v55 =	vld [tilespmem:s29+$0x16A70];
	v60 =	vmul.f32 v61, v9;
	v44 =	vmul.f32 v44, v8;
	v46 =	vadd.f32 v62, v46;
	[tilespmem:s29+$0x11620] =	vst v51  }
0x241: {  	v61 =	vld [tilespmem:s29+$0x17200];
	v12 =	vmul.f32 v12, v8;
	v11 =	vmul.f32 v11, v9;
	v52 =	vadd.f32 v59, v63;
	[tilespmem:s29+$0x11610] =	vst v47  }
0x242: {  	v10 =	vmul.f32 v10, v8;
	v7 =	vmul.f32 v7, v9;
	v48 =	vld [tilespmem:s29+$0x17220];
	v45 =	vadd.f32 v60, v45;
	[tilespmem:s29+$0x11600] =	vst v46  }
0x243: {  	v62 =	vmul.f32 v57, v9;
	v63 =	vmul.f32 v58, v9;
	v58 =	vld [tilespmem:s29+$0x16E50];
	v11 =	vadd.f32 v11, v12;
	[tilespmem:s29+$0x11270] =	vst v52  }
0x244: {  	v43 =	vmul.f32 v43, v8;
	v59 =	vld [tilespmem:s29+$0x16E40];
	v7 =	vadd.f32 v7, v10;
	[tilespmem:s29+$0x11260] =	vst v45  }
0x245: {  	v42 =	vmul.f32 v42, v8;
	v57 =	vmul.f32 v53, v9;
	v60 =	vld [tilespmem:s29+$0x16E30];
	v44 =	vadd.f32 v62, v44;
	[tilespmem:s29+$0x10240] =	vst v11  }
0x246: {  	v37 =	vmul.f32 v37, v8;
	v53 =	vld [tilespmem:s29+$0x16E00];
	v43 =	vadd.f32 v63, v43;
	v46 =	vmul.f32 v56, v9;
	[tilespmem:s29+$0x10230] =	vst v7  }
0x247: {  	v39 =	vmul.f32 v39, v8;
	v49 =	vld [tilespmem:s29+$0x17210];
	v42 =	vadd.f32 v57, v42;
	v61 =	vmul.f32 v61, v9;
	[tilespmem:s29+$0x11250] =	vst v44  }
0x248: {  	v41 =	vmul.f32 v41, v8;
	v47 =	vld [tilespmem:s29+$0x16E70];
	[tilespmem:s29+$0x11240] =	vst v43;
	v37 =	vadd.f32 v46, v37;
	v48 =	vmul.f32 v48, v9  }
0x249: {  	v36 =	vmul.f32 v36, v8;
	v62 =	vld [tilespmem:s29+$0x16E20];
	[tilespmem:s29+$0x11230] =	vst v42;
	v39 =	vadd.f32 v61, v39;
	v54 =	vmul.f32 v58, v9  }
0x24a: {  	v35 =	vmul.f32 v35, v8;
	v63 =	vld [tilespmem:s29+$0x16E10];
	v45 =	vmul.f32 v59, v9;
	[tilespmem:s29+$0x10E60] =	vst v37;
	v41 =	vadd.f32 v48, v41  }
0x24b: {  	v34 =	vmul.f32 v34, v8;
	v56 =	vld [tilespmem:s29+$0x16A60];
	v44 =	vmul.f32 v60, v9;
	[tilespmem:s29+$0x11200] =	vst v39;
	v36 =	vadd.f32 v54, v36  }
0x24c: {  	v40 =	vmul.f32 v40, v8;
	v12 =	vld [tilespmem:s29+$0x11660];
	v49 =	vmul.f32 v49, v9;
	v35 =	vadd.f32 v45, v35;
	[tilespmem:s29+$0x11220] =	vst v41  }
0x24d: {  	v38 =	vmul.f32 v38, v8;
	v58 =	vld [tilespmem:s29+$0x16A40];
	v47 =	vmul.f32 v47, v9;
	v34 =	vadd.f32 v44, v34;
	[tilespmem:s29+$0x10E50] =	vst v36  }
0x24e: {  	v33 =	vmul.f32 v33, v8;
	v59 =	vld [tilespmem:s29+$0x16A30];
	v43 =	vmul.f32 v62, v9;
	v40 =	vadd.f32 v49, v40;
	[tilespmem:s29+$0x10E40] =	vst v35  }
0x24f: {  	v32 =	vmul.f32 v32, v8;
	v57 =	vld [tilespmem:s29+$0x16A50];
	v42 =	vmul.f32 v63, v9;
	v38 =	vadd.f32 v47, v38;
	[tilespmem:s29+$0x10E30] =	vst v34  }
0x250: {  	v29 =	vmul.f32 v29, v8;
	v60 =	vld [tilespmem:s29+$0x16A20];
	v39 =	vmul.f32 v56, v9;
	v33 =	vadd.f32 v43, v33;
	[tilespmem:s29+$0x11210] =	vst v40  }
0x251: {  	v31 =	vmul.f32 v31, v8;
	v61 =	vld [tilespmem:s29+$0x16A10];
	v41 =	vmul.f32 v53, v9;
	v32 =	vadd.f32 v42, v32;
	[tilespmem:s29+$0x10E70] =	vst v38  }
0x252: {  	v27 =	vmul.f32 v27, v8;
	v62 =	vld [tilespmem:s29+$0x16A00];
	v29 =	vadd.f32 v39, v29;
	v37 =	vmul.f32 v58, v9;
	[tilespmem:s29+$0x10E20] =	vst v33  }
0x253: {  	v26 =	vmul.f32 v26, v8;
	v63 =	vld [tilespmem:s29+$0x16670];
	v36 =	vmul.f32 v59, v9;
	v31 =	vadd.f32 v41, v31;
	[tilespmem:s29+$0x10E10] =	vst v32  }
0x254: {  	v30 =	vmul.f32 v30, v8;
	v40 =	vmul.f32 v55, v9;
	[tilespmem:s29+$0x10A60] =	vst v29;
	v29 =	vld [tilespmem:s29+$0x16640];
	v27 =	vadd.f32 v37, v27  }
0x255: {  	v25 =	vmul.f32 v25, v8;
	v35 =	vmul.f32 v60, v9;
	v26 =	vadd.f32 v36, v26;
	[tilespmem:s29+$0x10E00] =	vst v31;
	v31 =	vld [tilespmem:s29+$0x16660]  }
0x256: {  	v28 =	vmul.f32 v28, v8;
	v38 =	vmul.f32 v57, v9;
	v30 =	vadd.f32 v40, v30;
	[tilespmem:s29+$0x10A40] =	vst v27;
	v27 =	vld [tilespmem:s29+$0x16620]  }
0x257: {  	v23 =	vmul.f32 v23, v8;
	v33 =	vmul.f32 v62, v9;
	v25 =	vadd.f32 v35, v25;
	[tilespmem:s29+$0x10A30] =	vst v26;
	v26 =	vld [tilespmem:s29+$0x16610]  }
0x258: {  	v24 =	vmul.f32 v24, v8;
	v34 =	vmul.f32 v61, v9;
	v28 =	vadd.f32 v38, v28;
	[tilespmem:s29+$0x10A70] =	vst v30;
	v30 =	vld [tilespmem:s29+$0x16650]  }
0x259: {  	v22 =	vmul.f32 v22, v8;
	v32 =	vmul.f32 v63, v9;
	v23 =	vadd.f32 v33, v23;
	[tilespmem:s29+$0x10A20] =	vst v25;
	v25 =	vld [tilespmem:s29+$0x16600]  }
0x25a: {  	v19 =	vmul.f32 v19, v8;
	v24 =	vadd.f32 v34, v24;
	[tilespmem:s29+$0x10A50] =	vst v28;
	v28 =	vld [tilespmem:s29+$0x16630];
	v29 =	vmul.f32 v29, v9  }
0x25b: {  	v21 =	vmul.f32 v21, v8;
	v22 =	vadd.f32 v32, v22;
	[tilespmem:s29+$0x10A00] =	vst v23;
	v23 =	vld [tilespmem:s29+$0x16260];
	v31 =	vmul.f32 v31, v9  }
0x25c: {  	v17 =	vmul.f32 v17, v8;
	[tilespmem:s29+$0x10A10] =	vst v24;
	v24 =	vld [tilespmem:s29+$0x16270];
	v19 =	vadd.f32 v29, v19;
	v27 =	vmul.f32 v27, v9  }
0x25d: {  	v20 =	vmul.f32 v20, v8;
	[tilespmem:s29+$0x10670] =	vst v22;
	v22 =	vld [tilespmem:s29+$0x10250];
	v30 =	vmul.f32 v30, v9;
	v21 =	vadd.f32 v31, v21  }
0x25e: {  	v15 =	vmul.f32 v15, v8;
	v25 =	vmul.f32 v25, v9;
	[tilespmem:s29+$0x10640] =	vst v19;
	v19 =	vld [tilespmem:s29+$0x17650];
	v17 =	vadd.f32 v27, v17  }
0x25f: {  	v18 =	vmul.f32 v18, v8;
	v28 =	vmul.f32 v28, v9;
	v20 =	vadd.f32 v30, v20;
	[tilespmem:s29+$0x10660] =	vst v21;
	v21 =	vld [tilespmem:s29+$0x16250]  }
0x260: {  	v13 =	vmul.f32 v13, v8;
	v23 =	vmul.f32 v23, v9;
	v15 =	vadd.f32 v25, v15;
	[tilespmem:s29+$0x10620] =	vst v17;
	v17 =	vld [tilespmem:s29+$0x11640]  }
0x261: {  	v6 =	vmul.f32 v6, v8;
	v5 =	vmul.f32 v5, v9;
	v18 =	vadd.f32 v28, v18;
	[tilespmem:s29+$0x10650] =	vst v20;
	v20 =	vld [tilespmem:s29+$0x17640]  }
0x262: {  	v14 =	vmul.f32 v14, v8;
	v24 =	vmul.f32 v24, v9;
	v13 =	vadd.f32 v23, v13;
	[tilespmem:s29+$0x10600] =	vst v15;
	v15 =	vld [tilespmem:s29+$0x11650]  }
0x263: {  	v4 =	vmul.f32 v4, v8;
	v3 =	vmul.f32 v3, v9;
	v5 =	vadd.f32 v5, v6;
	[tilespmem:s29+$0x10630] =	vst v18;
	v18 =	vld [tilespmem:s29+$0x17660]  }
0x264: {  	v6 =	vld [tilespmem:s29+$0x10200];
	v14 =	vadd.f32 v24, v14;
	v10 =	vmul.f32 v22, v8;
	[tilespmem:s29+$0x10260] =	vst v13;
	v13 =	vmul.f32 v21, v9  }
0x265: {  	s31 =	simm.s32 $0x0;
	v16 =	vmul.f32 v16, v8;
	v3 =	vadd.f32 v3, v4;
	v7 =	vld [tilespmem:s29+$0x16200];
	[tilespmem:s29+$0x10220] =	vst v5;
	v26 =	vmul.f32 v26, v9  }
0x266: {  	s23 =	smul.u32 $0x1800, s31;
	s26 =	simm.s32 $0x80;
	[tilespmem:s29+$0x10270] =	vst v14;
	v14 =	vld [tilespmem:s29+$0x11670];
	v11 =	vmul.f32 v17, v8;
	v17 =	vmul.f32 v20, v9;
	v4 =	vadd.f32 v13, v10  }
0x267: {  	s30 =	sand.u32 $0x380, s26;
	[tilespmem:s29+$0x10210] =	vst v3;
	v16 =	vadd.f32 v26, v16;
	v5 =	vmul.f32 v15, v8;
	v10 =	vmul.f32 v19, v9  }
0x268: {  	s23 =	sor.u32 s30, s23;
	v11 =	vadd.f32 v17, v11;
	[tilespmem:s29+$0x10250] =	vst v4;
	v4 =	vmul.f32 v12, v8;
	v12 =	vmul.f32 v18, v9  }
0x269: {  	v3 =	vld [tilespmem:s23+$0x10210];
	[tilespmem:s29+$0x10610] =	vst v16;
	v5 =	vadd.f32 v10, v5  }
0x26a: {  	v7 =	vmul.f32 v7, v9;
	v16 =	vld [tilespmem:s29+$0x17670];
	[tilespmem:s29+$0x11640] =	vst v11;
	v12 =	vadd.f32 v12, v4  }
0x26b: {  	v10 =	vmul.f32 v14, v8;
	v8 =	vmul.f32 v6, v8;
	v4 =	vld [tilespmem:s23+$0x16210];
	[tilespmem:s29+$0x11650] =	vst v5  }
0x26c: {  	v6 =	vld [tilespmem:s23+$0x10220];
	[tilespmem:s29+$0x11660] =	vst v12  }
0x26d: {  	v7 =	vadd.f32 v7, v8;
	v5 =	vld [tilespmem:s23+$0x16220]  }
0x26e: {  	v8 =	vld [tilespmem:s23+$0x10230]  }
0x26f: {  	[tilespmem:s29+$0x10200] =	vst v7;
	v18 =	vld [tilespmem:s23+$0x10630]  }
0x270: {  	v11 =	vmul.f32 v16, v9;
	v26 =	vld [tilespmem:s23+$0x10A30]  }
0x271: {  	v36 =	vld [tilespmem:s23+$0x10E30]  }
0x272: {  	v9 =	vadd.f32 v11, v10;
	v44 =	vld [tilespmem:s23+$0x11230]  }
0x273: {  	v48 =	vld [tilespmem:s23+$0x11600]  }
0x274: {  	[tilespmem:s29+$0x11670] =	vst v9;
	v50 =	vld [tilespmem:s23+$0x11610]  }
0x275: {  	v7 =	vld [tilespmem:s23+$0x16230]  }
0x276: {  	v10 =	vld [tilespmem:s23+$0x10240]  }
0x277: {  	v9 =	vld [tilespmem:s23+$0x16240]  }
0x278: {  	v12 =	vld [tilespmem:s23+$0x10250]  }
0x279: {  	v11 =	vld [tilespmem:s23+$0x16250]  }
0x27a: {  	v13 =	vld [tilespmem:s23+$0x10260]  }
0x27b: {  	v14 =	vld [tilespmem:s23+$0x10270]  }
0x27c: {  	v15 =	vld [tilespmem:s23+$0x10600]  }
0x27d: {  	v16 =	vld [tilespmem:s23+$0x10610]  }
0x27e: {  	v17 =	vld [tilespmem:s23+$0x10620]  }
0x27f: {  	v19 =	vld [tilespmem:s23+$0x10640]  }
0x280: {  	v20 =	vld [tilespmem:s23+$0x10650]  }
0x281: {  	v21 =	vld [tilespmem:s23+$0x10660]  }
0x282: {  	v22 =	vld [tilespmem:s23+$0x10670]  }
0x283: {  	v23 =	vld [tilespmem:s23+$0x10A00]  }
0x284: {  	v24 =	vld [tilespmem:s23+$0x10A10]  }
0x285: {  	v25 =	vld [tilespmem:s23+$0x10A20]  }
0x286: {  	v27 =	vld [tilespmem:s23+$0x10A40]  }
0x287: {  	v28 =	vld [tilespmem:s23+$0x10A50]  }
0x288: {  	v29 =	vld [tilespmem:s23+$0x10A60]  }
0x289: {  	v30 =	vld [tilespmem:s23+$0x10A70]  }
0x28a: {  	v31 =	vld [tilespmem:s23+$0x10E00]  }
0x28b: {  	v34 =	vld [tilespmem:s23+$0x10E10]  }
0x28c: {  	v35 =	vld [tilespmem:s23+$0x10E20]  }
0x28d: {  	v37 =	vld [tilespmem:s23+$0x10E40]  }
0x28e: {  	v38 =	vld [tilespmem:s23+$0x10E50]  }
0x28f: {  	v39 =	vld [tilespmem:s23+$0x10E60]  }
0x290: {  	v40 =	vld [tilespmem:s23+$0x10E70]  }
0x291: {  	v41 =	vld [tilespmem:s23+$0x11200]  }
0x292: {  	v42 =	vld [tilespmem:s23+$0x11210]  }
0x293: {  	v43 =	vld [tilespmem:s23+$0x11220]  }
0x294: {  	v45 =	vld [tilespmem:s23+$0x11240]  }
0x295: {  	v46 =	vld [tilespmem:s23+$0x11250]  }
0x296: {  	v47 =	vld [tilespmem:s23+$0x11260]  }
0x297: {  	v49 =	vld [tilespmem:s23+$0x17610]  }
0x298: {  	s29 =	simm.s32 $0x2;
	v51 =	vld [tilespmem:s23+$0x17630]  }
.LBB2_4:
0x299: {  	p0 =	sne.s32 s29, $0x1F;
	v52 =	vld [tilespmem:s23+$0x11630]  }
0x29a: {  	s24 =	sadd.s32 $0x80, s24;
	v53 =	vld [tilespmem:s23+$0x11620]  }
0x29b: {  	s25 =	sadd.s32 $0x80, s25;
	v33 =	vld [tilespmem:s24+$0x0]  }
0x29c: {  	v32 =	vld [tilespmem:s25+$0x0]  }
0x29d: {  	v54 =	vld [tilespmem:s23+$0x17620]  }
0x29e: {  	v55 =	vld [tilespmem:s23+$0x17600]  }
0x29f: {  	v56 =	vld [tilespmem:s23+$0x11270]  }
0x2a0: {  	v57 =	vld [tilespmem:s23+$0x17270];
	v50 =	vmul.f32 v50, v33;
	v53 =	vmul.f32 v53, v33  }
0x2a1: {  	v52 =	vmul.f32 v52, v33;
	v58 =	vld [tilespmem:s23+$0x17260];
	v51 =	vmul.f32 v51, v32  }
0x2a2: {  	v49 =	vmul.f32 v49, v32;
	v59 =	vld [tilespmem:s23+$0x17250];
	v54 =	vmul.f32 v54, v32  }
0x2a3: {  	v48 =	vmul.f32 v48, v33;
	v60 =	vld [tilespmem:s23+$0x17240];
	v55 =	vmul.f32 v55, v32;
	v51 =	vadd.f32 v51, v52  }
0x2a4: {  	v49 =	vadd.f32 v49, v50;
	v52 =	vld [tilespmem:s23+$0x17230];
	v56 =	vmul.f32 v56, v33;
	v50 =	vadd.f32 v54, v53  }
0x2a5: {  	v47 =	vmul.f32 v47, v33;
	v53 =	vld [tilespmem:s23+$0x17220];
	v54 =	vmul.f32 v57, v32;
	v48 =	vadd.f32 v55, v48;
	[tilespmem:s23+$0x11630] =	vst v51  }
0x2a6: {  	v46 =	vmul.f32 v46, v33;
	v51 =	vld [tilespmem:s23+$0x17210];
	v55 =	vmul.f32 v58, v32;
	[tilespmem:s23+$0x11620] =	vst v50  }
0x2a7: {  	v45 =	vmul.f32 v45, v33;
	v50 =	vld [tilespmem:s23+$0x17200];
	v57 =	vmul.f32 v59, v32;
	v54 =	vadd.f32 v54, v56;
	[tilespmem:s23+$0x11610] =	vst v49  }
0x2a8: {  	v44 =	vmul.f32 v44, v33;
	v49 =	vld [tilespmem:s23+$0x16E70];
	v56 =	vmul.f32 v60, v32;
	v47 =	vadd.f32 v55, v47;
	[tilespmem:s23+$0x11600] =	vst v48  }
0x2a9: {  	v43 =	vmul.f32 v43, v33;
	v48 =	vld [tilespmem:s23+$0x16E60];
	v52 =	vmul.f32 v52, v32;
	v46 =	vadd.f32 v57, v46;
	[tilespmem:s23+$0x11270] =	vst v54  }
0x2aa: {  	v42 =	vmul.f32 v42, v33;
	v54 =	vld [tilespmem:s23+$0x16E50];
	v53 =	vmul.f32 v53, v32;
	v45 =	vadd.f32 v56, v45;
	[tilespmem:s23+$0x11260] =	vst v47  }
0x2ab: {  	v41 =	vmul.f32 v41, v33;
	v47 =	vld [tilespmem:s23+$0x16E40];
	v51 =	vmul.f32 v51, v32;
	v44 =	vadd.f32 v52, v44;
	[tilespmem:s23+$0x11250] =	vst v46  }
0x2ac: {  	v40 =	vmul.f32 v40, v33;
	v46 =	vld [tilespmem:s23+$0x16E30];
	v50 =	vmul.f32 v50, v32;
	v43 =	vadd.f32 v53, v43;
	[tilespmem:s23+$0x11240] =	vst v45  }
0x2ad: {  	v39 =	vmul.f32 v39, v33;
	v45 =	vld [tilespmem:s23+$0x16E20];
	v49 =	vmul.f32 v49, v32;
	v42 =	vadd.f32 v51, v42;
	[tilespmem:s23+$0x11230] =	vst v44  }
0x2ae: {  	v38 =	vmul.f32 v38, v33;
	v44 =	vld [tilespmem:s23+$0x16E10];
	v48 =	vmul.f32 v48, v32;
	v41 =	vadd.f32 v50, v41;
	[tilespmem:s23+$0x11220] =	vst v43  }
0x2af: {  	v37 =	vmul.f32 v37, v33;
	v43 =	vld [tilespmem:s23+$0x16E00];
	v50 =	vmul.f32 v54, v32;
	v40 =	vadd.f32 v49, v40;
	[tilespmem:s23+$0x11210] =	vst v42  }
0x2b0: {  	v36 =	vmul.f32 v36, v33;
	v42 =	vld [tilespmem:s23+$0x16A70];
	v47 =	vmul.f32 v47, v32;
	v39 =	vadd.f32 v48, v39;
	[tilespmem:s23+$0x11200] =	vst v41  }
0x2b1: {  	v35 =	vmul.f32 v35, v33;
	v41 =	vld [tilespmem:s23+$0x16A60];
	v46 =	vmul.f32 v46, v32;
	v38 =	vadd.f32 v50, v38;
	[tilespmem:s23+$0x10E70] =	vst v40  }
0x2b2: {  	v34 =	vmul.f32 v34, v33;
	v40 =	vld [tilespmem:s23+$0x16A50];
	v45 =	vmul.f32 v45, v32;
	v37 =	vadd.f32 v47, v37;
	[tilespmem:s23+$0x10E60] =	vst v39  }
0x2b3: {  	v31 =	vmul.f32 v31, v33;
	v39 =	vld [tilespmem:s23+$0x16A40];
	v44 =	vmul.f32 v44, v32;
	v36 =	vadd.f32 v46, v36;
	[tilespmem:s23+$0x10E50] =	vst v38  }
0x2b4: {  	v30 =	vmul.f32 v30, v33;
	v38 =	vld [tilespmem:s23+$0x16A30];
	v43 =	vmul.f32 v43, v32;
	v35 =	vadd.f32 v45, v35;
	[tilespmem:s23+$0x10E40] =	vst v37  }
0x2b5: {  	v29 =	vmul.f32 v29, v33;
	v37 =	vld [tilespmem:s23+$0x16A20];
	v42 =	vmul.f32 v42, v32;
	v34 =	vadd.f32 v44, v34;
	[tilespmem:s23+$0x10E30] =	vst v36  }
0x2b6: {  	v28 =	vmul.f32 v28, v33;
	v36 =	vld [tilespmem:s23+$0x16A10];
	v41 =	vmul.f32 v41, v32;
	v31 =	vadd.f32 v43, v31;
	[tilespmem:s23+$0x10E20] =	vst v35  }
0x2b7: {  	v27 =	vmul.f32 v27, v33;
	v35 =	vld [tilespmem:s23+$0x16A00];
	v40 =	vmul.f32 v40, v32;
	v30 =	vadd.f32 v42, v30;
	[tilespmem:s23+$0x10E10] =	vst v34  }
0x2b8: {  	v26 =	vmul.f32 v26, v33;
	v34 =	vld [tilespmem:s23+$0x16670];
	v39 =	vmul.f32 v39, v32;
	v29 =	vadd.f32 v41, v29;
	[tilespmem:s23+$0x10E00] =	vst v31  }
0x2b9: {  	v25 =	vmul.f32 v25, v33;
	v31 =	vld [tilespmem:s23+$0x16660];
	v38 =	vmul.f32 v38, v32;
	v28 =	vadd.f32 v40, v28;
	[tilespmem:s23+$0x10A70] =	vst v30  }
0x2ba: {  	v24 =	vmul.f32 v24, v33;
	v30 =	vld [tilespmem:s23+$0x16650];
	v37 =	vmul.f32 v37, v32;
	v27 =	vadd.f32 v39, v27;
	[tilespmem:s23+$0x10A60] =	vst v29  }
0x2bb: {  	v23 =	vmul.f32 v23, v33;
	v29 =	vld [tilespmem:s23+$0x16640];
	v36 =	vmul.f32 v36, v32;
	v26 =	vadd.f32 v38, v26;
	[tilespmem:s23+$0x10A50] =	vst v28  }
0x2bc: {  	v22 =	vmul.f32 v22, v33;
	v28 =	vld [tilespmem:s23+$0x16630];
	v35 =	vmul.f32 v35, v32;
	v25 =	vadd.f32 v37, v25;
	[tilespmem:s23+$0x10A40] =	vst v27  }
0x2bd: {  	v21 =	vmul.f32 v21, v33;
	v27 =	vld [tilespmem:s23+$0x16620];
	v34 =	vmul.f32 v34, v32;
	v24 =	vadd.f32 v36, v24;
	[tilespmem:s23+$0x10A30] =	vst v26  }
0x2be: {  	v20 =	vmul.f32 v20, v33;
	v26 =	vld [tilespmem:s23+$0x16610];
	v31 =	vmul.f32 v31, v32;
	v23 =	vadd.f32 v35, v23;
	[tilespmem:s23+$0x10A20] =	vst v25  }
0x2bf: {  	v19 =	vmul.f32 v19, v33;
	v25 =	vld [tilespmem:s23+$0x16600];
	v30 =	vmul.f32 v30, v32;
	v22 =	vadd.f32 v34, v22;
	[tilespmem:s23+$0x10A10] =	vst v24  }
0x2c0: {  	v18 =	vmul.f32 v18, v33;
	v24 =	vld [tilespmem:s23+$0x16270];
	v29 =	vmul.f32 v29, v32;
	v21 =	vadd.f32 v31, v21;
	[tilespmem:s23+$0x10A00] =	vst v23  }
0x2c1: {  	v17 =	vmul.f32 v17, v33;
	v23 =	vld [tilespmem:s23+$0x16260];
	v28 =	vmul.f32 v28, v32;
	v20 =	vadd.f32 v30, v20;
	[tilespmem:s23+$0x10670] =	vst v22  }
0x2c2: {  	v16 =	vmul.f32 v16, v33;
	v22 =	vmul.f32 v27, v32;
	v19 =	vadd.f32 v29, v19;
	[tilespmem:s23+$0x10660] =	vst v21;
	v21 =	vld [tilespmem:s23+$0x17640]  }
0x2c3: {  	v15 =	vmul.f32 v15, v33;
	v26 =	vmul.f32 v26, v32;
	v18 =	vadd.f32 v28, v18;
	[tilespmem:s23+$0x10650] =	vst v20;
	v20 =	vld [tilespmem:s23+$0x17650]  }
0x2c4: {  	v14 =	vmul.f32 v14, v33;
	v25 =	vmul.f32 v25, v32;
	v17 =	vadd.f32 v22, v17;
	[tilespmem:s23+$0x10640] =	vst v19;
	v19 =	vld [tilespmem:s23+$0x17660]  }
0x2c5: {  	v13 =	vmul.f32 v13, v33;
	v22 =	vmul.f32 v24, v32;
	v16 =	vadd.f32 v26, v16;
	[tilespmem:s23+$0x10630] =	vst v18;
	v18 =	vld [tilespmem:s23+$0x17670]  }
0x2c6: {  	v12 =	vmul.f32 v12, v33;
	v23 =	vmul.f32 v23, v32;
	v15 =	vadd.f32 v25, v15;
	[tilespmem:s23+$0x10620] =	vst v17;
	v17 =	vld [tilespmem:s23+$0x11640]  }
0x2c7: {  	v10 =	vmul.f32 v10, v33;
	v11 =	vmul.f32 v11, v32;
	v14 =	vadd.f32 v22, v14;
	[tilespmem:s23+$0x10610] =	vst v16;
	v16 =	vld [tilespmem:s23+$0x11650]  }
0x2c8: {  	v8 =	vmul.f32 v8, v33;
	v9 =	vmul.f32 v9, v32;
	v13 =	vadd.f32 v23, v13;
	[tilespmem:s23+$0x10600] =	vst v15;
	v15 =	vld [tilespmem:s23+$0x11660]  }
0x2c9: {  	v6 =	vmul.f32 v6, v33;
	v7 =	vmul.f32 v7, v32;
	v11 =	vadd.f32 v11, v12;
	[tilespmem:s23+$0x10270] =	vst v14;
	v12 =	vld [tilespmem:s23+$0x11670]  }
0x2ca: {  	v3 =	vmul.f32 v3, v33;
	v5 =	vmul.f32 v5, v32;
	v9 =	vadd.f32 v9, v10;
	v14 =	vld [tilespmem:s23+$0x10200];
	[tilespmem:s23+$0x10260] =	vst v13  }
0x2cb: {  	v4 =	vmul.f32 v4, v32;
	v7 =	vadd.f32 v7, v8;
	v10 =	vld [tilespmem:s23+$0x16200];
	[tilespmem:s23+$0x10250] =	vst v11;
	v8 =	vmul.f32 v17, v33  }
0x2cc: {  	s30 =	sshrl.u32 s29, $0x3;
	v5 =	vadd.f32 v5, v6;
	v6 =	vmul.f32 v21, v32;
	[tilespmem:s23+$0x10240] =	vst v9;
	v9 =	vmul.f32 v16, v33  }
0x2cd: {  	s26 =	sadd.s32 $0x80, s26;
	s30 =	smul.u32 $0x1800, s30;
	v3 =	vadd.f32 v4, v3;
	v4 =	vmul.f32 v20, v32;
	[tilespmem:s23+$0x10230] =	vst v7;
	v7 =	vmul.f32 v15, v33  }
0x2ce: {  	s31 =	sand.u32 $0x380, s26;
	[tilespmem:s23+$0x10220] =	vst v5;
	v5 =	vadd.f32 v6, v8;
	v6 =	vmul.f32 v19, v32;
	v8 =	vmul.f32 v12, v33  }
0x2cf: {  	s30 =	sor.u32 s31, s30;
	v9 =	vadd.f32 v4, v9;
	v12 =	vmul.f32 v18, v32;
	v11 =	vmul.f32 v14, v33;
	[tilespmem:s23+$0x10210] =	vst v3  }
0x2d0: {  	v3 =	vld [tilespmem:s30+$0x10210];
	v10 =	vmul.f32 v10, v32;
	[tilespmem:s23+$0x11640] =	vst v5;
	v5 =	vadd.f32 v6, v7  }
0x2d1: {  	v7 =	vadd.f32 v12, v8;
	v4 =	vld [tilespmem:s30+$0x16210];
	[tilespmem:s23+$0x11650] =	vst v9  }
0x2d2: {  	v6 =	vld [tilespmem:s30+$0x10220];
	v9 =	vadd.f32 v10, v11;
	[tilespmem:s23+$0x11660] =	vst v5  }
0x2d3: {  	v5 =	vld [tilespmem:s30+$0x16220];
	[tilespmem:s23+$0x11670] =	vst v7  }
0x2d4: {  	v8 =	vld [tilespmem:s30+$0x10230];
	[tilespmem:s23+$0x10200] =	vst v9;
	s23 =	smov.u32 s30  }
0x2d5: {  	v7 =	vld [tilespmem:s23+$0x16230]  }
0x2d6: {  	v10 =	vld [tilespmem:s23+$0x10240]  }
0x2d7: {  	v9 =	vld [tilespmem:s23+$0x16240]  }
0x2d8: {  	v12 =	vld [tilespmem:s23+$0x10250]  }
0x2d9: {  	v11 =	vld [tilespmem:s23+$0x16250]  }
0x2da: {  	v13 =	vld [tilespmem:s23+$0x10260]  }
0x2db: {  	v14 =	vld [tilespmem:s23+$0x10270]  }
0x2dc: {  	v15 =	vld [tilespmem:s23+$0x10600]  }
0x2dd: {  	v16 =	vld [tilespmem:s23+$0x10610]  }
0x2de: {  	v17 =	vld [tilespmem:s23+$0x10620]  }
0x2df: {  	v18 =	vld [tilespmem:s23+$0x10630]  }
0x2e0: {  	v19 =	vld [tilespmem:s23+$0x10640]  }
0x2e1: {  	v20 =	vld [tilespmem:s23+$0x10650]  }
0x2e2: {  	v21 =	vld [tilespmem:s23+$0x10660]  }
0x2e3: {  	v22 =	vld [tilespmem:s23+$0x10670]  }
0x2e4: {  	v23 =	vld [tilespmem:s23+$0x10A00]  }
0x2e5: {  	v24 =	vld [tilespmem:s23+$0x10A10]  }
0x2e6: {  	v25 =	vld [tilespmem:s23+$0x10A20]  }
0x2e7: {  	v26 =	vld [tilespmem:s23+$0x10A30]  }
0x2e8: {  	v27 =	vld [tilespmem:s23+$0x10A40]  }
0x2e9: {  	v28 =	vld [tilespmem:s23+$0x10A50]  }
0x2ea: {  	v29 =	vld [tilespmem:s23+$0x10A60]  }
0x2eb: {  	v30 =	vld [tilespmem:s23+$0x10A70]  }
0x2ec: {  	v31 =	vld [tilespmem:s23+$0x10E00]  }
0x2ed: {  	v34 =	vld [tilespmem:s23+$0x10E10]  }
0x2ee: {  	v35 =	vld [tilespmem:s23+$0x10E20]  }
0x2ef: {  	v36 =	vld [tilespmem:s23+$0x10E30]  }
0x2f0: {  	v37 =	vld [tilespmem:s23+$0x10E40]  }
0x2f1: {  	v38 =	vld [tilespmem:s23+$0x10E50]  }
0x2f2: {  	v39 =	vld [tilespmem:s23+$0x10E60]  }
0x2f3: {  	v40 =	vld [tilespmem:s23+$0x10E70]  }
0x2f4: {  	v41 =	vld [tilespmem:s23+$0x11200]  }
0x2f5: {  	v42 =	vld [tilespmem:s23+$0x11210]  }
0x2f6: {  	v43 =	vld [tilespmem:s23+$0x11220]  }
0x2f7: {  	v44 =	vld [tilespmem:s23+$0x11230]  }
0x2f8: {  	v45 =	vld [tilespmem:s23+$0x11240]  }
0x2f9: {  	v46 =	vld [tilespmem:s23+$0x11250]  }
.Ltmp1:
0x2fa: {  	v47 =	vld [tilespmem:s23+$0x11260];
	(pc) =	sbr.rel @p0 .LBB2_4-.Ltmp1, $4  }
0x2fb: {  	v48 =	vld [tilespmem:s23+$0x11600]  }
0x2fc: {  	v50 =	vld [tilespmem:s23+$0x11610]  }
0x2fd: {  	v49 =	vld [tilespmem:s23+$0x17610]  }
0x2fe: {  	s29 =	sadd.s32 $0x1, s29;
	v51 =	vld [tilespmem:s23+$0x17630]  }
0x2ff: {  	v52 =	vld [tilespmem:s23+$0x11630]  }
0x300: {  	v53 =	vld [tilespmem:s23+$0x11620];
	s24 =	sadd.s32 $0x80, s24  }
0x301: {  	s31 =	sadd.s32 $0x80, s25;
	v32 =	vld [tilespmem:s24+$0x0]  }
0x302: {  	v33 =	vld [tilespmem:s31+$0x0]  }
0x303: {  	v54 =	vld [tilespmem:s23+$0x17620];
	_ =	sdelay $0x1  }
0x304: {  	v55 =	vld [tilespmem:s23+$0x17600]  }
0x305: {  	v56 =	vld [tilespmem:s23+$0x11270]  }
0x306: {  	v58 =	vld [tilespmem:s23+$0x17260];
	v52 =	vmul.f32 v52, v32;
	v51 =	vmul.f32 v51, v33  }
0x307: {  	v57 =	vld [tilespmem:s23+$0x17270];
	v53 =	vmul.f32 v53, v32;
	v54 =	vmul.f32 v54, v33  }
0x308: {  	v59 =	vld [tilespmem:s23+$0x17250];
	v50 =	vmul.f32 v50, v32;
	v49 =	vmul.f32 v49, v33  }
0x309: {  	v60 =	vld [tilespmem:s23+$0x17240];
	v48 =	vmul.f32 v48, v32;
	v62 =	vmul.f32 v55, v33;
	v51 =	vadd.f32 v51, v52  }
0x30a: {  	v61 =	vld [tilespmem:s23+$0x17220];
	v63 =	vmul.f32 v56, v32;
	v47 =	vmul.f32 v47, v32;
	v53 =	vadd.f32 v54, v53  }
0x30b: {  	v58 =	vmul.f32 v58, v33;
	v55 =	vld [tilespmem:s23+$0x16660];
	v12 =	vmul.f32 v12, v32;
	v49 =	vadd.f32 v49, v50;
	[tilespmem:s23+$0x11630] =	vst v51  }
0x30c: {  	v56 =	vld [tilespmem:s23+$0x16650];
	v11 =	vmul.f32 v11, v33;
	v10 =	vmul.f32 v10, v32;
	v48 =	vadd.f32 v62, v48;
	[tilespmem:s23+$0x11620] =	vst v53  }
0x30d: {  	v9 =	vmul.f32 v9, v33;
	v8 =	vmul.f32 v8, v32;
	v52 =	vld [tilespmem:s23+$0x17230];
	v47 =	vadd.f32 v58, v47;
	[tilespmem:s23+$0x11610] =	vst v49  }
0x30e: {  	v7 =	vmul.f32 v7, v33;
	v6 =	vmul.f32 v6, v32;
	v50 =	vld [tilespmem:s23+$0x17200];
	v11 =	vadd.f32 v11, v12;
	[tilespmem:s23+$0x11600] =	vst v48  }
0x30f: {  	v5 =	vmul.f32 v5, v33;
	v3 =	vmul.f32 v3, v32;
	v58 =	vld [tilespmem:s23+$0x16E20];
	v9 =	vadd.f32 v9, v10;
	[tilespmem:s23+$0x11260] =	vst v47  }
0x310: {  	v4 =	vmul.f32 v4, v33;
	v62 =	vmul.f32 v59, v33;
	v59 =	vld [tilespmem:s23+$0x16E10];
	v7 =	vadd.f32 v7, v8;
	[tilespmem:s23+$0x10250] =	vst v11  }
0x311: {  	v57 =	vmul.f32 v57, v33;
	v54 =	vld [tilespmem:s23+$0x16670];
	v5 =	vadd.f32 v5, v6;
	[tilespmem:s23+$0x10240] =	vst v9  }
0x312: {  	v46 =	vmul.f32 v46, v32;
	v3 =	vadd.f32 v4, v3;
	v51 =	vld [tilespmem:s23+$0x17210];
	[tilespmem:s23+$0x10230] =	vst v7  }
0x313: {  	v45 =	vmul.f32 v45, v32;
	v49 =	vld [tilespmem:s23+$0x16E70];
	v53 =	vadd.f32 v57, v63;
	v63 =	vmul.f32 v60, v33;
	[tilespmem:s23+$0x10220] =	vst v5  }
0x314: {  	v43 =	vmul.f32 v43, v32;
	v48 =	vld [tilespmem:s23+$0x16E60];
	v46 =	vadd.f32 v62, v46;
	v57 =	vmul.f32 v61, v33;
	[tilespmem:s23+$0x10210] =	vst v3  }
0x315: {  	v44 =	vmul.f32 v44, v32;
	v47 =	vld [tilespmem:s23+$0x16E40];
	[tilespmem:s23+$0x11270] =	vst v53;
	v45 =	vadd.f32 v63, v45;
	v52 =	vmul.f32 v52, v33  }
0x316: {  	v41 =	vmul.f32 v41, v32;
	v60 =	vld [tilespmem:s23+$0x16E00];
	[tilespmem:s23+$0x11250] =	vst v46;
	v43 =	vadd.f32 v57, v43;
	v50 =	vmul.f32 v50, v33  }
0x317: {  	v35 =	vmul.f32 v35, v32;
	v61 =	vld [tilespmem:s23+$0x16A70];
	[tilespmem:s23+$0x11240] =	vst v45;
	v45 =	vmul.f32 v58, v33;
	v44 =	vadd.f32 v52, v44  }
0x318: {  	v42 =	vmul.f32 v42, v32;
	v53 =	vld [tilespmem:s23+$0x16E50];
	[tilespmem:s23+$0x11220] =	vst v43;
	v51 =	vmul.f32 v51, v33;
	v41 =	vadd.f32 v50, v41  }
0x319: {  	v40 =	vmul.f32 v40, v32;
	v46 =	vld [tilespmem:s23+$0x16E30];
	v49 =	vmul.f32 v49, v33;
	v35 =	vadd.f32 v45, v35;
	[tilespmem:s23+$0x11230] =	vst v44  }
0x31a: {  	v39 =	vmul.f32 v39, v32;
	v62 =	vld [tilespmem:s23+$0x16A60];
	v48 =	vmul.f32 v48, v33;
	v42 =	vadd.f32 v51, v42;
	[tilespmem:s23+$0x11200] =	vst v41  }
0x31b: {  	v37 =	vmul.f32 v37, v32;
	v57 =	vld [tilespmem:s23+$0x16640];
	v47 =	vmul.f32 v47, v33;
	v40 =	vadd.f32 v49, v40;
	[tilespmem:s23+$0x10E20] =	vst v35  }
0x31c: {  	v31 =	vmul.f32 v31, v32;
	v58 =	vld [tilespmem:s23+$0x16630];
	v43 =	vmul.f32 v60, v33;
	v39 =	vadd.f32 v48, v39;
	[tilespmem:s23+$0x11210] =	vst v42  }
0x31d: {  	v38 =	vmul.f32 v38, v32;
	v50 =	vld [tilespmem:s23+$0x16A30];
	v63 =	vmul.f32 v53, v33;
	v37 =	vadd.f32 v47, v37;
	[tilespmem:s23+$0x10E70] =	vst v40  }
0x31e: {  	v36 =	vmul.f32 v36, v32;
	v60 =	vld [tilespmem:s23+$0x16610];
	v46 =	vmul.f32 v46, v33;
	v31 =	vadd.f32 v43, v31;
	[tilespmem:s23+$0x10E60] =	vst v39  }
0x31f: {  	v34 =	vmul.f32 v34, v32;
	v52 =	vld [tilespmem:s23+$0x16A10];
	v44 =	vmul.f32 v59, v33;
	v38 =	vadd.f32 v63, v38;
	[tilespmem:s23+$0x10E40] =	vst v37  }
0x320: {  	v29 =	vmul.f32 v29, v32;
	v45 =	vld [tilespmem:s23+$0x11640];
	v41 =	vmul.f32 v62, v33;
	v36 =	vadd.f32 v46, v36;
	[tilespmem:s23+$0x10E00] =	vst v31  }
0x321: {  	v21 =	vmul.f32 v21, v32;
	v48 =	vld [tilespmem:s23+$0x16A50];
	v62 =	vmul.f32 v55, v33;
	v34 =	vadd.f32 v44, v34;
	[tilespmem:s23+$0x10E50] =	vst v38  }
0x322: {  	v30 =	vmul.f32 v30, v32;
	v49 =	vld [tilespmem:s23+$0x16A40];
	v42 =	vmul.f32 v61, v33;
	v29 =	vadd.f32 v41, v29;
	[tilespmem:s23+$0x10E30] =	vst v36  }
0x323: {  	v16 =	vmul.f32 v16, v32;
	v51 =	vld [tilespmem:s23+$0x16A20];
	v21 =	vadd.f32 v62, v21;
	v41 =	vmul.f32 v60, v33;
	[tilespmem:s23+$0x10E10] =	vst v34  }
0x324: {  	v26 =	vmul.f32 v26, v32;
	v53 =	vld [tilespmem:s23+$0x16A00];
	v30 =	vadd.f32 v42, v30;
	[tilespmem:s23+$0x10A60] =	vst v29;
	v38 =	vmul.f32 v50, v33  }
0x325: {  	v24 =	vmul.f32 v24, v32;
	v59 =	vld [tilespmem:s23+$0x16620];
	v36 =	vmul.f32 v52, v33;
	[tilespmem:s23+$0x10660] =	vst v21;
	v16 =	vadd.f32 v41, v16  }
0x326: {  	v22 =	vmul.f32 v22, v32;
	v43 =	vld [tilespmem:s23+$0x17670];
	v34 =	vmul.f32 v54, v33;
	[tilespmem:s23+$0x10A70] =	vst v30;
	v26 =	vadd.f32 v38, v26  }
0x327: {  	v28 =	vmul.f32 v28, v32;
	v61 =	vld [tilespmem:s23+$0x16600];
	v40 =	vmul.f32 v48, v33;
	v24 =	vadd.f32 v36, v24;
	[tilespmem:s23+$0x10610] =	vst v16  }
0x328: {  	v27 =	vmul.f32 v27, v32;
	v63 =	vld [tilespmem:s23+$0x16270];
	v39 =	vmul.f32 v49, v33;
	v22 =	vadd.f32 v34, v22;
	[tilespmem:s23+$0x10A30] =	vst v26  }
0x329: {  	v25 =	vmul.f32 v25, v32;
	v46 =	vld [tilespmem:s23+$0x11650];
	v37 =	vmul.f32 v51, v33;
	v28 =	vadd.f32 v40, v28;
	[tilespmem:s23+$0x10A10] =	vst v24  }
0x32a: {  	v23 =	vmul.f32 v23, v32;
	v50 =	vld [tilespmem:s23+$0x16200];
	v35 =	vmul.f32 v53, v33;
	v27 =	vadd.f32 v39, v27;
	[tilespmem:s23+$0x10670] =	vst v22  }
0x32b: {  	v20 =	vmul.f32 v20, v32;
	v48 =	vld [tilespmem:s23+$0x11660];
	v30 =	vmul.f32 v56, v33;
	v25 =	vadd.f32 v37, v25;
	[tilespmem:s23+$0x10A50] =	vst v28  }
0x32c: {  	v19 =	vmul.f32 v19, v32;
	v51 =	vld [tilespmem:s23+$0x10200];
	v23 =	vadd.f32 v35, v23;
	v35 =	vmul.f32 v57, v33;
	[tilespmem:s23+$0x10A40] =	vst v27  }
0x32d: {  	v18 =	vmul.f32 v18, v32;
	v34 =	vld [tilespmem:s23+$0x16260];
	v37 =	vmul.f32 v58, v33;
	v20 =	vadd.f32 v30, v20;
	[tilespmem:s23+$0x10A20] =	vst v25  }
0x32e: {  	v17 =	vmul.f32 v17, v32;
	v36 =	vld [tilespmem:s23+$0x17640];
	v39 =	vmul.f32 v59, v33;
	[tilespmem:s23+$0x10A00] =	vst v23;
	v19 =	vadd.f32 v35, v19  }
0x32f: {  	v15 =	vmul.f32 v15, v32;
	v38 =	vld [tilespmem:s23+$0x17650];
	v42 =	vmul.f32 v61, v33;
	v18 =	vadd.f32 v37, v18;
	[tilespmem:s23+$0x10650] =	vst v20  }
0x330: {  	v14 =	vmul.f32 v14, v32;
	v40 =	vld [tilespmem:s23+$0x17660];
	v44 =	vmul.f32 v63, v33;
	v17 =	vadd.f32 v39, v17;
	[tilespmem:s23+$0x10640] =	vst v19  }
0x331: {  	v49 =	vld [tilespmem:s23+$0x11670];
	v15 =	vadd.f32 v42, v15;
	v10 =	vmul.f32 v50, v33;
	v61 =	vmul.f32 v51, v32;
	[tilespmem:s23+$0x10630] =	vst v18  }
0x332: {  	v13 =	vmul.f32 v13, v32;
	v14 =	vadd.f32 v44, v14;
	[tilespmem:s23+$0x10620] =	vst v17;
	v47 =	vmul.f32 v34, v33  }
0x333: {  	v52 =	vmul.f32 v45, v32;
	[tilespmem:s23+$0x10600] =	vst v15;
	v53 =	vmul.f32 v36, v33;
	v63 =	vadd.f32 v10, v61  }
0x334: {  	v54 =	vmul.f32 v46, v32;
	[tilespmem:s23+$0x10270] =	vst v14;
	v55 =	vmul.f32 v38, v33;
	v13 =	vadd.f32 v47, v13  }
0x335: {  	v56 =	vmul.f32 v48, v32;
	v58 =	vmul.f32 v40, v33;
	v57 =	vadd.f32 v53, v52;
	[tilespmem:s23+$0x10200] =	vst v63  }
0x336: {  	v60 =	vmul.f32 v43, v33;
	v59 =	vmul.f32 v49, v32;
	v3 =	vadd.f32 v55, v54;
	[tilespmem:s23+$0x10260] =	vst v13  }
0x337: {  	v62 =	vadd.f32 v58, v56;
	[tilespmem:s23+$0x11640] =	vst v57  }
0x338: {  	[tilespmem:s23+$0x11650] =	vst v3;
	v3 =	vadd.f32 v60, v59  }
0x339: {  	[tilespmem:s23+$0x11660] =	vst v62  }
0x33a: {  	[tilespmem:s23+$0x11670] =	vst v3  }
0x33b: {  	s22 =	sadd.s32 $0x1, s22;
	_ =	swait.ge [sflag:s20], $0x6000  }
0x33c: {  	p0 =	sne.s32 s22, s14;
	[sflag:s20] =	ssyncset.done $0x0  }
.Ltmp2:
0x33d: {  	[sflag:s20] =	ssyncadd.s32 $0xFFFFA000;
	(pc) =	sbr.rel @p0 .LBB2_1-.Ltmp2, $4  }
0x33e: {  	[hbm4b:s13+s2] =	stream.linear.scatter [tilespmem:s28], [sflag:$0x3], $0x6000, $0x38;
	[tilespmem:$0x1C200] =	vst v63  }
0x33f: {  	_ =	swait.ge [sflag:s15], $0x6000  }
0x340: {  	[sflag:s15] =	ssyncset.done $0x0  }
0x341: {  	[sflag:s15] =	ssyncadd.s32 $0xFFFFA000  }
0x342: {  	_ =	sfence.sel $0x180000  }
0x343: {  	[bflag:$0x0] =	sbarrier.arrive $0xFFFF  }
0x344: {  	_ =	strace $0x9000004A  }
0x345: {  	s0 =	stileid.u32;
	[bflag:$0x2] =	sbarrier.arrive $0xFFFF  }
0x346: {  	p0 =	sne.s32 s0, $0x0;
	s0 =	rddreg [dreg:$0x2]  }
0x347: {  	s0 =	sadd.s32 @!p0 $0x100000, s0  }
0x348: {  	[sflag:s0] =	ssyncadd.tile.s32 @!p0 $0x1;
	_ =	shalt  }
.Lfunc_end2:
_tile_overlayer_lowered:
.L_overlay_start_2:
0x349: {  	(tag) =	ssettag $0x2  }
0x34a: {  	s0 =	rddreg [dreg:$0x0];
	s2 =	stileid.u32  }
0x34b: {  	s1 =	rddreg [dreg:$0x1];
	p0 =	sne.s32 s2, $0x0  }
0x34c: {  	s3 =	rddreg [dreg:$0x2];
	[bflag:$0x3] =	sbarrier.arrive $0xFFFF;
	s2 =	simm.s32 @!p0 $0x1C03  }
0x34d: {  	[timem:s3], [sflag:s2] =	dma.local @!p0 [hbm:s0], s1  }
0x34e: {  	s0 =	simm.s32 @!p0 $0x3  }
0x34f: {  	_ =	swait.ge @!p0 [sflag:s0], s1  }
0x350: {  	s1 =	ssub.s32 @!p0 $0x0, s1;
	[sflag:s0] =	ssyncset.done @!p0 $0x0  }
0x351: {  	[sflag:s0] =	ssyncadd.s32 @!p0 s1  }
0x352: {  	[bflag:$0x3] =	sbarrier.arrive $0xFFFF  }
0x353: {  	_ =	shalt  }

</sc_bundles>
